<compile_context>
chip_gen: v7x
topology: tpu7x:2x2x1
jax: 0.10.2.dev20260603
libtpu: 0.0.44.dev20260713+nightly
codegen_flags: <defaults>
</compile_context>

<pallas_src>
import functools
import math

import numpy as np
import jax
import jax.numpy as jnp
from jax.experimental import pallas as pl
from jax.experimental.pallas import tpu as pltpu
from jax.experimental.pallas import tpu_sc as plsc

_D = 64
_S = 200
_G = 100
_T = 400
_L = 16
_NREG = _D // _L
_ROWS_TC = 32


def _pos_np():
    position = np.arange(0, _S, dtype=np.float32)[:, None]
    div_term = np.exp(
        np.arange(0, _D, 2, dtype=np.float32) * (-math.log(10000.0) / _D)
    )
    pe = np.zeros((_S, _D), dtype=np.float32)
    pe[:, 0::2] = np.sin(position * div_term)
    pe[:, 1::2] = np.cos(position * div_term)
    return pe


def _rsqrt(x):
    i = jax.lax.bitcast_convert_type(x, jnp.int32)
    y = jax.lax.bitcast_convert_type(
        jnp.int32(0x5F3759DF) - (i >> 1), jnp.float32
    )
    xh = 0.5 * x
    y = y * (1.5 - xh * y * y)
    y = y * (1.5 - xh * y * y)
    return y


def _sc_part(idx2, table, pos, gb):
    n_tok = idx2.shape[0] * _G
    n_steps = n_tok // _T
    mesh = plsc.VectorSubcoreMesh(
        core_axis_name="core", subcore_axis_name="subcore"
    )

    @functools.partial(
        pl.kernel,
        out_type=jax.ShapeDtypeStruct((n_tok // 2, 2 * _D), jnp.float32),
        mesh=mesh,
        scratch_types=[
            pltpu.VMEM((_S, _D), jnp.float32),
            pltpu.VMEM((2, _D), jnp.float32),
            pltpu.VMEM((_T, _D), jnp.float32),
            pltpu.SemaphoreType.DMA,
            [pltpu.SemaphoreType.DMA] * (_T // _G),
        ],
        compiler_params=pltpu.CompilerParams(
            use_tc_tiling_on_sc=False, needs_layout_passes=False
        ),
    )
    def k(
        idx_hbm,
        table_hbm,
        pos_hbm,
        gb_hbm,
        out_hbm,
        pos_v,
        gb_v,
        rows_v,
        sem,
        gsems,
    ):
        pltpu.async_copy(gb_hbm, gb_v, sem).wait()
        pltpu.async_copy(pos_hbm, pos_v, sem).wait()

        def body(i_vmem, o_vmem):
            copies = [
                pltpu.async_copy(
                    table_hbm.at[i_vmem.at[j]],
                    rows_v.at[pl.ds(j * _G, _G)],
                    gsems[j],
                )
                for j in range(_T // _G)
            ]

            gs = [gb_v[0, pl.ds(k * _L, _L)] for k in range(_NREG)]
            bs = [gb_v[1, pl.ds(k * _L, _L)] for k in range(_NREG)]

            for j in range(_T // _G):
                copies[j].wait()
                p0 = (j * _G) % _S

                @plsc.parallel_loop(0, _G, unroll=5)
                def _(t, j=j, p0=p0):
                    row = j * _G + t
                    e = [
                        rows_v[row, pl.ds(k * _L, _L)]
                        + pos_v[p0 + t, pl.ds(k * _L, _L)]
                        for k in range(_NREG)
                    ]
                    s = (e[0] + e[1]) + (e[2] + e[3])
                    m = jnp.sum(s) * (1.0 / _D)
                    sq = (e[0] * e[0] + e[1] * e[1]) + (
                        e[2] * e[2] + e[3] * e[3]
                    )
                    var = jnp.sum(sq) * (1.0 / _D) - m * m
                    r = _rsqrt(var + 1e-5)
                    for k in range(_NREG):
                        o_vmem[row, pl.ds(k * _L, _L)] = (e[k] - m) * (
                            gs[k] * r
                        ) + bs[k]

        pltpu.emit_pipeline(
            body,
            grid=(n_steps,),
            in_specs=[
                pl.BlockSpec((_T // _G, _G), lambda i: (i, 0)),
            ],
            out_specs=[
                pl.BlockSpec(
                    (_T, _D),
                    lambda i: ((i // 16) * 8 + i % 8, (i % 16) // 8),
                )
            ],
            core_axis_name=("core", "subcore"),
            dimension_semantics=(pltpu.PARALLEL,),
            trace_scopes=False,
        )(idx_hbm, out_hbm)

    return k(idx2, table, pos, gb)


_TC_TOK = 6400


def _tc_epilogue(c2, n_tok):
    half = _TC_TOK // 2
    rows = _TC_TOK // _S
    B = n_tok // _S

    def body(c_ref, o_ref):
        x = c_ref[...]
        o_ref[pl.ds(0, rows // 2)] = x[:, 0:_D].reshape(rows // 2, _S, _D)
        o_ref[pl.ds(rows // 2, rows // 2)] = x[:, _D:2 * _D].reshape(
            rows // 2, _S, _D
        )

    return pl.pallas_call(
        body,
        grid=(n_tok // _TC_TOK,),
        in_specs=[pl.BlockSpec((half, 2 * _D), lambda i: (i, 0))],
        out_specs=pl.BlockSpec((rows, _S, _D), lambda i: (i, 0, 0)),
        out_shape=jax.ShapeDtypeStruct((B, _S, _D), jnp.float32),
    )(c2)


@jax.jit
def _impl(idx2, table, pos, gb):
    n_tok = idx2.shape[0] * _G
    c2 = _sc_part(idx2, table, pos, gb)
    return _tc_epilogue(c2, n_tok)


def kernel(token_ids, token_table, ln_gamma, ln_beta):
    B, S = token_ids.shape
    idx2 = token_ids.reshape(-1, _G).astype(jnp.int32)
    pos = jnp.asarray(_pos_np())
    gb = jnp.stack([ln_gamma, ln_beta])
    return _impl(idx2, token_table, pos, gb)

# --- scband reference (transcript-rebuilt; emitter-appended) ---
"""Pipeline reference for scband-transformer-embedding-88407606820878 (READ-ONLY COPY).

The authoritative reference and input builder live on the scoring server;
editing this copy changes nothing except your own understanding.
"""

import jax, jax.numpy as jnp
import numpy as np
import math

VOCAB = 100000
EMBED_DIM = 64
MAX_SEQ_LEN = 512
BATCH = 4096
SEQ_LEN = 200


def _sinusoidal_pos_emb(max_seq_len, embed_dim):
    position = jnp.arange(0, max_seq_len, dtype=jnp.float32)[:, None]
    div_term = jnp.exp(jnp.arange(0, embed_dim, 2, dtype=jnp.float32) * (-math.log(10000.0) / embed_dim))
    pe = jnp.zeros((max_seq_len, embed_dim), dtype=jnp.float32)
    pe = pe.at[:, 0::2].set(jnp.sin(position * div_term))
    pe = pe.at[:, 1::2].set(jnp.cos(position * div_term))
    return pe[None]  # [1, max_seq_len, embed_dim]


def setup_inputs(seed: int = 0) -> dict:
    key = jax.random.key(seed)
    k1, k2 = jax.random.split(key)
    token_ids = jax.random.randint(k1, (BATCH, SEQ_LEN), 0, VOCAB)
    token_table = jax.random.normal(k2, (VOCAB, EMBED_DIM), dtype=jnp.float32) * 0.02
    token_table = token_table.at[0].set(0.0)  # padding_idx=0 row zeroed
    ln_gamma = jnp.ones((EMBED_DIM,), dtype=jnp.float32)
    ln_beta = jnp.zeros((EMBED_DIM,), dtype=jnp.float32)
    return {"token_ids": token_ids, "token_table": token_table, "ln_gamma": ln_gamma, "ln_beta": ln_beta}


def reference(token_ids, token_table, ln_gamma, ln_beta):
    # token embedding lookup (gather)
    tok_emb = jnp.take(token_table, token_ids, axis=0)  # [B, S, D]
    # add sinusoidal position embedding (buffer, not learned)
    pos_emb = _sinusoidal_pos_emb(MAX_SEQ_LEN, EMBED_DIM)
    emb = tok_emb + pos_emb[:, :token_ids.shape[1], :]
    # LayerNorm over last dim (eps=1e-5, torch default)
    mean = jnp.mean(emb, axis=-1, keepdims=True)
    var = jnp.mean((emb - mean) ** 2, axis=-1, keepdims=True)
    out = (emb - mean) / jnp.sqrt(var + 1e-5) * ln_gamma + ln_beta
    return out

if __name__ == "__main__":
    import jax
    _d = setup_inputs()
    print(jax.jit(kernel)(*tuple(_d.values())))

</pallas_src>

<mosaic_0001>
#map = affine_map<(d0, d1) -> (0, 0)>
module attributes {stable_mosaic.version = 14 : i64} {
  func.func @k(%arg0: i32, %arg1: i32, %arg2: memref<8192x100xi32, #tpu.memory_space<hbm>>, %arg3: memref<100000x64xf32, #tpu.memory_space<hbm>>, %arg4: memref<200x64xf32, #tpu.memory_space<hbm>>, %arg5: memref<2x64xf32, #tpu.memory_space<hbm>>, %arg6: memref<409600x128xf32, #tpu.memory_space<hbm>>, %arg7: memref<200x64xf32, #tpu.memory_space<vmem>>, %arg8: memref<2x64xf32, #tpu.memory_space<vmem>>, %arg9: memref<400x64xf32, #tpu.memory_space<vmem>>, %arg10: memref<!tpu.dma_semaphore, #tpu.memory_space<semaphore_mem>>, %arg11: memref<!tpu.dma_semaphore, #tpu.memory_space<semaphore_mem>>, %arg12: memref<!tpu.dma_semaphore, #tpu.memory_space<semaphore_mem>>, %arg13: memref<!tpu.dma_semaphore, #tpu.memory_space<semaphore_mem>>, %arg14: memref<!tpu.dma_semaphore, #tpu.memory_space<semaphore_mem>>) attributes {dimension_semantics = [#tpu.dimension_semantics<core_parallel>, #tpu.dimension_semantics<subcore_parallel>], iteration_bounds = array<i64: 2, 16>, scalar_prefetch = 0 : i64, scratch_operands = 8 : i64, tpu.core_type = #tpu.core_type<sc_vector_subcore>, window_params = [{transform_indices = #map}, {transform_indices = #map}, {transform_indices = #map}, {transform_indices = #map}, {transform_indices = #map}]} {
    tpu.enqueue_dma source(%arg5 : memref<2x64xf32, #tpu.memory_space<hbm>>) target(%arg8 : memref<2x64xf32, #tpu.memory_space<vmem>>) target_semaphore(%arg10 : memref<!tpu.dma_semaphore, #tpu.memory_space<semaphore_mem>>)
    tpu.wait_dma2 semaphore(%arg10 : memref<!tpu.dma_semaphore, #tpu.memory_space<semaphore_mem>>) src(%arg5 : memref<2x64xf32, #tpu.memory_space<hbm>>) dst(%arg8 : memref<2x64xf32, #tpu.memory_space<vmem>>)
    tpu.enqueue_dma source(%arg4 : memref<200x64xf32, #tpu.memory_space<hbm>>) target(%arg7 : memref<200x64xf32, #tpu.memory_space<vmem>>) target_semaphore(%arg10 : memref<!tpu.dma_semaphore, #tpu.memory_space<semaphore_mem>>)
    tpu.wait_dma2 semaphore(%arg10 : memref<!tpu.dma_semaphore, #tpu.memory_space<semaphore_mem>>) src(%arg4 : memref<200x64xf32, #tpu.memory_space<hbm>>) dst(%arg7 : memref<200x64xf32, #tpu.memory_space<vmem>>)
    %mul3A = arith.constant 1 : i32
    %mul3A_0 = arith.muli %arg1, %mul3A : i32
    %add3A = arith.constant 0 : i32
    %add3A_1 = arith.addi %add3A, %mul3A_0 : i32
    %mul3A_2 = arith.constant 16 : i32
    %mul3A_3 = arith.muli %arg0, %mul3A_2 : i32
    %add3A_4 = arith.addi %add3A_1, %mul3A_3 : i32
    %mul3A_5 = arith.constant 64 : i32
    %mul3A_6 = arith.muli %add3A_4, %mul3A_5 : i32
    "tpu.region"() ({
      %run_scoped3A = memref.alloca() : memref<2x4x100xi32, #tpu.memory_space<vmem>>
      %run_scoped3A_7 = tpu.sem_alloc : memref<2x!tpu.dma_semaphore, #tpu.memory_space<semaphore_mem>>
      %run_scoped3A_8 = memref.alloca() : memref<2x400x64xf32, #tpu.memory_space<vmem>>
      %run_scoped3A_9 = tpu.sem_alloc : memref<2x!tpu.dma_semaphore, #tpu.memory_space<semaphore_mem>>
      %add3A_10 = arith.constant 0 : i32
      %add3A_11 = arith.addi %add3A_10, %mul3A_6 : i32
      %select_n3A = arith.constant true
      %select_n3A_12 = arith.constant 0 : i32
      %select_n3A_13 = arith.constant -1 : i32
      %select_n3A_14 = arith.select %select_n3A, %select_n3A_13, %select_n3A_12 : i32
      %eq3A = arith.constant -1 : i32
      %eq3A_15 = arith.cmpi eq, %select_n3A_14, %eq3A : i32
      %select_n3A_16 = arith.constant 63 : i32
      %select_n3A_17 = arith.select %eq3A_15, %select_n3A_16, %select_n3A_14 : i32
      %add3A_18 = arith.addi %select_n3A_17, %mul3A_6 : i32
      %select_n3A_19 = arith.constant true
      %select_n3A_20 = arith.constant 0 : i32
      %select_n3A_21 = arith.constant 1 : i32
      %select_n3A_22 = arith.select %select_n3A_19, %select_n3A_21, %select_n3A_20 : i32
      %eq3A_23 = arith.constant 64 : i32
      %eq3A_24 = arith.cmpi eq, %select_n3A_22, %eq3A_23 : i32
      %select_n3A_25 = arith.constant 0 : i32
      %select_n3A_26 = arith.select %eq3A_24, %select_n3A_25, %select_n3A_22 : i32
      %add3A_27 = arith.addi %select_n3A_26, %mul3A_6 : i32
      %add3A_28 = arith.constant 1 : i32
      %add3A_29 = arith.addi %select_n3A_26, %add3A_28 : i32
      %select_n3A_30 = arith.constant true
      %select_n3A_31 = arith.select %select_n3A_30, %add3A_29, %select_n3A_26 : i32
      %eq3A_32 = arith.constant 64 : i32
      %eq3A_33 = arith.cmpi eq, %select_n3A_31, %eq3A_32 : i32
      %select_n3A_34 = arith.constant 0 : i32
      %select_n3A_35 = arith.select %eq3A_33, %select_n3A_34, %select_n3A_31 : i32
      %add3A_36 = arith.addi %select_n3A_35, %mul3A_6 : i32
      %rem3A = arith.constant 0 : i32
      %rem3A_37 = arith.constant 2 : i32
      %rem3A_38 = arith.remui %rem3A, %rem3A_37 : i32
      %mul3A_39 = arith.constant 4 : i32
      %mul3A_40 = arith.muli %mul3A_39, %add3A_11 : i32
      %dma_start3A = arith.constant 0 : i32
      %dma_start3A_41 = arith.constant 0 : i32
      %dma_start3A_42 = tpu.memref_slice %run_scoped3A[%rem3A_38, %dma_start3A, %dma_start3A_41] : memref<2x4x100xi32, #tpu.memory_space<vmem>> -> memref<1x4x100xi32, #tpu.memory_space<vmem>>
      %dma_start3A_43 = tpu.memref_squeeze %dma_start3A_42 : memref<1x4x100xi32, #tpu.memory_space<vmem>> -> memref<4x100xi32, #tpu.memory_space<vmem>>
      %dma_start3A_44 = arith.constant 0 : i32
      %dma_start3A_45 = tpu.memref_slice %arg2[%mul3A_40, %dma_start3A_44] : memref<8192x100xi32, #tpu.memory_space<hbm>> -> memref<4x100xi32, #tpu.memory_space<hbm>>
      %dma_start3A_46 = tpu.memref_slice %run_scoped3A_7[%rem3A_38] : memref<2x!tpu.dma_semaphore, #tpu.memory_space<semaphore_mem>> -> memref<1x!tpu.dma_semaphore, #tpu.memory_space<semaphore_mem>>
      %dma_start3A_47 = tpu.memref_squeeze %dma_start3A_46 : memref<1x!tpu.dma_semaphore, #tpu.memory_space<semaphore_mem>> -> memref<!tpu.dma_semaphore, #tpu.memory_space<semaphore_mem>>
      %dma_start3A_48 = arith.constant 0 : i32
      %dma_start3A_49 = arith.constant 0 : i32
      %dma_start3A_50 = tpu.memref_slice %run_scoped3A[%rem3A_38, %dma_start3A_48, %dma_start3A_49] : memref<2x4x100xi32, #tpu.memory_space<vmem>> -> memref<1x4x100xi32, #tpu.memory_space<vmem>>
      %dma_start3A_51 = tpu.memref_squeeze %dma_start3A_50 : memref<1x4x100xi32, #tpu.memory_space<vmem>> -> memref<4x100xi32, #tpu.memory_space<vmem>>
      %dma_start3A_52 = arith.constant 0 : i32
      %dma_start3A_53 = tpu.memref_slice %arg2[%mul3A_40, %dma_start3A_52] : memref<8192x100xi32, #tpu.memory_space<hbm>> -> memref<4x100xi32, #tpu.memory_space<hbm>>
      tpu.enqueue_dma source(%dma_start3A_53 : memref<4x100xi32, #tpu.memory_space<hbm>>) target(%dma_start3A_51 : memref<4x100xi32, #tpu.memory_space<vmem>>) target_semaphore(%dma_start3A_47 : memref<!tpu.dma_semaphore, #tpu.memory_space<semaphore_mem>>)
      %add3A_54 = arith.constant 0 : i32
      %add3A_55 = arith.constant 1 : i32
      %add3A_56 = arith.addi %add3A_54, %add3A_55 : i32
      %select_n3A_57 = arith.constant true
      %select_n3A_58 = arith.constant 0 : i32
      %select_n3A_59 = arith.select %select_n3A_57, %add3A_56, %select_n3A_58 : i32
      %scan3A = arith.constant 0 : i32
      %scan3A_60 = arith.constant 0 : i32
      %scan3A_61 = arith.constant 0 : i32
      %scan3A_62 = arith.constant 0 : i32
      %scan3A_63 = arith.constant 0 : i32
      %scan3A_64 = arith.constant 64 : i32
      %scan3A_65 = arith.addi %scan3A_63, %scan3A_64 : i32
      %scan3A_66 = arith.constant 1 : i32
      %scan3A_67:5 = scf.for %scan3A_198 = %scan3A_63 to %scan3A_65 step %scan3A_66 iter_args(%scan3A_199 = %select_n3A_59, %scan3A_200 = %scan3A, %scan3A_201 = %scan3A_60, %scan3A_202 = %scan3A_61, %scan3A_203 = %scan3A_62) -> (i32, i32, i32, i32, i32)  : i32 {
        %eq3A_204 = arith.constant 0 : i32
        %eq3A_205 = arith.cmpi eq, %scan3A_198, %eq3A_204 : i32
        %eq3A_206 = arith.constant 63 : i32
        %eq3A_207 = arith.cmpi eq, %scan3A_198, %eq3A_206 : i32
        %add3A_208 = arith.addi %scan3A_203, %mul3A_6 : i32
        %sub3A_209 = arith.constant 1 : i32
        %sub3A_210 = arith.subi %scan3A_203, %sub3A_209 : i32
        %select_n3A_211 = arith.constant true
        %select_n3A_212 = arith.select %select_n3A_211, %sub3A_210, %scan3A_203 : i32
        %eq3A_213 = arith.constant -1 : i32
        %eq3A_214 = arith.cmpi eq, %select_n3A_212, %eq3A_213 : i32
        %select_n3A_215 = arith.constant 63 : i32
        %select_n3A_216 = arith.select %eq3A_214, %select_n3A_215, %select_n3A_212 : i32
        %add3A_217 = arith.addi %select_n3A_216, %mul3A_6 : i32
        %add3A_218 = arith.constant 1 : i32
        %add3A_219 = arith.addi %scan3A_203, %add3A_218 : i32
        %select_n3A_220 = arith.constant true
        %select_n3A_221 = arith.select %select_n3A_220, %add3A_219, %scan3A_203 : i32
        %eq3A_222 = arith.constant 64 : i32
        %eq3A_223 = arith.cmpi eq, %select_n3A_221, %eq3A_222 : i32
        %select_n3A_224 = arith.constant 0 : i32
        %select_n3A_225 = arith.select %eq3A_223, %select_n3A_224, %select_n3A_221 : i32
        %add3A_226 = arith.addi %select_n3A_225, %mul3A_6 : i32
        %add3A_227 = arith.constant 1 : i32
        %add3A_228 = arith.addi %select_n3A_225, %add3A_227 : i32
        %select_n3A_229 = arith.constant true
        %select_n3A_230 = arith.select %select_n3A_229, %add3A_228, %select_n3A_225 : i32
        %eq3A_231 = arith.constant 64 : i32
        %eq3A_232 = arith.cmpi eq, %select_n3A_230, %eq3A_231 : i32
        %select_n3A_233 = arith.constant 0 : i32
        %select_n3A_234 = arith.select %eq3A_232, %select_n3A_233, %select_n3A_230 : i32
        %add3A_235 = arith.addi %select_n3A_234, %mul3A_6 : i32
        %ne3A_236 = arith.cmpi ne, %add3A_208, %add3A_226 : i32
        %or3A = arith.constant false
        %or3A_237 = arith.ori %or3A, %ne3A_236 : i1
        %or3A_238 = arith.constant false
        %or3A_239 = arith.ori %or3A_237, %or3A_238 : i1
        %ge3A = arith.constant 63 : i32
        %ge3A_240 = arith.cmpi sge, %scan3A_198, %ge3A : i32
        %not3A = arith.constant true
        %not3A_241 = arith.xori %ge3A_240, %not3A : i1
        %and3A_242 = arith.andi %or3A_239, %not3A_241 : i1
        %convert_element_type3A = arith.extui %and3A_242 : i1 to i32
        %cond3A = arith.constant 0 : i32
        %cond3A_243 = arith.cmpi ne, %convert_element_type3A, %cond3A : i32
        scf.if %cond3A_243 {
          %rem3A_1170 = arith.constant 2 : i32
          %rem3A_1171 = arith.remui %scan3A_199, %rem3A_1170 : i32
          %mul3A_1172 = arith.constant 4 : i32
          %mul3A_1173 = arith.muli %mul3A_1172, %add3A_226 : i32
          %dma_start3A_1174 = arith.constant 0 : i32
          %dma_start3A_1175 = arith.constant 0 : i32
          %dma_start3A_1176 = tpu.memref_slice %run_scoped3A[%rem3A_1171, %dma_start3A_1174, %dma_start3A_1175] : memref<2x4x100xi32, #tpu.memory_space<vmem>> -> memref<1x4x100xi32, #tpu.memory_space<vmem>>
          %dma_start3A_1177 = tpu.memref_squeeze %dma_start3A_1176 : memref<1x4x100xi32, #tpu.memory_space<vmem>> -> memref<4x100xi32, #tpu.memory_space<vmem>>
          %dma_start3A_1178 = arith.constant 0 : i32
          %dma_start3A_1179 = tpu.memref_slice %arg2[%mul3A_1173, %dma_start3A_1178] : memref<8192x100xi32, #tpu.memory_space<hbm>> -> memref<4x100xi32, #tpu.memory_space<hbm>>
          %dma_start3A_1180 = tpu.memref_slice %run_scoped3A_7[%rem3A_1171] : memref<2x!tpu.dma_semaphore, #tpu.memory_space<semaphore_mem>> -> memref<1x!tpu.dma_semaphore, #tpu.memory_space<semaphore_mem>>
          %dma_start3A_1181 = tpu.memref_squeeze %dma_start3A_1180 : memref<1x!tpu.dma_semaphore, #tpu.memory_space<semaphore_mem>> -> memref<!tpu.dma_semaphore, #tpu.memory_space<semaphore_mem>>
          %dma_start3A_1182 = arith.constant 0 : i32
          %dma_start3A_1183 = arith.constant 0 : i32
          %dma_start3A_1184 = tpu.memref_slice %run_scoped3A[%rem3A_1171, %dma_start3A_1182, %dma_start3A_1183] : memref<2x4x100xi32, #tpu.memory_space<vmem>> -> memref<1x4x100xi32, #tpu.memory_space<vmem>>
          %dma_start3A_1185 = tpu.memref_squeeze %dma_start3A_1184 : memref<1x4x100xi32, #tpu.memory_space<vmem>> -> memref<4x100xi32, #tpu.memory_space<vmem>>
          %dma_start3A_1186 = arith.constant 0 : i32
          %dma_start3A_1187 = tpu.memref_slice %arg2[%mul3A_1173, %dma_start3A_1186] : memref<8192x100xi32, #tpu.memory_space<hbm>> -> memref<4x100xi32, #tpu.memory_space<hbm>>
          tpu.enqueue_dma source(%dma_start3A_1187 : memref<4x100xi32, #tpu.memory_space<hbm>>) target(%dma_start3A_1185 : memref<4x100xi32, #tpu.memory_space<vmem>>) target_semaphore(%dma_start3A_1181 : memref<!tpu.dma_semaphore, #tpu.memory_space<semaphore_mem>>)
        } else {
        }
        %and3A_244 = arith.constant true
        %and3A_245 = arith.andi %and3A_242, %and3A_244 : i1
        %add3A_246 = arith.constant 1 : i32
        %add3A_247 = arith.addi %scan3A_199, %add3A_246 : i32
        %select_n3A_248 = arith.select %and3A_245, %add3A_247, %scan3A_199 : i32
        %jit3A_249 = arith.constant 16 : i32
        %div3A_250 = arith.divsi %add3A_208, %jit3A_249 : i32
        %sign3A_251 = arith.constant 0 : i32
        %sign3A_252 = arith.cmpi sgt, %add3A_208, %sign3A_251 : i32
        %sign3A_253 = arith.extui %sign3A_252 : i1 to i32
        %sign3A_254 = arith.constant 0 : i32
        %sign3A_255 = arith.cmpi slt, %add3A_208, %sign3A_254 : i32
        %sign3A_256 = arith.extui %sign3A_255 : i1 to i32
        %sign3A_257 = arith.subi %sign3A_253, %sign3A_256 : i32
        %sign3A_258 = arith.constant 0 : i32
        %sign3A_259 = arith.cmpi sgt, %jit3A_249, %sign3A_258 : i32
        %sign3A_260 = arith.extui %sign3A_259 : i1 to i32
        %sign3A_261 = arith.constant 0 : i32
        %sign3A_262 = arith.cmpi slt, %jit3A_249, %sign3A_261 : i32
        %sign3A_263 = arith.extui %sign3A_262 : i1 to i32
        %sign3A_264 = arith.subi %sign3A_260, %sign3A_263 : i32
        %ne3A_265 = arith.cmpi ne, %sign3A_257, %sign3A_264 : i32
        %rem3A_266 = arith.remsi %add3A_208, %jit3A_249 : i32
        %ne3A_267 = arith.constant 0 : i32
        %ne3A_268 = arith.cmpi ne, %rem3A_266, %ne3A_267 : i32
        %and3A_269 = arith.andi %ne3A_265, %ne3A_268 : i1
        %sub3A_270 = arith.constant 1 : i32
        %sub3A_271 = arith.subi %div3A_250, %sub3A_270 : i32
        %select_n3A_272 = arith.select %and3A_269, %sub3A_271, %div3A_250 : i32
        %mul3A_273 = arith.constant 8 : i32
        %mul3A_274 = arith.muli %select_n3A_272, %mul3A_273 : i32
        %jit3A_275 = arith.constant 8 : i32
        %eq3A_276 = arith.constant 0 : i32
        %eq3A_277 = arith.cmpi eq, %jit3A_275, %eq3A_276 : i32
        %jit3A_278 = arith.constant 1 : i32
        %select_n3A_279 = arith.select %eq3A_277, %jit3A_278, %jit3A_275 : i32
        %rem3A_280 = arith.remsi %add3A_208, %select_n3A_279 : i32
        %ne3A_281 = arith.constant 0 : i32
        %ne3A_282 = arith.cmpi ne, %rem3A_280, %ne3A_281 : i32
        %lt3A_283 = arith.constant 0 : i32
        %lt3A_284 = arith.cmpi slt, %rem3A_280, %lt3A_283 : i32
        %lt3A_285 = arith.constant 0 : i32
        %lt3A_286 = arith.cmpi slt, %select_n3A_279, %lt3A_285 : i32
        %ne3A_287 = arith.xori %lt3A_284, %lt3A_286 : i1
        %and3A_288 = arith.andi %ne3A_287, %ne3A_282 : i1
        %add3A_289 = arith.addi %rem3A_280, %select_n3A_279 : i32
        %select_n3A_290 = arith.select %and3A_288, %add3A_289, %rem3A_280 : i32
        %add3A_291 = arith.addi %mul3A_274, %select_n3A_290 : i32
        %jit3A_292 = arith.constant 16 : i32
        %eq3A_293 = arith.constant 0 : i32
        %eq3A_294 = arith.cmpi eq, %jit3A_292, %eq3A_293 : i32
        %jit3A_295 = arith.constant 1 : i32
        %select_n3A_296 = arith.select %eq3A_294, %jit3A_295, %jit3A_292 : i32
        %rem3A_297 = arith.remsi %add3A_208, %select_n3A_296 : i32
        %ne3A_298 = arith.constant 0 : i32
        %ne3A_299 = arith.cmpi ne, %rem3A_297, %ne3A_298 : i32
        %lt3A_300 = arith.constant 0 : i32
        %lt3A_301 = arith.cmpi slt, %rem3A_297, %lt3A_300 : i32
        %lt3A_302 = arith.constant 0 : i32
        %lt3A_303 = arith.cmpi slt, %select_n3A_296, %lt3A_302 : i32
        %ne3A_304 = arith.xori %lt3A_301, %lt3A_303 : i1
        %and3A_305 = arith.andi %ne3A_304, %ne3A_299 : i1
        %add3A_306 = arith.addi %rem3A_297, %select_n3A_296 : i32
        %select_n3A_307 = arith.select %and3A_305, %add3A_306, %rem3A_297 : i32
        %jit3A_308 = arith.constant 8 : i32
        %div3A_309 = arith.divsi %select_n3A_307, %jit3A_308 : i32
        %sign3A_310 = arith.constant 0 : i32
        %sign3A_311 = arith.cmpi sgt, %select_n3A_307, %sign3A_310 : i32
        %sign3A_312 = arith.extui %sign3A_311 : i1 to i32
        %sign3A_313 = arith.constant 0 : i32
        %sign3A_314 = arith.cmpi slt, %select_n3A_307, %sign3A_313 : i32
        %sign3A_315 = arith.extui %sign3A_314 : i1 to i32
        %sign3A_316 = arith.subi %sign3A_312, %sign3A_315 : i32
        %sign3A_317 = arith.constant 0 : i32
        %sign3A_318 = arith.cmpi sgt, %jit3A_308, %sign3A_317 : i32
        %sign3A_319 = arith.extui %sign3A_318 : i1 to i32
        %sign3A_320 = arith.constant 0 : i32
        %sign3A_321 = arith.cmpi slt, %jit3A_308, %sign3A_320 : i32
        %sign3A_322 = arith.extui %sign3A_321 : i1 to i32
        %sign3A_323 = arith.subi %sign3A_319, %sign3A_322 : i32
        %ne3A_324 = arith.cmpi ne, %sign3A_316, %sign3A_323 : i32
        %rem3A_325 = arith.remsi %select_n3A_307, %jit3A_308 : i32
        %ne3A_326 = arith.constant 0 : i32
        %ne3A_327 = arith.cmpi ne, %rem3A_325, %ne3A_326 : i32
        %and3A_328 = arith.andi %ne3A_324, %ne3A_327 : i1
        %sub3A_329 = arith.constant 1 : i32
        %sub3A_330 = arith.subi %div3A_309, %sub3A_329 : i32
        %select_n3A_331 = arith.select %and3A_328, %sub3A_330, %div3A_309 : i32
        %jit3A_332 = arith.constant 16 : i32
        %div3A_333 = arith.divsi %add3A_226, %jit3A_332 : i32
        %sign3A_334 = arith.constant 0 : i32
        %sign3A_335 = arith.cmpi sgt, %add3A_226, %sign3A_334 : i32
        %sign3A_336 = arith.extui %sign3A_335 : i1 to i32
        %sign3A_337 = arith.constant 0 : i32
        %sign3A_338 = arith.cmpi slt, %add3A_226, %sign3A_337 : i32
        %sign3A_339 = arith.extui %sign3A_338 : i1 to i32
        %sign3A_340 = arith.subi %sign3A_336, %sign3A_339 : i32
        %sign3A_341 = arith.constant 0 : i32
        %sign3A_342 = arith.cmpi sgt, %jit3A_332, %sign3A_341 : i32
        %sign3A_343 = arith.extui %sign3A_342 : i1 to i32
        %sign3A_344 = arith.constant 0 : i32
        %sign3A_345 = arith.cmpi slt, %jit3A_332, %sign3A_344 : i32
        %sign3A_346 = arith.extui %sign3A_345 : i1 to i32
        %sign3A_347 = arith.subi %sign3A_343, %sign3A_346 : i32
        %ne3A_348 = arith.cmpi ne, %sign3A_340, %sign3A_347 : i32
        %rem3A_349 = arith.remsi %add3A_226, %jit3A_332 : i32
        %ne3A_350 = arith.constant 0 : i32
        %ne3A_351 = arith.cmpi ne, %rem3A_349, %ne3A_350 : i32
        %and3A_352 = arith.andi %ne3A_348, %ne3A_351 : i1
        %sub3A_353 = arith.constant 1 : i32
        %sub3A_354 = arith.subi %div3A_333, %sub3A_353 : i32
        %select_n3A_355 = arith.select %and3A_352, %sub3A_354, %div3A_333 : i32
        %mul3A_356 = arith.constant 8 : i32
        %mul3A_357 = arith.muli %select_n3A_355, %mul3A_356 : i32
        %jit3A_358 = arith.constant 8 : i32
        %eq3A_359 = arith.constant 0 : i32
        %eq3A_360 = arith.cmpi eq, %jit3A_358, %eq3A_359 : i32
        %jit3A_361 = arith.constant 1 : i32
        %select_n3A_362 = arith.select %eq3A_360, %jit3A_361, %jit3A_358 : i32
        %rem3A_363 = arith.remsi %add3A_226, %select_n3A_362 : i32
        %ne3A_364 = arith.constant 0 : i32
        %ne3A_365 = arith.cmpi ne, %rem3A_363, %ne3A_364 : i32
        %lt3A_366 = arith.constant 0 : i32
        %lt3A_367 = arith.cmpi slt, %rem3A_363, %lt3A_366 : i32
        %lt3A_368 = arith.constant 0 : i32
        %lt3A_369 = arith.cmpi slt, %select_n3A_362, %lt3A_368 : i32
        %ne3A_370 = arith.xori %lt3A_367, %lt3A_369 : i1
        %and3A_371 = arith.andi %ne3A_370, %ne3A_365 : i1
        %add3A_372 = arith.addi %rem3A_363, %select_n3A_362 : i32
        %select_n3A_373 = arith.select %and3A_371, %add3A_372, %rem3A_363 : i32
        %add3A_374 = arith.addi %mul3A_357, %select_n3A_373 : i32
        %jit3A_375 = arith.constant 16 : i32
        %eq3A_376 = arith.constant 0 : i32
        %eq3A_377 = arith.cmpi eq, %jit3A_375, %eq3A_376 : i32
        %jit3A_378 = arith.constant 1 : i32
        %select_n3A_379 = arith.select %eq3A_377, %jit3A_378, %jit3A_375 : i32
        %rem3A_380 = arith.remsi %add3A_226, %select_n3A_379 : i32
        %ne3A_381 = arith.constant 0 : i32
        %ne3A_382 = arith.cmpi ne, %rem3A_380, %ne3A_381 : i32
        %lt3A_383 = arith.constant 0 : i32
        %lt3A_384 = arith.cmpi slt, %rem3A_380, %lt3A_383 : i32
        %lt3A_385 = arith.constant 0 : i32
        %lt3A_386 = arith.cmpi slt, %select_n3A_379, %lt3A_385 : i32
        %ne3A_387 = arith.xori %lt3A_384, %lt3A_386 : i1
        %and3A_388 = arith.andi %ne3A_387, %ne3A_382 : i1
        %add3A_389 = arith.addi %rem3A_380, %select_n3A_379 : i32
        %select_n3A_390 = arith.select %and3A_388, %add3A_389, %rem3A_380 : i32
        %jit3A_391 = arith.constant 8 : i32
        %div3A_392 = arith.divsi %select_n3A_390, %jit3A_391 : i32
        %sign3A_393 = arith.constant 0 : i32
        %sign3A_394 = arith.cmpi sgt, %select_n3A_390, %sign3A_393 : i32
        %sign3A_395 = arith.extui %sign3A_394 : i1 to i32
        %sign3A_396 = arith.constant 0 : i32
        %sign3A_397 = arith.cmpi slt, %select_n3A_390, %sign3A_396 : i32
        %sign3A_398 = arith.extui %sign3A_397 : i1 to i32
        %sign3A_399 = arith.subi %sign3A_395, %sign3A_398 : i32
        %sign3A_400 = arith.constant 0 : i32
        %sign3A_401 = arith.cmpi sgt, %jit3A_391, %sign3A_400 : i32
        %sign3A_402 = arith.extui %sign3A_401 : i1 to i32
        %sign3A_403 = arith.constant 0 : i32
        %sign3A_404 = arith.cmpi slt, %jit3A_391, %sign3A_403 : i32
        %sign3A_405 = arith.extui %sign3A_404 : i1 to i32
        %sign3A_406 = arith.subi %sign3A_402, %sign3A_405 : i32
        %ne3A_407 = arith.cmpi ne, %sign3A_399, %sign3A_406 : i32
        %rem3A_408 = arith.remsi %select_n3A_390, %jit3A_391 : i32
        %ne3A_409 = arith.constant 0 : i32
        %ne3A_410 = arith.cmpi ne, %rem3A_408, %ne3A_409 : i32
        %and3A_411 = arith.andi %ne3A_407, %ne3A_410 : i1
        %sub3A_412 = arith.constant 1 : i32
        %sub3A_413 = arith.subi %div3A_392, %sub3A_412 : i32
        %select_n3A_414 = arith.select %and3A_411, %sub3A_413, %div3A_392 : i32
        %ne3A_415 = arith.cmpi ne, %add3A_291, %add3A_374 : i32
        %ne3A_416 = arith.cmpi ne, %select_n3A_331, %select_n3A_414 : i32
        %or3A_417 = arith.constant false
        %or3A_418 = arith.ori %or3A_417, %ne3A_415 : i1
        %or3A_419 = arith.ori %or3A_418, %ne3A_416 : i1
        %ge3A_420 = arith.constant 63 : i32
        %ge3A_421 = arith.cmpi sge, %scan3A_198, %ge3A_420 : i32
        %not3A_422 = arith.constant true
        %not3A_423 = arith.xori %ge3A_421, %not3A_422 : i1
        %and3A_424 = arith.andi %or3A_419, %not3A_423 : i1
        %ne3A_425 = arith.cmpi ne, %add3A_208, %add3A_217 : i32
        %or3A_426 = arith.constant false
        %or3A_427 = arith.ori %or3A_426, %ne3A_425 : i1
        %or3A_428 = arith.constant false
        %or3A_429 = arith.ori %or3A_427, %or3A_428 : i1
        %or3A_430 = arith.ori %or3A_429, %eq3A_205 : i1
        %convert_element_type3A_431 = arith.extui %or3A_430 : i1 to i32
        %cond3A_432 = arith.constant 0 : i32
        %cond3A_433 = arith.cmpi ne, %convert_element_type3A_431, %cond3A_432 : i32
        scf.if %cond3A_433 {
          %mul3A_1170 = arith.constant 4 : i32
          %mul3A_1171 = arith.muli %mul3A_1170, %add3A_208 : i32
          %rem3A_1172 = arith.constant 2 : i32
          %rem3A_1173 = arith.remui %scan3A_200, %rem3A_1172 : i32
          %dma_wait3A_1174 = arith.constant 0 : i32
          %dma_wait3A_1175 = arith.constant 0 : i32
          %dma_wait3A_1176 = tpu.memref_slice %run_scoped3A[%rem3A_1173, %dma_wait3A_1174, %dma_wait3A_1175] : memref<2x4x100xi32, #tpu.memory_space<vmem>> -> memref<1x4x100xi32, #tpu.memory_space<vmem>>
          %dma_wait3A_1177 = tpu.memref_squeeze %dma_wait3A_1176 : memref<1x4x100xi32, #tpu.memory_space<vmem>> -> memref<4x100xi32, #tpu.memory_space<vmem>>
          %dma_wait3A_1178 = arith.constant 0 : i32
          %dma_wait3A_1179 = tpu.memref_slice %arg2[%mul3A_1171, %dma_wait3A_1178] : memref<8192x100xi32, #tpu.memory_space<hbm>> -> memref<4x100xi32, #tpu.memory_space<hbm>>
          %dma_wait3A_1180 = tpu.memref_slice %run_scoped3A_7[%rem3A_1173] : memref<2x!tpu.dma_semaphore, #tpu.memory_space<semaphore_mem>> -> memref<1x!tpu.dma_semaphore, #tpu.memory_space<semaphore_mem>>
          %dma_wait3A_1181 = tpu.memref_squeeze %dma_wait3A_1180 : memref<1x!tpu.dma_semaphore, #tpu.memory_space<semaphore_mem>> -> memref<!tpu.dma_semaphore, #tpu.memory_space<semaphore_mem>>
          %dma_wait3A_1182 = arith.constant 0 : i32
          %dma_wait3A_1183 = arith.constant 0 : i32
          %dma_wait3A_1184 = tpu.memref_slice %run_scoped3A[%rem3A_1173, %dma_wait3A_1182, %dma_wait3A_1183] : memref<2x4x100xi32, #tpu.memory_space<vmem>> -> memref<1x4x100xi32, #tpu.memory_space<vmem>>
          %dma_wait3A_1185 = tpu.memref_squeeze %dma_wait3A_1184 : memref<1x4x100xi32, #tpu.memory_space<vmem>> -> memref<4x100xi32, #tpu.memory_space<vmem>>
          %dma_wait3A_1186 = arith.constant 0 : i32
          %dma_wait3A_1187 = tpu.memref_slice %arg2[%mul3A_1171, %dma_wait3A_1186] : memref<8192x100xi32, #tpu.memory_space<hbm>> -> memref<4x100xi32, #tpu.memory_space<hbm>>
          tpu.wait_dma2 semaphore(%dma_wait3A_1181 : memref<!tpu.dma_semaphore, #tpu.memory_space<semaphore_mem>>) src(%dma_wait3A_1187 : memref<4x100xi32, #tpu.memory_space<hbm>>) dst(%dma_wait3A_1185 : memref<4x100xi32, #tpu.memory_space<vmem>>)
        } else {
        }
        %jit3A_434 = arith.constant 16 : i32
        %div3A_435 = arith.divsi %add3A_208, %jit3A_434 : i32
        %sign3A_436 = arith.constant 0 : i32
        %sign3A_437 = arith.cmpi sgt, %add3A_208, %sign3A_436 : i32
        %sign3A_438 = arith.extui %sign3A_437 : i1 to i32
        %sign3A_439 = arith.constant 0 : i32
        %sign3A_440 = arith.cmpi slt, %add3A_208, %sign3A_439 : i32
        %sign3A_441 = arith.extui %sign3A_440 : i1 to i32
        %sign3A_442 = arith.subi %sign3A_438, %sign3A_441 : i32
        %sign3A_443 = arith.constant 0 : i32
        %sign3A_444 = arith.cmpi sgt, %jit3A_434, %sign3A_443 : i32
        %sign3A_445 = arith.extui %sign3A_444 : i1 to i32
        %sign3A_446 = arith.constant 0 : i32
        %sign3A_447 = arith.cmpi slt, %jit3A_434, %sign3A_446 : i32
        %sign3A_448 = arith.extui %sign3A_447 : i1 to i32
        %sign3A_449 = arith.subi %sign3A_445, %sign3A_448 : i32
        %ne3A_450 = arith.cmpi ne, %sign3A_442, %sign3A_449 : i32
        %rem3A_451 = arith.remsi %add3A_208, %jit3A_434 : i32
        %ne3A_452 = arith.constant 0 : i32
        %ne3A_453 = arith.cmpi ne, %rem3A_451, %ne3A_452 : i32
        %and3A_454 = arith.andi %ne3A_450, %ne3A_453 : i1
        %sub3A_455 = arith.constant 1 : i32
        %sub3A_456 = arith.subi %div3A_435, %sub3A_455 : i32
        %select_n3A_457 = arith.select %and3A_454, %sub3A_456, %div3A_435 : i32
        %mul3A_458 = arith.constant 8 : i32
        %mul3A_459 = arith.muli %select_n3A_457, %mul3A_458 : i32
        %jit3A_460 = arith.constant 8 : i32
        %eq3A_461 = arith.constant 0 : i32
        %eq3A_462 = arith.cmpi eq, %jit3A_460, %eq3A_461 : i32
        %jit3A_463 = arith.constant 1 : i32
        %select_n3A_464 = arith.select %eq3A_462, %jit3A_463, %jit3A_460 : i32
        %rem3A_465 = arith.remsi %add3A_208, %select_n3A_464 : i32
        %ne3A_466 = arith.constant 0 : i32
        %ne3A_467 = arith.cmpi ne, %rem3A_465, %ne3A_466 : i32
        %lt3A_468 = arith.constant 0 : i32
        %lt3A_469 = arith.cmpi slt, %rem3A_465, %lt3A_468 : i32
        %lt3A_470 = arith.constant 0 : i32
        %lt3A_471 = arith.cmpi slt, %select_n3A_464, %lt3A_470 : i32
        %ne3A_472 = arith.xori %lt3A_469, %lt3A_471 : i1
        %and3A_473 = arith.andi %ne3A_472, %ne3A_467 : i1
        %add3A_474 = arith.addi %rem3A_465, %select_n3A_464 : i32
        %select_n3A_475 = arith.select %and3A_473, %add3A_474, %rem3A_465 : i32
        %add3A_476 = arith.addi %mul3A_459, %select_n3A_475 : i32
        %jit3A_477 = arith.constant 16 : i32
        %eq3A_478 = arith.constant 0 : i32
        %eq3A_479 = arith.cmpi eq, %jit3A_477, %eq3A_478 : i32
        %jit3A_480 = arith.constant 1 : i32
        %select_n3A_481 = arith.select %eq3A_479, %jit3A_480, %jit3A_477 : i32
        %rem3A_482 = arith.remsi %add3A_208, %select_n3A_481 : i32
        %ne3A_483 = arith.constant 0 : i32
        %ne3A_484 = arith.cmpi ne, %rem3A_482, %ne3A_483 : i32
        %lt3A_485 = arith.constant 0 : i32
        %lt3A_486 = arith.cmpi slt, %rem3A_482, %lt3A_485 : i32
        %lt3A_487 = arith.constant 0 : i32
        %lt3A_488 = arith.cmpi slt, %select_n3A_481, %lt3A_487 : i32
        %ne3A_489 = arith.xori %lt3A_486, %lt3A_488 : i1
        %and3A_490 = arith.andi %ne3A_489, %ne3A_484 : i1
        %add3A_491 = arith.addi %rem3A_482, %select_n3A_481 : i32
        %select_n3A_492 = arith.select %and3A_490, %add3A_491, %rem3A_482 : i32
        %jit3A_493 = arith.constant 8 : i32
        %div3A_494 = arith.divsi %select_n3A_492, %jit3A_493 : i32
        %sign3A_495 = arith.constant 0 : i32
        %sign3A_496 = arith.cmpi sgt, %select_n3A_492, %sign3A_495 : i32
        %sign3A_497 = arith.extui %sign3A_496 : i1 to i32
        %sign3A_498 = arith.constant 0 : i32
        %sign3A_499 = arith.cmpi slt, %select_n3A_492, %sign3A_498 : i32
        %sign3A_500 = arith.extui %sign3A_499 : i1 to i32
        %sign3A_501 = arith.subi %sign3A_497, %sign3A_500 : i32
        %sign3A_502 = arith.constant 0 : i32
        %sign3A_503 = arith.cmpi sgt, %jit3A_493, %sign3A_502 : i32
        %sign3A_504 = arith.extui %sign3A_503 : i1 to i32
        %sign3A_505 = arith.constant 0 : i32
        %sign3A_506 = arith.cmpi slt, %jit3A_493, %sign3A_505 : i32
        %sign3A_507 = arith.extui %sign3A_506 : i1 to i32
        %sign3A_508 = arith.subi %sign3A_504, %sign3A_507 : i32
        %ne3A_509 = arith.cmpi ne, %sign3A_501, %sign3A_508 : i32
        %rem3A_510 = arith.remsi %select_n3A_492, %jit3A_493 : i32
        %ne3A_511 = arith.constant 0 : i32
        %ne3A_512 = arith.cmpi ne, %rem3A_510, %ne3A_511 : i32
        %and3A_513 = arith.andi %ne3A_509, %ne3A_512 : i1
        %sub3A_514 = arith.constant 1 : i32
        %sub3A_515 = arith.subi %div3A_494, %sub3A_514 : i32
        %select_n3A_516 = arith.select %and3A_513, %sub3A_515, %div3A_494 : i32
        %jit3A_517 = arith.constant 16 : i32
        %div3A_518 = arith.divsi %add3A_217, %jit3A_517 : i32
        %sign3A_519 = arith.constant 0 : i32
        %sign3A_520 = arith.cmpi sgt, %add3A_217, %sign3A_519 : i32
        %sign3A_521 = arith.extui %sign3A_520 : i1 to i32
        %sign3A_522 = arith.constant 0 : i32
        %sign3A_523 = arith.cmpi slt, %add3A_217, %sign3A_522 : i32
        %sign3A_524 = arith.extui %sign3A_523 : i1 to i32
        %sign3A_525 = arith.subi %sign3A_521, %sign3A_524 : i32
        %sign3A_526 = arith.constant 0 : i32
        %sign3A_527 = arith.cmpi sgt, %jit3A_517, %sign3A_526 : i32
        %sign3A_528 = arith.extui %sign3A_527 : i1 to i32
        %sign3A_529 = arith.constant 0 : i32
        %sign3A_530 = arith.cmpi slt, %jit3A_517, %sign3A_529 : i32
        %sign3A_531 = arith.extui %sign3A_530 : i1 to i32
        %sign3A_532 = arith.subi %sign3A_528, %sign3A_531 : i32
        %ne3A_533 = arith.cmpi ne, %sign3A_525, %sign3A_532 : i32
        %rem3A_534 = arith.remsi %add3A_217, %jit3A_517 : i32
        %ne3A_535 = arith.constant 0 : i32
        %ne3A_536 = arith.cmpi ne, %rem3A_534, %ne3A_535 : i32
        %and3A_537 = arith.andi %ne3A_533, %ne3A_536 : i1
        %sub3A_538 = arith.constant 1 : i32
        %sub3A_539 = arith.subi %div3A_518, %sub3A_538 : i32
        %select_n3A_540 = arith.select %and3A_537, %sub3A_539, %div3A_518 : i32
        %mul3A_541 = arith.constant 8 : i32
        %mul3A_542 = arith.muli %select_n3A_540, %mul3A_541 : i32
        %jit3A_543 = arith.constant 8 : i32
        %eq3A_544 = arith.constant 0 : i32
        %eq3A_545 = arith.cmpi eq, %jit3A_543, %eq3A_544 : i32
        %jit3A_546 = arith.constant 1 : i32
        %select_n3A_547 = arith.select %eq3A_545, %jit3A_546, %jit3A_543 : i32
        %rem3A_548 = arith.remsi %add3A_217, %select_n3A_547 : i32
        %ne3A_549 = arith.constant 0 : i32
        %ne3A_550 = arith.cmpi ne, %rem3A_548, %ne3A_549 : i32
        %lt3A_551 = arith.constant 0 : i32
        %lt3A_552 = arith.cmpi slt, %rem3A_548, %lt3A_551 : i32
        %lt3A_553 = arith.constant 0 : i32
        %lt3A_554 = arith.cmpi slt, %select_n3A_547, %lt3A_553 : i32
        %ne3A_555 = arith.xori %lt3A_552, %lt3A_554 : i1
        %and3A_556 = arith.andi %ne3A_555, %ne3A_550 : i1
        %add3A_557 = arith.addi %rem3A_548, %select_n3A_547 : i32
        %select_n3A_558 = arith.select %and3A_556, %add3A_557, %rem3A_548 : i32
        %add3A_559 = arith.addi %mul3A_542, %select_n3A_558 : i32
        %jit3A_560 = arith.constant 16 : i32
        %eq3A_561 = arith.constant 0 : i32
        %eq3A_562 = arith.cmpi eq, %jit3A_560, %eq3A_561 : i32
        %jit3A_563 = arith.constant 1 : i32
        %select_n3A_564 = arith.select %eq3A_562, %jit3A_563, %jit3A_560 : i32
        %rem3A_565 = arith.remsi %add3A_217, %select_n3A_564 : i32
        %ne3A_566 = arith.constant 0 : i32
        %ne3A_567 = arith.cmpi ne, %rem3A_565, %ne3A_566 : i32
        %lt3A_568 = arith.constant 0 : i32
        %lt3A_569 = arith.cmpi slt, %rem3A_565, %lt3A_568 : i32
        %lt3A_570 = arith.constant 0 : i32
        %lt3A_571 = arith.cmpi slt, %select_n3A_564, %lt3A_570 : i32
        %ne3A_572 = arith.xori %lt3A_569, %lt3A_571 : i1
        %and3A_573 = arith.andi %ne3A_572, %ne3A_567 : i1
        %add3A_574 = arith.addi %rem3A_565, %select_n3A_564 : i32
        %select_n3A_575 = arith.select %and3A_573, %add3A_574, %rem3A_565 : i32
        %jit3A_576 = arith.constant 8 : i32
        %div3A_577 = arith.divsi %select_n3A_575, %jit3A_576 : i32
        %sign3A_578 = arith.constant 0 : i32
        %sign3A_579 = arith.cmpi sgt, %select_n3A_575, %sign3A_578 : i32
        %sign3A_580 = arith.extui %sign3A_579 : i1 to i32
        %sign3A_581 = arith.constant 0 : i32
        %sign3A_582 = arith.cmpi slt, %select_n3A_575, %sign3A_581 : i32
        %sign3A_583 = arith.extui %sign3A_582 : i1 to i32
        %sign3A_584 = arith.subi %sign3A_580, %sign3A_583 : i32
        %sign3A_585 = arith.constant 0 : i32
        %sign3A_586 = arith.cmpi sgt, %jit3A_576, %sign3A_585 : i32
        %sign3A_587 = arith.extui %sign3A_586 : i1 to i32
        %sign3A_588 = arith.constant 0 : i32
        %sign3A_589 = arith.cmpi slt, %jit3A_576, %sign3A_588 : i32
        %sign3A_590 = arith.extui %sign3A_589 : i1 to i32
        %sign3A_591 = arith.subi %sign3A_587, %sign3A_590 : i32
        %ne3A_592 = arith.cmpi ne, %sign3A_584, %sign3A_591 : i32
        %rem3A_593 = arith.remsi %select_n3A_575, %jit3A_576 : i32
        %ne3A_594 = arith.constant 0 : i32
        %ne3A_595 = arith.cmpi ne, %rem3A_593, %ne3A_594 : i32
        %and3A_596 = arith.andi %ne3A_592, %ne3A_595 : i1
        %sub3A_597 = arith.constant 1 : i32
        %sub3A_598 = arith.subi %div3A_577, %sub3A_597 : i32
        %select_n3A_599 = arith.select %and3A_596, %sub3A_598, %div3A_577 : i32
        %ne3A_600 = arith.cmpi ne, %add3A_476, %add3A_559 : i32
        %ne3A_601 = arith.cmpi ne, %select_n3A_516, %select_n3A_599 : i32
        %or3A_602 = arith.constant false
        %or3A_603 = arith.ori %or3A_602, %ne3A_600 : i1
        %or3A_604 = arith.ori %or3A_603, %ne3A_601 : i1
        %or3A_605 = arith.ori %or3A_604, %eq3A_205 : i1
        %convert_element_type3A_606 = arith.extui %or3A_605 : i1 to i32
        %cond3A_607 = arith.constant 0 : i32
        %cond3A_608 = arith.cmpi ne, %convert_element_type3A_606, %cond3A_607 : i32
        scf.if %cond3A_608 {
        } else {
        }
        %rem3A_609 = arith.constant 2 : i32
        %rem3A_610 = arith.remui %scan3A_200, %rem3A_609 : i32
        %rem3A_611 = arith.constant 2 : i32
        %rem3A_612 = arith.remui %scan3A_201, %rem3A_611 : i32
        %dma_start3A_613 = arith.constant 0 : i32
        %dma_start3A_614 = arith.constant 0 : i32
        %dma_start3A_615 = arith.constant 0 : i32
        %dma_start3A_616 = tpu.memref_slice %arg9[%dma_start3A_614, %dma_start3A_615] : memref<400x64xf32, #tpu.memory_space<vmem>> -> memref<100x64xf32, #tpu.memory_space<vmem>>
        %dma_start3A_617 = arith.constant 0 : i32
        %dma_start3A_618 = arith.constant 0 : i32
        %dma_start3A_619 = tpu.memref_slice %run_scoped3A[%rem3A_610, %dma_start3A_617, %dma_start3A_618] : memref<2x4x100xi32, #tpu.memory_space<vmem>> -> memref<1x4x100xi32, #tpu.memory_space<vmem>>
        %dma_start3A_620 = tpu.memref_squeeze %dma_start3A_619 : memref<1x4x100xi32, #tpu.memory_space<vmem>> -> memref<4x100xi32, #tpu.memory_space<vmem>>
        %dma_start3A_621 = arith.constant 0 : i32
        %dma_start3A_622 = tpu.memref_slice %dma_start3A_620[%dma_start3A_613, %dma_start3A_621] : memref<4x100xi32, #tpu.memory_space<vmem>> -> memref<1x100xi32, #tpu.memory_space<vmem>>
        %dma_start3A_623 = tpu.memref_squeeze %dma_start3A_622 : memref<1x100xi32, #tpu.memory_space<vmem>> -> memref<100xi32, #tpu.memory_space<vmem>>
        %dma_start3A_624 = arith.constant 0 : i32
        %dma_start3A_625 = arith.constant 0 : i32
        %dma_start3A_626 = tpu.memref_slice %arg3[%dma_start3A_624, %dma_start3A_625] : memref<100000x64xf32, #tpu.memory_space<hbm>> -> memref<100000x64xf32, #tpu.memory_space<hbm>>
        tpu.enqueue_indirect_dma source(%dma_start3A_626 : memref<100000x64xf32, #tpu.memory_space<hbm>>) target(%dma_start3A_616 : memref<100x64xf32, #tpu.memory_space<vmem>>) offsets(%dma_start3A_623 : memref<100xi32, #tpu.memory_space<vmem>>) semaphore(%arg11 : memref<!tpu.dma_semaphore, #tpu.memory_space<semaphore_mem>>)
        %dma_start3A_627 = arith.constant 1 : i32
        %dma_start3A_628 = arith.constant 100 : i32
        %dma_start3A_629 = arith.constant 0 : i32
        %dma_start3A_630 = tpu.memref_slice %arg9[%dma_start3A_628, %dma_start3A_629] : memref<400x64xf32, #tpu.memory_space<vmem>> -> memref<100x64xf32, #tpu.memory_space<vmem>>
        %dma_start3A_631 = arith.constant 0 : i32
        %dma_start3A_632 = arith.constant 0 : i32
        %dma_start3A_633 = tpu.memref_slice %run_scoped3A[%rem3A_610, %dma_start3A_631, %dma_start3A_632] : memref<2x4x100xi32, #tpu.memory_space<vmem>> -> memref<1x4x100xi32, #tpu.memory_space<vmem>>
        %dma_start3A_634 = tpu.memref_squeeze %dma_start3A_633 : memref<1x4x100xi32, #tpu.memory_space<vmem>> -> memref<4x100xi32, #tpu.memory_space<vmem>>
        %dma_start3A_635 = arith.constant 0 : i32
        %dma_start3A_636 = tpu.memref_slice %dma_start3A_634[%dma_start3A_627, %dma_start3A_635] : memref<4x100xi32, #tpu.memory_space<vmem>> -> memref<1x100xi32, #tpu.memory_space<vmem>>
        %dma_start3A_637 = tpu.memref_squeeze %dma_start3A_636 : memref<1x100xi32, #tpu.memory_space<vmem>> -> memref<100xi32, #tpu.memory_space<vmem>>
        %dma_start3A_638 = arith.constant 0 : i32
        %dma_start3A_639 = arith.constant 0 : i32
        %dma_start3A_640 = tpu.memref_slice %arg3[%dma_start3A_638, %dma_start3A_639] : memref<100000x64xf32, #tpu.memory_space<hbm>> -> memref<100000x64xf32, #tpu.memory_space<hbm>>
        tpu.enqueue_indirect_dma source(%dma_start3A_640 : memref<100000x64xf32, #tpu.memory_space<hbm>>) target(%dma_start3A_630 : memref<100x64xf32, #tpu.memory_space<vmem>>) offsets(%dma_start3A_637 : memref<100xi32, #tpu.memory_space<vmem>>) semaphore(%arg12 : memref<!tpu.dma_semaphore, #tpu.memory_space<semaphore_mem>>)
        %dma_start3A_641 = arith.constant 2 : i32
        %dma_start3A_642 = arith.constant 200 : i32
        %dma_start3A_643 = arith.constant 0 : i32
        %dma_start3A_644 = tpu.memref_slice %arg9[%dma_start3A_642, %dma_start3A_643] : memref<400x64xf32, #tpu.memory_space<vmem>> -> memref<100x64xf32, #tpu.memory_space<vmem>>
        %dma_start3A_645 = arith.constant 0 : i32
        %dma_start3A_646 = arith.constant 0 : i32
        %dma_start3A_647 = tpu.memref_slice %run_scoped3A[%rem3A_610, %dma_start3A_645, %dma_start3A_646] : memref<2x4x100xi32, #tpu.memory_space<vmem>> -> memref<1x4x100xi32, #tpu.memory_space<vmem>>
        %dma_start3A_648 = tpu.memref_squeeze %dma_start3A_647 : memref<1x4x100xi32, #tpu.memory_space<vmem>> -> memref<4x100xi32, #tpu.memory_space<vmem>>
        %dma_start3A_649 = arith.constant 0 : i32
        %dma_start3A_650 = tpu.memref_slice %dma_start3A_648[%dma_start3A_641, %dma_start3A_649] : memref<4x100xi32, #tpu.memory_space<vmem>> -> memref<1x100xi32, #tpu.memory_space<vmem>>
        %dma_start3A_651 = tpu.memref_squeeze %dma_start3A_650 : memref<1x100xi32, #tpu.memory_space<vmem>> -> memref<100xi32, #tpu.memory_space<vmem>>
        %dma_start3A_652 = arith.constant 0 : i32
        %dma_start3A_653 = arith.constant 0 : i32
        %dma_start3A_654 = tpu.memref_slice %arg3[%dma_start3A_652, %dma_start3A_653] : memref<100000x64xf32, #tpu.memory_space<hbm>> -> memref<100000x64xf32, #tpu.memory_space<hbm>>
        tpu.enqueue_indirect_dma source(%dma_start3A_654 : memref<100000x64xf32, #tpu.memory_space<hbm>>) target(%dma_start3A_644 : memref<100x64xf32, #tpu.memory_space<vmem>>) offsets(%dma_start3A_651 : memref<100xi32, #tpu.memory_space<vmem>>) semaphore(%arg13 : memref<!tpu.dma_semaphore, #tpu.memory_space<semaphore_mem>>)
        %dma_start3A_655 = arith.constant 3 : i32
        %dma_start3A_656 = arith.constant 300 : i32
        %dma_start3A_657 = arith.constant 0 : i32
        %dma_start3A_658 = tpu.memref_slice %arg9[%dma_start3A_656, %dma_start3A_657] : memref<400x64xf32, #tpu.memory_space<vmem>> -> memref<100x64xf32, #tpu.memory_space<vmem>>
        %dma_start3A_659 = arith.constant 0 : i32
        %dma_start3A_660 = arith.constant 0 : i32
        %dma_start3A_661 = tpu.memref_slice %run_scoped3A[%rem3A_610, %dma_start3A_659, %dma_start3A_660] : memref<2x4x100xi32, #tpu.memory_space<vmem>> -> memref<1x4x100xi32, #tpu.memory_space<vmem>>
        %dma_start3A_662 = tpu.memref_squeeze %dma_start3A_661 : memref<1x4x100xi32, #tpu.memory_space<vmem>> -> memref<4x100xi32, #tpu.memory_space<vmem>>
        %dma_start3A_663 = arith.constant 0 : i32
        %dma_start3A_664 = tpu.memref_slice %dma_start3A_662[%dma_start3A_655, %dma_start3A_663] : memref<4x100xi32, #tpu.memory_space<vmem>> -> memref<1x100xi32, #tpu.memory_space<vmem>>
        %dma_start3A_665 = tpu.memref_squeeze %dma_start3A_664 : memref<1x100xi32, #tpu.memory_space<vmem>> -> memref<100xi32, #tpu.memory_space<vmem>>
        %dma_start3A_666 = arith.constant 0 : i32
        %dma_start3A_667 = arith.constant 0 : i32
        %dma_start3A_668 = tpu.memref_slice %arg3[%dma_start3A_666, %dma_start3A_667] : memref<100000x64xf32, #tpu.memory_space<hbm>> -> memref<100000x64xf32, #tpu.memory_space<hbm>>
        tpu.enqueue_indirect_dma source(%dma_start3A_668 : memref<100000x64xf32, #tpu.memory_space<hbm>>) target(%dma_start3A_658 : memref<100x64xf32, #tpu.memory_space<vmem>>) offsets(%dma_start3A_665 : memref<100xi32, #tpu.memory_space<vmem>>) semaphore(%arg14 : memref<!tpu.dma_semaphore, #tpu.memory_space<semaphore_mem>>)
        %get3A = arith.constant 0 : i32
        %get3A_669 = arith.index_cast %get3A : i32 to index
        %get3A_670 = arith.constant 0 : index
        %get3A_671 = tpu.vector_load %arg8[%get3A_669, %get3A_670] {strides = array<i32>} : memref<2x64xf32, #tpu.memory_space<vmem>>, vector<16xf32>,
        %get3A_672 = arith.constant 0 : i32
        %get3A_673 = arith.index_cast %get3A_672 : i32 to index
        %get3A_674 = arith.constant 16 : index
        %get3A_675 = tpu.vector_load %arg8[%get3A_673, %get3A_674] {strides = array<i32>} : memref<2x64xf32, #tpu.memory_space<vmem>>, vector<16xf32>,
        %get3A_676 = arith.constant 0 : i32
        %get3A_677 = arith.index_cast %get3A_676 : i32 to index
        %get3A_678 = arith.constant 32 : index
        %get3A_679 = tpu.vector_load %arg8[%get3A_677, %get3A_678] {strides = array<i32>} : memref<2x64xf32, #tpu.memory_space<vmem>>, vector<16xf32>,
        %get3A_680 = arith.constant 0 : i32
        %get3A_681 = arith.index_cast %get3A_680 : i32 to index
        %get3A_682 = arith.constant 48 : index
        %get3A_683 = tpu.vector_load %arg8[%get3A_681, %get3A_682] {strides = array<i32>} : memref<2x64xf32, #tpu.memory_space<vmem>>, vector<16xf32>,
        %get3A_684 = arith.constant 1 : i32
        %get3A_685 = arith.index_cast %get3A_684 : i32 to index
        %get3A_686 = arith.constant 0 : index
        %get3A_687 = tpu.vector_load %arg8[%get3A_685, %get3A_686] {strides = array<i32>} : memref<2x64xf32, #tpu.memory_space<vmem>>, vector<16xf32>,
        %get3A_688 = arith.constant 1 : i32
        %get3A_689 = arith.index_cast %get3A_688 : i32 to index
        %get3A_690 = arith.constant 16 : index
        %get3A_691 = tpu.vector_load %arg8[%get3A_689, %get3A_690] {strides = array<i32>} : memref<2x64xf32, #tpu.memory_space<vmem>>, vector<16xf32>,
        %get3A_692 = arith.constant 1 : i32
        %get3A_693 = arith.index_cast %get3A_692 : i32 to index
        %get3A_694 = arith.constant 32 : index
        %get3A_695 = tpu.vector_load %arg8[%get3A_693, %get3A_694] {strides = array<i32>} : memref<2x64xf32, #tpu.memory_space<vmem>>, vector<16xf32>,
        %get3A_696 = arith.constant 1 : i32
        %get3A_697 = arith.index_cast %get3A_696 : i32 to index
        %get3A_698 = arith.constant 48 : index
        %get3A_699 = tpu.vector_load %arg8[%get3A_697, %get3A_698] {strides = array<i32>} : memref<2x64xf32, #tpu.memory_space<vmem>>, vector<16xf32>,
        %dma_wait3A_700 = arith.constant 0 : i32
        %dma_wait3A_701 = arith.constant 0 : i32
        %dma_wait3A_702 = arith.constant 0 : i32
        %dma_wait3A_703 = tpu.memref_slice %arg9[%dma_wait3A_701, %dma_wait3A_702] : memref<400x64xf32, #tpu.memory_space<vmem>> -> memref<100x64xf32, #tpu.memory_space<vmem>>
        %dma_wait3A_704 = arith.constant 0 : i32
        %dma_wait3A_705 = arith.constant 0 : i32
        %dma_wait3A_706 = tpu.memref_slice %run_scoped3A[%rem3A_610, %dma_wait3A_704, %dma_wait3A_705] : memref<2x4x100xi32, #tpu.memory_space<vmem>> -> memref<1x4x100xi32, #tpu.memory_space<vmem>>
        %dma_wait3A_707 = tpu.memref_squeeze %dma_wait3A_706 : memref<1x4x100xi32, #tpu.memory_space<vmem>> -> memref<4x100xi32, #tpu.memory_space<vmem>>
        %dma_wait3A_708 = arith.constant 0 : i32
        %dma_wait3A_709 = tpu.memref_slice %dma_wait3A_707[%dma_wait3A_700, %dma_wait3A_708] : memref<4x100xi32, #tpu.memory_space<vmem>> -> memref<1x100xi32, #tpu.memory_space<vmem>>
        %dma_wait3A_710 = tpu.memref_squeeze %dma_wait3A_709 : memref<1x100xi32, #tpu.memory_space<vmem>> -> memref<100xi32, #tpu.memory_space<vmem>>
        %dma_wait3A_711 = arith.constant 0 : i32
        %dma_wait3A_712 = arith.constant 0 : i32
        %dma_wait3A_713 = tpu.memref_slice %arg3[%dma_wait3A_711, %dma_wait3A_712] : memref<100000x64xf32, #tpu.memory_space<hbm>> -> memref<100000x64xf32, #tpu.memory_space<hbm>>
        tpu.wait_indirect_dma semaphore(%arg11 : memref<!tpu.dma_semaphore, #tpu.memory_space<semaphore_mem>>) src(%dma_wait3A_713 : memref<100000x64xf32, #tpu.memory_space<hbm>>) dst(%dma_wait3A_703 : memref<100x64xf32, #tpu.memory_space<vmem>>)
        %parallel_loop3A = arith.constant 0 : i32
        %parallel_loop3A_714 = arith.constant 100 : i32
        %parallel_loop3A_715 = arith.constant 1 : i32
        scf.for %parallel_loop3A_1170 = %parallel_loop3A to %parallel_loop3A_714 step %parallel_loop3A_715  : i32 {
          %parallel_loop3A_1171 = arith.constant 0 : i32
          %parallel_loop3A_1172 = arith.addi %parallel_loop3A_1171, %parallel_loop3A_1170 : i32
          %parallel_loop3A_1173 = arith.index_cast %parallel_loop3A_1172 : i32 to index
          %parallel_loop3A_1174 = arith.constant 0 : index
          %parallel_loop3A_1175 = tpu.vector_load %arg9[%parallel_loop3A_1173, %parallel_loop3A_1174] {strides = array<i32>} : memref<400x64xf32, #tpu.memory_space<vmem>>, vector<16xf32>,
          %parallel_loop3A_1176 = arith.constant 0 : i32
          %parallel_loop3A_1177 = arith.addi %parallel_loop3A_1176, %parallel_loop3A_1170 : i32
          %parallel_loop3A_1178 = arith.index_cast %parallel_loop3A_1177 : i32 to index
          %parallel_loop3A_1179 = arith.constant 0 : index
          %parallel_loop3A_1180 = tpu.vector_load %arg7[%parallel_loop3A_1178, %parallel_loop3A_1179] {strides = array<i32>} : memref<200x64xf32, #tpu.memory_space<vmem>>, vector<16xf32>,
          %parallel_loop3A_1181 = arith.addf %parallel_loop3A_1175, %parallel_loop3A_1180 : vector<16xf32>
          %parallel_loop3A_1182 = arith.index_cast %parallel_loop3A_1172 : i32 to index
          %parallel_loop3A_1183 = arith.constant 16 : index
          %parallel_loop3A_1184 = tpu.vector_load %arg9[%parallel_loop3A_1182, %parallel_loop3A_1183] {strides = array<i32>} : memref<400x64xf32, #tpu.memory_space<vmem>>, vector<16xf32>,
          %parallel_loop3A_1185 = arith.constant 0 : i32
          %parallel_loop3A_1186 = arith.addi %parallel_loop3A_1185, %parallel_loop3A_1170 : i32
          %parallel_loop3A_1187 = arith.index_cast %parallel_loop3A_1186 : i32 to index
          %parallel_loop3A_1188 = arith.constant 16 : index
          %parallel_loop3A_1189 = tpu.vector_load %arg7[%parallel_loop3A_1187, %parallel_loop3A_1188] {strides = array<i32>} : memref<200x64xf32, #tpu.memory_space<vmem>>, vector<16xf32>,
          %parallel_loop3A_1190 = arith.addf %parallel_loop3A_1184, %parallel_loop3A_1189 : vector<16xf32>
          %parallel_loop3A_1191 = arith.index_cast %parallel_loop3A_1172 : i32 to index
          %parallel_loop3A_1192 = arith.constant 32 : index
          %parallel_loop3A_1193 = tpu.vector_load %arg9[%parallel_loop3A_1191, %parallel_loop3A_1192] {strides = array<i32>} : memref<400x64xf32, #tpu.memory_space<vmem>>, vector<16xf32>,
          %parallel_loop3A_1194 = arith.constant 0 : i32
          %parallel_loop3A_1195 = arith.addi %parallel_loop3A_1194, %parallel_loop3A_1170 : i32
          %parallel_loop3A_1196 = arith.index_cast %parallel_loop3A_1195 : i32 to index
          %parallel_loop3A_1197 = arith.constant 32 : index
          %parallel_loop3A_1198 = tpu.vector_load %arg7[%parallel_loop3A_1196, %parallel_loop3A_1197] {strides = array<i32>} : memref<200x64xf32, #tpu.memory_space<vmem>>, vector<16xf32>,
          %parallel_loop3A_1199 = arith.addf %parallel_loop3A_1193, %parallel_loop3A_1198 : vector<16xf32>
          %parallel_loop3A_1200 = arith.index_cast %parallel_loop3A_1172 : i32 to index
          %parallel_loop3A_1201 = arith.constant 48 : index
          %parallel_loop3A_1202 = tpu.vector_load %arg9[%parallel_loop3A_1200, %parallel_loop3A_1201] {strides = array<i32>} : memref<400x64xf32, #tpu.memory_space<vmem>>, vector<16xf32>,
          %parallel_loop3A_1203 = arith.constant 0 : i32
          %parallel_loop3A_1204 = arith.addi %parallel_loop3A_1203, %parallel_loop3A_1170 : i32
          %parallel_loop3A_1205 = arith.index_cast %parallel_loop3A_1204 : i32 to index
          %parallel_loop3A_1206 = arith.constant 48 : index
          %parallel_loop3A_1207 = tpu.vector_load %arg7[%parallel_loop3A_1205, %parallel_loop3A_1206] {strides = array<i32>} : memref<200x64xf32, #tpu.memory_space<vmem>>, vector<16xf32>,
          %parallel_loop3A_1208 = arith.addf %parallel_loop3A_1202, %parallel_loop3A_1207 : vector<16xf32>
          %parallel_loop3A_1209 = arith.addf %parallel_loop3A_1181, %parallel_loop3A_1190 : vector<16xf32>
          %parallel_loop3A_1210 = arith.addf %parallel_loop3A_1199, %parallel_loop3A_1208 : vector<16xf32>
          %parallel_loop3A_1211 = arith.addf %parallel_loop3A_1209, %parallel_loop3A_1210 : vector<16xf32>
          %parallel_loop3A_1212 = arith.constant true
          %parallel_loop3A_1213 = vector.broadcast %parallel_loop3A_1212 : i1 to vector<16xi1>
          %parallel_loop3A_1214 = tpu.scan <sum>, %parallel_loop3A_1211 masked %parallel_loop3A_1213 : vector<16xf32>, vector<16xi1> -> vector<16xf32>
          %parallel_loop3A_1215 = vector.extract %parallel_loop3A_1214[15] : f32 from vector<16xf32>
          %parallel_loop3A_1216 = arith.constant 1.562500e-02 : f32
          %parallel_loop3A_1217 = arith.mulf %parallel_loop3A_1215, %parallel_loop3A_1216 : f32
          %parallel_loop3A_1218 = arith.mulf %parallel_loop3A_1181, %parallel_loop3A_1181 : vector<16xf32>
          %parallel_loop3A_1219 = arith.mulf %parallel_loop3A_1190, %parallel_loop3A_1190 : vector<16xf32>
          %parallel_loop3A_1220 = arith.addf %parallel_loop3A_1218, %parallel_loop3A_1219 : vector<16xf32>
          %parallel_loop3A_1221 = arith.mulf %parallel_loop3A_1199, %parallel_loop3A_1199 : vector<16xf32>
          %parallel_loop3A_1222 = arith.mulf %parallel_loop3A_1208, %parallel_loop3A_1208 : vector<16xf32>
          %parallel_loop3A_1223 = arith.addf %parallel_loop3A_1221, %parallel_loop3A_1222 : vector<16xf32>
          %parallel_loop3A_1224 = arith.addf %parallel_loop3A_1220, %parallel_loop3A_1223 : vector<16xf32>
          %parallel_loop3A_1225 = arith.constant true
          %parallel_loop3A_1226 = vector.broadcast %parallel_loop3A_1225 : i1 to vector<16xi1>
          %parallel_loop3A_1227 = tpu.scan <sum>, %parallel_loop3A_1224 masked %parallel_loop3A_1226 : vector<16xf32>, vector<16xi1> -> vector<16xf32>
          %parallel_loop3A_1228 = vector.extract %parallel_loop3A_1227[15] : f32 from vector<16xf32>
          %parallel_loop3A_1229 = arith.constant 1.562500e-02 : f32
          %parallel_loop3A_1230 = arith.mulf %parallel_loop3A_1228, %parallel_loop3A_1229 : f32
          %parallel_loop3A_1231 = arith.mulf %parallel_loop3A_1217, %parallel_loop3A_1217 : f32
          %parallel_loop3A_1232 = arith.subf %parallel_loop3A_1230, %parallel_loop3A_1231 : f32
          %parallel_loop3A_1233 = arith.constant 9.99999974E-6 : f32
          %parallel_loop3A_1234 = arith.addf %parallel_loop3A_1232, %parallel_loop3A_1233 : f32
          %parallel_loop3A_1235 = arith.bitcast %parallel_loop3A_1234 : f32 to i32
          %parallel_loop3A_1236 = arith.constant 1 : i32
          %parallel_loop3A_1237 = arith.shrsi %parallel_loop3A_1235, %parallel_loop3A_1236 : i32
          %parallel_loop3A_1238 = arith.constant 1597463007 : i32
          %parallel_loop3A_1239 = arith.subi %parallel_loop3A_1238, %parallel_loop3A_1237 : i32
          %parallel_loop3A_1240 = arith.bitcast %parallel_loop3A_1239 : i32 to f32
          %parallel_loop3A_1241 = arith.constant 5.000000e-01 : f32
          %parallel_loop3A_1242 = arith.mulf %parallel_loop3A_1241, %parallel_loop3A_1234 : f32
          %parallel_loop3A_1243 = arith.mulf %parallel_loop3A_1242, %parallel_loop3A_1240 : f32
          %parallel_loop3A_1244 = arith.mulf %parallel_loop3A_1243, %parallel_loop3A_1240 : f32
          %parallel_loop3A_1245 = arith.constant 1.500000e+00 : f32
          %parallel_loop3A_1246 = arith.subf %parallel_loop3A_1245, %parallel_loop3A_1244 : f32
          %parallel_loop3A_1247 = arith.mulf %parallel_loop3A_1240, %parallel_loop3A_1246 : f32
          %parallel_loop3A_1248 = arith.mulf %parallel_loop3A_1242, %parallel_loop3A_1247 : f32
          %parallel_loop3A_1249 = arith.mulf %parallel_loop3A_1248, %parallel_loop3A_1247 : f32
          %parallel_loop3A_1250 = arith.constant 1.500000e+00 : f32
          %parallel_loop3A_1251 = arith.subf %parallel_loop3A_1250, %parallel_loop3A_1249 : f32
          %parallel_loop3A_1252 = arith.mulf %parallel_loop3A_1247, %parallel_loop3A_1251 : f32
          %parallel_loop3A_1253 = vector.broadcast %parallel_loop3A_1217 : f32 to vector<16xf32>
          %parallel_loop3A_1254 = arith.subf %parallel_loop3A_1181, %parallel_loop3A_1253 : vector<16xf32>
          %parallel_loop3A_1255 = vector.broadcast %parallel_loop3A_1252 : f32 to vector<16xf32>
          %parallel_loop3A_1256 = arith.mulf %get3A_671, %parallel_loop3A_1255 : vector<16xf32>
          %parallel_loop3A_1257 = arith.mulf %parallel_loop3A_1254, %parallel_loop3A_1256 : vector<16xf32>
          %parallel_loop3A_1258 = arith.addf %parallel_loop3A_1257, %get3A_687 : vector<16xf32>
          %parallel_loop3A_1259 = arith.constant 0 : i32
          %parallel_loop3A_1260 = arith.constant 0 : i32
          %parallel_loop3A_1261 = tpu.memref_slice %run_scoped3A_8[%rem3A_612, %parallel_loop3A_1259, %parallel_loop3A_1260] : memref<2x400x64xf32, #tpu.memory_space<vmem>> -> memref<1x400x64xf32, #tpu.memory_space<vmem>>
          %parallel_loop3A_1262 = tpu.memref_squeeze %parallel_loop3A_1261 : memref<1x400x64xf32, #tpu.memory_space<vmem>> -> memref<400x64xf32, #tpu.memory_space<vmem>>
          %parallel_loop3A_1263 = arith.index_cast %parallel_loop3A_1172 : i32 to index
          %parallel_loop3A_1264 = arith.constant 0 : index
          %parallel_loop3A_1265 = tpu.vector_load %parallel_loop3A_1262[%parallel_loop3A_1263, %parallel_loop3A_1264] {strides = array<i32>} : memref<400x64xf32, #tpu.memory_space<vmem>>, vector<16xf32>,
          tpu.vector_store %parallel_loop3A_1262[%parallel_loop3A_1263, %parallel_loop3A_1264], %parallel_loop3A_1258 {strides = array<i32>} : memref<400x64xf32, #tpu.memory_space<vmem>>, vector<16xf32>,
          %parallel_loop3A_1266 = vector.broadcast %parallel_loop3A_1217 : f32 to vector<16xf32>
          %parallel_loop3A_1267 = arith.subf %parallel_loop3A_1190, %parallel_loop3A_1266 : vector<16xf32>
          %parallel_loop3A_1268 = vector.broadcast %parallel_loop3A_1252 : f32 to vector<16xf32>
          %parallel_loop3A_1269 = arith.mulf %get3A_675, %parallel_loop3A_1268 : vector<16xf32>
          %parallel_loop3A_1270 = arith.mulf %parallel_loop3A_1267, %parallel_loop3A_1269 : vector<16xf32>
          %parallel_loop3A_1271 = arith.addf %parallel_loop3A_1270, %get3A_691 : vector<16xf32>
          %parallel_loop3A_1272 = arith.constant 0 : i32
          %parallel_loop3A_1273 = arith.constant 0 : i32
          %parallel_loop3A_1274 = tpu.memref_slice %run_scoped3A_8[%rem3A_612, %parallel_loop3A_1272, %parallel_loop3A_1273] : memref<2x400x64xf32, #tpu.memory_space<vmem>> -> memref<1x400x64xf32, #tpu.memory_space<vmem>>
          %parallel_loop3A_1275 = tpu.memref_squeeze %parallel_loop3A_1274 : memref<1x400x64xf32, #tpu.memory_space<vmem>> -> memref<400x64xf32, #tpu.memory_space<vmem>>
          %parallel_loop3A_1276 = arith.index_cast %parallel_loop3A_1172 : i32 to index
          %parallel_loop3A_1277 = arith.constant 16 : index
          %parallel_loop3A_1278 = tpu.vector_load %parallel_loop3A_1275[%parallel_loop3A_1276, %parallel_loop3A_1277] {strides = array<i32>} : memref<400x64xf32, #tpu.memory_space<vmem>>, vector<16xf32>,
          tpu.vector_store %parallel_loop3A_1275[%parallel_loop3A_1276, %parallel_loop3A_1277], %parallel_loop3A_1271 {strides = array<i32>} : memref<400x64xf32, #tpu.memory_space<vmem>>, vector<16xf32>,
          %parallel_loop3A_1279 = vector.broadcast %parallel_loop3A_1217 : f32 to vector<16xf32>
          %parallel_loop3A_1280 = arith.subf %parallel_loop3A_1199, %parallel_loop3A_1279 : vector<16xf32>
          %parallel_loop3A_1281 = vector.broadcast %parallel_loop3A_1252 : f32 to vector<16xf32>
          %parallel_loop3A_1282 = arith.mulf %get3A_679, %parallel_loop3A_1281 : vector<16xf32>
          %parallel_loop3A_1283 = arith.mulf %parallel_loop3A_1280, %parallel_loop3A_1282 : vector<16xf32>
          %parallel_loop3A_1284 = arith.addf %parallel_loop3A_1283, %get3A_695 : vector<16xf32>
          %parallel_loop3A_1285 = arith.constant 0 : i32
          %parallel_loop3A_1286 = arith.constant 0 : i32
          %parallel_loop3A_1287 = tpu.memref_slice %run_scoped3A_8[%rem3A_612, %parallel_loop3A_1285, %parallel_loop3A_1286] : memref<2x400x64xf32, #tpu.memory_space<vmem>> -> memref<1x400x64xf32, #tpu.memory_space<vmem>>
          %parallel_loop3A_1288 = tpu.memref_squeeze %parallel_loop3A_1287 : memref<1x400x64xf32, #tpu.memory_space<vmem>> -> memref<400x64xf32, #tpu.memory_space<vmem>>
          %parallel_loop3A_1289 = arith.index_cast %parallel_loop3A_1172 : i32 to index
          %parallel_loop3A_1290 = arith.constant 32 : index
          %parallel_loop3A_1291 = tpu.vector_load %parallel_loop3A_1288[%parallel_loop3A_1289, %parallel_loop3A_1290] {strides = array<i32>} : memref<400x64xf32, #tpu.memory_space<vmem>>, vector<16xf32>,
          tpu.vector_store %parallel_loop3A_1288[%parallel_loop3A_1289, %parallel_loop3A_1290], %parallel_loop3A_1284 {strides = array<i32>} : memref<400x64xf32, #tpu.memory_space<vmem>>, vector<16xf32>,
          %parallel_loop3A_1292 = vector.broadcast %parallel_loop3A_1217 : f32 to vector<16xf32>
          %parallel_loop3A_1293 = arith.subf %parallel_loop3A_1208, %parallel_loop3A_1292 : vector<16xf32>
          %parallel_loop3A_1294 = vector.broadcast %parallel_loop3A_1252 : f32 to vector<16xf32>
          %parallel_loop3A_1295 = arith.mulf %get3A_683, %parallel_loop3A_1294 : vector<16xf32>
          %parallel_loop3A_1296 = arith.mulf %parallel_loop3A_1293, %parallel_loop3A_1295 : vector<16xf32>
          %parallel_loop3A_1297 = arith.addf %parallel_loop3A_1296, %get3A_699 : vector<16xf32>
          %parallel_loop3A_1298 = arith.constant 0 : i32
          %parallel_loop3A_1299 = arith.constant 0 : i32
          %parallel_loop3A_1300 = tpu.memref_slice %run_scoped3A_8[%rem3A_612, %parallel_loop3A_1298, %parallel_loop3A_1299] : memref<2x400x64xf32, #tpu.memory_space<vmem>> -> memref<1x400x64xf32, #tpu.memory_space<vmem>>
          %parallel_loop3A_1301 = tpu.memref_squeeze %parallel_loop3A_1300 : memref<1x400x64xf32, #tpu.memory_space<vmem>> -> memref<400x64xf32, #tpu.memory_space<vmem>>
          %parallel_loop3A_1302 = arith.index_cast %parallel_loop3A_1172 : i32 to index
          %parallel_loop3A_1303 = arith.constant 48 : index
          %parallel_loop3A_1304 = tpu.vector_load %parallel_loop3A_1301[%parallel_loop3A_1302, %parallel_loop3A_1303] {strides = array<i32>} : memref<400x64xf32, #tpu.memory_space<vmem>>, vector<16xf32>,
          tpu.vector_store %parallel_loop3A_1301[%parallel_loop3A_1302, %parallel_loop3A_1303], %parallel_loop3A_1297 {strides = array<i32>} : memref<400x64xf32, #tpu.memory_space<vmem>>, vector<16xf32>,
        } {sc.loop_unroll_factor = 5 : i64, sc.parallel_access}
        %dma_wait3A_716 = arith.constant 1 : i32
        %dma_wait3A_717 = arith.constant 100 : i32
        %dma_wait3A_718 = arith.constant 0 : i32
        %dma_wait3A_719 = tpu.memref_slice %arg9[%dma_wait3A_717, %dma_wait3A_718] : memref<400x64xf32, #tpu.memory_space<vmem>> -> memref<100x64xf32, #tpu.memory_space<vmem>>
        %dma_wait3A_720 = arith.constant 0 : i32
        %dma_wait3A_721 = arith.constant 0 : i32
        %dma_wait3A_722 = tpu.memref_slice %run_scoped3A[%rem3A_610, %dma_wait3A_720, %dma_wait3A_721] : memref<2x4x100xi32, #tpu.memory_space<vmem>> -> memref<1x4x100xi32, #tpu.memory_space<vmem>>
        %dma_wait3A_723 = tpu.memref_squeeze %dma_wait3A_722 : memref<1x4x100xi32, #tpu.memory_space<vmem>> -> memref<4x100xi32, #tpu.memory_space<vmem>>
        %dma_wait3A_724 = arith.constant 0 : i32
        %dma_wait3A_725 = tpu.memref_slice %dma_wait3A_723[%dma_wait3A_716, %dma_wait3A_724] : memref<4x100xi32, #tpu.memory_space<vmem>> -> memref<1x100xi32, #tpu.memory_space<vmem>>
        %dma_wait3A_726 = tpu.memref_squeeze %dma_wait3A_725 : memref<1x100xi32, #tpu.memory_space<vmem>> -> memref<100xi32, #tpu.memory_space<vmem>>
        %dma_wait3A_727 = arith.constant 0 : i32
        %dma_wait3A_728 = arith.constant 0 : i32
        %dma_wait3A_729 = tpu.memref_slice %arg3[%dma_wait3A_727, %dma_wait3A_728] : memref<100000x64xf32, #tpu.memory_space<hbm>> -> memref<100000x64xf32, #tpu.memory_space<hbm>>
        tpu.wait_indirect_dma semaphore(%arg12 : memref<!tpu.dma_semaphore, #tpu.memory_space<semaphore_mem>>) src(%dma_wait3A_729 : memref<100000x64xf32, #tpu.memory_space<hbm>>) dst(%dma_wait3A_719 : memref<100x64xf32, #tpu.memory_space<vmem>>)
        %parallel_loop3A_730 = arith.constant 0 : i32
        %parallel_loop3A_731 = arith.constant 100 : i32
        %parallel_loop3A_732 = arith.constant 1 : i32
        scf.for %parallel_loop3A_1170 = %parallel_loop3A_730 to %parallel_loop3A_731 step %parallel_loop3A_732  : i32 {
          %parallel_loop3A_1171 = arith.constant 100 : i32
          %parallel_loop3A_1172 = arith.addi %parallel_loop3A_1171, %parallel_loop3A_1170 : i32
          %parallel_loop3A_1173 = arith.index_cast %parallel_loop3A_1172 : i32 to index
          %parallel_loop3A_1174 = arith.constant 0 : index
          %parallel_loop3A_1175 = tpu.vector_load %arg9[%parallel_loop3A_1173, %parallel_loop3A_1174] {strides = array<i32>} : memref<400x64xf32, #tpu.memory_space<vmem>>, vector<16xf32>,
          %parallel_loop3A_1176 = arith.constant 100 : i32
          %parallel_loop3A_1177 = arith.addi %parallel_loop3A_1176, %parallel_loop3A_1170 : i32
          %parallel_loop3A_1178 = arith.index_cast %parallel_loop3A_1177 : i32 to index
          %parallel_loop3A_1179 = arith.constant 0 : index
          %parallel_loop3A_1180 = tpu.vector_load %arg7[%parallel_loop3A_1178, %parallel_loop3A_1179] {strides = array<i32>} : memref<200x64xf32, #tpu.memory_space<vmem>>, vector<16xf32>,
          %parallel_loop3A_1181 = arith.addf %parallel_loop3A_1175, %parallel_loop3A_1180 : vector<16xf32>
          %parallel_loop3A_1182 = arith.index_cast %parallel_loop3A_1172 : i32 to index
          %parallel_loop3A_1183 = arith.constant 16 : index
          %parallel_loop3A_1184 = tpu.vector_load %arg9[%parallel_loop3A_1182, %parallel_loop3A_1183] {strides = array<i32>} : memref<400x64xf32, #tpu.memory_space<vmem>>, vector<16xf32>,
          %parallel_loop3A_1185 = arith.constant 100 : i32
          %parallel_loop3A_1186 = arith.addi %parallel_loop3A_1185, %parallel_loop3A_1170 : i32
          %parallel_loop3A_1187 = arith.index_cast %parallel_loop3A_1186 : i32 to index
          %parallel_loop3A_1188 = arith.constant 16 : index
          %parallel_loop3A_1189 = tpu.vector_load %arg7[%parallel_loop3A_1187, %parallel_loop3A_1188] {strides = array<i32>} : memref<200x64xf32, #tpu.memory_space<vmem>>, vector<16xf32>,
          %parallel_loop3A_1190 = arith.addf %parallel_loop3A_1184, %parallel_loop3A_1189 : vector<16xf32>
          %parallel_loop3A_1191 = arith.index_cast %parallel_loop3A_1172 : i32 to index
          %parallel_loop3A_1192 = arith.constant 32 : index
          %parallel_loop3A_1193 = tpu.vector_load %arg9[%parallel_loop3A_1191, %parallel_loop3A_1192] {strides = array<i32>} : memref<400x64xf32, #tpu.memory_space<vmem>>, vector<16xf32>,
          %parallel_loop3A_1194 = arith.constant 100 : i32
          %parallel_loop3A_1195 = arith.addi %parallel_loop3A_1194, %parallel_loop3A_1170 : i32
          %parallel_loop3A_1196 = arith.index_cast %parallel_loop3A_1195 : i32 to index
          %parallel_loop3A_1197 = arith.constant 32 : index
          %parallel_loop3A_1198 = tpu.vector_load %arg7[%parallel_loop3A_1196, %parallel_loop3A_1197] {strides = array<i32>} : memref<200x64xf32, #tpu.memory_space<vmem>>, vector<16xf32>,
          %parallel_loop3A_1199 = arith.addf %parallel_loop3A_1193, %parallel_loop3A_1198 : vector<16xf32>
          %parallel_loop3A_1200 = arith.index_cast %parallel_loop3A_1172 : i32 to index
          %parallel_loop3A_1201 = arith.constant 48 : index
          %parallel_loop3A_1202 = tpu.vector_load %arg9[%parallel_loop3A_1200, %parallel_loop3A_1201] {strides = array<i32>} : memref<400x64xf32, #tpu.memory_space<vmem>>, vector<16xf32>,
          %parallel_loop3A_1203 = arith.constant 100 : i32
          %parallel_loop3A_1204 = arith.addi %parallel_loop3A_1203, %parallel_loop3A_1170 : i32
          %parallel_loop3A_1205 = arith.index_cast %parallel_loop3A_1204 : i32 to index
          %parallel_loop3A_1206 = arith.constant 48 : index
          %parallel_loop3A_1207 = tpu.vector_load %arg7[%parallel_loop3A_1205, %parallel_loop3A_1206] {strides = array<i32>} : memref<200x64xf32, #tpu.memory_space<vmem>>, vector<16xf32>,
          %parallel_loop3A_1208 = arith.addf %parallel_loop3A_1202, %parallel_loop3A_1207 : vector<16xf32>
          %parallel_loop3A_1209 = arith.addf %parallel_loop3A_1181, %parallel_loop3A_1190 : vector<16xf32>
          %parallel_loop3A_1210 = arith.addf %parallel_loop3A_1199, %parallel_loop3A_1208 : vector<16xf32>
          %parallel_loop3A_1211 = arith.addf %parallel_loop3A_1209, %parallel_loop3A_1210 : vector<16xf32>
          %parallel_loop3A_1212 = arith.constant true
          %parallel_loop3A_1213 = vector.broadcast %parallel_loop3A_1212 : i1 to vector<16xi1>
          %parallel_loop3A_1214 = tpu.scan <sum>, %parallel_loop3A_1211 masked %parallel_loop3A_1213 : vector<16xf32>, vector<16xi1> -> vector<16xf32>
          %parallel_loop3A_1215 = vector.extract %parallel_loop3A_1214[15] : f32 from vector<16xf32>
          %parallel_loop3A_1216 = arith.constant 1.562500e-02 : f32
          %parallel_loop3A_1217 = arith.mulf %parallel_loop3A_1215, %parallel_loop3A_1216 : f32
          %parallel_loop3A_1218 = arith.mulf %parallel_loop3A_1181, %parallel_loop3A_1181 : vector<16xf32>
          %parallel_loop3A_1219 = arith.mulf %parallel_loop3A_1190, %parallel_loop3A_1190 : vector<16xf32>
          %parallel_loop3A_1220 = arith.addf %parallel_loop3A_1218, %parallel_loop3A_1219 : vector<16xf32>
          %parallel_loop3A_1221 = arith.mulf %parallel_loop3A_1199, %parallel_loop3A_1199 : vector<16xf32>
          %parallel_loop3A_1222 = arith.mulf %parallel_loop3A_1208, %parallel_loop3A_1208 : vector<16xf32>
          %parallel_loop3A_1223 = arith.addf %parallel_loop3A_1221, %parallel_loop3A_1222 : vector<16xf32>
          %parallel_loop3A_1224 = arith.addf %parallel_loop3A_1220, %parallel_loop3A_1223 : vector<16xf32>
          %parallel_loop3A_1225 = arith.constant true
          %parallel_loop3A_1226 = vector.broadcast %parallel_loop3A_1225 : i1 to vector<16xi1>
          %parallel_loop3A_1227 = tpu.scan <sum>, %parallel_loop3A_1224 masked %parallel_loop3A_1226 : vector<16xf32>, vector<16xi1> -> vector<16xf32>
          %parallel_loop3A_1228 = vector.extract %parallel_loop3A_1227[15] : f32 from vector<16xf32>
          %parallel_loop3A_1229 = arith.constant 1.562500e-02 : f32
          %parallel_loop3A_1230 = arith.mulf %parallel_loop3A_1228, %parallel_loop3A_1229 : f32
          %parallel_loop3A_1231 = arith.mulf %parallel_loop3A_1217, %parallel_loop3A_1217 : f32
          %parallel_loop3A_1232 = arith.subf %parallel_loop3A_1230, %parallel_loop3A_1231 : f32
          %parallel_loop3A_1233 = arith.constant 9.99999974E-6 : f32
          %parallel_loop3A_1234 = arith.addf %parallel_loop3A_1232, %parallel_loop3A_1233 : f32
          %parallel_loop3A_1235 = arith.bitcast %parallel_loop3A_1234 : f32 to i32
          %parallel_loop3A_1236 = arith.constant 1 : i32
          %parallel_loop3A_1237 = arith.shrsi %parallel_loop3A_1235, %parallel_loop3A_1236 : i32
          %parallel_loop3A_1238 = arith.constant 1597463007 : i32
          %parallel_loop3A_1239 = arith.subi %parallel_loop3A_1238, %parallel_loop3A_1237 : i32
          %parallel_loop3A_1240 = arith.bitcast %parallel_loop3A_1239 : i32 to f32
          %parallel_loop3A_1241 = arith.constant 5.000000e-01 : f32
          %parallel_loop3A_1242 = arith.mulf %parallel_loop3A_1241, %parallel_loop3A_1234 : f32
          %parallel_loop3A_1243 = arith.mulf %parallel_loop3A_1242, %parallel_loop3A_1240 : f32
          %parallel_loop3A_1244 = arith.mulf %parallel_loop3A_1243, %parallel_loop3A_1240 : f32
          %parallel_loop3A_1245 = arith.constant 1.500000e+00 : f32
          %parallel_loop3A_1246 = arith.subf %parallel_loop3A_1245, %parallel_loop3A_1244 : f32
          %parallel_loop3A_1247 = arith.mulf %parallel_loop3A_1240, %parallel_loop3A_1246 : f32
          %parallel_loop3A_1248 = arith.mulf %parallel_loop3A_1242, %parallel_loop3A_1247 : f32
          %parallel_loop3A_1249 = arith.mulf %parallel_loop3A_1248, %parallel_loop3A_1247 : f32
          %parallel_loop3A_1250 = arith.constant 1.500000e+00 : f32
          %parallel_loop3A_1251 = arith.subf %parallel_loop3A_1250, %parallel_loop3A_1249 : f32
          %parallel_loop3A_1252 = arith.mulf %parallel_loop3A_1247, %parallel_loop3A_1251 : f32
          %parallel_loop3A_1253 = vector.broadcast %parallel_loop3A_1217 : f32 to vector<16xf32>
          %parallel_loop3A_1254 = arith.subf %parallel_loop3A_1181, %parallel_loop3A_1253 : vector<16xf32>
          %parallel_loop3A_1255 = vector.broadcast %parallel_loop3A_1252 : f32 to vector<16xf32>
          %parallel_loop3A_1256 = arith.mulf %get3A_671, %parallel_loop3A_1255 : vector<16xf32>
          %parallel_loop3A_1257 = arith.mulf %parallel_loop3A_1254, %parallel_loop3A_1256 : vector<16xf32>
          %parallel_loop3A_1258 = arith.addf %parallel_loop3A_1257, %get3A_687 : vector<16xf32>
          %parallel_loop3A_1259 = arith.constant 0 : i32
          %parallel_loop3A_1260 = arith.constant 0 : i32
          %parallel_loop3A_1261 = tpu.memref_slice %run_scoped3A_8[%rem3A_612, %parallel_loop3A_1259, %parallel_loop3A_1260] : memref<2x400x64xf32, #tpu.memory_space<vmem>> -> memref<1x400x64xf32, #tpu.memory_space<vmem>>
          %parallel_loop3A_1262 = tpu.memref_squeeze %parallel_loop3A_1261 : memref<1x400x64xf32, #tpu.memory_space<vmem>> -> memref<400x64xf32, #tpu.memory_space<vmem>>
          %parallel_loop3A_1263 = arith.index_cast %parallel_loop3A_1172 : i32 to index
          %parallel_loop3A_1264 = arith.constant 0 : index
          %parallel_loop3A_1265 = tpu.vector_load %parallel_loop3A_1262[%parallel_loop3A_1263, %parallel_loop3A_1264] {strides = array<i32>} : memref<400x64xf32, #tpu.memory_space<vmem>>, vector<16xf32>,
          tpu.vector_store %parallel_loop3A_1262[%parallel_loop3A_1263, %parallel_loop3A_1264], %parallel_loop3A_1258 {strides = array<i32>} : memref<400x64xf32, #tpu.memory_space<vmem>>, vector<16xf32>,
          %parallel_loop3A_1266 = vector.broadcast %parallel_loop3A_1217 : f32 to vector<16xf32>
          %parallel_loop3A_1267 = arith.subf %parallel_loop3A_1190, %parallel_loop3A_1266 : vector<16xf32>
          %parallel_loop3A_1268 = vector.broadcast %parallel_loop3A_1252 : f32 to vector<16xf32>
          %parallel_loop3A_1269 = arith.mulf %get3A_675, %parallel_loop3A_1268 : vector<16xf32>
          %parallel_loop3A_1270 = arith.mulf %parallel_loop3A_1267, %parallel_loop3A_1269 : vector<16xf32>
          %parallel_loop3A_1271 = arith.addf %parallel_loop3A_1270, %get3A_691 : vector<16xf32>
          %parallel_loop3A_1272 = arith.constant 0 : i32
          %parallel_loop3A_1273 = arith.constant 0 : i32
          %parallel_loop3A_1274 = tpu.memref_slice %run_scoped3A_8[%rem3A_612, %parallel_loop3A_1272, %parallel_loop3A_1273] : memref<2x400x64xf32, #tpu.memory_space<vmem>> -> memref<1x400x64xf32, #tpu.memory_space<vmem>>
          %parallel_loop3A_1275 = tpu.memref_squeeze %parallel_loop3A_1274 : memref<1x400x64xf32, #tpu.memory_space<vmem>> -> memref<400x64xf32, #tpu.memory_space<vmem>>
          %parallel_loop3A_1276 = arith.index_cast %parallel_loop3A_1172 : i32 to index
          %parallel_loop3A_1277 = arith.constant 16 : index
          %parallel_loop3A_1278 = tpu.vector_load %parallel_loop3A_1275[%parallel_loop3A_1276, %parallel_loop3A_1277] {strides = array<i32>} : memref<400x64xf32, #tpu.memory_space<vmem>>, vector<16xf32>,
          tpu.vector_store %parallel_loop3A_1275[%parallel_loop3A_1276, %parallel_loop3A_1277], %parallel_loop3A_1271 {strides = array<i32>} : memref<400x64xf32, #tpu.memory_space<vmem>>, vector<16xf32>,
          %parallel_loop3A_1279 = vector.broadcast %parallel_loop3A_1217 : f32 to vector<16xf32>
          %parallel_loop3A_1280 = arith.subf %parallel_loop3A_1199, %parallel_loop3A_1279 : vector<16xf32>
          %parallel_loop3A_1281 = vector.broadcast %parallel_loop3A_1252 : f32 to vector<16xf32>
          %parallel_loop3A_1282 = arith.mulf %get3A_679, %parallel_loop3A_1281 : vector<16xf32>
          %parallel_loop3A_1283 = arith.mulf %parallel_loop3A_1280, %parallel_loop3A_1282 : vector<16xf32>
          %parallel_loop3A_1284 = arith.addf %parallel_loop3A_1283, %get3A_695 : vector<16xf32>
          %parallel_loop3A_1285 = arith.constant 0 : i32
          %parallel_loop3A_1286 = arith.constant 0 : i32
          %parallel_loop3A_1287 = tpu.memref_slice %run_scoped3A_8[%rem3A_612, %parallel_loop3A_1285, %parallel_loop3A_1286] : memref<2x400x64xf32, #tpu.memory_space<vmem>> -> memref<1x400x64xf32, #tpu.memory_space<vmem>>
          %parallel_loop3A_1288 = tpu.memref_squeeze %parallel_loop3A_1287 : memref<1x400x64xf32, #tpu.memory_space<vmem>> -> memref<400x64xf32, #tpu.memory_space<vmem>>
          %parallel_loop3A_1289 = arith.index_cast %parallel_loop3A_1172 : i32 to index
          %parallel_loop3A_1290 = arith.constant 32 : index
          %parallel_loop3A_1291 = tpu.vector_load %parallel_loop3A_1288[%parallel_loop3A_1289, %parallel_loop3A_1290] {strides = array<i32>} : memref<400x64xf32, #tpu.memory_space<vmem>>, vector<16xf32>,
          tpu.vector_store %parallel_loop3A_1288[%parallel_loop3A_1289, %parallel_loop3A_1290], %parallel_loop3A_1284 {strides = array<i32>} : memref<400x64xf32, #tpu.memory_space<vmem>>, vector<16xf32>,
          %parallel_loop3A_1292 = vector.broadcast %parallel_loop3A_1217 : f32 to vector<16xf32>
          %parallel_loop3A_1293 = arith.subf %parallel_loop3A_1208, %parallel_loop3A_1292 : vector<16xf32>
          %parallel_loop3A_1294 = vector.broadcast %parallel_loop3A_1252 : f32 to vector<16xf32>
          %parallel_loop3A_1295 = arith.mulf %get3A_683, %parallel_loop3A_1294 : vector<16xf32>
          %parallel_loop3A_1296 = arith.mulf %parallel_loop3A_1293, %parallel_loop3A_1295 : vector<16xf32>
          %parallel_loop3A_1297 = arith.addf %parallel_loop3A_1296, %get3A_699 : vector<16xf32>
          %parallel_loop3A_1298 = arith.constant 0 : i32
          %parallel_loop3A_1299 = arith.constant 0 : i32
          %parallel_loop3A_1300 = tpu.memref_slice %run_scoped3A_8[%rem3A_612, %parallel_loop3A_1298, %parallel_loop3A_1299] : memref<2x400x64xf32, #tpu.memory_space<vmem>> -> memref<1x400x64xf32, #tpu.memory_space<vmem>>
          %parallel_loop3A_1301 = tpu.memref_squeeze %parallel_loop3A_1300 : memref<1x400x64xf32, #tpu.memory_space<vmem>> -> memref<400x64xf32, #tpu.memory_space<vmem>>
          %parallel_loop3A_1302 = arith.index_cast %parallel_loop3A_1172 : i32 to index
          %parallel_loop3A_1303 = arith.constant 48 : index
          %parallel_loop3A_1304 = tpu.vector_load %parallel_loop3A_1301[%parallel_loop3A_1302, %parallel_loop3A_1303] {strides = array<i32>} : memref<400x64xf32, #tpu.memory_space<vmem>>, vector<16xf32>,
          tpu.vector_store %parallel_loop3A_1301[%parallel_loop3A_1302, %parallel_loop3A_1303], %parallel_loop3A_1297 {strides = array<i32>} : memref<400x64xf32, #tpu.memory_space<vmem>>, vector<16xf32>,
        } {sc.loop_unroll_factor = 5 : i64, sc.parallel_access}
        %dma_wait3A_733 = arith.constant 2 : i32
        %dma_wait3A_734 = arith.constant 200 : i32
        %dma_wait3A_735 = arith.constant 0 : i32
        %dma_wait3A_736 = tpu.memref_slice %arg9[%dma_wait3A_734, %dma_wait3A_735] : memref<400x64xf32, #tpu.memory_space<vmem>> -> memref<100x64xf32, #tpu.memory_space<vmem>>
        %dma_wait3A_737 = arith.constant 0 : i32
        %dma_wait3A_738 = arith.constant 0 : i32
        %dma_wait3A_739 = tpu.memref_slice %run_scoped3A[%rem3A_610, %dma_wait3A_737, %dma_wait3A_738] : memref<2x4x100xi32, #tpu.memory_space<vmem>> -> memref<1x4x100xi32, #tpu.memory_space<vmem>>
        %dma_wait3A_740 = tpu.memref_squeeze %dma_wait3A_739 : memref<1x4x100xi32, #tpu.memory_space<vmem>> -> memref<4x100xi32, #tpu.memory_space<vmem>>
        %dma_wait3A_741 = arith.constant 0 : i32
        %dma_wait3A_742 = tpu.memref_slice %dma_wait3A_740[%dma_wait3A_733, %dma_wait3A_741] : memref<4x100xi32, #tpu.memory_space<vmem>> -> memref<1x100xi32, #tpu.memory_space<vmem>>
        %dma_wait3A_743 = tpu.memref_squeeze %dma_wait3A_742 : memref<1x100xi32, #tpu.memory_space<vmem>> -> memref<100xi32, #tpu.memory_space<vmem>>
        %dma_wait3A_744 = arith.constant 0 : i32
        %dma_wait3A_745 = arith.constant 0 : i32
        %dma_wait3A_746 = tpu.memref_slice %arg3[%dma_wait3A_744, %dma_wait3A_745] : memref<100000x64xf32, #tpu.memory_space<hbm>> -> memref<100000x64xf32, #tpu.memory_space<hbm>>
        tpu.wait_indirect_dma semaphore(%arg13 : memref<!tpu.dma_semaphore, #tpu.memory_space<semaphore_mem>>) src(%dma_wait3A_746 : memref<100000x64xf32, #tpu.memory_space<hbm>>) dst(%dma_wait3A_736 : memref<100x64xf32, #tpu.memory_space<vmem>>)
        %parallel_loop3A_747 = arith.constant 0 : i32
        %parallel_loop3A_748 = arith.constant 100 : i32
        %parallel_loop3A_749 = arith.constant 1 : i32
        scf.for %parallel_loop3A_1170 = %parallel_loop3A_747 to %parallel_loop3A_748 step %parallel_loop3A_749  : i32 {
          %parallel_loop3A_1171 = arith.constant 200 : i32
          %parallel_loop3A_1172 = arith.addi %parallel_loop3A_1171, %parallel_loop3A_1170 : i32
          %parallel_loop3A_1173 = arith.index_cast %parallel_loop3A_1172 : i32 to index
          %parallel_loop3A_1174 = arith.constant 0 : index
          %parallel_loop3A_1175 = tpu.vector_load %arg9[%parallel_loop3A_1173, %parallel_loop3A_1174] {strides = array<i32>} : memref<400x64xf32, #tpu.memory_space<vmem>>, vector<16xf32>,
          %parallel_loop3A_1176 = arith.constant 0 : i32
          %parallel_loop3A_1177 = arith.addi %parallel_loop3A_1176, %parallel_loop3A_1170 : i32
          %parallel_loop3A_1178 = arith.index_cast %parallel_loop3A_1177 : i32 to index
          %parallel_loop3A_1179 = arith.constant 0 : index
          %parallel_loop3A_1180 = tpu.vector_load %arg7[%parallel_loop3A_1178, %parallel_loop3A_1179] {strides = array<i32>} : memref<200x64xf32, #tpu.memory_space<vmem>>, vector<16xf32>,
          %parallel_loop3A_1181 = arith.addf %parallel_loop3A_1175, %parallel_loop3A_1180 : vector<16xf32>
          %parallel_loop3A_1182 = arith.index_cast %parallel_loop3A_1172 : i32 to index
          %parallel_loop3A_1183 = arith.constant 16 : index
          %parallel_loop3A_1184 = tpu.vector_load %arg9[%parallel_loop3A_1182, %parallel_loop3A_1183] {strides = array<i32>} : memref<400x64xf32, #tpu.memory_space<vmem>>, vector<16xf32>,
          %parallel_loop3A_1185 = arith.constant 0 : i32
          %parallel_loop3A_1186 = arith.addi %parallel_loop3A_1185, %parallel_loop3A_1170 : i32
          %parallel_loop3A_1187 = arith.index_cast %parallel_loop3A_1186 : i32 to index
          %parallel_loop3A_1188 = arith.constant 16 : index
          %parallel_loop3A_1189 = tpu.vector_load %arg7[%parallel_loop3A_1187, %parallel_loop3A_1188] {strides = array<i32>} : memref<200x64xf32, #tpu.memory_space<vmem>>, vector<16xf32>,
          %parallel_loop3A_1190 = arith.addf %parallel_loop3A_1184, %parallel_loop3A_1189 : vector<16xf32>
          %parallel_loop3A_1191 = arith.index_cast %parallel_loop3A_1172 : i32 to index
          %parallel_loop3A_1192 = arith.constant 32 : index
          %parallel_loop3A_1193 = tpu.vector_load %arg9[%parallel_loop3A_1191, %parallel_loop3A_1192] {strides = array<i32>} : memref<400x64xf32, #tpu.memory_space<vmem>>, vector<16xf32>,
          %parallel_loop3A_1194 = arith.constant 0 : i32
          %parallel_loop3A_1195 = arith.addi %parallel_loop3A_1194, %parallel_loop3A_1170 : i32
          %parallel_loop3A_1196 = arith.index_cast %parallel_loop3A_1195 : i32 to index
          %parallel_loop3A_1197 = arith.constant 32 : index
          %parallel_loop3A_1198 = tpu.vector_load %arg7[%parallel_loop3A_1196, %parallel_loop3A_1197] {strides = array<i32>} : memref<200x64xf32, #tpu.memory_space<vmem>>, vector<16xf32>,
          %parallel_loop3A_1199 = arith.addf %parallel_loop3A_1193, %parallel_loop3A_1198 : vector<16xf32>
          %parallel_loop3A_1200 = arith.index_cast %parallel_loop3A_1172 : i32 to index
          %parallel_loop3A_1201 = arith.constant 48 : index
          %parallel_loop3A_1202 = tpu.vector_load %arg9[%parallel_loop3A_1200, %parallel_loop3A_1201] {strides = array<i32>} : memref<400x64xf32, #tpu.memory_space<vmem>>, vector<16xf32>,
          %parallel_loop3A_1203 = arith.constant 0 : i32
          %parallel_loop3A_1204 = arith.addi %parallel_loop3A_1203, %parallel_loop3A_1170 : i32
          %parallel_loop3A_1205 = arith.index_cast %parallel_loop3A_1204 : i32 to index
          %parallel_loop3A_1206 = arith.constant 48 : index
          %parallel_loop3A_1207 = tpu.vector_load %arg7[%parallel_loop3A_1205, %parallel_loop3A_1206] {strides = array<i32>} : memref<200x64xf32, #tpu.memory_space<vmem>>, vector<16xf32>,
          %parallel_loop3A_1208 = arith.addf %parallel_loop3A_1202, %parallel_loop3A_1207 : vector<16xf32>
          %parallel_loop3A_1209 = arith.addf %parallel_loop3A_1181, %parallel_loop3A_1190 : vector<16xf32>
          %parallel_loop3A_1210 = arith.addf %parallel_loop3A_1199, %parallel_loop3A_1208 : vector<16xf32>
          %parallel_loop3A_1211 = arith.addf %parallel_loop3A_1209, %parallel_loop3A_1210 : vector<16xf32>
          %parallel_loop3A_1212 = arith.constant true
          %parallel_loop3A_1213 = vector.broadcast %parallel_loop3A_1212 : i1 to vector<16xi1>
          %parallel_loop3A_1214 = tpu.scan <sum>, %parallel_loop3A_1211 masked %parallel_loop3A_1213 : vector<16xf32>, vector<16xi1> -> vector<16xf32>
          %parallel_loop3A_1215 = vector.extract %parallel_loop3A_1214[15] : f32 from vector<16xf32>
          %parallel_loop3A_1216 = arith.constant 1.562500e-02 : f32
          %parallel_loop3A_1217 = arith.mulf %parallel_loop3A_1215, %parallel_loop3A_1216 : f32
          %parallel_loop3A_1218 = arith.mulf %parallel_loop3A_1181, %parallel_loop3A_1181 : vector<16xf32>
          %parallel_loop3A_1219 = arith.mulf %parallel_loop3A_1190, %parallel_loop3A_1190 : vector<16xf32>
          %parallel_loop3A_1220 = arith.addf %parallel_loop3A_1218, %parallel_loop3A_1219 : vector<16xf32>
          %parallel_loop3A_1221 = arith.mulf %parallel_loop3A_1199, %parallel_loop3A_1199 : vector<16xf32>
          %parallel_loop3A_1222 = arith.mulf %parallel_loop3A_1208, %parallel_loop3A_1208 : vector<16xf32>
          %parallel_loop3A_1223 = arith.addf %parallel_loop3A_1221, %parallel_loop3A_1222 : vector<16xf32>
          %parallel_loop3A_1224 = arith.addf %parallel_loop3A_1220, %parallel_loop3A_1223 : vector<16xf32>
          %parallel_loop3A_1225 = arith.constant true
          %parallel_loop3A_1226 = vector.broadcast %parallel_loop3A_1225 : i1 to vector<16xi1>
          %parallel_loop3A_1227 = tpu.scan <sum>, %parallel_loop3A_1224 masked %parallel_loop3A_1226 : vector<16xf32>, vector<16xi1> -> vector<16xf32>
          %parallel_loop3A_1228 = vector.extract %parallel_loop3A_1227[15] : f32 from vector<16xf32>
          %parallel_loop3A_1229 = arith.constant 1.562500e-02 : f32
          %parallel_loop3A_1230 = arith.mulf %parallel_loop3A_1228, %parallel_loop3A_1229 : f32
          %parallel_loop3A_1231 = arith.mulf %parallel_loop3A_1217, %parallel_loop3A_1217 : f32
          %parallel_loop3A_1232 = arith.subf %parallel_loop3A_1230, %parallel_loop3A_1231 : f32
          %parallel_loop3A_1233 = arith.constant 9.99999974E-6 : f32
          %parallel_loop3A_1234 = arith.addf %parallel_loop3A_1232, %parallel_loop3A_1233 : f32
          %parallel_loop3A_1235 = arith.bitcast %parallel_loop3A_1234 : f32 to i32
          %parallel_loop3A_1236 = arith.constant 1 : i32
          %parallel_loop3A_1237 = arith.shrsi %parallel_loop3A_1235, %parallel_loop3A_1236 : i32
          %parallel_loop3A_1238 = arith.constant 1597463007 : i32
          %parallel_loop3A_1239 = arith.subi %parallel_loop3A_1238, %parallel_loop3A_1237 : i32
          %parallel_loop3A_1240 = arith.bitcast %parallel_loop3A_1239 : i32 to f32
          %parallel_loop3A_1241 = arith.constant 5.000000e-01 : f32
          %parallel_loop3A_1242 = arith.mulf %parallel_loop3A_1241, %parallel_loop3A_1234 : f32
          %parallel_loop3A_1243 = arith.mulf %parallel_loop3A_1242, %parallel_loop3A_1240 : f32
          %parallel_loop3A_1244 = arith.mulf %parallel_loop3A_1243, %parallel_loop3A_1240 : f32
          %parallel_loop3A_1245 = arith.constant 1.500000e+00 : f32
          %parallel_loop3A_1246 = arith.subf %parallel_loop3A_1245, %parallel_loop3A_1244 : f32
          %parallel_loop3A_1247 = arith.mulf %parallel_loop3A_1240, %parallel_loop3A_1246 : f32
          %parallel_loop3A_1248 = arith.mulf %parallel_loop3A_1242, %parallel_loop3A_1247 : f32
          %parallel_loop3A_1249 = arith.mulf %parallel_loop3A_1248, %parallel_loop3A_1247 : f32
          %parallel_loop3A_1250 = arith.constant 1.500000e+00 : f32
          %parallel_loop3A_1251 = arith.subf %parallel_loop3A_1250, %parallel_loop3A_1249 : f32
          %parallel_loop3A_1252 = arith.mulf %parallel_loop3A_1247, %parallel_loop3A_1251 : f32
          %parallel_loop3A_1253 = vector.broadcast %parallel_loop3A_1217 : f32 to vector<16xf32>
          %parallel_loop3A_1254 = arith.subf %parallel_loop3A_1181, %parallel_loop3A_1253 : vector<16xf32>
          %parallel_loop3A_1255 = vector.broadcast %parallel_loop3A_1252 : f32 to vector<16xf32>
          %parallel_loop3A_1256 = arith.mulf %get3A_671, %parallel_loop3A_1255 : vector<16xf32>
          %parallel_loop3A_1257 = arith.mulf %parallel_loop3A_1254, %parallel_loop3A_1256 : vector<16xf32>
          %parallel_loop3A_1258 = arith.addf %parallel_loop3A_1257, %get3A_687 : vector<16xf32>
          %parallel_loop3A_1259 = arith.constant 0 : i32
          %parallel_loop3A_1260 = arith.constant 0 : i32
          %parallel_loop3A_1261 = tpu.memref_slice %run_scoped3A_8[%rem3A_612, %parallel_loop3A_1259, %parallel_loop3A_1260] : memref<2x400x64xf32, #tpu.memory_space<vmem>> -> memref<1x400x64xf32, #tpu.memory_space<vmem>>
          %parallel_loop3A_1262 = tpu.memref_squeeze %parallel_loop3A_1261 : memref<1x400x64xf32, #tpu.memory_space<vmem>> -> memref<400x64xf32, #tpu.memory_space<vmem>>
          %parallel_loop3A_1263 = arith.index_cast %parallel_loop3A_1172 : i32 to index
          %parallel_loop3A_1264 = arith.constant 0 : index
          %parallel_loop3A_1265 = tpu.vector_load %parallel_loop3A_1262[%parallel_loop3A_1263, %parallel_loop3A_1264] {strides = array<i32>} : memref<400x64xf32, #tpu.memory_space<vmem>>, vector<16xf32>,
          tpu.vector_store %parallel_loop3A_1262[%parallel_loop3A_1263, %parallel_loop3A_1264], %parallel_loop3A_1258 {strides = array<i32>} : memref<400x64xf32, #tpu.memory_space<vmem>>, vector<16xf32>,
          %parallel_loop3A_1266 = vector.broadcast %parallel_loop3A_1217 : f32 to vector<16xf32>
          %parallel_loop3A_1267 = arith.subf %parallel_loop3A_1190, %parallel_loop3A_1266 : vector<16xf32>
          %parallel_loop3A_1268 = vector.broadcast %parallel_loop3A_1252 : f32 to vector<16xf32>
          %parallel_loop3A_1269 = arith.mulf %get3A_675, %parallel_loop3A_1268 : vector<16xf32>
          %parallel_loop3A_1270 = arith.mulf %parallel_loop3A_1267, %parallel_loop3A_1269 : vector<16xf32>
          %parallel_loop3A_1271 = arith.addf %parallel_loop3A_1270, %get3A_691 : vector<16xf32>
          %parallel_loop3A_1272 = arith.constant 0 : i32
          %parallel_loop3A_1273 = arith.constant 0 : i32
          %parallel_loop3A_1274 = tpu.memref_slice %run_scoped3A_8[%rem3A_612, %parallel_loop3A_1272, %parallel_loop3A_1273] : memref<2x400x64xf32, #tpu.memory_space<vmem>> -> memref<1x400x64xf32, #tpu.memory_space<vmem>>
          %parallel_loop3A_1275 = tpu.memref_squeeze %parallel_loop3A_1274 : memref<1x400x64xf32, #tpu.memory_space<vmem>> -> memref<400x64xf32, #tpu.memory_space<vmem>>
          %parallel_loop3A_1276 = arith.index_cast %parallel_loop3A_1172 : i32 to index
          %parallel_loop3A_1277 = arith.constant 16 : index
          %parallel_loop3A_1278 = tpu.vector_load %parallel_loop3A_1275[%parallel_loop3A_1276, %parallel_loop3A_1277] {strides = array<i32>} : memref<400x64xf32, #tpu.memory_space<vmem>>, vector<16xf32>,
          tpu.vector_store %parallel_loop3A_1275[%parallel_loop3A_1276, %parallel_loop3A_1277], %parallel_loop3A_1271 {strides = array<i32>} : memref<400x64xf32, #tpu.memory_space<vmem>>, vector<16xf32>,
          %parallel_loop3A_1279 = vector.broadcast %parallel_loop3A_1217 : f32 to vector<16xf32>
          %parallel_loop3A_1280 = arith.subf %parallel_loop3A_1199, %parallel_loop3A_1279 : vector<16xf32>
          %parallel_loop3A_1281 = vector.broadcast %parallel_loop3A_1252 : f32 to vector<16xf32>
          %parallel_loop3A_1282 = arith.mulf %get3A_679, %parallel_loop3A_1281 : vector<16xf32>
          %parallel_loop3A_1283 = arith.mulf %parallel_loop3A_1280, %parallel_loop3A_1282 : vector<16xf32>
          %parallel_loop3A_1284 = arith.addf %parallel_loop3A_1283, %get3A_695 : vector<16xf32>
          %parallel_loop3A_1285 = arith.constant 0 : i32
          %parallel_loop3A_1286 = arith.constant 0 : i32
          %parallel_loop3A_1287 = tpu.memref_slice %run_scoped3A_8[%rem3A_612, %parallel_loop3A_1285, %parallel_loop3A_1286] : memref<2x400x64xf32, #tpu.memory_space<vmem>> -> memref<1x400x64xf32, #tpu.memory_space<vmem>>
          %parallel_loop3A_1288 = tpu.memref_squeeze %parallel_loop3A_1287 : memref<1x400x64xf32, #tpu.memory_space<vmem>> -> memref<400x64xf32, #tpu.memory_space<vmem>>
          %parallel_loop3A_1289 = arith.index_cast %parallel_loop3A_1172 : i32 to index
          %parallel_loop3A_1290 = arith.constant 32 : index
          %parallel_loop3A_1291 = tpu.vector_load %parallel_loop3A_1288[%parallel_loop3A_1289, %parallel_loop3A_1290] {strides = array<i32>} : memref<400x64xf32, #tpu.memory_space<vmem>>, vector<16xf32>,
          tpu.vector_store %parallel_loop3A_1288[%parallel_loop3A_1289, %parallel_loop3A_1290], %parallel_loop3A_1284 {strides = array<i32>} : memref<400x64xf32, #tpu.memory_space<vmem>>, vector<16xf32>,
          %parallel_loop3A_1292 = vector.broadcast %parallel_loop3A_1217 : f32 to vector<16xf32>
          %parallel_loop3A_1293 = arith.subf %parallel_loop3A_1208, %parallel_loop3A_1292 : vector<16xf32>
          %parallel_loop3A_1294 = vector.broadcast %parallel_loop3A_1252 : f32 to vector<16xf32>
          %parallel_loop3A_1295 = arith.mulf %get3A_683, %parallel_loop3A_1294 : vector<16xf32>
          %parallel_loop3A_1296 = arith.mulf %parallel_loop3A_1293, %parallel_loop3A_1295 : vector<16xf32>
          %parallel_loop3A_1297 = arith.addf %parallel_loop3A_1296, %get3A_699 : vector<16xf32>
          %parallel_loop3A_1298 = arith.constant 0 : i32
          %parallel_loop3A_1299 = arith.constant 0 : i32
          %parallel_loop3A_1300 = tpu.memref_slice %run_scoped3A_8[%rem3A_612, %parallel_loop3A_1298, %parallel_loop3A_1299] : memref<2x400x64xf32, #tpu.memory_space<vmem>> -> memref<1x400x64xf32, #tpu.memory_space<vmem>>
          %parallel_loop3A_1301 = tpu.memref_squeeze %parallel_loop3A_1300 : memref<1x400x64xf32, #tpu.memory_space<vmem>> -> memref<400x64xf32, #tpu.memory_space<vmem>>
          %parallel_loop3A_1302 = arith.index_cast %parallel_loop3A_1172 : i32 to index
          %parallel_loop3A_1303 = arith.constant 48 : index
          %parallel_loop3A_1304 = tpu.vector_load %parallel_loop3A_1301[%parallel_loop3A_1302, %parallel_loop3A_1303] {strides = array<i32>} : memref<400x64xf32, #tpu.memory_space<vmem>>, vector<16xf32>,
          tpu.vector_store %parallel_loop3A_1301[%parallel_loop3A_1302, %parallel_loop3A_1303], %parallel_loop3A_1297 {strides = array<i32>} : memref<400x64xf32, #tpu.memory_space<vmem>>, vector<16xf32>,
        } {sc.loop_unroll_factor = 5 : i64, sc.parallel_access}
        %dma_wait3A_750 = arith.constant 3 : i32
        %dma_wait3A_751 = arith.constant 300 : i32
        %dma_wait3A_752 = arith.constant 0 : i32
        %dma_wait3A_753 = tpu.memref_slice %arg9[%dma_wait3A_751, %dma_wait3A_752] : memref<400x64xf32, #tpu.memory_space<vmem>> -> memref<100x64xf32, #tpu.memory_space<vmem>>
        %dma_wait3A_754 = arith.constant 0 : i32
        %dma_wait3A_755 = arith.constant 0 : i32
        %dma_wait3A_756 = tpu.memref_slice %run_scoped3A[%rem3A_610, %dma_wait3A_754, %dma_wait3A_755] : memref<2x4x100xi32, #tpu.memory_space<vmem>> -> memref<1x4x100xi32, #tpu.memory_space<vmem>>
        %dma_wait3A_757 = tpu.memref_squeeze %dma_wait3A_756 : memref<1x4x100xi32, #tpu.memory_space<vmem>> -> memref<4x100xi32, #tpu.memory_space<vmem>>
        %dma_wait3A_758 = arith.constant 0 : i32
        %dma_wait3A_759 = tpu.memref_slice %dma_wait3A_757[%dma_wait3A_750, %dma_wait3A_758] : memref<4x100xi32, #tpu.memory_space<vmem>> -> memref<1x100xi32, #tpu.memory_space<vmem>>
        %dma_wait3A_760 = tpu.memref_squeeze %dma_wait3A_759 : memref<1x100xi32, #tpu.memory_space<vmem>> -> memref<100xi32, #tpu.memory_space<vmem>>
        %dma_wait3A_761 = arith.constant 0 : i32
        %dma_wait3A_762 = arith.constant 0 : i32
        %dma_wait3A_763 = tpu.memref_slice %arg3[%dma_wait3A_761, %dma_wait3A_762] : memref<100000x64xf32, #tpu.memory_space<hbm>> -> memref<100000x64xf32, #tpu.memory_space<hbm>>
        tpu.wait_indirect_dma semaphore(%arg14 : memref<!tpu.dma_semaphore, #tpu.memory_space<semaphore_mem>>) src(%dma_wait3A_763 : memref<100000x64xf32, #tpu.memory_space<hbm>>) dst(%dma_wait3A_753 : memref<100x64xf32, #tpu.memory_space<vmem>>)
        %parallel_loop3A_764 = arith.constant 0 : i32
        %parallel_loop3A_765 = arith.constant 100 : i32
        %parallel_loop3A_766 = arith.constant 1 : i32
        scf.for %parallel_loop3A_1170 = %parallel_loop3A_764 to %parallel_loop3A_765 step %parallel_loop3A_766  : i32 {
          %parallel_loop3A_1171 = arith.constant 300 : i32
          %parallel_loop3A_1172 = arith.addi %parallel_loop3A_1171, %parallel_loop3A_1170 : i32
          %parallel_loop3A_1173 = arith.index_cast %parallel_loop3A_1172 : i32 to index
          %parallel_loop3A_1174 = arith.constant 0 : index
          %parallel_loop3A_1175 = tpu.vector_load %arg9[%parallel_loop3A_1173, %parallel_loop3A_1174] {strides = array<i32>} : memref<400x64xf32, #tpu.memory_space<vmem>>, vector<16xf32>,
          %parallel_loop3A_1176 = arith.constant 100 : i32
          %parallel_loop3A_1177 = arith.addi %parallel_loop3A_1176, %parallel_loop3A_1170 : i32
          %parallel_loop3A_1178 = arith.index_cast %parallel_loop3A_1177 : i32 to index
          %parallel_loop3A_1179 = arith.constant 0 : index
          %parallel_loop3A_1180 = tpu.vector_load %arg7[%parallel_loop3A_1178, %parallel_loop3A_1179] {strides = array<i32>} : memref<200x64xf32, #tpu.memory_space<vmem>>, vector<16xf32>,
          %parallel_loop3A_1181 = arith.addf %parallel_loop3A_1175, %parallel_loop3A_1180 : vector<16xf32>
          %parallel_loop3A_1182 = arith.index_cast %parallel_loop3A_1172 : i32 to index
          %parallel_loop3A_1183 = arith.constant 16 : index
          %parallel_loop3A_1184 = tpu.vector_load %arg9[%parallel_loop3A_1182, %parallel_loop3A_1183] {strides = array<i32>} : memref<400x64xf32, #tpu.memory_space<vmem>>, vector<16xf32>,
          %parallel_loop3A_1185 = arith.constant 100 : i32
          %parallel_loop3A_1186 = arith.addi %parallel_loop3A_1185, %parallel_loop3A_1170 : i32
          %parallel_loop3A_1187 = arith.index_cast %parallel_loop3A_1186 : i32 to index
          %parallel_loop3A_1188 = arith.constant 16 : index
          %parallel_loop3A_1189 = tpu.vector_load %arg7[%parallel_loop3A_1187, %parallel_loop3A_1188] {strides = array<i32>} : memref<200x64xf32, #tpu.memory_space<vmem>>, vector<16xf32>,
          %parallel_loop3A_1190 = arith.addf %parallel_loop3A_1184, %parallel_loop3A_1189 : vector<16xf32>
          %parallel_loop3A_1191 = arith.index_cast %parallel_loop3A_1172 : i32 to index
          %parallel_loop3A_1192 = arith.constant 32 : index
          %parallel_loop3A_1193 = tpu.vector_load %arg9[%parallel_loop3A_1191, %parallel_loop3A_1192] {strides = array<i32>} : memref<400x64xf32, #tpu.memory_space<vmem>>, vector<16xf32>,
          %parallel_loop3A_1194 = arith.constant 100 : i32
          %parallel_loop3A_1195 = arith.addi %parallel_loop3A_1194, %parallel_loop3A_1170 : i32
          %parallel_loop3A_1196 = arith.index_cast %parallel_loop3A_1195 : i32 to index
          %parallel_loop3A_1197 = arith.constant 32 : index
          %parallel_loop3A_1198 = tpu.vector_load %arg7[%parallel_loop3A_1196, %parallel_loop3A_1197] {strides = array<i32>} : memref<200x64xf32, #tpu.memory_space<vmem>>, vector<16xf32>,
          %parallel_loop3A_1199 = arith.addf %parallel_loop3A_1193, %parallel_loop3A_1198 : vector<16xf32>
          %parallel_loop3A_1200 = arith.index_cast %parallel_loop3A_1172 : i32 to index
          %parallel_loop3A_1201 = arith.constant 48 : index
          %parallel_loop3A_1202 = tpu.vector_load %arg9[%parallel_loop3A_1200, %parallel_loop3A_1201] {strides = array<i32>} : memref<400x64xf32, #tpu.memory_space<vmem>>, vector<16xf32>,
          %parallel_loop3A_1203 = arith.constant 100 : i32
          %parallel_loop3A_1204 = arith.addi %parallel_loop3A_1203, %parallel_loop3A_1170 : i32
          %parallel_loop3A_1205 = arith.index_cast %parallel_loop3A_1204 : i32 to index
          %parallel_loop3A_1206 = arith.constant 48 : index
          %parallel_loop3A_1207 = tpu.vector_load %arg7[%parallel_loop3A_1205, %parallel_loop3A_1206] {strides = array<i32>} : memref<200x64xf32, #tpu.memory_space<vmem>>, vector<16xf32>,
          %parallel_loop3A_1208 = arith.addf %parallel_loop3A_1202, %parallel_loop3A_1207 : vector<16xf32>
          %parallel_loop3A_1209 = arith.addf %parallel_loop3A_1181, %parallel_loop3A_1190 : vector<16xf32>
          %parallel_loop3A_1210 = arith.addf %parallel_loop3A_1199, %parallel_loop3A_1208 : vector<16xf32>
          %parallel_loop3A_1211 = arith.addf %parallel_loop3A_1209, %parallel_loop3A_1210 : vector<16xf32>
          %parallel_loop3A_1212 = arith.constant true
          %parallel_loop3A_1213 = vector.broadcast %parallel_loop3A_1212 : i1 to vector<16xi1>
          %parallel_loop3A_1214 = tpu.scan <sum>, %parallel_loop3A_1211 masked %parallel_loop3A_1213 : vector<16xf32>, vector<16xi1> -> vector<16xf32>
          %parallel_loop3A_1215 = vector.extract %parallel_loop3A_1214[15] : f32 from vector<16xf32>
          %parallel_loop3A_1216 = arith.constant 1.562500e-02 : f32
          %parallel_loop3A_1217 = arith.mulf %parallel_loop3A_1215, %parallel_loop3A_1216 : f32
          %parallel_loop3A_1218 = arith.mulf %parallel_loop3A_1181, %parallel_loop3A_1181 : vector<16xf32>
          %parallel_loop3A_1219 = arith.mulf %parallel_loop3A_1190, %parallel_loop3A_1190 : vector<16xf32>
          %parallel_loop3A_1220 = arith.addf %parallel_loop3A_1218, %parallel_loop3A_1219 : vector<16xf32>
          %parallel_loop3A_1221 = arith.mulf %parallel_loop3A_1199, %parallel_loop3A_1199 : vector<16xf32>
          %parallel_loop3A_1222 = arith.mulf %parallel_loop3A_1208, %parallel_loop3A_1208 : vector<16xf32>
          %parallel_loop3A_1223 = arith.addf %parallel_loop3A_1221, %parallel_loop3A_1222 : vector<16xf32>
          %parallel_loop3A_1224 = arith.addf %parallel_loop3A_1220, %parallel_loop3A_1223 : vector<16xf32>
          %parallel_loop3A_1225 = arith.constant true
          %parallel_loop3A_1226 = vector.broadcast %parallel_loop3A_1225 : i1 to vector<16xi1>
          %parallel_loop3A_1227 = tpu.scan <sum>, %parallel_loop3A_1224 masked %parallel_loop3A_1226 : vector<16xf32>, vector<16xi1> -> vector<16xf32>
          %parallel_loop3A_1228 = vector.extract %parallel_loop3A_1227[15] : f32 from vector<16xf32>
          %parallel_loop3A_1229 = arith.constant 1.562500e-02 : f32
          %parallel_loop3A_1230 = arith.mulf %parallel_loop3A_1228, %parallel_loop3A_1229 : f32
          %parallel_loop3A_1231 = arith.mulf %parallel_loop3A_1217, %parallel_loop3A_1217 : f32
          %parallel_loop3A_1232 = arith.subf %parallel_loop3A_1230, %parallel_loop3A_1231 : f32
          %parallel_loop3A_1233 = arith.constant 9.99999974E-6 : f32
          %parallel_loop3A_1234 = arith.addf %parallel_loop3A_1232, %parallel_loop3A_1233 : f32
          %parallel_loop3A_1235 = arith.bitcast %parallel_loop3A_1234 : f32 to i32
          %parallel_loop3A_1236 = arith.constant 1 : i32
          %parallel_loop3A_1237 = arith.shrsi %parallel_loop3A_1235, %parallel_loop3A_1236 : i32
          %parallel_loop3A_1238 = arith.constant 1597463007 : i32
          %parallel_loop3A_1239 = arith.subi %parallel_loop3A_1238, %parallel_loop3A_1237 : i32
          %parallel_loop3A_1240 = arith.bitcast %parallel_loop3A_1239 : i32 to f32
          %parallel_loop3A_1241 = arith.constant 5.000000e-01 : f32
          %parallel_loop3A_1242 = arith.mulf %parallel_loop3A_1241, %parallel_loop3A_1234 : f32
          %parallel_loop3A_1243 = arith.mulf %parallel_loop3A_1242, %parallel_loop3A_1240 : f32
          %parallel_loop3A_1244 = arith.mulf %parallel_loop3A_1243, %parallel_loop3A_1240 : f32
          %parallel_loop3A_1245 = arith.constant 1.500000e+00 : f32
          %parallel_loop3A_1246 = arith.subf %parallel_loop3A_1245, %parallel_loop3A_1244 : f32
          %parallel_loop3A_1247 = arith.mulf %parallel_loop3A_1240, %parallel_loop3A_1246 : f32
          %parallel_loop3A_1248 = arith.mulf %parallel_loop3A_1242, %parallel_loop3A_1247 : f32
          %parallel_loop3A_1249 = arith.mulf %parallel_loop3A_1248, %parallel_loop3A_1247 : f32
          %parallel_loop3A_1250 = arith.constant 1.500000e+00 : f32
          %parallel_loop3A_1251 = arith.subf %parallel_loop3A_1250, %parallel_loop3A_1249 : f32
          %parallel_loop3A_1252 = arith.mulf %parallel_loop3A_1247, %parallel_loop3A_1251 : f32
          %parallel_loop3A_1253 = vector.broadcast %parallel_loop3A_1217 : f32 to vector<16xf32>
          %parallel_loop3A_1254 = arith.subf %parallel_loop3A_1181, %parallel_loop3A_1253 : vector<16xf32>
          %parallel_loop3A_1255 = vector.broadcast %parallel_loop3A_1252 : f32 to vector<16xf32>
          %parallel_loop3A_1256 = arith.mulf %get3A_671, %parallel_loop3A_1255 : vector<16xf32>
          %parallel_loop3A_1257 = arith.mulf %parallel_loop3A_1254, %parallel_loop3A_1256 : vector<16xf32>
          %parallel_loop3A_1258 = arith.addf %parallel_loop3A_1257, %get3A_687 : vector<16xf32>
          %parallel_loop3A_1259 = arith.constant 0 : i32
          %parallel_loop3A_1260 = arith.constant 0 : i32
          %parallel_loop3A_1261 = tpu.memref_slice %run_scoped3A_8[%rem3A_612, %parallel_loop3A_1259, %parallel_loop3A_1260] : memref<2x400x64xf32, #tpu.memory_space<vmem>> -> memref<1x400x64xf32, #tpu.memory_space<vmem>>
          %parallel_loop3A_1262 = tpu.memref_squeeze %parallel_loop3A_1261 : memref<1x400x64xf32, #tpu.memory_space<vmem>> -> memref<400x64xf32, #tpu.memory_space<vmem>>
          %parallel_loop3A_1263 = arith.index_cast %parallel_loop3A_1172 : i32 to index
          %parallel_loop3A_1264 = arith.constant 0 : index
          %parallel_loop3A_1265 = tpu.vector_load %parallel_loop3A_1262[%parallel_loop3A_1263, %parallel_loop3A_1264] {strides = array<i32>} : memref<400x64xf32, #tpu.memory_space<vmem>>, vector<16xf32>,
          tpu.vector_store %parallel_loop3A_1262[%parallel_loop3A_1263, %parallel_loop3A_1264], %parallel_loop3A_1258 {strides = array<i32>} : memref<400x64xf32, #tpu.memory_space<vmem>>, vector<16xf32>,
          %parallel_loop3A_1266 = vector.broadcast %parallel_loop3A_1217 : f32 to vector<16xf32>
          %parallel_loop3A_1267 = arith.subf %parallel_loop3A_1190, %parallel_loop3A_1266 : vector<16xf32>
          %parallel_loop3A_1268 = vector.broadcast %parallel_loop3A_1252 : f32 to vector<16xf32>
          %parallel_loop3A_1269 = arith.mulf %get3A_675, %parallel_loop3A_1268 : vector<16xf32>
          %parallel_loop3A_1270 = arith.mulf %parallel_loop3A_1267, %parallel_loop3A_1269 : vector<16xf32>
          %parallel_loop3A_1271 = arith.addf %parallel_loop3A_1270, %get3A_691 : vector<16xf32>
          %parallel_loop3A_1272 = arith.constant 0 : i32
          %parallel_loop3A_1273 = arith.constant 0 : i32
          %parallel_loop3A_1274 = tpu.memref_slice %run_scoped3A_8[%rem3A_612, %parallel_loop3A_1272, %parallel_loop3A_1273] : memref<2x400x64xf32, #tpu.memory_space<vmem>> -> memref<1x400x64xf32, #tpu.memory_space<vmem>>
          %parallel_loop3A_1275 = tpu.memref_squeeze %parallel_loop3A_1274 : memref<1x400x64xf32, #tpu.memory_space<vmem>> -> memref<400x64xf32, #tpu.memory_space<vmem>>
          %parallel_loop3A_1276 = arith.index_cast %parallel_loop3A_1172 : i32 to index
          %parallel_loop3A_1277 = arith.constant 16 : index
          %parallel_loop3A_1278 = tpu.vector_load %parallel_loop3A_1275[%parallel_loop3A_1276, %parallel_loop3A_1277] {strides = array<i32>} : memref<400x64xf32, #tpu.memory_space<vmem>>, vector<16xf32>,
          tpu.vector_store %parallel_loop3A_1275[%parallel_loop3A_1276, %parallel_loop3A_1277], %parallel_loop3A_1271 {strides = array<i32>} : memref<400x64xf32, #tpu.memory_space<vmem>>, vector<16xf32>,
          %parallel_loop3A_1279 = vector.broadcast %parallel_loop3A_1217 : f32 to vector<16xf32>
          %parallel_loop3A_1280 = arith.subf %parallel_loop3A_1199, %parallel_loop3A_1279 : vector<16xf32>
          %parallel_loop3A_1281 = vector.broadcast %parallel_loop3A_1252 : f32 to vector<16xf32>
          %parallel_loop3A_1282 = arith.mulf %get3A_679, %parallel_loop3A_1281 : vector<16xf32>
          %parallel_loop3A_1283 = arith.mulf %parallel_loop3A_1280, %parallel_loop3A_1282 : vector<16xf32>
          %parallel_loop3A_1284 = arith.addf %parallel_loop3A_1283, %get3A_695 : vector<16xf32>
          %parallel_loop3A_1285 = arith.constant 0 : i32
          %parallel_loop3A_1286 = arith.constant 0 : i32
          %parallel_loop3A_1287 = tpu.memref_slice %run_scoped3A_8[%rem3A_612, %parallel_loop3A_1285, %parallel_loop3A_1286] : memref<2x400x64xf32, #tpu.memory_space<vmem>> -> memref<1x400x64xf32, #tpu.memory_space<vmem>>
          %parallel_loop3A_1288 = tpu.memref_squeeze %parallel_loop3A_1287 : memref<1x400x64xf32, #tpu.memory_space<vmem>> -> memref<400x64xf32, #tpu.memory_space<vmem>>
          %parallel_loop3A_1289 = arith.index_cast %parallel_loop3A_1172 : i32 to index
          %parallel_loop3A_1290 = arith.constant 32 : index
          %parallel_loop3A_1291 = tpu.vector_load %parallel_loop3A_1288[%parallel_loop3A_1289, %parallel_loop3A_1290] {strides = array<i32>} : memref<400x64xf32, #tpu.memory_space<vmem>>, vector<16xf32>,
          tpu.vector_store %parallel_loop3A_1288[%parallel_loop3A_1289, %parallel_loop3A_1290], %parallel_loop3A_1284 {strides = array<i32>} : memref<400x64xf32, #tpu.memory_space<vmem>>, vector<16xf32>,
          %parallel_loop3A_1292 = vector.broadcast %parallel_loop3A_1217 : f32 to vector<16xf32>
          %parallel_loop3A_1293 = arith.subf %parallel_loop3A_1208, %parallel_loop3A_1292 : vector<16xf32>
          %parallel_loop3A_1294 = vector.broadcast %parallel_loop3A_1252 : f32 to vector<16xf32>
          %parallel_loop3A_1295 = arith.mulf %get3A_683, %parallel_loop3A_1294 : vector<16xf32>
          %parallel_loop3A_1296 = arith.mulf %parallel_loop3A_1293, %parallel_loop3A_1295 : vector<16xf32>
          %parallel_loop3A_1297 = arith.addf %parallel_loop3A_1296, %get3A_699 : vector<16xf32>
          %parallel_loop3A_1298 = arith.constant 0 : i32
          %parallel_loop3A_1299 = arith.constant 0 : i32
          %parallel_loop3A_1300 = tpu.memref_slice %run_scoped3A_8[%rem3A_612, %parallel_loop3A_1298, %parallel_loop3A_1299] : memref<2x400x64xf32, #tpu.memory_space<vmem>> -> memref<1x400x64xf32, #tpu.memory_space<vmem>>
          %parallel_loop3A_1301 = tpu.memref_squeeze %parallel_loop3A_1300 : memref<1x400x64xf32, #tpu.memory_space<vmem>> -> memref<400x64xf32, #tpu.memory_space<vmem>>
          %parallel_loop3A_1302 = arith.index_cast %parallel_loop3A_1172 : i32 to index
          %parallel_loop3A_1303 = arith.constant 48 : index
          %parallel_loop3A_1304 = tpu.vector_load %parallel_loop3A_1301[%parallel_loop3A_1302, %parallel_loop3A_1303] {strides = array<i32>} : memref<400x64xf32, #tpu.memory_space<vmem>>, vector<16xf32>,
          tpu.vector_store %parallel_loop3A_1301[%parallel_loop3A_1302, %parallel_loop3A_1303], %parallel_loop3A_1297 {strides = array<i32>} : memref<400x64xf32, #tpu.memory_space<vmem>>, vector<16xf32>,
        } {sc.loop_unroll_factor = 5 : i64, sc.parallel_access}
        %ne3A_767 = arith.cmpi ne, %add3A_208, %add3A_226 : i32
        %or3A_768 = arith.constant false
        %or3A_769 = arith.ori %or3A_768, %ne3A_767 : i1
        %or3A_770 = arith.constant false
        %or3A_771 = arith.ori %or3A_769, %or3A_770 : i1
        %or3A_772 = arith.ori %or3A_771, %eq3A_207 : i1
        %convert_element_type3A_773 = arith.extui %or3A_772 : i1 to i32
        %cond3A_774 = arith.constant 0 : i32
        %cond3A_775 = arith.cmpi ne, %convert_element_type3A_773, %cond3A_774 : i32
        scf.if %cond3A_775 {
        } else {
        }
        %and3A_776 = arith.constant false
        %and3A_777 = arith.andi %or3A_772, %and3A_776 : i1
        %jit3A_778 = arith.constant 16 : i32
        %div3A_779 = arith.divsi %add3A_208, %jit3A_778 : i32
        %sign3A_780 = arith.constant 0 : i32
        %sign3A_781 = arith.cmpi sgt, %add3A_208, %sign3A_780 : i32
        %sign3A_782 = arith.extui %sign3A_781 : i1 to i32
        %sign3A_783 = arith.constant 0 : i32
        %sign3A_784 = arith.cmpi slt, %add3A_208, %sign3A_783 : i32
        %sign3A_785 = arith.extui %sign3A_784 : i1 to i32
        %sign3A_786 = arith.subi %sign3A_782, %sign3A_785 : i32
        %sign3A_787 = arith.constant 0 : i32
        %sign3A_788 = arith.cmpi sgt, %jit3A_778, %sign3A_787 : i32
        %sign3A_789 = arith.extui %sign3A_788 : i1 to i32
        %sign3A_790 = arith.constant 0 : i32
        %sign3A_791 = arith.cmpi slt, %jit3A_778, %sign3A_790 : i32
        %sign3A_792 = arith.extui %sign3A_791 : i1 to i32
        %sign3A_793 = arith.subi %sign3A_789, %sign3A_792 : i32
        %ne3A_794 = arith.cmpi ne, %sign3A_786, %sign3A_793 : i32
        %rem3A_795 = arith.remsi %add3A_208, %jit3A_778 : i32
        %ne3A_796 = arith.constant 0 : i32
        %ne3A_797 = arith.cmpi ne, %rem3A_795, %ne3A_796 : i32
        %and3A_798 = arith.andi %ne3A_794, %ne3A_797 : i1
        %sub3A_799 = arith.constant 1 : i32
        %sub3A_800 = arith.subi %div3A_779, %sub3A_799 : i32
        %select_n3A_801 = arith.select %and3A_798, %sub3A_800, %div3A_779 : i32
        %mul3A_802 = arith.constant 8 : i32
        %mul3A_803 = arith.muli %select_n3A_801, %mul3A_802 : i32
        %jit3A_804 = arith.constant 8 : i32
        %eq3A_805 = arith.constant 0 : i32
        %eq3A_806 = arith.cmpi eq, %jit3A_804, %eq3A_805 : i32
        %jit3A_807 = arith.constant 1 : i32
        %select_n3A_808 = arith.select %eq3A_806, %jit3A_807, %jit3A_804 : i32
        %rem3A_809 = arith.remsi %add3A_208, %select_n3A_808 : i32
        %ne3A_810 = arith.constant 0 : i32
        %ne3A_811 = arith.cmpi ne, %rem3A_809, %ne3A_810 : i32
        %lt3A_812 = arith.constant 0 : i32
        %lt3A_813 = arith.cmpi slt, %rem3A_809, %lt3A_812 : i32
        %lt3A_814 = arith.constant 0 : i32
        %lt3A_815 = arith.cmpi slt, %select_n3A_808, %lt3A_814 : i32
        %ne3A_816 = arith.xori %lt3A_813, %lt3A_815 : i1
        %and3A_817 = arith.andi %ne3A_816, %ne3A_811 : i1
        %add3A_818 = arith.addi %rem3A_809, %select_n3A_808 : i32
        %select_n3A_819 = arith.select %and3A_817, %add3A_818, %rem3A_809 : i32
        %add3A_820 = arith.addi %mul3A_803, %select_n3A_819 : i32
        %jit3A_821 = arith.constant 16 : i32
        %eq3A_822 = arith.constant 0 : i32
        %eq3A_823 = arith.cmpi eq, %jit3A_821, %eq3A_822 : i32
        %jit3A_824 = arith.constant 1 : i32
        %select_n3A_825 = arith.select %eq3A_823, %jit3A_824, %jit3A_821 : i32
        %rem3A_826 = arith.remsi %add3A_208, %select_n3A_825 : i32
        %ne3A_827 = arith.constant 0 : i32
        %ne3A_828 = arith.cmpi ne, %rem3A_826, %ne3A_827 : i32
        %lt3A_829 = arith.constant 0 : i32
        %lt3A_830 = arith.cmpi slt, %rem3A_826, %lt3A_829 : i32
        %lt3A_831 = arith.constant 0 : i32
        %lt3A_832 = arith.cmpi slt, %select_n3A_825, %lt3A_831 : i32
        %ne3A_833 = arith.xori %lt3A_830, %lt3A_832 : i1
        %and3A_834 = arith.andi %ne3A_833, %ne3A_828 : i1
        %add3A_835 = arith.addi %rem3A_826, %select_n3A_825 : i32
        %select_n3A_836 = arith.select %and3A_834, %add3A_835, %rem3A_826 : i32
        %jit3A_837 = arith.constant 8 : i32
        %div3A_838 = arith.divsi %select_n3A_836, %jit3A_837 : i32
        %sign3A_839 = arith.constant 0 : i32
        %sign3A_840 = arith.cmpi sgt, %select_n3A_836, %sign3A_839 : i32
        %sign3A_841 = arith.extui %sign3A_840 : i1 to i32
        %sign3A_842 = arith.constant 0 : i32
        %sign3A_843 = arith.cmpi slt, %select_n3A_836, %sign3A_842 : i32
        %sign3A_844 = arith.extui %sign3A_843 : i1 to i32
        %sign3A_845 = arith.subi %sign3A_841, %sign3A_844 : i32
        %sign3A_846 = arith.constant 0 : i32
        %sign3A_847 = arith.cmpi sgt, %jit3A_837, %sign3A_846 : i32
        %sign3A_848 = arith.extui %sign3A_847 : i1 to i32
        %sign3A_849 = arith.constant 0 : i32
        %sign3A_850 = arith.cmpi slt, %jit3A_837, %sign3A_849 : i32
        %sign3A_851 = arith.extui %sign3A_850 : i1 to i32
        %sign3A_852 = arith.subi %sign3A_848, %sign3A_851 : i32
        %ne3A_853 = arith.cmpi ne, %sign3A_845, %sign3A_852 : i32
        %rem3A_854 = arith.remsi %select_n3A_836, %jit3A_837 : i32
        %ne3A_855 = arith.constant 0 : i32
        %ne3A_856 = arith.cmpi ne, %rem3A_854, %ne3A_855 : i32
        %and3A_857 = arith.andi %ne3A_853, %ne3A_856 : i1
        %sub3A_858 = arith.constant 1 : i32
        %sub3A_859 = arith.subi %div3A_838, %sub3A_858 : i32
        %select_n3A_860 = arith.select %and3A_857, %sub3A_859, %div3A_838 : i32
        %jit3A_861 = arith.constant 16 : i32
        %div3A_862 = arith.divsi %add3A_226, %jit3A_861 : i32
        %sign3A_863 = arith.constant 0 : i32
        %sign3A_864 = arith.cmpi sgt, %add3A_226, %sign3A_863 : i32
        %sign3A_865 = arith.extui %sign3A_864 : i1 to i32
        %sign3A_866 = arith.constant 0 : i32
        %sign3A_867 = arith.cmpi slt, %add3A_226, %sign3A_866 : i32
        %sign3A_868 = arith.extui %sign3A_867 : i1 to i32
        %sign3A_869 = arith.subi %sign3A_865, %sign3A_868 : i32
        %sign3A_870 = arith.constant 0 : i32
        %sign3A_871 = arith.cmpi sgt, %jit3A_861, %sign3A_870 : i32
        %sign3A_872 = arith.extui %sign3A_871 : i1 to i32
        %sign3A_873 = arith.constant 0 : i32
        %sign3A_874 = arith.cmpi slt, %jit3A_861, %sign3A_873 : i32
        %sign3A_875 = arith.extui %sign3A_874 : i1 to i32
        %sign3A_876 = arith.subi %sign3A_872, %sign3A_875 : i32
        %ne3A_877 = arith.cmpi ne, %sign3A_869, %sign3A_876 : i32
        %rem3A_878 = arith.remsi %add3A_226, %jit3A_861 : i32
        %ne3A_879 = arith.constant 0 : i32
        %ne3A_880 = arith.cmpi ne, %rem3A_878, %ne3A_879 : i32
        %and3A_881 = arith.andi %ne3A_877, %ne3A_880 : i1
        %sub3A_882 = arith.constant 1 : i32
        %sub3A_883 = arith.subi %div3A_862, %sub3A_882 : i32
        %select_n3A_884 = arith.select %and3A_881, %sub3A_883, %div3A_862 : i32
        %mul3A_885 = arith.constant 8 : i32
        %mul3A_886 = arith.muli %select_n3A_884, %mul3A_885 : i32
        %jit3A_887 = arith.constant 8 : i32
        %eq3A_888 = arith.constant 0 : i32
        %eq3A_889 = arith.cmpi eq, %jit3A_887, %eq3A_888 : i32
        %jit3A_890 = arith.constant 1 : i32
        %select_n3A_891 = arith.select %eq3A_889, %jit3A_890, %jit3A_887 : i32
        %rem3A_892 = arith.remsi %add3A_226, %select_n3A_891 : i32
        %ne3A_893 = arith.constant 0 : i32
        %ne3A_894 = arith.cmpi ne, %rem3A_892, %ne3A_893 : i32
        %lt3A_895 = arith.constant 0 : i32
        %lt3A_896 = arith.cmpi slt, %rem3A_892, %lt3A_895 : i32
        %lt3A_897 = arith.constant 0 : i32
        %lt3A_898 = arith.cmpi slt, %select_n3A_891, %lt3A_897 : i32
        %ne3A_899 = arith.xori %lt3A_896, %lt3A_898 : i1
        %and3A_900 = arith.andi %ne3A_899, %ne3A_894 : i1
        %add3A_901 = arith.addi %rem3A_892, %select_n3A_891 : i32
        %select_n3A_902 = arith.select %and3A_900, %add3A_901, %rem3A_892 : i32
        %add3A_903 = arith.addi %mul3A_886, %select_n3A_902 : i32
        %jit3A_904 = arith.constant 16 : i32
        %eq3A_905 = arith.constant 0 : i32
        %eq3A_906 = arith.cmpi eq, %jit3A_904, %eq3A_905 : i32
        %jit3A_907 = arith.constant 1 : i32
        %select_n3A_908 = arith.select %eq3A_906, %jit3A_907, %jit3A_904 : i32
        %rem3A_909 = arith.remsi %add3A_226, %select_n3A_908 : i32
        %ne3A_910 = arith.constant 0 : i32
        %ne3A_911 = arith.cmpi ne, %rem3A_909, %ne3A_910 : i32
        %lt3A_912 = arith.constant 0 : i32
        %lt3A_913 = arith.cmpi slt, %rem3A_909, %lt3A_912 : i32
        %lt3A_914 = arith.constant 0 : i32
        %lt3A_915 = arith.cmpi slt, %select_n3A_908, %lt3A_914 : i32
        %ne3A_916 = arith.xori %lt3A_913, %lt3A_915 : i1
        %and3A_917 = arith.andi %ne3A_916, %ne3A_911 : i1
        %add3A_918 = arith.addi %rem3A_909, %select_n3A_908 : i32
        %select_n3A_919 = arith.select %and3A_917, %add3A_918, %rem3A_909 : i32
        %jit3A_920 = arith.constant 8 : i32
        %div3A_921 = arith.divsi %select_n3A_919, %jit3A_920 : i32
        %sign3A_922 = arith.constant 0 : i32
        %sign3A_923 = arith.cmpi sgt, %select_n3A_919, %sign3A_922 : i32
        %sign3A_924 = arith.extui %sign3A_923 : i1 to i32
        %sign3A_925 = arith.constant 0 : i32
        %sign3A_926 = arith.cmpi slt, %select_n3A_919, %sign3A_925 : i32
        %sign3A_927 = arith.extui %sign3A_926 : i1 to i32
        %sign3A_928 = arith.subi %sign3A_924, %sign3A_927 : i32
        %sign3A_929 = arith.constant 0 : i32
        %sign3A_930 = arith.cmpi sgt, %jit3A_920, %sign3A_929 : i32
        %sign3A_931 = arith.extui %sign3A_930 : i1 to i32
        %sign3A_932 = arith.constant 0 : i32
        %sign3A_933 = arith.cmpi slt, %jit3A_920, %sign3A_932 : i32
        %sign3A_934 = arith.extui %sign3A_933 : i1 to i32
        %sign3A_935 = arith.subi %sign3A_931, %sign3A_934 : i32
        %ne3A_936 = arith.cmpi ne, %sign3A_928, %sign3A_935 : i32
        %rem3A_937 = arith.remsi %select_n3A_919, %jit3A_920 : i32
        %ne3A_938 = arith.constant 0 : i32
        %ne3A_939 = arith.cmpi ne, %rem3A_937, %ne3A_938 : i32
        %and3A_940 = arith.andi %ne3A_936, %ne3A_939 : i1
        %sub3A_941 = arith.constant 1 : i32
        %sub3A_942 = arith.subi %div3A_921, %sub3A_941 : i32
        %select_n3A_943 = arith.select %and3A_940, %sub3A_942, %div3A_921 : i32
        %ne3A_944 = arith.cmpi ne, %add3A_820, %add3A_903 : i32
        %ne3A_945 = arith.cmpi ne, %select_n3A_860, %select_n3A_943 : i32
        %or3A_946 = arith.constant false
        %or3A_947 = arith.ori %or3A_946, %ne3A_944 : i1
        %or3A_948 = arith.ori %or3A_947, %ne3A_945 : i1
        %or3A_949 = arith.ori %or3A_948, %eq3A_207 : i1
        %convert_element_type3A_950 = arith.extui %or3A_949 : i1 to i32
        %cond3A_951 = arith.constant 0 : i32
        %cond3A_952 = arith.cmpi ne, %convert_element_type3A_950, %cond3A_951 : i32
        scf.if %cond3A_952 {
          %rem3A_1170 = arith.constant 2 : i32
          %rem3A_1171 = arith.remui %scan3A_201, %rem3A_1170 : i32
          %jit3A_1172 = arith.constant 16 : i32
          %div3A_1173 = arith.divsi %add3A_208, %jit3A_1172 : i32
          %sign3A_1174 = arith.constant 0 : i32
          %sign3A_1175 = arith.cmpi sgt, %add3A_208, %sign3A_1174 : i32
          %sign3A_1176 = arith.extui %sign3A_1175 : i1 to i32
          %sign3A_1177 = arith.constant 0 : i32
          %sign3A_1178 = arith.cmpi slt, %add3A_208, %sign3A_1177 : i32
          %sign3A_1179 = arith.extui %sign3A_1178 : i1 to i32
          %sign3A_1180 = arith.subi %sign3A_1176, %sign3A_1179 : i32
          %sign3A_1181 = arith.constant 0 : i32
          %sign3A_1182 = arith.cmpi sgt, %jit3A_1172, %sign3A_1181 : i32
          %sign3A_1183 = arith.extui %sign3A_1182 : i1 to i32
          %sign3A_1184 = arith.constant 0 : i32
          %sign3A_1185 = arith.cmpi slt, %jit3A_1172, %sign3A_1184 : i32
          %sign3A_1186 = arith.extui %sign3A_1185 : i1 to i32
          %sign3A_1187 = arith.subi %sign3A_1183, %sign3A_1186 : i32
          %ne3A_1188 = arith.cmpi ne, %sign3A_1180, %sign3A_1187 : i32
          %rem3A_1189 = arith.remsi %add3A_208, %jit3A_1172 : i32
          %ne3A_1190 = arith.constant 0 : i32
          %ne3A_1191 = arith.cmpi ne, %rem3A_1189, %ne3A_1190 : i32
          %and3A_1192 = arith.andi %ne3A_1188, %ne3A_1191 : i1
          %sub3A_1193 = arith.constant 1 : i32
          %sub3A_1194 = arith.subi %div3A_1173, %sub3A_1193 : i32
          %select_n3A_1195 = arith.select %and3A_1192, %sub3A_1194, %div3A_1173 : i32
          %mul3A_1196 = arith.constant 8 : i32
          %mul3A_1197 = arith.muli %select_n3A_1195, %mul3A_1196 : i32
          %jit3A_1198 = arith.constant 8 : i32
          %eq3A_1199 = arith.constant 0 : i32
          %eq3A_1200 = arith.cmpi eq, %jit3A_1198, %eq3A_1199 : i32
          %jit3A_1201 = arith.constant 1 : i32
          %select_n3A_1202 = arith.select %eq3A_1200, %jit3A_1201, %jit3A_1198 : i32
          %rem3A_1203 = arith.remsi %add3A_208, %select_n3A_1202 : i32
          %ne3A_1204 = arith.constant 0 : i32
          %ne3A_1205 = arith.cmpi ne, %rem3A_1203, %ne3A_1204 : i32
          %lt3A_1206 = arith.constant 0 : i32
          %lt3A_1207 = arith.cmpi slt, %rem3A_1203, %lt3A_1206 : i32
          %lt3A_1208 = arith.constant 0 : i32
          %lt3A_1209 = arith.cmpi slt, %select_n3A_1202, %lt3A_1208 : i32
          %ne3A_1210 = arith.xori %lt3A_1207, %lt3A_1209 : i1
          %and3A_1211 = arith.andi %ne3A_1210, %ne3A_1205 : i1
          %add3A_1212 = arith.addi %rem3A_1203, %select_n3A_1202 : i32
          %select_n3A_1213 = arith.select %and3A_1211, %add3A_1212, %rem3A_1203 : i32
          %add3A_1214 = arith.addi %mul3A_1197, %select_n3A_1213 : i32
          %jit3A_1215 = arith.constant 16 : i32
          %eq3A_1216 = arith.constant 0 : i32
          %eq3A_1217 = arith.cmpi eq, %jit3A_1215, %eq3A_1216 : i32
          %jit3A_1218 = arith.constant 1 : i32
          %select_n3A_1219 = arith.select %eq3A_1217, %jit3A_1218, %jit3A_1215 : i32
          %rem3A_1220 = arith.remsi %add3A_208, %select_n3A_1219 : i32
          %ne3A_1221 = arith.constant 0 : i32
          %ne3A_1222 = arith.cmpi ne, %rem3A_1220, %ne3A_1221 : i32
          %lt3A_1223 = arith.constant 0 : i32
          %lt3A_1224 = arith.cmpi slt, %rem3A_1220, %lt3A_1223 : i32
          %lt3A_1225 = arith.constant 0 : i32
          %lt3A_1226 = arith.cmpi slt, %select_n3A_1219, %lt3A_1225 : i32
          %ne3A_1227 = arith.xori %lt3A_1224, %lt3A_1226 : i1
          %and3A_1228 = arith.andi %ne3A_1227, %ne3A_1222 : i1
          %add3A_1229 = arith.addi %rem3A_1220, %select_n3A_1219 : i32
          %select_n3A_1230 = arith.select %and3A_1228, %add3A_1229, %rem3A_1220 : i32
          %jit3A_1231 = arith.constant 8 : i32
          %div3A_1232 = arith.divsi %select_n3A_1230, %jit3A_1231 : i32
          %sign3A_1233 = arith.constant 0 : i32
          %sign3A_1234 = arith.cmpi sgt, %select_n3A_1230, %sign3A_1233 : i32
          %sign3A_1235 = arith.extui %sign3A_1234 : i1 to i32
          %sign3A_1236 = arith.constant 0 : i32
          %sign3A_1237 = arith.cmpi slt, %select_n3A_1230, %sign3A_1236 : i32
          %sign3A_1238 = arith.extui %sign3A_1237 : i1 to i32
          %sign3A_1239 = arith.subi %sign3A_1235, %sign3A_1238 : i32
          %sign3A_1240 = arith.constant 0 : i32
          %sign3A_1241 = arith.cmpi sgt, %jit3A_1231, %sign3A_1240 : i32
          %sign3A_1242 = arith.extui %sign3A_1241 : i1 to i32
          %sign3A_1243 = arith.constant 0 : i32
          %sign3A_1244 = arith.cmpi slt, %jit3A_1231, %sign3A_1243 : i32
          %sign3A_1245 = arith.extui %sign3A_1244 : i1 to i32
          %sign3A_1246 = arith.subi %sign3A_1242, %sign3A_1245 : i32
          %ne3A_1247 = arith.cmpi ne, %sign3A_1239, %sign3A_1246 : i32
          %rem3A_1248 = arith.remsi %select_n3A_1230, %jit3A_1231 : i32
          %ne3A_1249 = arith.constant 0 : i32
          %ne3A_1250 = arith.cmpi ne, %rem3A_1248, %ne3A_1249 : i32
          %and3A_1251 = arith.andi %ne3A_1247, %ne3A_1250 : i1
          %sub3A_1252 = arith.constant 1 : i32
          %sub3A_1253 = arith.subi %div3A_1232, %sub3A_1252 : i32
          %select_n3A_1254 = arith.select %and3A_1251, %sub3A_1253, %div3A_1232 : i32
          %mul3A_1255 = arith.constant 400 : i32
          %mul3A_1256 = arith.muli %mul3A_1255, %add3A_1214 : i32
          %mul3A_1257 = arith.constant 64 : i32
          %mul3A_1258 = arith.muli %mul3A_1257, %select_n3A_1254 : i32
          %dma_start3A_1259 = arith.constant 0 : i32
          %dma_start3A_1260 = arith.constant 0 : i32
          %dma_start3A_1261 = tpu.memref_slice %run_scoped3A_8[%rem3A_1171, %dma_start3A_1259, %dma_start3A_1260] : memref<2x400x64xf32, #tpu.memory_space<vmem>> -> memref<1x400x64xf32, #tpu.memory_space<vmem>>
          %dma_start3A_1262 = tpu.memref_squeeze %dma_start3A_1261 : memref<1x400x64xf32, #tpu.memory_space<vmem>> -> memref<400x64xf32, #tpu.memory_space<vmem>>
          %dma_start3A_1263 = tpu.memref_slice %arg6[%mul3A_1256, %mul3A_1258] : memref<409600x128xf32, #tpu.memory_space<hbm>> -> memref<400x64xf32, #tpu.memory_space<hbm>>
          %dma_start3A_1264 = tpu.memref_slice %run_scoped3A_9[%rem3A_1171] : memref<2x!tpu.dma_semaphore, #tpu.memory_space<semaphore_mem>> -> memref<1x!tpu.dma_semaphore, #tpu.memory_space<semaphore_mem>>
          %dma_start3A_1265 = tpu.memref_squeeze %dma_start3A_1264 : memref<1x!tpu.dma_semaphore, #tpu.memory_space<semaphore_mem>> -> memref<!tpu.dma_semaphore, #tpu.memory_space<semaphore_mem>>
          %dma_start3A_1266 = tpu.memref_slice %arg6[%mul3A_1256, %mul3A_1258] : memref<409600x128xf32, #tpu.memory_space<hbm>> -> memref<400x64xf32, #tpu.memory_space<hbm>>
          %dma_start3A_1267 = arith.constant 0 : i32
          %dma_start3A_1268 = arith.constant 0 : i32
          %dma_start3A_1269 = tpu.memref_slice %run_scoped3A_8[%rem3A_1171, %dma_start3A_1267, %dma_start3A_1268] : memref<2x400x64xf32, #tpu.memory_space<vmem>> -> memref<1x400x64xf32, #tpu.memory_space<vmem>>
          %dma_start3A_1270 = tpu.memref_squeeze %dma_start3A_1269 : memref<1x400x64xf32, #tpu.memory_space<vmem>> -> memref<400x64xf32, #tpu.memory_space<vmem>>
          tpu.enqueue_dma source(%dma_start3A_1270 : memref<400x64xf32, #tpu.memory_space<vmem>>) target(%dma_start3A_1266 : memref<400x64xf32, #tpu.memory_space<hbm>>) target_semaphore(%dma_start3A_1265 : memref<!tpu.dma_semaphore, #tpu.memory_space<semaphore_mem>>)
        } else {
        }
        %and3A_953 = arith.constant true
        %and3A_954 = arith.andi %or3A_949, %and3A_953 : i1
        %add3A_955 = arith.constant 1 : i32
        %add3A_956 = arith.addi %scan3A_201, %add3A_955 : i32
        %select_n3A_957 = arith.select %and3A_954, %add3A_956, %scan3A_201 : i32
        %ne3A_958 = arith.cmpi ne, %add3A_208, %add3A_217 : i32
        %or3A_959 = arith.constant false
        %or3A_960 = arith.ori %or3A_959, %ne3A_958 : i1
        %or3A_961 = arith.constant false
        %or3A_962 = arith.ori %or3A_960, %or3A_961 : i1
        %not3A_963 = arith.constant true
        %not3A_964 = arith.xori %eq3A_205, %not3A_963 : i1
        %and3A_965 = arith.andi %or3A_962, %not3A_964 : i1
        %convert_element_type3A_966 = arith.extui %and3A_965 : i1 to i32
        %cond3A_967 = arith.constant 0 : i32
        %cond3A_968 = arith.cmpi ne, %convert_element_type3A_966, %cond3A_967 : i32
        scf.if %cond3A_968 {
        } else {
        }
        %and3A_969 = arith.constant false
        %and3A_970 = arith.andi %and3A_965, %and3A_969 : i1
        %jit3A_971 = arith.constant 16 : i32
        %div3A_972 = arith.divsi %add3A_208, %jit3A_971 : i32
        %sign3A_973 = arith.constant 0 : i32
        %sign3A_974 = arith.cmpi sgt, %add3A_208, %sign3A_973 : i32
        %sign3A_975 = arith.extui %sign3A_974 : i1 to i32
        %sign3A_976 = arith.constant 0 : i32
        %sign3A_977 = arith.cmpi slt, %add3A_208, %sign3A_976 : i32
        %sign3A_978 = arith.extui %sign3A_977 : i1 to i32
        %sign3A_979 = arith.subi %sign3A_975, %sign3A_978 : i32
        %sign3A_980 = arith.constant 0 : i32
        %sign3A_981 = arith.cmpi sgt, %jit3A_971, %sign3A_980 : i32
        %sign3A_982 = arith.extui %sign3A_981 : i1 to i32
        %sign3A_983 = arith.constant 0 : i32
        %sign3A_984 = arith.cmpi slt, %jit3A_971, %sign3A_983 : i32
        %sign3A_985 = arith.extui %sign3A_984 : i1 to i32
        %sign3A_986 = arith.subi %sign3A_982, %sign3A_985 : i32
        %ne3A_987 = arith.cmpi ne, %sign3A_979, %sign3A_986 : i32
        %rem3A_988 = arith.remsi %add3A_208, %jit3A_971 : i32
        %ne3A_989 = arith.constant 0 : i32
        %ne3A_990 = arith.cmpi ne, %rem3A_988, %ne3A_989 : i32
        %and3A_991 = arith.andi %ne3A_987, %ne3A_990 : i1
        %sub3A_992 = arith.constant 1 : i32
        %sub3A_993 = arith.subi %div3A_972, %sub3A_992 : i32
        %select_n3A_994 = arith.select %and3A_991, %sub3A_993, %div3A_972 : i32
        %mul3A_995 = arith.constant 8 : i32
        %mul3A_996 = arith.muli %select_n3A_994, %mul3A_995 : i32
        %jit3A_997 = arith.constant 8 : i32
        %eq3A_998 = arith.constant 0 : i32
        %eq3A_999 = arith.cmpi eq, %jit3A_997, %eq3A_998 : i32
        %jit3A_1000 = arith.constant 1 : i32
        %select_n3A_1001 = arith.select %eq3A_999, %jit3A_1000, %jit3A_997 : i32
        %rem3A_1002 = arith.remsi %add3A_208, %select_n3A_1001 : i32
        %ne3A_1003 = arith.constant 0 : i32
        %ne3A_1004 = arith.cmpi ne, %rem3A_1002, %ne3A_1003 : i32
        %lt3A_1005 = arith.constant 0 : i32
        %lt3A_1006 = arith.cmpi slt, %rem3A_1002, %lt3A_1005 : i32
        %lt3A_1007 = arith.constant 0 : i32
        %lt3A_1008 = arith.cmpi slt, %select_n3A_1001, %lt3A_1007 : i32
        %ne3A_1009 = arith.xori %lt3A_1006, %lt3A_1008 : i1
        %and3A_1010 = arith.andi %ne3A_1009, %ne3A_1004 : i1
        %add3A_1011 = arith.addi %rem3A_1002, %select_n3A_1001 : i32
        %select_n3A_1012 = arith.select %and3A_1010, %add3A_1011, %rem3A_1002 : i32
        %add3A_1013 = arith.addi %mul3A_996, %select_n3A_1012 : i32
        %jit3A_1014 = arith.constant 16 : i32
        %eq3A_1015 = arith.constant 0 : i32
        %eq3A_1016 = arith.cmpi eq, %jit3A_1014, %eq3A_1015 : i32
        %jit3A_1017 = arith.constant 1 : i32
        %select_n3A_1018 = arith.select %eq3A_1016, %jit3A_1017, %jit3A_1014 : i32
        %rem3A_1019 = arith.remsi %add3A_208, %select_n3A_1018 : i32
        %ne3A_1020 = arith.constant 0 : i32
        %ne3A_1021 = arith.cmpi ne, %rem3A_1019, %ne3A_1020 : i32
        %lt3A_1022 = arith.constant 0 : i32
        %lt3A_1023 = arith.cmpi slt, %rem3A_1019, %lt3A_1022 : i32
        %lt3A_1024 = arith.constant 0 : i32
        %lt3A_1025 = arith.cmpi slt, %select_n3A_1018, %lt3A_1024 : i32
        %ne3A_1026 = arith.xori %lt3A_1023, %lt3A_1025 : i1
        %and3A_1027 = arith.andi %ne3A_1026, %ne3A_1021 : i1
        %add3A_1028 = arith.addi %rem3A_1019, %select_n3A_1018 : i32
        %select_n3A_1029 = arith.select %and3A_1027, %add3A_1028, %rem3A_1019 : i32
        %jit3A_1030 = arith.constant 8 : i32
        %div3A_1031 = arith.divsi %select_n3A_1029, %jit3A_1030 : i32
        %sign3A_1032 = arith.constant 0 : i32
        %sign3A_1033 = arith.cmpi sgt, %select_n3A_1029, %sign3A_1032 : i32
        %sign3A_1034 = arith.extui %sign3A_1033 : i1 to i32
        %sign3A_1035 = arith.constant 0 : i32
        %sign3A_1036 = arith.cmpi slt, %select_n3A_1029, %sign3A_1035 : i32
        %sign3A_1037 = arith.extui %sign3A_1036 : i1 to i32
        %sign3A_1038 = arith.subi %sign3A_1034, %sign3A_1037 : i32
        %sign3A_1039 = arith.constant 0 : i32
        %sign3A_1040 = arith.cmpi sgt, %jit3A_1030, %sign3A_1039 : i32
        %sign3A_1041 = arith.extui %sign3A_1040 : i1 to i32
        %sign3A_1042 = arith.constant 0 : i32
        %sign3A_1043 = arith.cmpi slt, %jit3A_1030, %sign3A_1042 : i32
        %sign3A_1044 = arith.extui %sign3A_1043 : i1 to i32
        %sign3A_1045 = arith.subi %sign3A_1041, %sign3A_1044 : i32
        %ne3A_1046 = arith.cmpi ne, %sign3A_1038, %sign3A_1045 : i32
        %rem3A_1047 = arith.remsi %select_n3A_1029, %jit3A_1030 : i32
        %ne3A_1048 = arith.constant 0 : i32
        %ne3A_1049 = arith.cmpi ne, %rem3A_1047, %ne3A_1048 : i32
        %and3A_1050 = arith.andi %ne3A_1046, %ne3A_1049 : i1
        %sub3A_1051 = arith.constant 1 : i32
        %sub3A_1052 = arith.subi %div3A_1031, %sub3A_1051 : i32
        %select_n3A_1053 = arith.select %and3A_1050, %sub3A_1052, %div3A_1031 : i32
        %jit3A_1054 = arith.constant 16 : i32
        %div3A_1055 = arith.divsi %add3A_217, %jit3A_1054 : i32
        %sign3A_1056 = arith.constant 0 : i32
        %sign3A_1057 = arith.cmpi sgt, %add3A_217, %sign3A_1056 : i32
        %sign3A_1058 = arith.extui %sign3A_1057 : i1 to i32
        %sign3A_1059 = arith.constant 0 : i32
        %sign3A_1060 = arith.cmpi slt, %add3A_217, %sign3A_1059 : i32
        %sign3A_1061 = arith.extui %sign3A_1060 : i1 to i32
        %sign3A_1062 = arith.subi %sign3A_1058, %sign3A_1061 : i32
        %sign3A_1063 = arith.constant 0 : i32
        %sign3A_1064 = arith.cmpi sgt, %jit3A_1054, %sign3A_1063 : i32
        %sign3A_1065 = arith.extui %sign3A_1064 : i1 to i32
        %sign3A_1066 = arith.constant 0 : i32
        %sign3A_1067 = arith.cmpi slt, %jit3A_1054, %sign3A_1066 : i32
        %sign3A_1068 = arith.extui %sign3A_1067 : i1 to i32
        %sign3A_1069 = arith.subi %sign3A_1065, %sign3A_1068 : i32
        %ne3A_1070 = arith.cmpi ne, %sign3A_1062, %sign3A_1069 : i32
        %rem3A_1071 = arith.remsi %add3A_217, %jit3A_1054 : i32
        %ne3A_1072 = arith.constant 0 : i32
        %ne3A_1073 = arith.cmpi ne, %rem3A_1071, %ne3A_1072 : i32
        %and3A_1074 = arith.andi %ne3A_1070, %ne3A_1073 : i1
        %sub3A_1075 = arith.constant 1 : i32
        %sub3A_1076 = arith.subi %div3A_1055, %sub3A_1075 : i32
        %select_n3A_1077 = arith.select %and3A_1074, %sub3A_1076, %div3A_1055 : i32
        %mul3A_1078 = arith.constant 8 : i32
        %mul3A_1079 = arith.muli %select_n3A_1077, %mul3A_1078 : i32
        %jit3A_1080 = arith.constant 8 : i32
        %eq3A_1081 = arith.constant 0 : i32
        %eq3A_1082 = arith.cmpi eq, %jit3A_1080, %eq3A_1081 : i32
        %jit3A_1083 = arith.constant 1 : i32
        %select_n3A_1084 = arith.select %eq3A_1082, %jit3A_1083, %jit3A_1080 : i32
        %rem3A_1085 = arith.remsi %add3A_217, %select_n3A_1084 : i32
        %ne3A_1086 = arith.constant 0 : i32
        %ne3A_1087 = arith.cmpi ne, %rem3A_1085, %ne3A_1086 : i32
        %lt3A_1088 = arith.constant 0 : i32
        %lt3A_1089 = arith.cmpi slt, %rem3A_1085, %lt3A_1088 : i32
        %lt3A_1090 = arith.constant 0 : i32
        %lt3A_1091 = arith.cmpi slt, %select_n3A_1084, %lt3A_1090 : i32
        %ne3A_1092 = arith.xori %lt3A_1089, %lt3A_1091 : i1
        %and3A_1093 = arith.andi %ne3A_1092, %ne3A_1087 : i1
        %add3A_1094 = arith.addi %rem3A_1085, %select_n3A_1084 : i32
        %select_n3A_1095 = arith.select %and3A_1093, %add3A_1094, %rem3A_1085 : i32
        %add3A_1096 = arith.addi %mul3A_1079, %select_n3A_1095 : i32
        %jit3A_1097 = arith.constant 16 : i32
        %eq3A_1098 = arith.constant 0 : i32
        %eq3A_1099 = arith.cmpi eq, %jit3A_1097, %eq3A_1098 : i32
        %jit3A_1100 = arith.constant 1 : i32
        %select_n3A_1101 = arith.select %eq3A_1099, %jit3A_1100, %jit3A_1097 : i32
        %rem3A_1102 = arith.remsi %add3A_217, %select_n3A_1101 : i32
        %ne3A_1103 = arith.constant 0 : i32
        %ne3A_1104 = arith.cmpi ne, %rem3A_1102, %ne3A_1103 : i32
        %lt3A_1105 = arith.constant 0 : i32
        %lt3A_1106 = arith.cmpi slt, %rem3A_1102, %lt3A_1105 : i32
        %lt3A_1107 = arith.constant 0 : i32
        %lt3A_1108 = arith.cmpi slt, %select_n3A_1101, %lt3A_1107 : i32
        %ne3A_1109 = arith.xori %lt3A_1106, %lt3A_1108 : i1
        %and3A_1110 = arith.andi %ne3A_1109, %ne3A_1104 : i1
        %add3A_1111 = arith.addi %rem3A_1102, %select_n3A_1101 : i32
        %select_n3A_1112 = arith.select %and3A_1110, %add3A_1111, %rem3A_1102 : i32
        %jit3A_1113 = arith.constant 8 : i32
        %div3A_1114 = arith.divsi %select_n3A_1112, %jit3A_1113 : i32
        %sign3A_1115 = arith.constant 0 : i32
        %sign3A_1116 = arith.cmpi sgt, %select_n3A_1112, %sign3A_1115 : i32
        %sign3A_1117 = arith.extui %sign3A_1116 : i1 to i32
        %sign3A_1118 = arith.constant 0 : i32
        %sign3A_1119 = arith.cmpi slt, %select_n3A_1112, %sign3A_1118 : i32
        %sign3A_1120 = arith.extui %sign3A_1119 : i1 to i32
        %sign3A_1121 = arith.subi %sign3A_1117, %sign3A_1120 : i32
        %sign3A_1122 = arith.constant 0 : i32
        %sign3A_1123 = arith.cmpi sgt, %jit3A_1113, %sign3A_1122 : i32
        %sign3A_1124 = arith.extui %sign3A_1123 : i1 to i32
        %sign3A_1125 = arith.constant 0 : i32
        %sign3A_1126 = arith.cmpi slt, %jit3A_1113, %sign3A_1125 : i32
        %sign3A_1127 = arith.extui %sign3A_1126 : i1 to i32
        %sign3A_1128 = arith.subi %sign3A_1124, %sign3A_1127 : i32
        %ne3A_1129 = arith.cmpi ne, %sign3A_1121, %sign3A_1128 : i32
        %rem3A_1130 = arith.remsi %select_n3A_1112, %jit3A_1113 : i32
        %ne3A_1131 = arith.constant 0 : i32
        %ne3A_1132 = arith.cmpi ne, %rem3A_1130, %ne3A_1131 : i32
        %and3A_1133 = arith.andi %ne3A_1129, %ne3A_1132 : i1
        %sub3A_1134 = arith.constant 1 : i32
        %sub3A_1135 = arith.subi %div3A_1114, %sub3A_1134 : i32
        %select_n3A_1136 = arith.select %and3A_1133, %sub3A_1135, %div3A_1114 : i32
        %ne3A_1137 = arith.cmpi ne, %add3A_1013, %add3A_1096 : i32
        %ne3A_1138 = arith.cmpi ne, %select_n3A_1053, %select_n3A_1136 : i32
        %or3A_1139 = arith.constant false
        %or3A_1140 = arith.ori %or3A_1139, %ne3A_1137 : i1
        %or3A_1141 = arith.ori %or3A_1140, %ne3A_1138 : i1
        %not3A_1142 = arith.constant true
        %not3A_1143 = arith.xori %eq3A_205, %not3A_1142 : i1
        %and3A_1144 = arith.andi %or3A_1141, %not3A_1143 : i1
        %convert_element_type3A_1145 = arith.extui %and3A_1144 : i1 to i32
        %cond3A_1146 = arith.constant 0 : i32
        %cond3A_1147 = arith.cmpi ne, %convert_element_type3A_1145, %cond3A_1146 : i32
        scf.if %cond3A_1147 {
          %rem3A_1170 = arith.constant 2 : i32
          %rem3A_1171 = arith.remui %scan3A_202, %rem3A_1170 : i32
          %jit3A_1172 = arith.constant 16 : i32
          %div3A_1173 = arith.divsi %add3A_217, %jit3A_1172 : i32
          %sign3A_1174 = arith.constant 0 : i32
          %sign3A_1175 = arith.cmpi sgt, %add3A_217, %sign3A_1174 : i32
          %sign3A_1176 = arith.extui %sign3A_1175 : i1 to i32
          %sign3A_1177 = arith.constant 0 : i32
          %sign3A_1178 = arith.cmpi slt, %add3A_217, %sign3A_1177 : i32
          %sign3A_1179 = arith.extui %sign3A_1178 : i1 to i32
          %sign3A_1180 = arith.subi %sign3A_1176, %sign3A_1179 : i32
          %sign3A_1181 = arith.constant 0 : i32
          %sign3A_1182 = arith.cmpi sgt, %jit3A_1172, %sign3A_1181 : i32
          %sign3A_1183 = arith.extui %sign3A_1182 : i1 to i32
          %sign3A_1184 = arith.constant 0 : i32
          %sign3A_1185 = arith.cmpi slt, %jit3A_1172, %sign3A_1184 : i32
          %sign3A_1186 = arith.extui %sign3A_1185 : i1 to i32
          %sign3A_1187 = arith.subi %sign3A_1183, %sign3A_1186 : i32
          %ne3A_1188 = arith.cmpi ne, %sign3A_1180, %sign3A_1187 : i32
          %rem3A_1189 = arith.remsi %add3A_217, %jit3A_1172 : i32
          %ne3A_1190 = arith.constant 0 : i32
          %ne3A_1191 = arith.cmpi ne, %rem3A_1189, %ne3A_1190 : i32
          %and3A_1192 = arith.andi %ne3A_1188, %ne3A_1191 : i1
          %sub3A_1193 = arith.constant 1 : i32
          %sub3A_1194 = arith.subi %div3A_1173, %sub3A_1193 : i32
          %select_n3A_1195 = arith.select %and3A_1192, %sub3A_1194, %div3A_1173 : i32
          %mul3A_1196 = arith.constant 8 : i32
          %mul3A_1197 = arith.muli %select_n3A_1195, %mul3A_1196 : i32
          %jit3A_1198 = arith.constant 8 : i32
          %eq3A_1199 = arith.constant 0 : i32
          %eq3A_1200 = arith.cmpi eq, %jit3A_1198, %eq3A_1199 : i32
          %jit3A_1201 = arith.constant 1 : i32
          %select_n3A_1202 = arith.select %eq3A_1200, %jit3A_1201, %jit3A_1198 : i32
          %rem3A_1203 = arith.remsi %add3A_217, %select_n3A_1202 : i32
          %ne3A_1204 = arith.constant 0 : i32
          %ne3A_1205 = arith.cmpi ne, %rem3A_1203, %ne3A_1204 : i32
          %lt3A_1206 = arith.constant 0 : i32
          %lt3A_1207 = arith.cmpi slt, %rem3A_1203, %lt3A_1206 : i32
          %lt3A_1208 = arith.constant 0 : i32
          %lt3A_1209 = arith.cmpi slt, %select_n3A_1202, %lt3A_1208 : i32
          %ne3A_1210 = arith.xori %lt3A_1207, %lt3A_1209 : i1
          %and3A_1211 = arith.andi %ne3A_1210, %ne3A_1205 : i1
          %add3A_1212 = arith.addi %rem3A_1203, %select_n3A_1202 : i32
          %select_n3A_1213 = arith.select %and3A_1211, %add3A_1212, %rem3A_1203 : i32
          %add3A_1214 = arith.addi %mul3A_1197, %select_n3A_1213 : i32
          %jit3A_1215 = arith.constant 16 : i32
          %eq3A_1216 = arith.constant 0 : i32
          %eq3A_1217 = arith.cmpi eq, %jit3A_1215, %eq3A_1216 : i32
          %jit3A_1218 = arith.constant 1 : i32
          %select_n3A_1219 = arith.select %eq3A_1217, %jit3A_1218, %jit3A_1215 : i32
          %rem3A_1220 = arith.remsi %add3A_217, %select_n3A_1219 : i32
          %ne3A_1221 = arith.constant 0 : i32
          %ne3A_1222 = arith.cmpi ne, %rem3A_1220, %ne3A_1221 : i32
          %lt3A_1223 = arith.constant 0 : i32
          %lt3A_1224 = arith.cmpi slt, %rem3A_1220, %lt3A_1223 : i32
          %lt3A_1225 = arith.constant 0 : i32
          %lt3A_1226 = arith.cmpi slt, %select_n3A_1219, %lt3A_1225 : i32
          %ne3A_1227 = arith.xori %lt3A_1224, %lt3A_1226 : i1
          %and3A_1228 = arith.andi %ne3A_1227, %ne3A_1222 : i1
          %add3A_1229 = arith.addi %rem3A_1220, %select_n3A_1219 : i32
          %select_n3A_1230 = arith.select %and3A_1228, %add3A_1229, %rem3A_1220 : i32
          %jit3A_1231 = arith.constant 8 : i32
          %div3A_1232 = arith.divsi %select_n3A_1230, %jit3A_1231 : i32
          %sign3A_1233 = arith.constant 0 : i32
          %sign3A_1234 = arith.cmpi sgt, %select_n3A_1230, %sign3A_1233 : i32
          %sign3A_1235 = arith.extui %sign3A_1234 : i1 to i32
          %sign3A_1236 = arith.constant 0 : i32
          %sign3A_1237 = arith.cmpi slt, %select_n3A_1230, %sign3A_1236 : i32
          %sign3A_1238 = arith.extui %sign3A_1237 : i1 to i32
          %sign3A_1239 = arith.subi %sign3A_1235, %sign3A_1238 : i32
          %sign3A_1240 = arith.constant 0 : i32
          %sign3A_1241 = arith.cmpi sgt, %jit3A_1231, %sign3A_1240 : i32
          %sign3A_1242 = arith.extui %sign3A_1241 : i1 to i32
          %sign3A_1243 = arith.constant 0 : i32
          %sign3A_1244 = arith.cmpi slt, %jit3A_1231, %sign3A_1243 : i32
          %sign3A_1245 = arith.extui %sign3A_1244 : i1 to i32
          %sign3A_1246 = arith.subi %sign3A_1242, %sign3A_1245 : i32
          %ne3A_1247 = arith.cmpi ne, %sign3A_1239, %sign3A_1246 : i32
          %rem3A_1248 = arith.remsi %select_n3A_1230, %jit3A_1231 : i32
          %ne3A_1249 = arith.constant 0 : i32
          %ne3A_1250 = arith.cmpi ne, %rem3A_1248, %ne3A_1249 : i32
          %and3A_1251 = arith.andi %ne3A_1247, %ne3A_1250 : i1
          %sub3A_1252 = arith.constant 1 : i32
          %sub3A_1253 = arith.subi %div3A_1232, %sub3A_1252 : i32
          %select_n3A_1254 = arith.select %and3A_1251, %sub3A_1253, %div3A_1232 : i32
          %mul3A_1255 = arith.constant 400 : i32
          %mul3A_1256 = arith.muli %mul3A_1255, %add3A_1214 : i32
          %mul3A_1257 = arith.constant 64 : i32
          %mul3A_1258 = arith.muli %mul3A_1257, %select_n3A_1254 : i32
          %dma_wait3A_1259 = arith.constant 0 : i32
          %dma_wait3A_1260 = arith.constant 0 : i32
          %dma_wait3A_1261 = tpu.memref_slice %run_scoped3A_8[%rem3A_1171, %dma_wait3A_1259, %dma_wait3A_1260] : memref<2x400x64xf32, #tpu.memory_space<vmem>> -> memref<1x400x64xf32, #tpu.memory_space<vmem>>
          %dma_wait3A_1262 = tpu.memref_squeeze %dma_wait3A_1261 : memref<1x400x64xf32, #tpu.memory_space<vmem>> -> memref<400x64xf32, #tpu.memory_space<vmem>>
          %dma_wait3A_1263 = tpu.memref_slice %arg6[%mul3A_1256, %mul3A_1258] : memref<409600x128xf32, #tpu.memory_space<hbm>> -> memref<400x64xf32, #tpu.memory_space<hbm>>
          %dma_wait3A_1264 = tpu.memref_slice %run_scoped3A_9[%rem3A_1171] : memref<2x!tpu.dma_semaphore, #tpu.memory_space<semaphore_mem>> -> memref<1x!tpu.dma_semaphore, #tpu.memory_space<semaphore_mem>>
          %dma_wait3A_1265 = tpu.memref_squeeze %dma_wait3A_1264 : memref<1x!tpu.dma_semaphore, #tpu.memory_space<semaphore_mem>> -> memref<!tpu.dma_semaphore, #tpu.memory_space<semaphore_mem>>
          %dma_wait3A_1266 = tpu.memref_slice %arg6[%mul3A_1256, %mul3A_1258] : memref<409600x128xf32, #tpu.memory_space<hbm>> -> memref<400x64xf32, #tpu.memory_space<hbm>>
          %dma_wait3A_1267 = arith.constant 0 : i32
          %dma_wait3A_1268 = arith.constant 0 : i32
          %dma_wait3A_1269 = tpu.memref_slice %run_scoped3A_8[%rem3A_1171, %dma_wait3A_1267, %dma_wait3A_1268] : memref<2x400x64xf32, #tpu.memory_space<vmem>> -> memref<1x400x64xf32, #tpu.memory_space<vmem>>
          %dma_wait3A_1270 = tpu.memref_squeeze %dma_wait3A_1269 : memref<1x400x64xf32, #tpu.memory_space<vmem>> -> memref<400x64xf32, #tpu.memory_space<vmem>>
          tpu.wait_dma2 semaphore(%dma_wait3A_1265 : memref<!tpu.dma_semaphore, #tpu.memory_space<semaphore_mem>>) src(%dma_wait3A_1270 : memref<400x64xf32, #tpu.memory_space<vmem>>) dst(%dma_wait3A_1266 : memref<400x64xf32, #tpu.memory_space<hbm>>)
        } else {
        }
        %and3A_1148 = arith.constant true
        %and3A_1149 = arith.andi %and3A_1144, %and3A_1148 : i1
        %add3A_1150 = arith.constant 1 : i32
        %add3A_1151 = arith.addi %scan3A_202, %add3A_1150 : i32
        %select_n3A_1152 = arith.select %and3A_1149, %add3A_1151, %scan3A_202 : i32
        %ne3A_1153 = arith.cmpi ne, %add3A_208, %add3A_226 : i32
        %or3A_1154 = arith.constant false
        %or3A_1155 = arith.ori %or3A_1154, %ne3A_1153 : i1
        %or3A_1156 = arith.constant false
        %or3A_1157 = arith.ori %or3A_1155, %or3A_1156 : i1
        %or3A_1158 = arith.ori %or3A_1157, %eq3A_207 : i1
        %add3A_1159 = arith.constant 1 : i32
        %add3A_1160 = arith.addi %scan3A_200, %add3A_1159 : i32
        %select_n3A_1161 = arith.select %or3A_1158, %add3A_1160, %scan3A_200 : i32
        %add3A_1162 = arith.constant 1 : i32
        %add3A_1163 = arith.addi %scan3A_203, %add3A_1162 : i32
        %select_n3A_1164 = arith.constant true
        %select_n3A_1165 = arith.select %select_n3A_1164, %add3A_1163, %scan3A_203 : i32
        %eq3A_1166 = arith.constant 64 : i32
        %eq3A_1167 = arith.cmpi eq, %select_n3A_1165, %eq3A_1166 : i32
        %select_n3A_1168 = arith.constant 0 : i32
        %select_n3A_1169 = arith.select %eq3A_1167, %select_n3A_1168, %select_n3A_1165 : i32
        scf.yield %select_n3A_248, %select_n3A_1161, %select_n3A_957, %select_n3A_1152, %select_n3A_1169 : i32, i32, i32, i32, i32
      }
      %scan3A_68 = arith.constant 64 : i32
      %sub3A = arith.constant 1 : i32
      %sub3A_69 = arith.subi %scan3A_67#4, %sub3A : i32
      %select_n3A_70 = arith.constant true
      %select_n3A_71 = arith.select %select_n3A_70, %sub3A_69, %scan3A_67#4 : i32
      %eq3A_72 = arith.constant -1 : i32
      %eq3A_73 = arith.cmpi eq, %select_n3A_71, %eq3A_72 : i32
      %select_n3A_74 = arith.constant 63 : i32
      %select_n3A_75 = arith.select %eq3A_73, %select_n3A_74, %select_n3A_71 : i32
      %add3A_76 = arith.addi %select_n3A_75, %mul3A_6 : i32
      %sub3A_77 = arith.constant 1 : i32
      %sub3A_78 = arith.subi %select_n3A_75, %sub3A_77 : i32
      %select_n3A_79 = arith.constant true
      %select_n3A_80 = arith.select %select_n3A_79, %sub3A_78, %select_n3A_75 : i32
      %eq3A_81 = arith.constant -1 : i32
      %eq3A_82 = arith.cmpi eq, %select_n3A_80, %eq3A_81 : i32
      %select_n3A_83 = arith.constant 63 : i32
      %select_n3A_84 = arith.select %eq3A_82, %select_n3A_83, %select_n3A_80 : i32
      %add3A_85 = arith.addi %select_n3A_84, %mul3A_6 : i32
      %add3A_86 = arith.constant 1 : i32
      %add3A_87 = arith.addi %select_n3A_75, %add3A_86 : i32
      %select_n3A_88 = arith.constant true
      %select_n3A_89 = arith.select %select_n3A_88, %add3A_87, %select_n3A_75 : i32
      %eq3A_90 = arith.constant 64 : i32
      %eq3A_91 = arith.cmpi eq, %select_n3A_89, %eq3A_90 : i32
      %select_n3A_92 = arith.constant 0 : i32
      %select_n3A_93 = arith.select %eq3A_91, %select_n3A_92, %select_n3A_89 : i32
      %add3A_94 = arith.addi %select_n3A_93, %mul3A_6 : i32
      %add3A_95 = arith.constant 1 : i32
      %add3A_96 = arith.addi %select_n3A_93, %add3A_95 : i32
      %select_n3A_97 = arith.constant true
      %select_n3A_98 = arith.select %select_n3A_97, %add3A_96, %select_n3A_93 : i32
      %eq3A_99 = arith.constant 64 : i32
      %eq3A_100 = arith.cmpi eq, %select_n3A_98, %eq3A_99 : i32
      %select_n3A_101 = arith.constant 0 : i32
      %select_n3A_102 = arith.select %eq3A_100, %select_n3A_101, %select_n3A_98 : i32
      %add3A_103 = arith.addi %select_n3A_102, %mul3A_6 : i32
      %rem3A_104 = arith.constant 2 : i32
      %rem3A_105 = arith.remui %scan3A_67#3, %rem3A_104 : i32
      %jit3A = arith.constant 16 : i32
      %div3A = arith.divsi %add3A_76, %jit3A : i32
      %sign3A = arith.constant 0 : i32
      %sign3A_106 = arith.cmpi sgt, %add3A_76, %sign3A : i32
      %sign3A_107 = arith.extui %sign3A_106 : i1 to i32
      %sign3A_108 = arith.constant 0 : i32
      %sign3A_109 = arith.cmpi slt, %add3A_76, %sign3A_108 : i32
      %sign3A_110 = arith.extui %sign3A_109 : i1 to i32
      %sign3A_111 = arith.subi %sign3A_107, %sign3A_110 : i32
      %sign3A_112 = arith.constant 0 : i32
      %sign3A_113 = arith.cmpi sgt, %jit3A, %sign3A_112 : i32
      %sign3A_114 = arith.extui %sign3A_113 : i1 to i32
      %sign3A_115 = arith.constant 0 : i32
      %sign3A_116 = arith.cmpi slt, %jit3A, %sign3A_115 : i32
      %sign3A_117 = arith.extui %sign3A_116 : i1 to i32
      %sign3A_118 = arith.subi %sign3A_114, %sign3A_117 : i32
      %ne3A = arith.cmpi ne, %sign3A_111, %sign3A_118 : i32
      %rem3A_119 = arith.remsi %add3A_76, %jit3A : i32
      %ne3A_120 = arith.constant 0 : i32
      %ne3A_121 = arith.cmpi ne, %rem3A_119, %ne3A_120 : i32
      %and3A = arith.andi %ne3A, %ne3A_121 : i1
      %sub3A_122 = arith.constant 1 : i32
      %sub3A_123 = arith.subi %div3A, %sub3A_122 : i32
      %select_n3A_124 = arith.select %and3A, %sub3A_123, %div3A : i32
      %mul3A_125 = arith.constant 8 : i32
      %mul3A_126 = arith.muli %select_n3A_124, %mul3A_125 : i32
      %jit3A_127 = arith.constant 8 : i32
      %eq3A_128 = arith.constant 0 : i32
      %eq3A_129 = arith.cmpi eq, %jit3A_127, %eq3A_128 : i32
      %jit3A_130 = arith.constant 1 : i32
      %select_n3A_131 = arith.select %eq3A_129, %jit3A_130, %jit3A_127 : i32
      %rem3A_132 = arith.remsi %add3A_76, %select_n3A_131 : i32
      %ne3A_133 = arith.constant 0 : i32
      %ne3A_134 = arith.cmpi ne, %rem3A_132, %ne3A_133 : i32
      %lt3A = arith.constant 0 : i32
      %lt3A_135 = arith.cmpi slt, %rem3A_132, %lt3A : i32
      %lt3A_136 = arith.constant 0 : i32
      %lt3A_137 = arith.cmpi slt, %select_n3A_131, %lt3A_136 : i32
      %ne3A_138 = arith.xori %lt3A_135, %lt3A_137 : i1
      %and3A_139 = arith.andi %ne3A_138, %ne3A_134 : i1
      %add3A_140 = arith.addi %rem3A_132, %select_n3A_131 : i32
      %select_n3A_141 = arith.select %and3A_139, %add3A_140, %rem3A_132 : i32
      %add3A_142 = arith.addi %mul3A_126, %select_n3A_141 : i32
      %jit3A_143 = arith.constant 16 : i32
      %eq3A_144 = arith.constant 0 : i32
      %eq3A_145 = arith.cmpi eq, %jit3A_143, %eq3A_144 : i32
      %jit3A_146 = arith.constant 1 : i32
      %select_n3A_147 = arith.select %eq3A_145, %jit3A_146, %jit3A_143 : i32
      %rem3A_148 = arith.remsi %add3A_76, %select_n3A_147 : i32
      %ne3A_149 = arith.constant 0 : i32
      %ne3A_150 = arith.cmpi ne, %rem3A_148, %ne3A_149 : i32
      %lt3A_151 = arith.constant 0 : i32
      %lt3A_152 = arith.cmpi slt, %rem3A_148, %lt3A_151 : i32
      %lt3A_153 = arith.constant 0 : i32
      %lt3A_154 = arith.cmpi slt, %select_n3A_147, %lt3A_153 : i32
      %ne3A_155 = arith.xori %lt3A_152, %lt3A_154 : i1
      %and3A_156 = arith.andi %ne3A_155, %ne3A_150 : i1
      %add3A_157 = arith.addi %rem3A_148, %select_n3A_147 : i32
      %select_n3A_158 = arith.select %and3A_156, %add3A_157, %rem3A_148 : i32
      %jit3A_159 = arith.constant 8 : i32
      %div3A_160 = arith.divsi %select_n3A_158, %jit3A_159 : i32
      %sign3A_161 = arith.constant 0 : i32
      %sign3A_162 = arith.cmpi sgt, %select_n3A_158, %sign3A_161 : i32
      %sign3A_163 = arith.extui %sign3A_162 : i1 to i32
      %sign3A_164 = arith.constant 0 : i32
      %sign3A_165 = arith.cmpi slt, %select_n3A_158, %sign3A_164 : i32
      %sign3A_166 = arith.extui %sign3A_165 : i1 to i32
      %sign3A_167 = arith.subi %sign3A_163, %sign3A_166 : i32
      %sign3A_168 = arith.constant 0 : i32
      %sign3A_169 = arith.cmpi sgt, %jit3A_159, %sign3A_168 : i32
      %sign3A_170 = arith.extui %sign3A_169 : i1 to i32
      %sign3A_171 = arith.constant 0 : i32
      %sign3A_172 = arith.cmpi slt, %jit3A_159, %sign3A_171 : i32
      %sign3A_173 = arith.extui %sign3A_172 : i1 to i32
      %sign3A_174 = arith.subi %sign3A_170, %sign3A_173 : i32
      %ne3A_175 = arith.cmpi ne, %sign3A_167, %sign3A_174 : i32
      %rem3A_176 = arith.remsi %select_n3A_158, %jit3A_159 : i32
      %ne3A_177 = arith.constant 0 : i32
      %ne3A_178 = arith.cmpi ne, %rem3A_176, %ne3A_177 : i32
      %and3A_179 = arith.andi %ne3A_175, %ne3A_178 : i1
      %sub3A_180 = arith.constant 1 : i32
      %sub3A_181 = arith.subi %div3A_160, %sub3A_180 : i32
      %select_n3A_182 = arith.select %and3A_179, %sub3A_181, %div3A_160 : i32
      %mul3A_183 = arith.constant 400 : i32
      %mul3A_184 = arith.muli %mul3A_183, %add3A_142 : i32
      %mul3A_185 = arith.constant 64 : i32
      %mul3A_186 = arith.muli %mul3A_185, %select_n3A_182 : i32
      %dma_wait3A = arith.constant 0 : i32
      %dma_wait3A_187 = arith.constant 0 : i32
      %dma_wait3A_188 = tpu.memref_slice %run_scoped3A_8[%rem3A_105, %dma_wait3A, %dma_wait3A_187] : memref<2x400x64xf32, #tpu.memory_space<vmem>> -> memref<1x400x64xf32, #tpu.memory_space<vmem>>
      %dma_wait3A_189 = tpu.memref_squeeze %dma_wait3A_188 : memref<1x400x64xf32, #tpu.memory_space<vmem>> -> memref<400x64xf32, #tpu.memory_space<vmem>>
      %dma_wait3A_190 = tpu.memref_slice %arg6[%mul3A_184, %mul3A_186] : memref<409600x128xf32, #tpu.memory_space<hbm>> -> memref<400x64xf32, #tpu.memory_space<hbm>>
      %dma_wait3A_191 = tpu.memref_slice %run_scoped3A_9[%rem3A_105] : memref<2x!tpu.dma_semaphore, #tpu.memory_space<semaphore_mem>> -> memref<1x!tpu.dma_semaphore, #tpu.memory_space<semaphore_mem>>
      %dma_wait3A_192 = tpu.memref_squeeze %dma_wait3A_191 : memref<1x!tpu.dma_semaphore, #tpu.memory_space<semaphore_mem>> -> memref<!tpu.dma_semaphore, #tpu.memory_space<semaphore_mem>>
      %dma_wait3A_193 = tpu.memref_slice %arg6[%mul3A_184, %mul3A_186] : memref<409600x128xf32, #tpu.memory_space<hbm>> -> memref<400x64xf32, #tpu.memory_space<hbm>>
      %dma_wait3A_194 = arith.constant 0 : i32
      %dma_wait3A_195 = arith.constant 0 : i32
      %dma_wait3A_196 = tpu.memref_slice %run_scoped3A_8[%rem3A_105, %dma_wait3A_194, %dma_wait3A_195] : memref<2x400x64xf32, #tpu.memory_space<vmem>> -> memref<1x400x64xf32, #tpu.memory_space<vmem>>
      %dma_wait3A_197 = tpu.memref_squeeze %dma_wait3A_196 : memref<1x400x64xf32, #tpu.memory_space<vmem>> -> memref<400x64xf32, #tpu.memory_space<vmem>>
      tpu.wait_dma2 semaphore(%dma_wait3A_192 : memref<!tpu.dma_semaphore, #tpu.memory_space<semaphore_mem>>) src(%dma_wait3A_197 : memref<400x64xf32, #tpu.memory_space<vmem>>) dst(%dma_wait3A_193 : memref<400x64xf32, #tpu.memory_space<hbm>>)
      tpu.yield
    }) : () -> ()
    return
  }
}

module attributes {stable_mosaic.version = 14 : i64} {
  func.func @body(%arg0: i32, %arg1: memref<3200x128xf32, #tpu.memory_space<vmem>>, %arg2: memref<32x200x64xf32, #tpu.memory_space<vmem>>) attributes {dimension_semantics = [#tpu.dimension_semantics<arbitrary>], iteration_bounds = array<i64: 128>, scalar_prefetch = 0 : i64, scratch_operands = 0 : i64, tpu.core_type = #tpu.core_type<tc>, window_params = [{transform_indices = @transform_0, window_bounds = array<i64: 3200, 128>}, {transform_indices = @transform_1, window_bounds = array<i64: 32, 200, 64>}]} {
    %get3A = arith.constant 0 : index
    %get3A_0 = arith.constant 0 : index
    %get3A_1 = vector.load %arg1[%get3A, %get3A_0] : memref<3200x128xf32, #tpu.memory_space<vmem>>, vector<3200x128xf32>
    %slice3A = vector.extract_strided_slice %get3A_1 {offsets = [0, 0], sizes = [3200, 64], strides = [1, 1]} : vector<3200x128xf32> to vector<3200x64xf32>
    %reshape3A = vector.shape_cast %slice3A : vector<3200x64xf32> to vector<16x200x64xf32>
    %swap3A = arith.constant 0 : index
    %swap3A_2 = arith.constant 0 : index
    %swap3A_3 = arith.constant 0 : index
    %swap3A_4 = vector.load %arg2[%swap3A, %swap3A_2, %swap3A_3] : memref<32x200x64xf32, #tpu.memory_space<vmem>>, vector<16x200x64xf32>
    tpu.vector_store %arg2[%swap3A, %swap3A_2, %swap3A_3], %reshape3A {strides = array<i32>} : memref<32x200x64xf32, #tpu.memory_space<vmem>>, vector<16x200x64xf32>,
    %slice3A_5 = vector.extract_strided_slice %get3A_1 {offsets = [0, 64], sizes = [3200, 64], strides = [1, 1]} : vector<3200x128xf32> to vector<3200x64xf32>
    %reshape3A_6 = vector.shape_cast %slice3A_5 : vector<3200x64xf32> to vector<16x200x64xf32>
    %swap3A_7 = arith.constant 16 : index
    %swap3A_8 = arith.constant 0 : index
    %swap3A_9 = arith.constant 0 : index
    %swap3A_10 = vector.load %arg2[%swap3A_7, %swap3A_8, %swap3A_9] : memref<32x200x64xf32, #tpu.memory_space<vmem>>, vector<16x200x64xf32>
    tpu.vector_store %arg2[%swap3A_7, %swap3A_8, %swap3A_9], %reshape3A_6 {strides = array<i32>} : memref<32x200x64xf32, #tpu.memory_space<vmem>>, vector<16x200x64xf32>,
    return
  }
  func.func @transform_0(%arg0: i32) -> (i32, i32) {
    %c0_i32 = arith.constant 0 : i32
    %c0_i32_0 = arith.constant 0 : i32
    return %arg0, %c0_i32 : i32, i32
  }
  func.func @transform_1(%arg0: i32) -> (i32, i32, i32) {
    %c0_i32 = arith.constant 0 : i32
    %c0_i32_0 = arith.constant 0 : i32
    %c0_i32_1 = arith.constant 0 : i32
    return %arg0, %c0_i32, %c0_i32_0 : i32, i32, i32
  }
}

</mosaic_0001>

<sc_bundles>
// kernel: _impl.4.cloned.1.call-start
scs
__scs_entry_jumppad:
0x0: {  	(pc) =	sbr.rel $0x88, $3  }
0x1: {  	(tag) =	ssettag $0x0;
	lr =	simm.s32 $0x1  }
0x2: {  	[smem:$0x3F9D] =	sst lr;
	_ =	strace $0xD0000000  }
0x3: {  	_ = 	snop  }
0x4: {  	_ = 	snop  }
0x5: {  	_ = 	snop  }
0x6: {  	_ = 	snop  }
0x7: {  	_ = 	snop  }
__scs_overlays_trampoline_lowered:
0x8: {  	[smem:$0x3FAC] =	sst s0  }
0x9: {  	[smem:$0x3FAD] =	sst s1  }
0xa: {  	[smem:$0x3FAE] =	sst s2  }
0xb: {  	[smem:$0x3FAF] =	sst s3  }
0xc: {  	[smem:$0x3FB0] =	sst s4  }
0xd: {  	[smem:$0x3FB1] =	sst s5  }
0xe: {  	[smem:$0x3FB2] =	sst s6  }
0xf: {  	[smem:$0x3FB3] =	sst s7  }
0x10: {  	[smem:$0x3FB4] =	sst s8  }
0x11: {  	[smem:$0x3FB5] =	sst s9;
	s0 =	simm.s32 @!p0 $0x0  }
0x12: {  	s1 =	sld [smem:$0x3F9B];
	s0 =	simm.s32 @p0 $0x1  }
0x13: {  	[smem:$0x3FB6] =	sst s0;
	s0 =	simm.s32 @!p1 $0x0  }
0x14: {  	s2 =	sld [smem:$0x3F9A];
	s0 =	simm.s32 @p1 $0x1  }
0x15: {  	[smem:$0x3FB7] =	sst s0;
	s0 =	simm.s32 @!p2 $0x0  }
0x16: {  	s3 =	sld [smem:$0x3FDB];
	s0 =	simm.s32 @p2 $0x1  }
0x17: {  	s4 =	simm.s32 $0x1BF5;
	[smem:$0x3FB9] =	sst s0  }
0x18: {  	s0 =	sld [smem:$0x3F9C];
	_ =	swait.ge [sflag:s4], $0x0  }
0x19: {  	s7 =	sld [smem:$0x3F9D]  }
0x1a: {  	s8 =	sadd.s32 $0xFFFFE003, lr  }
0x1b: {  	s9 =	sadd.s32 $0xFFFFFEF7, lr;
	s5 =	simm.s32 $0xFFFFFFFF;
	p2 =	slt.u32 s8, $0xFFFFF086  }
0x1c: {  	p1 =	slt.u32 s9, $0xF7A;
	s5 =	simm.s32 @!p2 $0x0  }
0x1d: {  	s5 =	simm.s32 @p1 $0x1;
	p0 =	seq.s32 s7, s2  }
0x1e: {  	s7 =	smul.u32 @!p0 $0xF7A, s2;
	p2 =	seq.s32 @!p0 s5, $0x0  }
0x1f: {  	s9 =	smul.u32 $0xF7A, s1;
	s8 =	simm.s32 @!p0 $0x1BF5;
	p2 =	por !p2, p0  }
0x20: {  	[sflag:s8] =	ssyncset.s32 @!p0 $0xFFFFF086;
	s6 =	sadd.s32 @!p0 s3, s7;
	s7 =	simm.s32 @!p0 $0x108  }
0x21: {  	s3 =	sadd.s32 s3, s9;
	s6 =	sadd.s32 @!p0 $0x88, s6;
	s7 =	simm.s32 @p2 $0x1082  }
0x22: {  	[simem:s7], [sflag:s8] =	dma.local @!p0 [hbm:s6], $0xF7A  }
0x23: {  	s9 =	sor.u32 $0xD0000000, s2;
	s6 =	simm.s32 $0x108;
	_ =	swait.ge @!p0 [sflag:s8], $0x0  }
0x24: {  	s3 =	sadd.s32 $0x88, s3;
	s6 =	simm.s32 @!p1 $0x1082;
	[sflag:s4] =	ssyncset.s32 $0xFFFFF086  }
0x25: {  	[simem:s6], [sflag:s4] =	dma.local [hbm:s3], $0xF7A  }
0x26: {  	[smem:$0x3F9D] =	sst s1;
	(tag) =	ssettag s2;
	_ =	strace s9  }
0x27: {  	s1 =	sld [smem:$0x3FAD]  }
0x28: {  	s2 =	sld [smem:$0x3FAE]  }
0x29: {  	s4 =	sld [smem:$0x3FB0]  }
0x2a: {  	p0 =	seq.s32 s5, $0x0;
	s5 =	sld [smem:$0x3FB1]  }
0x2b: {  	s6 =	sld [smem:$0x3FB2]  }
0x2c: {  	s7 =	sld [smem:$0x3FB3]  }
0x2d: {  	s3 =	simm.s32 $0x108;
	s8 =	sld [smem:$0x3FB4]  }
0x2e: {  	s3 =	simm.s32 @!p0 $0x1082;
	s9 =	sld [smem:$0x3FB5]  }
0x2f: {  	lr =	sadd.s32 s0, s3;
	s0 =	sld [smem:$0x3FAC]  }
0x30: {  	s3 =	sld [smem:$0x3FAF]  }
0x31: {  	[smem:$0x3FB8] =	sst s10  }
0x32: {  	s10 =	sld [smem:$0x3FB6];
	_ =	sdelay $0x3  }
0x33: {  	p0 =	seq.s32 s10, $0x1;
	s10 =	sld [smem:$0x3FB8];
	_ =	sdelay $0x3  }
0x34: {  	[smem:$0x3FB8] =	sst s10  }
0x35: {  	s10 =	sld [smem:$0x3FB7];
	_ =	sdelay $0x3  }
0x36: {  	p1 =	seq.s32 s10, $0x1;
	s10 =	sld [smem:$0x3FB8];
	_ =	sdelay $0x3  }
0x37: {  	[smem:$0x3FB8] =	sst s10  }
0x38: {  	s10 =	sld [smem:$0x3FB9]  }
0x39: {  	_ = 	snop;
	(pc) =	sbr.ind lr, $3  }
0x3a: {  	_ = 	snop  }
0x3b: {  	_ = 	snop  }
0x3c: {  	p2 =	seq.s32 s10, $0x1;
	s10 =	sld [smem:$0x3FB8]  }
0x3d: {  	_ =	shalt  }
0x3e: {  	_ =	shalt  }
0x3f: {  	_ =	shalt  }
0x40: {  	_ =	shalt  }
0x41: {  	_ =	shalt  }
0x42: {  	_ =	shalt  }
0x43: {  	_ =	shalt  }
0x44: {  	_ =	shalt  }
0x45: {  	_ =	shalt  }
0x46: {  	_ =	shalt  }
0x47: {  	_ =	shalt  }
0x48: {  	_ =	shalt  }
0x49: {  	_ =	shalt  }
0x4a: {  	_ =	shalt  }
0x4b: {  	_ =	shalt  }
0x4c: {  	_ =	shalt  }
0x4d: {  	_ =	shalt  }
0x4e: {  	_ =	shalt  }
0x4f: {  	_ =	shalt  }
0x50: {  	_ =	shalt  }
0x51: {  	_ =	shalt  }
0x52: {  	_ =	shalt  }
0x53: {  	_ =	shalt  }
0x54: {  	_ =	shalt  }
0x55: {  	_ =	shalt  }
0x56: {  	_ =	shalt  }
0x57: {  	_ =	shalt  }
0x58: {  	_ =	shalt  }
0x59: {  	_ =	shalt  }
0x5a: {  	_ =	shalt  }
0x5b: {  	_ =	shalt  }
0x5c: {  	_ =	shalt  }
0x5d: {  	_ =	shalt  }
0x5e: {  	_ =	shalt  }
0x5f: {  	_ =	shalt  }
0x60: {  	_ =	shalt  }
0x61: {  	_ =	shalt  }
0x62: {  	_ =	shalt  }
0x63: {  	_ =	shalt  }
0x64: {  	_ =	shalt  }
0x65: {  	_ =	shalt  }
0x66: {  	_ =	shalt  }
0x67: {  	_ =	shalt  }
0x68: {  	_ =	shalt  }
0x69: {  	_ =	shalt  }
0x6a: {  	_ =	shalt  }
0x6b: {  	_ =	shalt  }
0x6c: {  	_ =	shalt  }
0x6d: {  	_ =	shalt  }
0x6e: {  	_ =	shalt  }
0x6f: {  	_ =	shalt  }
0x70: {  	_ =	shalt  }
0x71: {  	_ =	shalt  }
0x72: {  	_ =	shalt  }
0x73: {  	_ =	shalt  }
0x74: {  	_ =	shalt  }
0x75: {  	_ =	shalt  }
0x76: {  	_ =	shalt  }
0x77: {  	_ =	shalt  }
0x78: {  	_ =	shalt  }
0x79: {  	_ =	shalt  }
0x7a: {  	_ =	shalt  }
0x7b: {  	_ =	shalt  }
0x7c: {  	_ =	shalt  }
0x7d: {  	_ =	shalt  }
0x7e: {  	_ =	shalt  }
0x7f: {  	_ =	shalt  }
0x80: {  	_ =	shalt  }
0x81: {  	_ =	shalt  }
0x82: {  	_ =	shalt  }
0x83: {  	_ =	shalt  }
0x84: {  	_ =	shalt  }
0x85: {  	_ =	shalt  }
0x86: {  	_ =	shalt  }
0x87: {  	_ =	shalt  }
.Lfunc_end0:
.L_simem_size_0:
called_computation_lowered:
.L_overlay_start_0:
0x88: {  	s2 =	sld [smem:$0x3FD9]  }
0x89: {  	s3 =	sld [smem:$0x3FFE];
	_ =	sdelay $0x1  }
0x8a: {  	s1 =	srdreg.scid  }
0x8b: {  	s0 =	sand.u32 $0x1, s1  }
0x8c: {  	s17 =	sshll.u32 s0, $0xA;
	s2 =	sadd.s32 s3, s2  }
0x8d: {  	s2 =	sadd.s32 s2, s17  }
0x8e: {  	[smem:$0x3FC4] =	sst s2  }
0x8f: {  	_ = 	snop  }
0x90: {  	s2 =	sld [smem:$0x3FD0];
	(tm) =	ssettm $0x1  }
0x91: {  	s18 =	sld [smem:$0x3FFB];
	_ =	sdelay $0x3  }
0x92: {  	_ =	strace s18  }
0x93: {  	s3 =	sld [smem:$0x3FFC];
	_ =	sdelay $0x3  }
0x94: {  	_ =	strace s3  }
0x95: {  	s3 =	sld [smem:$0x3FFD];
	_ =	sdelay $0x3  }
0x96: {  	_ =	strace s3  }
0x97: {  	_ =	strace $0x8FFFFFFF  }
0x98: {  	s19 =	sld [smem:$0x3FDB];
	_ =	sdelay $0x1  }
0x99: {  	s4 =	simm.s32 $_scs_section_size  }
0x9a: {  	s5 =	simm.s32 $_size__tile_overlayer_lowered;
	s6 =	simm.s32 $_tile_overlayer_lowered  }
0x9b: {  	s22 =	simm.s32 $0x1BFF;
	s21 =	sshll.u32 s6, $0x1;
	s3 =	sadd.s32 s4, s19  }
0x9c: {  	s7 =	simm.s32 $0x0;
	s20 =	sshll.u32 s5, $0x1;
	s5 =	sadd.s32 s21, s3  }
0x9d: {  	[timem:s7], [sflag:s22] =	dma.local [hbm:s5], s20  }
0x9e: {  	_ =	swait.ge [sflag:s22], s20  }
0x9f: {  	s4 =	ssub.s32 $0x0, s20;
	[sflag:s22] =	ssyncset.done $0x0  }
0xa0: {  	[sflag:s22] =	ssyncadd.s32 s4;
	_ =	sdelay $0x1  }
0xa1: {  	s23 =	simm.s32 $0x1B8B  }
0xa2: {  	_ =	swait.ge [sflag:s23], $0x1  }
0xa3: {  	[sflag:s23] =	ssyncset.done $0x0  }
0xa4: {  	s25 =	simm.s32 $0x1B8E;
	s24 =	sld [smem:$0x3FFE];
	[sflag:s23] =	ssyncadd.s32 $0xFFFFFFFF  }
0xa5: {  	s26 =	simm.s32 $execute0_lowered;
	[smem:$0x3FD2] =	sst s25  }
0xa6: {  	s5 =	sshll.u32 s26, $0x1;
	_ =	strace $0x80000046;
	[dreg:$0x1] =	wrdreg $0xFFFFFFFF  }
0xa7: {  	s28 =	simm.s32 $_size_execute0_lowered;
	s3 =	sadd.s32 s3, s5;
	[dreg:$0x0] =	wrdreg $0x0  }
0xa8: {  	s5 =	sshll.u32 s28, $0x1;
	[dreg:$0x2] =	wrdreg s3  }
0xa9: {  	[dreg:$0x3] =	wrdreg s5  }
0xaa: {  	[dreg:$0x4] =	wrdreg $0xC0  }
0xab: {  	_ =	task [dreg:s7], $0x5FFFF  }
0xac: {  	[dreg:$0x1] =	wrdreg $0xFFFFFFFF  }
0xad: {  	[dreg:$0x0] =	wrdreg $0x60  }
0xae: {  	[dreg:$0x2] =	wrdreg s24  }
0xaf: {  	[dreg:$0x3] =	wrdreg s2  }
0xb0: {  	[dreg:$0x4] =	wrdreg $0x9  }
0xb1: {  	_ =	task.clear_ibuf [dreg:s7], $0x5FFFF;
	_ =	strace $0x90000046  }
0xb2: {  	s29 =	simm.s32 $0x9;
	_ =	strace $0x80000048  }
0xb3: {  	_ =	swait.ge [sflag:s29], $0x1  }
0xb4: {  	[sflag:s29] =	ssyncadd.s32 $0xFFFFFFFF  }
0xb5: {  	_ =	strace $0x90000048  }
0xb6: {  	_ =	sfence  }
0xb7: {  	s30 =	sld [smem:$0x0];
	_ =	sdelay $0x2  }
0xb8: {  	s31 =	sshll.u32 s1, $0xD;
	s1 =	sshrl.u32 s1, $0x2  }
0xb9: {  	s3 =	sand.u32 $0x4000, s31;
	s1 =	sadd.s32 s1, s30  }
0xba: {  	s0 =	sor.u32 s3, s0;
	s1 =	sshll.u32 s1, $0x11  }
0xbb: {  	s0 =	sor.u32 s1, s0  }
0xbc: {  	s0 =	sadd.s32 $0x8F2B, s0  }
0xbd: {  	[sflag:s0] =	ssyncadd.remote.s32 $0x1  }
0xbe: {  	_ =	sfence.sel $0xFFFF  }
0xbf: {  	[dreg:$0x0] =	wrdreg $0xFFFFFFFF;
	(pc) =	sbr.abs _section_cstart, $3  }
0xc0: {  	[dreg:$0x1] =	wrdreg $0xFFFFFFFF  }
0xc1: {  	_ =	task.clear_ibuf [dreg:s7], $0x2FFFF;
	_ =	strace $0x9FFFFFFF  }
0xc2: {  	(tm) =	ssettm $0x7FFFFFFF  }
0xc3: {  	_ =	shalt  }
tec
execute0_lowered:
.L_overlay_start_1:
0x0: {  	(tag) =	ssettag $0x1  }
0x1: {  	s0 =	rddreg [dreg:$0x0];
	s1 =	simm.s32 $0x0;
	s25 =	srdreg.scid  }
0x2: {  	s3 =	stileid.u32;
	[smem:$0x7FF] =	sst s1;
	s1 =	sand.u32 $0x1, s25  }
0x3: {  	s6 =	sadd.s32 $0xE00, s0;
	s5 =	sadd.s32 $0x1AE00, s0;
	s26 =	sadd.s32 $0x600, s0  }
0x4: {  	s0 =	sadd.s32 $0x400, s0;
	_ =	strace $0x80000047;
	[dreg:$0x4] =	wrdreg s26  }
0x5: {  	s2 =	sshll.u32 s1, $0x4;
	s1 =	ssub.s32 $0x2, s1;
	[dreg:$0x5] =	wrdreg s0  }
0x6: {  	[dreg:$0x3] =	wrdreg s6;
	s2 =	sor.u32 s3, s2;
	s28 =	sshrl.u32 s1, $0x1  }
0x7: {  	s4 =	smul.u32 $0xD00, s2;
	s29 =	ssub.s32 s1, s28;
	s30 =	sshll.u32 s2, $0x6  }
0x8: {  	[dreg:$0x6] =	wrdreg s30;
	s0 =	smax.u32 s29, $0x1  }
0x9: {  	s31 =	sadd.s32 s6, s4;
	[dreg:$0x8] =	wrdreg s0  }
0xa: {  	s2 =	simm.s32 $0x0;
	[dreg:$0x7] =	wrdreg s31  }
.LBB2_1:
0xb: {  	[dreg:$0x9] =	wrdreg s2;
	s0 =	simm.s32 $0x0  }
0xc: {  	s1 =	rddreg [dreg:$0x5];
	s23 =	simm.s32 $0x3200;
	s24 =	simm.s32 $0x1  }
0xd: {  	[tilespmem:s23], [sflag:$0x1] =	stream.linear.gather [hbm4b:s1+s0], $0x80, $0x38;
	[tilespmem:$0x161C0] =	vst v63  }
0xe: {  	_ =	swait.ge [sflag:s24], $0x80  }
0xf: {  	[sflag:s24] =	ssyncset.done $0x0  }
0x10: {  	s25 =	rddreg [dreg:$0x4];
	[sflag:s24] =	ssyncadd.s32 $0xFFFFFF80  }
0x11: {  	[tilespmem:s0], [sflag:$0x1] =	stream.linear.gather [hbm4b:s25+s0], $0x3200, $0x38;
	[tilespmem:$0x161C0] =	vst v63  }
0x12: {  	s30 =	simm.s32 $0x9680;
	_ =	swait.ge [sflag:s24], $0x3200  }
0x13: {  	s31 =	simm.s32 $0x0;
	s28 =	simm.s32 $0x1;
	[sflag:s24] =	ssyncset.done $0x0  }
0x14: {  	s29 =	simm.s32 $0x0;
	s26 =	rddreg [dreg:$0x7];
	[sflag:s24] =	ssyncadd.s32 $0xFFFFCE00  }
0x15: {  	[tilespmem:s30], [sflag:$0x6] =	stream.linear.gather [hbm4b:s26+s0], $0x1A0, $0x38;
	[tilespmem:$0x161C0] =	vst v63  }
0x16: {  	s25 =	simm.s32 $0x0;
	s24 =	simm.s32 $0x0;
	s26 =	simm.s32 $0x0  }
.LBB2_2:
0x17: {  	s30 =	sadd.s32 $0x1, s31  }
0x18: {  	p0 =	seq.s32 s30, $0x40  }
0x19: {  	s30 =	simm.s32 @p0 $0x0  }
0x1a: {  	p1 =	sne.s32 s29, $0x3F;
	p0 =	sne.s32 s31, s30  }
0x1b: {  	s8 =	rddreg [dreg:$0x6];
	p1 =	por !p1, !p0  }
0x1c: {  	s0 =	sadd.s32 s8, s30;
	p1 =	por !p1, !p1  }
0x1d: {  	s1 =	sand.u32 @p1 $0x1, s28;
	s3 =	smul.u32 @p1 $0x1A0, s0  }
0x1e: {  	s20 =	sand.u32 $0x1, s26;
	s2 =	smul.u32 @p1 $0x680, s1  }
0x1f: {  	s4 =	rddreg [dreg:$0x3];
	s21 =	sor.u32 $0x6, s20  }
0x20: {  	s1 =	sor.u32 @p1 $0x6, s1;
	s3 =	sshrl.u32 @p1 s3, $0x3;
	s2 =	sshrl.u32 @p1 s2, $0x2  }
0x21: {  	s3 =	sadd.s32 @p1 s4, s3;
	s4 =	simm.s32 @p1 $0x0;
	s2 =	sadd.s32 @p1 $0x9680, s2  }
0x22: {  	[tilespmem:s2], [sflag:s1] =	stream.linear.gather @p1 [hbm4b:s3+s4], $0x1A0, $0x38;
	[tilespmem:$0x161C0] =	vst v63  }
0x23: {  	p2 =	seq.s32 s20, $0x1;
	s1 =	simm.s32 $0x1A0;
	_ =	swait.ge [sflag:s21], $0x1A0  }
0x24: {  	s23 =	simm.s32 $0x64;
	s1 =	simm.s32 @!p2 $0x0;
	[sflag:s21] =	ssyncset.done $0x0  }
0x25: {  	s6 =	simm.s32 $0x3280;
	s22 =	sadd.s32 $0x9680, s1;
	[sflag:s21] =	ssyncadd.s32 $0xFFFFFE60  }
0x26: {  	[tilespmem:s6], [sflag:$0x2] =	stream.indirect.gather [hbm4b:s5+s23], $0x40, s22, s23, $0xb8;
	[tilespmem:$0x161C0] =	vst v63  }
0x27: {  	s9 =	simm.s32 $0x4B80;
	s7 =	sadd.s32 $0x96E8, s1  }
0x28: {  	[tilespmem:s9], [sflag:$0x3] =	stream.indirect.gather [hbm4b:s5+s23], $0x40, s7, s23, $0xb8;
	[tilespmem:$0x161C0] =	vst v63  }
0x29: {  	s11 =	simm.s32 $0x6480;
	s10 =	sadd.s32 $0x9750, s1  }
0x2a: {  	[tilespmem:s11], [sflag:$0x4] =	stream.indirect.gather [hbm4b:s5+s23], $0x40, s10, s23, $0xb8;
	[tilespmem:$0x161C0] =	vst v63  }
0x2b: {  	s12 =	simm.s32 $0x7D80;
	s1 =	sadd.s32 $0x97B8, s1  }
0x2c: {  	[tilespmem:s12], [sflag:$0x5] =	stream.indirect.gather [hbm4b:s5+s23], $0x40, s1, s23, $0xb8;
	[tilespmem:$0x161C0] =	vst v63  }
0x2d: {  	v0 =	vld [tilespmem:$0x3240];
	_ =	sdelay $0x4  }
0x2e: {  	[tilespmem:$0x1FEC0] =	vst v0;
	v0 =	vld [tilespmem:$0x3250];
	_ =	sdelay $0x4  }
0x2f: {  	[tilespmem:$0x1FEE0] =	vst v0;
	v0 =	vld [tilespmem:$0x3260];
	_ =	sdelay $0x1  }
0x30: {  	v3 =	vld [tilespmem:$0x3200]  }
0x31: {  	v4 =	vld [tilespmem:$0x3210]  }
0x32: {  	v7 =	vld [tilespmem:$0x3220]  }
0x33: {  	s13 =	simm.s32 $0x2;
	v6 =	vld [tilespmem:$0x3230];
	[tilespmem:$0x1FF10] =	vst v0  }
0x34: {  	v5 =	vld [tilespmem:$0x3270];
	_ =	swait.ge [sflag:s13], $0x1900  }
0x35: {  	[sflag:s13] =	ssyncset.done $0x0  }
0x36: {  	s14 =	simm.s32 $0x3320;
	[sflag:s13] =	ssyncadd.s32 $0xFFFFE700  }
0x37: {  	s15 =	simm.s32 $0xA0;
	v0 =	vld [tilespmem:s14+$0x60]  }
0x38: {  	v1 =	vld [tilespmem:s15+$0x60]  }
0x39: {  	v2 =	vld [tilespmem:s14+$0x70]  }
0x3a: {  	v8 =	vld [tilespmem:s15+$0x70]  }
0x3b: {  	v9 =	vld [tilespmem:s14+$0x80]  }
0x3c: {  	v11 =	vld [tilespmem:s15+$0x80]  }
0x3d: {  	v12 =	vld [tilespmem:s14+$0x90]  }
0x3e: {  	v13 =	vld [tilespmem:s15+$0x90]  }
0x3f: {  	v15 =	vld [tilespmem:s15+$0xFFFFFF60]  }
0x40: {  	v16 =	vld [tilespmem:s14+$0xFFFFFF70]  }
0x41: {  	v18 =	vld [tilespmem:s15+$0xFFFFFF70]  }
0x42: {  	v14 =	vld [tilespmem:s15+$0xFFFFFFA0];
	v10 =	vadd.f32 v1, v0;
	v8 =	vadd.f32 v8, v2  }
0x43: {  	v22 =	vld [tilespmem:s14+$0xFFFFFFB0];
	v9 =	vadd.f32 v11, v9;
	v17 =	vadd.f32 v13, v12  }
0x44: {  	v25 =	vld [tilespmem:s15+$0xFFFFFFE0];
	v1 =	vmul.f32 v10, v10;
	v2 =	vmul.f32 v8, v8  }
0x45: {  	v26 =	vld [tilespmem:s14+$0xFFFFFFF0];
	v12 =	vmul.f32 v9, v9;
	v13 =	vmul.f32 v17, v17  }
0x46: {  	v27 =	vld [tilespmem:s15+$0xFFFFFFF0];
	v19 =	vadd.f32 v8, v10;
	v20 =	vadd.f32 v17, v9  }
0x47: {  	v28 =	vld [tilespmem:s14+$0x0];
	v1 =	vadd.f32 v2, v1;
	v2 =	vadd.f32 v13, v12  }
0x48: {  	v29 =	vld [tilespmem:s15+$0x0];
	v13 =	vadd.f32 v20, v19  }
0x49: {  	v11 =	vld [tilespmem:s14+$0xFFFFFFA0];
	v1 =	vadd.f32 v2, v1  }
0x4a: {  	v12 =	vld [tilespmem:s15+$0xFFFFFFB0];
	(xrf2) =	vadd.scan.msk.f32 $0xffff, v13  }
0x4b: {  	v13 =	vld [tilespmem:s14+$0xFFFFFFD0];
	(xrf2) =	vadd.scan.msk.f32 $0xffff, v1  }
0x4c: {  	v1 =	vld [tilespmem:s15+$0xFFFFFFD0]  }
0x4d: {  	v19 =	vld [tilespmem:s14+$0xFFFFFFC0]  }
0x4e: {  	v2 =	vld [tilespmem:s15+$0xFFFFFFC0]  }
0x4f: {  	v20 =	vld [tilespmem:s14+$0xFFFFFFE0]  }
0x50: {  	v21 =	vadd.f32 v14, v11;
	v11 =	vld [tilespmem:s14+$0x10]  }
0x51: {  	v24 =	vadd.f32 v1, v13;
	v1 =	vld [tilespmem:s15+$0x10]  }
0x52: {  	v33 =	vld [tilespmem:s15+$0xFFFFFF90];
	v23 =	vadd.f32 v12, v22  }
0x53: {  	v51 =	vld [tilespmem:s14+$0x40];
	v31 =	vadd.f32 v2, v19;
	v19 =	vmul.f32 v21, v21  }
0x54: {  	v36 =	vld [tilespmem:s14+$0xFFFFFF60];
	v14 =	vadd.f32 v23, v21;
	v30 =	vmul.f32 v23, v23;
	v13 =	vadd.f32 v25, v20;
	v12, _, _ =	vpop (xrf2)  }
0x55: {  	v37 =	vld [tilespmem:s15+$0x40];
	v34 =	vmul.f32 v31, v31;
	v32 =	vadd.f32 v24, v31;
	(v2sf) =	vpush v12, $0xF;
	v12, _, _ =	vpop (xrf2)  }
0x56: {  	v0 =	vld [tilespmem:s14+$0xFFFFFF80];
	v20 =	vmul.f32 v24, v24;
	v11 =	vadd.f32 v1, v11;
	(v2sf) =	vpush v12, $0xF  }
0x57: {  	v22 =	vld [tilespmem:s14+$0xFFFFFF90];
	v12 =	vadd.f32 v27, v26;
	v26 =	vadd.f32 v32, v14  }
0x58: {  	v2 =	vld [tilespmem:s15+$0xFFFFFF80];
	v1 =	vadd.f32 v30, v19;
	v19 =	vadd.f32 v20, v34  }
0x59: {  	v25 =	vld [tilespmem:s14+$0x20];
	v14 =	vadd.f32 v29, v28;
	(xrf2) =	vadd.scan.msk.f32 $0xffff, v26  }
0x5a: {  	v30 =	vmul.f32 v13, v13;
	v27 =	vld [tilespmem:s15+$0x20];
	v1 =	vadd.f32 v19, v1  }
0x5b: {  	v28 =	vld [tilespmem:s14+$0x30];
	v20 =	vadd.f32 v12, v13;
	v29 =	vadd.f32 v11, v14;
	v50 =	vmul.f32 v12, v12  }
0x5c: {  	v36 =	vadd.f32 v15, v36;
	v35 =	vmul.f32 v11, v11;
	v26 =	vld [tilespmem:s15+$0x30];
	v19 =	vmul.f32 v14, v14  }
0x5d: {  	(xrf2) =	vadd.scan.msk.f32 $0xffff, v1;
	v20 =	vadd.f32 v29, v20;
	v1 =	vadd.f32 v50, v30;
	v30 =	vld [tilespmem:s14+$0x50]  }
0x5e: {  	v19 =	vadd.f32 v35, v19;
	v29 =	vadd.f32 v2, v0;
	v0 =	vld [tilespmem:s15+$0x50]  }
0x5f: {  	v15 =	vadd.f32 v37, v51;
	v35 =	vadd.f32 v18, v16  }
0x60: {  	(xrf2) =	vadd.scan.msk.f32 $0xffff, v20;
	v20 =	vadd.f32 v33, v22;
	v1 =	vadd.f32 v19, v1  }
0x61: {  	v19 =	vadd.f32 v27, v25;
	v25 =	vadd.f32 v35, v36  }
0x62: {  	v18 =	vadd.f32 v26, v28;
	v26 =	vmul.f32 v29, v29;
	v2 =	vadd.f32 v20, v29  }
0x63: {  	s7 =	simm.s32 $0x3460;
	(xrf2) =	vadd.scan.msk.f32 $0xffff, v1;
	v1 =	vmul.f32 v35, v35;
	v16 =	vadd.f32 v0, v30;
	v0 =	vmul.f32 v20, v20;
	v22, _, _ =	vpop (xrf2)  }
0x64: {  	v53 =	vld [tilespmem:s7+$0x90];
	v2 =	vadd.f32 v2, v25;
	(v2sf) =	vpush v22, $0xF;
	v22 =	vmul.f32 v36, v36  }
0x65: {  	v54 =	vld [tilespmem:s7+$0xFFFFFF70];
	v25 =	vadd.f32 v18, v19;
	v27 =	vadd.f32 v16, v15  }
0x66: {  	v55 =	vld [tilespmem:s7+$0xFFFFFF80];
	v0 =	vadd.f32 v0, v26;
	s16 =	spop (v2sf);
	v1 =	vadd.f32 v1, v22  }
0x67: {  	s2 =	simm.s32 $0x1E0;
	v28 =	vld [tilespmem:s7+$0x60];
	v25 =	vadd.f32 v27, v25;
	s1 =	smul.f32 $1.562500000e-02, s16;
	s17 =	spop (v2sf)  }
0x68: {  	(xrf2) =	vadd.scan.msk.f32 $0xffff, v2;
	v2 =	vld [tilespmem:s2+$0x60];
	s18 =	smul.f32 $1.562500000e-02, s17;
	v0 =	vadd.f32 v0, v1  }
0x69: {  	v27 =	vmul.f32 v18, v18;
	(xrf2) =	vadd.scan.msk.f32 $0xffff, v25;
	v25 =	vld [tilespmem:s7+$0x80];
	s19 =	smul.f32 s1, s1;
	v22, _, _ =	vpop (xrf2)  }
0x6a: {  	v30 =	vmul.f32 v15, v15;
	(v2sf) =	vpush v22, $0xF;
	v22, _, _ =	vpop (xrf2);
	(xrf2) =	vadd.scan.msk.f32 $0xffff, v0;
	v0 =	vld [tilespmem:s2+$0x80]  }
0x6b: {  	v26 =	vld [tilespmem:s7+$0x70];
	v52 =	vmul.f32 v16, v16;
	s3 =	ssub.f32 s18, s19;
	(v2sf) =	vpush v22, $0xF;
	v22 =	vmul.f32 v19, v19  }
0x6c: {  	v1 =	vld [tilespmem:s2+$0x70]  }
0x6d: {  	v40 =	vld [tilespmem:s2+$0xFFFFFF80];
	v30 =	vadd.f32 v52, v30;
	s3 =	sadd.f32 $9.999999740e-06, s3;
	v22 =	vadd.f32 v27, v22;
	v27, _, _ =	vpop (xrf2)  }
0x6e: {  	s21 =	sand.u32 $0x1, s25;
	v28 =	vadd.f32 v2, v28;
	(v2sf) =	vpush v27, $0xF;
	v27 =	vld [tilespmem:s2+$0x90]  }
0x6f: {  	s20 =	sshra.s32 s3, $0x1;
	s9 =	smul.f32 $5.000000000e-01, s3;
	v22 =	vadd.f32 v30, v22;
	v30 =	vld [tilespmem:s2+$0xFFFFFF70];
	[dreg:$0xa] =	wrdreg s21;
	v25 =	vadd.f32 v0, v25  }
0x70: {  	s4 =	ssub.s32 $0x5F3759DF, s20;
	v45 =	vld [tilespmem:s7+$0xFFFFFF90];
	[tilespmem:$0x1FE70] =	vst v28  }
0x71: {  	v61 =	vadd.f32 v1, v26;
	s6 =	smul.f32 s4, s9;
	v1 =	vld [tilespmem:s7+$0xFFFFFFA0];
	[tilespmem:$0x1FE80] =	vst v25  }
0x72: {  	v0 =	vld [tilespmem:s2+$0xFFFFFFA0]  }
0x73: {  	(xrf2) =	vadd.scan.msk.f32 $0xffff, v22;
	s10 =	smul.f32 s4, s6;
	v22, _, _ =	vpop (xrf2);
	v59 =	vadd.f32 v27, v53;
	v27 =	vld [tilespmem:s7+$0xFFFFFFB0]  }
0x74: {  	s6 =	smul.u32 $0x19000, s21;
	v38 =	vld [tilespmem:s2+$0xFFFFFFB0];
	(v2sf) =	vpush v22, $0xF  }
0x75: {  	v42 =	vld [tilespmem:s7+$0xFFFFFFC0];
	s11 =	spop (v2sf);
	s10 =	ssub.f32 $1.500000000e+00, s10  }
0x76: {  	v60 =	vld [tilespmem:s7+$0xFFFFFFD0];
	v2, _, _ =	vpop (xrf2);
	s12 =	smul.f32 $1.562500000e-02, s11  }
0x77: {  	v26 =	vmul.f32 v61, v61;
	v47 =	vld [tilespmem:s2+$0xFFFFFFF0];
	v22 =	vmul.f32 v28, v28;
	(v2sf) =	vpush v2, $0xF;
	v2, _, _ =	vpop (xrf2);
	s4 =	smul.f32 s4, s10  }
0x78: {  	v48 =	vld [tilespmem:s2+$0x0];
	v33 =	vmul.f32 v59, v59;
	(v2sf) =	vpush v2, $0xF;
	v2 =	vmul.f32 v25, v25;
	s22 =	smul.f32 s12, s12  }
0x79: {  	v39 =	vadd.f32 v61, v28;
	v37 =	vld [tilespmem:s7+$0x10];
	v41 =	vadd.f32 v59, v25;
	s9 =	smul.f32 s4, s9;
	s23 =	spop (v2sf)  }
0x7a: {  	v57 =	vld [tilespmem:s2+$0x10];
	v22 =	vadd.f32 v26, v22;
	v2 =	vadd.f32 v33, v2;
	s14 =	smul.f32 $1.562500000e-02, s23;
	s3 =	spop (v2sf)  }
0x7b: {  	v26 =	vld [tilespmem:s2+$0xFFFFFFC0];
	s11 =	smul.f32 $1.562500000e-02, s3  }
0x7c: {  	v58 =	vadd.f32 v41, v39;
	s9 =	smul.f32 s9, s4;
	v2 =	vadd.f32 v2, v22;
	v22 =	vld [tilespmem:s2+$0xFFFFFFD0];
	s10 =	ssub.f32 s14, s22  }
0x7d: {  	v41 =	vadd.f32 v0, v1;
	v0 =	vld [tilespmem:s7+$0xFFFFFFF0];
	v1 =	vmov s12;
	s13 =	smul.f32 s11, s11  }
0x7e: {  	v38 =	vadd.f32 v38, v27;
	(xrf2) =	vadd.scan.msk.f32 $0xffff, v58;
	v44 =	vsub.f32 v21, v1;
	v21 =	vld [tilespmem:s7+$0x0];
	v62, _, _ =	vpop (xrf2);
	s15 =	spop (v2sf);
	s10 =	sadd.f32 $9.999999740e-06, s10  }
0x7f: {  	v46 =	vld [tilespmem:s2+$0xFFFFFF90];
	v32 =	vadd.f32 v30, v54;
	(v2sf) =	vpush v62, $0xF;
	(xrf2) =	vadd.scan.msk.f32 $0xffff, v2;
	s9 =	ssub.f32 $1.500000000e+00, s9;
	s16 =	smul.f32 $1.562500000e-02, s15  }
0x80: {  	v63 =	vld [tilespmem:s2+$0xFFFFFFE0];
	v33 =	vadd.f32 v57, v37;
	v27 =	vadd.f32 v38, v41;
	s17 =	sshra.s32 s10, $0x1;
	s15 =	smul.f32 $5.000000000e-01, s10  }
0x81: {  	v50 =	vld [tilespmem:s2+$0xFFFFFF60];
	v42 =	vadd.f32 v26, v42;
	v39 =	vadd.f32 v22, v60;
	s10 =	smul.f32 s9, s4;
	s16 =	ssub.f32 s16, s13;
	s9 =	ssub.s32 $0x5F3759DF, s17  }
0x82: {  	v56 =	vmul.f32 v38, v38;
	v26 =	vadd.f32 v40, v55;
	v2 =	vld [tilespmem:s7+$0xFFFFFFE0];
	v30 =	vadd.f32 v47, v0;
	s17 =	smul.f32 s9, s15  }
0x83: {  	v55 =	vmul.f32 v41, v41;
	v62 =	vld [tilespmem:s7+$0xFFFFFF60];
	v34 =	vadd.f32 v48, v21;
	v49 =	vadd.f32 v39, v42;
	s14 =	sadd.f32 $9.999999740e-06, s16;
	s20 =	spop (v2sf)  }
0x84: {  	v22 =	vsub.f32 v23, v1;
	v23 =	vadd.f32 v46, v45;
	s16 =	smul.f32 $1.562500000e-02, s20  }
0x85: {  	v54 =	vld [tilespmem:s2+$0x20];
	v43 =	vmul.f32 v33, v33;
	v45 =	vadd.f32 v56, v55;
	v49 =	vadd.f32 v49, v27;
	s4 =	smul.f32 $5.000000000e-01, s14  }
0x86: {  	v21 =	vld [tilespmem:s7+$0x30];
	v60 =	vmul.f32 v42, v42;
	v55 =	vadd.f32 v33, v34;
	v52 =	vmul.f32 v39, v39;
	s14 =	sshra.s32 s14, $0x1;
	s18 =	spop (v2sf);
	s12 =	smul.f32 s9, s17  }
0x87: {  	v48 =	vld [tilespmem:s7+$0x40];
	v37 =	vmul.f32 v34, v34;
	v51 =	vadd.f32 v23, v26;
	v27 =	vadd.f32 v63, v2;
	s19 =	ssub.s32 $0x5F3759DF, s14;
	s14 =	smul.f32 $1.562500000e-02, s18;
	(xrf2) =	vadd.scan.msk.f32 $0xffff, v49  }
0x88: {  	v56 =	vld [tilespmem:s2+$0x30];
	v57 =	vadd.f32 v50, v62;
	v58, _, _ =	vpop (xrf2);
	v63 =	vadd.f32 v52, v60;
	s21 =	smul.f32 s16, s16  }
0x89: {  	v62 =	vld [tilespmem:s2+$0x50];
	v60 =	vadd.f32 v43, v37;
	(v2sf) =	vpush v58, $0xF;
	s23 =	spop (v2sf);
	v53 =	vmul.f32 v27, v27;
	s3 =	smul.f32 s19, s4;
	v0, _, _ =	vpop (xrf2)  }
0x8a: {  	v2 =	vld [tilespmem:s7+$0x20];
	v40 =	vadd.f32 v30, v27;
	s23 =	smul.f32 $1.562500000e-02, s23;
	(v2sf) =	vpush v0, $0xF;
	v0 =	vmul.f32 v30, v30  }
0x8b: {  	v37 =	vadd.f32 v32, v57;
	v58 =	vld [tilespmem:s2+$0x40];
	v45 =	vadd.f32 v63, v45;
	s13 =	ssub.f32 $1.500000000e+00, s12;
	s22 =	smul.f32 s14, s14  }
0x8c: {  	v63 =	vadd.f32 v55, v40;
	s17 =	ssub.f32 s23, s21;
	s18 =	smul.f32 s19, s3;
	v0 =	vadd.f32 v0, v53;
	v53 =	vld [tilespmem:s7+$0x50]  }
0x8d: {  	v43 =	vadd.f32 v51, v37;
	(xrf2) =	vadd.scan.msk.f32 $0xffff, v45;
	s12 =	smul.f32 s9, s13  }
0x8e: {  	v40 =	vsub.f32 v31, v1;
	v31 =	vsub.f32 v24, v1;
	v1 =	vmov s1;
	(xrf2) =	vadd.scan.msk.f32 $0xffff, v63;
	s17 =	sadd.f32 $9.999999740e-06, s17;
	s20 =	spop (v2sf)  }
0x8f: {  	v51 =	vadd.f32 v56, v21;
	v17 =	vsub.f32 v17, v1;
	s3 =	ssub.f32 $1.500000000e+00, s18;
	s21 =	smul.f32 $1.562500000e-02, s20  }
0x90: {  	v21 =	vmul.f32 v26, v26;
	v55 =	vadd.f32 v54, v2;
	v0 =	vadd.f32 v60, v0;
	s9 =	sshra.s32 s17, $0x1;
	s17 =	smul.f32 $5.000000000e-01, s17  }
0x91: {  	v56 =	vadd.f32 v58, v48;
	v58 =	vmul.f32 v23, v23;
	s20 =	ssub.s32 $0x5F3759DF, s9;
	s9 =	smul.f32 s19, s3;
	s13 =	ssub.f32 s21, s22;
	v52 =	vadd.f32 v62, v53;
	v24, _, _ =	vpop (xrf2)  }
0x92: {  	(xrf2) =	vadd.scan.msk.f32 $0xffff, v0;
	v0 =	vmul.f32 v32, v32;
	s2 =	smul.f32 s20, s17;
	v62 =	vmul.f32 v57, v57;
	(v2sf) =	vpush v24, $0xF  }
0x93: {  	v37 =	vmul.f32 v51, v51;
	v60 =	vadd.f32 v51, v55;
	s22 =	smul.f32 s12, s15;
	s21 =	sadd.f32 $9.999999740e-06, s13;
	v46 =	vadd.f32 v52, v56  }
0x94: {  	v2 =	vmov s16;
	v21 =	vadd.f32 v58, v21;
	s2 =	smul.f32 s20, s2;
	v0 =	vadd.f32 v0, v62  }
0x95: {  	v10 =	vsub.f32 v10, v1;
	v62 =	vmul.f32 s10, v6;
	s3 =	sshra.s32 s21, $0x1;
	s15 =	smul.f32 $5.000000000e-01, s21;
	v45 =	vadd.f32 v46, v60  }
0x96: {  	s1 =	simm.s32 $0x35A0;
	v63 =	vmul.f32 v55, v55;
	(xrf2) =	vadd.scan.msk.f32 $0xffff, v43;
	s2 =	ssub.f32 $1.500000000e+00, s2;
	v0 =	vadd.f32 v21, v0;
	v60 =	vmov s11;
	s19 =	ssub.s32 $0x5F3759DF, s3  }
0x97: {  	v24 =	vsub.f32 v36, v2;
	v54, _, _ =	vpop (xrf2);
	v17 =	vmul.f32 v62, v17;
	v25 =	vsub.f32 v13, v60;
	v13 =	vld [tilespmem:s1+$0x70];
	s7 =	smul.f32 s19, s15;
	(xrf2) =	vadd.scan.msk.f32 $0xffff, v45  }
0x98: {  	(v2sf) =	vpush v54, $0xF;
	v58, _, _ =	vpop (xrf2);
	v11 =	vsub.f32 v11, v60;
	s23 =	smul.f32 s20, s2;
	s2 =	simm.s32 $0x320;
	(xrf2) =	vadd.scan.msk.f32 $0xffff, v0;
	v0 =	vld [tilespmem:s1+$0x60]  }
0x99: {  	s16 =	smul.f32 s22, s12;
	v36 =	vadd.f32 v37, v63;
	v63 =	vmov s14;
	s18 =	spop (v2sf);
	(v2sf) =	vpush v58, $0xF;
	v58 =	vld [tilespmem:s2+$0x60];
	[tilespmem:$0x1FEB0] =	vst v17  }
0x9a: {  	v8 =	vsub.f32 v8, v1;
	s13 =	smul.f32 s19, s7;
	v49 =	vld [tilespmem:s2+$0x70];
	[tilespmem:$0x1FE90] =	vst v11;
	v11 =	vsub.f32 v19, v63  }
0x9b: {  	v43 =	vmul.f32 v56, v56;
	v53 =	vmul.f32 v52, v52;
	v17 =	vsub.f32 v18, v63;
	s17 =	smul.f32 s23, s17  }
0x9c: {  	v1 =	vsub.f32 v9, v1;
	v35 =	vsub.f32 v35, v2;
	s7 =	smul.f32 $1.562500000e-02, s18;
	s20 =	spop (v2sf);
	[tilespmem:$0x1FEA0] =	vst v11  }
0x9d: {  	v9 =	vsub.f32 v15, v63;
	v21 =	vadd.f32 v53, v43;
	s21 =	smul.f32 $1.562500000e-02, s20;
	v11 =	vld [tilespmem:s1+$0x80];
	[tilespmem:$0x1FEF0] =	vst v17  }
0x9e: {  	v29 =	vsub.f32 v29, v2;
	v43 =	vsub.f32 v12, v60;
	s22 =	ssub.f32 $1.500000000e+00, s13;
	s3 =	smul.f32 s7, s7;
	v18 =	vld [tilespmem:s2+$0x80]  }
0x9f: {  	v12 =	vmul.f32 s10, v3;
	v36 =	vadd.f32 v21, v36;
	s17 =	smul.f32 s17, s23;
	v19 =	vld [tilespmem:s1+$0x90];
	[tilespmem:$0x1FF50] =	vst v9;
	v9 =	vsub.f32 v16, v63  }
0xa0: {  	v2 =	vsub.f32 v20, v2;
	v47 =	vsub.f32 v14, v60;
	v17 =	vmul.f32 s10, v7;
	s11 =	smul.f32 s19, s22;
	s14 =	ssub.f32 s21, s3  }
0xa1: {  	v14 =	vmul.f32 s10, v4;
	(xrf2) =	vadd.scan.msk.f32 $0xffff, v36;
	v20, _, _ =	vpop (xrf2);
	s17 =	ssub.f32 $1.500000000e+00, s17;
	[tilespmem:$0x1FF60] =	vst v9;
	v9 =	vmul.f32 v12, v10;
	s13 =	spop (v2sf)  }
0xa2: {  	(v2sf) =	vpush v20, $0xF;
	v21, _, _ =	vpop (xrf2);
	v1 =	vmul.f32 v17, v1;
	s19 =	sadd.f32 $9.999999740e-06, s14;
	s14 =	smul.f32 $1.562500000e-02, s13  }
0xa3: {  	v14 =	vmul.f32 v14, v8;
	(v2sf) =	vpush v21, $0xF;
	s17 =	smul.f32 s17, s23;
	[tilespmem:$0x1FED0] =	vst v9;
	v8, _, _ =	vpop (xrf2)  }
0xa4: {  	v15 =	vld [tilespmem:s2+$0x90];
	[tilespmem:$0x1FF20] =	vst v1;
	(v2sf) =	vpush v8, $0xF;
	v1 =	vmov s14  }
0xa5: {  	v9 =	vmul.f32 s17, v3;
	v16 =	vsub.f32 v41, v1;
	v17 =	vsub.f32 v38, v1  }
0xa6: {  	v60 =	vmul.f32 s17, v4;
	v8, _, _ =	vpop (xrf2);
	v50 =	vld [tilespmem:s1+$0xFFFFFF70];
	v12 =	vsub.f32 v42, v1;
	v1 =	vsub.f32 v39, v1  }
0xa7: {  	v53 =	vld [tilespmem:s2+$0xFFFFFF70];
	(v2sf) =	vpush v8, $0xF;
	v8 =	vmul.f32 v9, v24  }
0xa8: {  	v9 =	vmul.f32 v60, v35;
	v38 =	vld [tilespmem:s1+$0xFFFFFF80];
	[tilespmem:$0x1FE20] =	vst v1  }
0xa9: {  	v1 =	vld [tilespmem:s2+$0xFFFFFF80];
	[tilespmem:$0x1FF00] =	vst v8  }
0xaa: {  	v10 =	vadd.f32 v58, v0;
	s20 =	sshra.s32 s19, $0x1;
	s10 =	smul.f32 $5.000000000e-01, s19;
	v8 =	vadd.f32 v49, v13;
	v0 =	vld [tilespmem:s1+$0xFFFFFF90];
	[tilespmem:$0x1FF30] =	vst v9  }
0xab: {  	s4 =	smul.f32 s9, s4;
	s18 =	ssub.s32 $0x5F3759DF, s20;
	v13, _, _ =	vpop (xrf2);
	v9 =	vadd.f32 v18, v11;
	v18 =	vadd.f32 v15, v19;
	v15 =	vld [tilespmem:s2+$0xFFFFFF90]  }
0xac: {  	s21 =	smul.f32 s18, s10;
	s3 =	spop (v2sf);
	v42 =	vmul.f32 s17, v7;
	v49 =	vmul.f32 s17, v6;
	(v2sf) =	vpush v13, $0xF;
	v24 =	vld [tilespmem:s1+$0xFFFFFFA0]  }
0xad: {  	s22 =	smul.f32 s4, s9;
	v13 =	vmul.f32 v10, v10;
	v11 =	vadd.f32 v53, v50;
	v19 =	vmul.f32 v8, v8;
	v48 =	vld [tilespmem:s2+$0xFFFFFFA0];
	[tilespmem:$0x1FE30] =	vst v8  }
0xae: {  	s16 =	ssub.f32 $1.500000000e+00, s16;
	s19 =	smul.f32 s18, s21;
	[tilespmem:$0x1FE40] =	vst v10;
	v50 =	vadd.f32 v8, v10;
	v8 =	vmul.f32 v42, v29;
	v2 =	vmul.f32 v49, v2  }
0xaf: {  	s15 =	smul.f32 s11, s15;
	v54 =	vmul.f32 v9, v9;
	v58 =	vmul.f32 v18, v18;
	[tilespmem:$0x1FE50] =	vst v9  }
0xb0: {  	s4 =	smul.f32 s16, s12;
	s23 =	ssub.f32 $1.500000000e+00, s19;
	v63 =	vadd.f32 v18, v9;
	v53 =	vld [tilespmem:s1+$0xFFFFFFB0];
	[tilespmem:$0x1FF40] =	vst v8  }
0xb1: {  	s20 =	smul.f32 s15, s11;
	s13 =	spop (v2sf);
	v10 =	vmov v11;
	v19 =	vadd.f32 v19, v13;
	v29 =	vadd.f32 v58, v54;
	v11 =	vld [tilespmem:s2+$0xFFFFFFB0];
	[tilespmem:$0x1FF70] =	vst v2  }
0xb2: {  	s15 =	smul.f32 s18, s23;
	s18 =	spop (v2sf);
	v54 =	vadd.f32 v63, v50;
	v8 =	vadd.f32 v1, v38;
	v2 =	vld [tilespmem:s1+$0xFFFFFFC0]  }
0xb3: {  	s21 =	spop (v2sf);
	v9 =	vadd.f32 v15, v0;
	v19 =	vadd.f32 v29, v19;
	v29 =	vld [tilespmem:s2+$0xFFFFFFC0]  }
0xb4: {  	v35 =	vmul.f32 s4, v4;
	s12 =	smul.f32 $1.562500000e-02, s21  }
0xb5: {  	v21 =	vld [tilespmem:s1+$0xFFFFFFD0];
	v46 =	vmul.f32 v8, v8;
	(xrf2) =	vadd.scan.msk.f32 $0xffff, v54;
	v1 =	vmul.f32 v9, v9  }
0xb6: {  	v45 =	vmov s12;
	v20 =	vld [tilespmem:s2+$0xFFFFFFD0];
	v24 =	vadd.f32 v48, v24  }
0xb7: {  	s19 =	smul.f32 $1.562500000e-02, s13;
	v42 =	vmul.f32 v35, v22;
	v39 =	vsub.f32 v32, v45;
	(xrf2) =	vadd.scan.msk.f32 $0xffff, v19;
	v38 =	vadd.f32 v1, v46;
	v1 =	vld [tilespmem:s1+$0xFFFFFFE0]  }
0xb8: {  	v0 =	vmul.f32 s4, v3;
	v41 =	vsub.f32 v26, v45;
	v36 =	vadd.f32 v29, v2;
	v2 =	vld [tilespmem:s2+$0xFFFFFFE0]  }
0xb9: {  	s22 =	ssub.f32 $1.500000000e+00, s22;
	v35 =	vsub.f32 v23, v45;
	v23 =	vmul.f32 s4, v7;
	s21 =	spop (v2sf);
	v19 =	vmov s19  }
0xba: {  	v63 =	vmul.f32 v0, v44;
	s23 =	smul.f32 $1.562500000e-02, s21;
	v32 =	vadd.f32 v11, v53;
	v26 =	vsub.f32 v27, v19  }
0xbb: {  	s9 =	smul.f32 s22, s9;
	v48 =	vld [tilespmem:s1+$0xFFFFFFF0];
	v27 =	vsub.f32 v34, v19;
	v11 =	vmul.f32 v23, v40;
	v40 =	vadd.f32 v20, v21  }
0xbc: {  	v0 =	vld [tilespmem:s2+$0xFFFFFFF0];
	v20 =	vmul.f32 s4, v6;
	v21 =	vmov s23;
	v29 =	vsub.f32 v30, v19  }
0xbd: {  	[tilespmem:$0x1FFA0] =	vst v11;
	v11 =	vsub.f32 v33, v19;
	v19 =	vadd.f32 v2, v1;
	v1 =	vmul.f32 s9, v3  }
0xbe: {  	v30 =	vmul.f32 v24, v24;
	v49 =	vmul.f32 v32, v32;
	v34 =	vsub.f32 v55, v21  }
0xbf: {  	v58 =	vmul.f32 v20, v31;
	v31 =	vsub.f32 v52, v21;
	[tilespmem:$0x1FE60] =	vst v11;
	v55 =	vmul.f32 v1, v25;
	v25, _, _ =	vpop (xrf2)  }
0xc0: {  	v28 =	vld [tilespmem:s1+$0x0];
	v1 =	vmul.f32 v40, v40;
	(v2sf) =	vpush v25, $0xF;
	v25 =	vmul.f32 v36, v36  }
0xc1: {  	v37 =	vadd.f32 v49, v30;
	v20 =	vadd.f32 v0, v48;
	v23 =	vld [tilespmem:s2+$0x0];
	v0, _, _ =	vpop (xrf2)  }
0xc2: {  	v52 =	vld [tilespmem:s1+$0x20];
	(v2sf) =	vpush v0, $0xF;
	v0 =	vadd.f32 v1, v25  }
0xc3: {  	v15 =	vsub.f32 v57, v45;
	v57 =	vmul.f32 s9, v4;
	v33 =	vsub.f32 v56, v21;
	v2 =	vld [tilespmem:s2+$0x20]  }
0xc4: {  	v30 =	vsub.f32 v51, v21;
	v56 =	vadd.f32 v0, v37;
	v0 =	vld [tilespmem:$0x1FE70]  }
0xc5: {  	v62 =	vmul.f32 v57, v43;
	v21 =	vadd.f32 v32, v24;
	v46 =	vadd.f32 v40, v36  }
0xc6: {  	v50 =	vld [tilespmem:s1+$0x10];
	v1 =	vmul.f32 v19, v19;
	v25 =	vmul.f32 v20, v20  }
0xc7: {  	v22 =	vld [tilespmem:s2+$0x10];
	v43 =	vadd.f32 v46, v21;
	v21 =	vadd.f32 v23, v28;
	v23 =	vmul.f32 s9, v7  }
0xc8: {  	v49 =	vadd.f32 v25, v1;
	v25 =	vmov s7  }
0xc9: {  	v54 =	vmul.f32 v23, v47;
	v23 =	vadd.f32 v2, v52;
	v52 =	vsub.f32 v0, v25;
	v0 =	vld [tilespmem:$0x1FE80]  }
0xca: {  	v45 =	vld [tilespmem:s1+$0x30]  }
0xcb: {  	v37 =	vld [tilespmem:s2+$0x30]  }
0xcc: {  	v22 =	vadd.f32 v22, v50;
	_ =	sdelay $0x1  }
0xcd: {  	v1 =	vmul.f32 v21, v21;
	v53 =	vsub.f32 v0, v25;
	v0 =	vmul.f32 v22, v22  }
0xce: {  	v11 =	vld [tilespmem:$0x1FE90];
	v50 =	vsub.f32 v59, v25;
	v59 =	vsub.f32 v61, v25  }
0xcf: {  	v25 =	vadd.f32 v37, v45;
	v37 =	vadd.f32 v0, v1;
	v0 =	vld [tilespmem:$0x1FEB0];
	_ =	sdelay $0x2  }
0xd0: {  	v13 =	vld [tilespmem:$0x1FEC0];
	s12 =	smul.f32 s12, s12;
	s21 =	spop (v2sf);
	v48 =	vmul.f32 s9, v6;
	v28 =	vadd.f32 v20, v19;
	v2 =	vadd.f32 v22, v21  }
0xd1: {  	s22 =	smul.f32 $1.562500000e-02, s21;
	v47 =	vld [tilespmem:s1+$0x40]  }
0xd2: {  	s10 =	smul.f32 s15, s10;
	v60 =	vmul.f32 v48, v11;
	s9 =	sshrl.u32 s6, $0x2;
	v48 =	vadd.f32 v2, v28;
	v2 =	vld [tilespmem:$0x1FEA0];
	v1 =	vadd.f32 v0, v5  }
0xd3: {  	s16 =	smul.f32 $1.562500000e-02, s3;
	s12 =	ssub.f32 s22, s12;
	s22 =	sadd.s32 $0x9A60, s9;
	v61 =	vld [tilespmem:s2+$0x40]  }
0xd4: {  	s3 =	ssub.f32 $1.500000000e+00, s20;
	s10 =	smul.f32 s10, s15;
	v0 =	vld [tilespmem:$0x1FED0];
	[tilespmem:s22+$0x90] =	vst v1  }
0xd5: {  	v11 =	vld [tilespmem:$0x1FEE0]  }
0xd6: {  	s13 =	ssub.f32 $1.500000000e+00, s10;
	s10 =	smul.f32 s3, s11  }
0xd7: {  	_ = 	snop  }
0xd8: {  	v57 =	vmul.f32 s10, v3  }
0xd9: {  	v28 =	vadd.f32 v61, v47;
	v47 =	vadd.f32 v0, v13  }
0xda: {  	v57 =	vmul.f32 v57, v2;
	v2 =	vadd.f32 v14, v11  }
0xdb: {  	[tilespmem:s22+$0x60] =	vst v47  }
0xdc: {  	[tilespmem:s22+$0x70] =	vst v2  }
0xdd: {  	v2 =	vld [tilespmem:$0x1FEF0]  }
0xde: {  	s14 =	smul.f32 s14, s14;
	v1 =	vmul.f32 v23, v23;
	v0 =	vmul.f32 v25, v25;
	_ =	sdelay $0x1  }
0xdf: {  	s14 =	ssub.f32 s16, s14;
	s20 =	smul.f32 s19, s19;
	v51 =	vmul.f32 s10, v4;
	v0 =	vadd.f32 v0, v1;
	v1 =	vld [tilespmem:$0x1FF00]  }
0xe0: {  	s18 =	smul.f32 $1.562500000e-02, s18;
	v14 =	vld [tilespmem:$0x1FF10]  }
0xe1: {  	s14 =	sadd.f32 $9.999999740e-06, s14;
	v51 =	vmul.f32 v51, v2;
	v2 =	vld [tilespmem:$0x1FF20]  }
0xe2: {  	s17 =	ssub.f32 s18, s20  }
0xe3: {  	s3 =	sshra.s32 s14, $0x1;
	s14 =	smul.f32 $5.000000000e-01, s14  }
0xe4: {  	s16 =	sadd.f32 $9.999999740e-06, s17;
	s11 =	smul.f32 s13, s15;
	s13 =	ssub.s32 $0x5F3759DF, s3  }
0xe5: {  	s18 =	smul.f32 s13, s14;
	v1 =	vadd.f32 v1, v13  }
0xe6: {  	s4 =	smul.f32 $5.000000000e-01, s16;
	v61 =	vadd.f32 v2, v14  }
0xe7: {  	s17 =	sshra.s32 s16, $0x1;
	s16 =	smul.f32 s13, s18;
	[tilespmem:s22+$0xFFFFFF60] =	vst v1  }
0xe8: {  	s19 =	smul.f32 s23, s23;
	s3 =	spop (v2sf);
	v1 =	vld [tilespmem:$0x1FF30];
	[tilespmem:s22+$0x80] =	vst v61  }
0xe9: {  	s23 =	ssub.f32 $1.500000000e+00, s16;
	s16 =	smul.f32 $1.562500000e-02, s3;
	v2 =	vld [tilespmem:$0x1FF40]  }
0xea: {  	s17 =	ssub.s32 $0x5F3759DF, s17  }
0xeb: {  	s20 =	smul.f32 s17, s4;
	v44 =	vld [tilespmem:s2+$0x50];
	(xrf2) =	vadd.scan.msk.f32 $0xffff, v43;
	s16 =	ssub.f32 s16, s19  }
0xec: {  	s12 =	sadd.f32 $9.999999740e-06, s12;
	v46 =	vld [tilespmem:s1+$0x50]  }
0xed: {  	s18 =	smul.f32 s17, s20;
	s16 =	sadd.f32 $9.999999740e-06, s16;
	(xrf2) =	vadd.scan.msk.f32 $0xffff, v56  }
0xee: {  	s15 =	smul.f32 $5.000000000e-01, s12;
	(xrf2) =	vadd.scan.msk.f32 $0xffff, v48;
	v48 =	vadd.f32 v2, v14;
	v2 =	vld [tilespmem:$0x1FF50]  }
0xef: {  	s20 =	sshra.s32 s12, $0x1;
	v43 =	vld [tilespmem:s1+$0xFFFFFF60];
	s3 =	sshra.s32 s16, $0x1;
	s16 =	smul.f32 $5.000000000e-01, s16  }
0xf0: {  	s7 =	smul.f32 s13, s23;
	s13 =	ssub.f32 $1.500000000e+00, s18;
	s18 =	ssub.s32 $0x5F3759DF, s20;
	v45 =	vld [tilespmem:s2+$0xFFFFFF60];
	v1 =	vadd.f32 v1, v11  }
0xf1: {  	s21 =	smul.f32 s18, s15;
	v47 =	vadd.f32 v37, v49;
	v37 =	vadd.f32 v44, v46;
	v46 =	vmul.f32 s10, v7  }
0xf2: {  	s12 =	smul.f32 s17, s13;
	[tilespmem:s22+$0xFFFFFF70] =	vst v1  }
0xf3: {  	s23 =	smul.f32 s7, s14;
	v44 =	vmul.f32 s11, v6;
	v46 =	vmul.f32 v46, v2;
	v2 =	vld [tilespmem:$0x1FF60]  }
0xf4: {  	s14 =	ssub.s32 $0x5F3759DF, s3;
	s6 =	smul.f32 s18, s21  }
0xf5: {  	s13 =	smul.f32 s14, s16;
	v43 =	vadd.f32 v45, v43;
	v45 =	vmul.f32 v28, v28;
	v44 =	vmul.f32 v44, v50;
	v50, _, _ =	vpop (xrf2)  }
0xf6: {  	s4 =	smul.f32 s12, s4;
	(v2sf) =	vpush v50, $0xF;
	v50 =	vmul.f32 s10, v6;
	v61 =	vmul.f32 v37, v37  }
0xf7: {  	s19 =	smul.f32 s23, s7;
	s6 =	ssub.f32 $1.500000000e+00, s6;
	[tilespmem:s22+$0xFFFFFF80] =	vst v48  }
0xf8: {  	s17 =	smul.f32 s14, s13;
	v45 =	vadd.f32 v61, v45;
	v61 =	vmul.f32 v50, v2;
	v2 =	vld [tilespmem:$0x1FF70]  }
0xf9: {  	s6 =	smul.f32 s18, s6;
	v49 =	vadd.f32 v25, v23;
	v56 =	vadd.f32 v37, v28  }
0xfa: {  	s4 =	smul.f32 s4, s12;
	s20 =	ssub.f32 $1.500000000e+00, s17  }
0xfb: {  	s18 =	ssub.f32 $1.500000000e+00, s19;
	s21 =	smul.f32 s6, s15;
	v44 =	vadd.f32 v44, v5;
	v1 =	vadd.f32 v56, v49;
	[tilespmem:$0x1FF80] =	vst v8  }
0xfc: {  	s4 =	ssub.f32 $1.500000000e+00, s4;
	s1 =	smul.f32 s14, s20;
	(xrf2) =	vadd.scan.msk.f32 $0xffff, v47;
	s10 =	sadd.s32 $0x140, s22;
	v49 =	vadd.f32 v9, v8;
	v48 =	vadd.f32 v63, v13;
	[tilespmem:$0x1FF90] =	vst v9  }
0xfd: {  	s7 =	smul.f32 s18, s7;
	v47 =	vmul.f32 s11, v3;
	v50 =	vadd.f32 v10, v43;
	[tilespmem:s10+$0x90] =	vst v44;
	v56 =	vadd.f32 v2, v5  }
0xfe: {  	s12 =	smul.f32 s4, s12;
	v42 =	vadd.f32 v42, v11;
	[tilespmem:s22+$0xFFFFFFA0] =	vst v48  }
0xff: {  	s15 =	smul.f32 s21, s6;
	v44 =	vmul.f32 v47, v52;
	v47 =	vadd.f32 v49, v50;
	[tilespmem:s22+$0xFFFFFF90] =	vst v56  }
0x100: {  	s16 =	smul.f32 s1, s16;
	s23 =	spop (v2sf);
	v2 =	vld [tilespmem:$0x1FFA0]  }
0x101: {  	s14 =	smul.f32 $1.562500000e-02, s23;
	v63 =	vmul.f32 v43, v43;
	v49 =	vadd.f32 v58, v5;
	(xrf2) =	vadd.scan.msk.f32 $0xffff, v47;
	v56 =	vmul.f32 v10, v10  }
0x102: {  	s3 =	spop (v2sf);
	s16 =	smul.f32 s16, s1;
	[tilespmem:s22+$0xFFFFFFB0] =	vst v42;
	v42, _, _ =	vpop (xrf2);
	(xrf2) =	vadd.scan.msk.f32 $0xffff, v1;
	v1 =	vadd.f32 v57, v13  }
0x103: {  	s15 =	ssub.f32 $1.500000000e+00, s15;
	s17 =	smul.f32 $1.562500000e-02, s3;
	[tilespmem:s22+$0xFFFFFFD0] =	vst v49;
	v48 =	vadd.f32 v56, v63;
	v56 =	vadd.f32 v55, v13  }
0x104: {  	s13 =	smul.f32 s14, s14;
	s18 =	ssub.f32 $1.500000000e+00, s16;
	v52 =	vmul.f32 s7, v4;
	(v2sf) =	vpush v42, $0xF;
	v42 =	vadd.f32 v54, v14;
	[tilespmem:s22+$0x20] =	vst v1  }
0x105: {  	s6 =	smul.f32 s15, s6;
	v58 =	vmul.f32 s7, v3;
	v47 =	vmul.f32 s12, v6;
	[tilespmem:s22+$0xFFFFFFE0] =	vst v56;
	v50 =	vadd.f32 v2, v14  }
0x106: {  	s20 =	smul.f32 s18, s1;
	v49 =	vmul.f32 s12, v7;
	[tilespmem:s22+$0x0] =	vst v42;
	v2 =	vadd.f32 v45, v0;
	v0 =	vadd.f32 v62, v11  }
0x107: {  	v63 =	vmul.f32 s11, v4;
	v55 =	vmul.f32 s11, v7;
	s11 =	ssub.f32 s17, s13;
	v62 =	vadd.f32 v60, v5;
	[tilespmem:s22+$0xFFFFFFC0] =	vst v50  }
0x108: {  	v61 =	vadd.f32 v61, v5;
	v57 =	vmul.f32 s20, v7;
	v54 =	vmul.f32 s6, v4;
	[tilespmem:s22+$0xFFFFFFF0] =	vst v0  }
0x109: {  	v1 =	vadd.f32 v44, v13;
	v44 =	vmul.f32 s20, v6;
	v63 =	vmul.f32 v63, v59;
	s17 =	sadd.f32 $9.999999740e-06, s11;
	[tilespmem:s22+$0x10] =	vst v62  }
0x10a: {  	s23 =	sadd.s32 $0x99C0, s9;
	v55 =	vmul.f32 v55, v53;
	v59 =	vmul.f32 s6, v3;
	v42 =	vadd.f32 v51, v11;
	[tilespmem:$0x1FFB0] =	vst v5  }
0x10b: {  	v56 =	vmul.f32 s6, v7;
	v53 =	vmul.f32 s7, v7;
	v45 =	vadd.f32 v38, v48;
	v38, _, _ =	vpop (xrf2);
	s19 =	sshra.s32 s17, $0x1;
	s15 =	smul.f32 $5.000000000e-01, s17;
	[dreg:$0xb] =	wrdreg s23;
	[tilespmem:$0x1FFC0] =	vst v3  }
0x10c: {  	v51 =	vmul.f32 s7, v6;
	v48 =	vmul.f32 s12, v4;
	(v2sf) =	vpush v38, $0xF;
	v38, _, _ =	vpop (xrf2);
	s4 =	ssub.s32 $0x5F3759DF, s19;
	[tilespmem:s22+$0x30] =	vst v42  }
0x10d: {  	p2 =	seq.s32 s31, $0x0;
	s11 =	sadd.s32 $0xFFFFFFFF, s31;
	v60 =	vadd.f32 v63, v11;
	v0 =	vmul.f32 s6, v6;
	(v2sf) =	vpush v38, $0xF;
	s21 =	smul.f32 s4, s15;
	[tilespmem:$0x1FFD0] =	vst v4  }
0x10e: {  	s1 =	simm.s32 $0x36E0;
	s7 =	sadd.s32 s8, s31;
	s11 =	simm.s32 @p2 $0x3F;
	(xrf2) =	vadd.scan.msk.f32 $0xffff, v45;
	v50 =	vmul.f32 s12, v3;
	v62 =	vadd.f32 v46, v14;
	[tilespmem:$0x1FFE0] =	vst v7  }
0x10f: {  	s12 =	sadd.s32 s8, s11;
	v46 =	vmul.f32 s20, v3;
	v45 =	vmul.f32 s20, v4;
	s23 =	simm.s32 $0xA;
	(xrf2) =	vadd.scan.msk.f32 $0xffff, v2;
	s16 =	smul.f32 s4, s21;
	[tilespmem:$0x1FFF0] =	vst v6  }
.LBB2_3:
0x110: {  	v2 =	vld [tilespmem:s1+$0x60]  }
0x111: {  	v14 =	vld [tilespmem:$0x1FF10]  }
0x112: {  	v42 =	vld [tilespmem:s1+$0x70]  }
0x113: {  	v3 =	vld [tilespmem:$0x1FE20]  }
0x114: {  	v11 =	vld [tilespmem:$0x1FEC0];
	s17 =	spop (v2sf)  }
0x115: {  	s2 =	sadd.s32 $0x140, s2;
	v13 =	vld [tilespmem:$0x1FEE0];
	[tilespmem:s22+$0x40] =	vst v62;
	s17 =	smul.f32 $1.562500000e-02, s17  }
0x116: {  	v62 =	vld [tilespmem:s2+$0x60];
	[tilespmem:s10+$0x60] =	vst v1  }
0x117: {  	v39 =	vmul.f32 v54, v39;
	s16 =	ssub.f32 $1.500000000e+00, s16;
	v1 =	vld [tilespmem:s2+$0x70];
	[tilespmem:s10+$0x70] =	vst v60;
	v38 =	vmul.f32 v59, v15;
	v6 =	vmov s17  }
0x118: {  	v7 =	vld [tilespmem:s1+$0x80];
	v54 =	vmul.f32 v52, v17;
	v52 =	vmul.f32 v51, v3;
	v63, _, _ =	vpop (xrf2);
	v3 =	vsub.f32 v24, v6  }
0x119: {  	s4 =	smul.f32 s4, s16;
	v53 =	vmul.f32 v53, v12;
	v12 =	vld [tilespmem:$0x1FFB0];
	v59 =	vadd.f32 v55, v14;
	(v2sf) =	vpush v63, $0xF  }
0x11a: {  	v15 =	vld [tilespmem:$0x1FFF0];
	[tilespmem:$0x1FE00] =	vst v3;
	v3 =	vsub.f32 v32, v6  }
0x11b: {  	s15 =	smul.f32 s4, s15;
	v38 =	vadd.f32 v38, v11;
	v24 =	vld [tilespmem:s2+$0x80];
	[tilespmem:s10+$0x80] =	vst v59  }
0x11c: {  	v48 =	vmul.f32 v48, v29;
	v29 =	vld [tilespmem:s1+$0x90];
	[tilespmem:$0x1FDF0] =	vst v3;
	v3 =	vsub.f32 v36, v6  }
0x11d: {  	v51 =	vmul.f32 v50, v26;
	s15 =	smul.f32 s15, s4;
	[tilespmem:s10+$0xFFFFFF60] =	vst v38;
	v26 =	vld [tilespmem:s2+$0x90]  }
0x11e: {  	v55 =	vmul.f32 v58, v16;
	v16 =	vld [tilespmem:$0x1FFE0];
	v17, _, _ =	vpop (xrf2);
	[tilespmem:$0x1FDE0] =	vst v3;
	v3 =	vsub.f32 v40, v6  }
0x11f: {  	v41 =	vmul.f32 v56, v41;
	v56 =	vld [tilespmem:s2+$0xFFFFFF60];
	s15 =	ssub.f32 $1.500000000e+00, s15;
	s3 =	spop (v2sf);
	(v2sf) =	vpush v17, $0xF  }
0x120: {  	v0 =	vmul.f32 v0, v35;
	v62 =	vadd.f32 v62, v2;
	[tilespmem:$0x1FE20] =	vst v3;
	v3 =	vld [tilespmem:$0x1FE60]  }
0x121: {  	v44 =	vmul.f32 v44, v31;
	v4 =	vld [tilespmem:s2+$0xFFFFFF70];
	s19 =	smul.f32 s15, s4;
	v59 =	vadd.f32 v1, v42;
	v58 =	vadd.f32 v24, v7;
	v40, _, _ =	vpop (xrf2)  }
0x122: {  	v60 =	vmov s14;
	v17 =	vld [tilespmem:$0x1FFD0];
	s18 =	spop (v2sf);
	v1 =	vadd.f32 v26, v29;
	(v2sf) =	vpush v40, $0xF;
	v31, _, _ =	vpop (xrf2)  }
0x123: {  	s21 =	smul.f32 s17, s17;
	s8 =	spop (v2sf);
	v36 =	vld [tilespmem:s1+$0xFFFFFFB0];
	v29 =	vsub.f32 v18, v60;
	(v2sf) =	vpush v31, $0xF;
	v31 =	vmul.f32 s19, v15  }
0x124: {  	v49 =	vmul.f32 v49, v27;
	v27 =	vadd.f32 v39, v13;
	s17 =	smul.f32 $1.562500000e-02, s3;
	v26 =	vadd.f32 v59, v62;
	v18 =	vld [tilespmem:$0x1FFC0]  }
0x125: {  	s6 =	smul.f32 $1.562500000e-02, s18;
	v5 =	vadd.f32 v1, v58;
	v29 =	vmul.f32 v31, v29;
	v31 =	vld [tilespmem:s2+$0xFFFFFFA0];
	v50 =	vmul.f32 v47, v3  }
0x126: {  	v41 =	vadd.f32 v41, v14;
	s16 =	ssub.f32 s17, s21;
	s13 =	smul.f32 $1.562500000e-02, s8;
	v47 =	vmul.f32 v46, v34;
	v46 =	vmul.f32 v45, v30;
	v30 =	vld [tilespmem:s1+$0xFFFFFF70]  }
0x127: {  	v0 =	vadd.f32 v0, v12;
	s18 =	smul.f32 s6, s6;
	v26 =	vadd.f32 v5, v26;
	v45 =	vmul.f32 v57, v33;
	[tilespmem:s10+$0xFFFFFF70] =	vst v27;
	v33 =	vld [tilespmem:s1+$0xFFFFFFA0]  }
0x128: {  	s16 =	sadd.f32 $9.999999740e-06, s16;
	s21 =	spop (v2sf);
	v2 =	vld [tilespmem:s1+$0xFFFFFF80];
	[tilespmem:s10+$0xFFFFFF80] =	vst v41  }
0x129: {  	s20 =	ssub.f32 s13, s18;
	s3 =	smul.f32 $1.562500000e-02, s21;
	(xrf2) =	vadd.scan.msk.f32 $0xffff, v26;
	v24 =	vld [tilespmem:s2+$0xFFFFFF80];
	[tilespmem:s10+$0xFFFFFF90] =	vst v0  }
0x12a: {  	s17 =	sshra.s32 s16, $0x1;
	s14 =	smul.f32 $5.000000000e-01, s16;
	v6 =	vmul.f32 v59, v59;
	v27 =	vld [tilespmem:s1+$0xFFFFFF90]  }
0x12b: {  	v7 =	vmul.f32 v58, v58;
	s4 =	ssub.s32 $0x5F3759DF, s17;
	s16 =	sadd.f32 $9.999999740e-06, s20;
	v34 =	vmov s6;
	v41 =	vmovc v1;
	v35 =	vmov s3;
	v32 =	vld [tilespmem:s2+$0xFFFFFF90]  }
0x12c: {  	[tilespmem:s22+$0x50] =	vst v61;
	s15 =	smul.f32 s4, s14;
	v3 =	vld [tilespmem:s2+$0xFFFFFFB0];
	v8 =	vsub.f32 v22, v34;
	v0 =	vmul.f32 v62, v62;
	v61 =	vmul.f32 v1, v41  }
0x12d: {  	s17 =	smul.f32 $5.000000000e-01, s16;
	v29 =	vadd.f32 v29, v12;
	v5 =	vsub.f32 v43, v35;
	v43 =	vld [tilespmem:$0x1FF80]  }
0x12e: {  	s15 =	smul.f32 s4, s15;
	s8 =	spop (v2sf);
	[tilespmem:$0x1FE60] =	vst v8;
	v8 =	vld [tilespmem:s2+$0x0];
	v63 =	vadd.f32 v6, v0;
	v6 =	vadd.f32 v61, v7  }
0x12f: {  	s18 =	smul.f32 $1.562500000e-02, s8;
	v30 =	vadd.f32 v4, v30;
	v4 =	vld [tilespmem:s2+$0xFFFFFFC0];
	v40 =	vadd.f32 v24, v2  }
0x130: {  	s22 =	smov.u32 s10;
	s20 =	sshra.s32 s16, $0x1;
	s6 =	smul.f32 s3, s3;
	v26 =	vadd.f32 v32, v27;
	v32 =	vadd.f32 v6, v63;
	v63 =	vld [tilespmem:$0x1FF90]  }
0x131: {  	s10 =	sadd.s32 $0x140, s10;
	v42 =	vsub.f32 v10, v35;
	s21 =	smul.f32 s18, s18;
	v24 =	vadd.f32 v31, v33;
	v31 =	vld [tilespmem:s1+$0xFFFFFFD0];
	s13 =	spop (v2sf)  }
0x132: {  	s16 =	ssub.s32 $0x5F3759DF, s20;
	[tilespmem:s10+$0x90] =	vst v29;
	v57 =	vmul.f32 v30, v30;
	v38 =	vmovc v30;
	v39 =	vsub.f32 v43, v35;
	v43 =	vmov s18;
	v27 =	vld [tilespmem:s1+$0xFFFFFFC0];
	s18 =	smul.f32 $1.562500000e-02, s13  }
0x133: {  	s20 =	smul.f32 s16, s17;
	[tilespmem:$0x1FE10] =	vst v5;
	v33 =	vld [tilespmem:s2+$0xFFFFFFD0];
	v29 =	vmul.f32 v40, v40;
	v9, _, _ =	vpop (xrf2);
	v61 =	vadd.f32 v26, v40;
	v30 =	vmul.f32 v26, v26  }
0x134: {  	v5 =	vld [tilespmem:s1+$0xFFFFFFE0];
	(xrf2) =	vadd.scan.msk.f32 $0xffff, v32;
	v32 =	vmovc v40;
	v40 =	vmov v26;
	v26 =	vsub.f32 v19, v34;
	s18 =	ssub.f32 s18, s6;
	s6 =	spop (v2sf);
	(v2sf) =	vpush v9, $0xF  }
0x135: {  	s3 =	smul.f32 s16, s20;
	v7 =	vld [tilespmem:s2+$0xFFFFFFF0];
	v35 =	vsub.f32 v63, v35;
	v63 =	vadd.f32 v30, v29  }
0x136: {  	s15 =	ssub.f32 $1.500000000e+00, s15;
	v6 =	vld [tilespmem:s2+$0xFFFFFFE0];
	[tilespmem:$0x1FF80] =	vst v32;
	v32 =	vadd.f32 v3, v36;
	v29 =	vsub.f32 v20, v34  }
0x137: {  	s8 =	ssub.f32 $1.500000000e+00, s3;
	v36 =	vadd.f32 v4, v27;
	v20 =	vld [tilespmem:s1+$0xFFFFFFF0];
	v27 =	vsub.f32 v21, v34  }
0x138: {  	s15 =	smul.f32 s4, s15;
	[tilespmem:$0x1FF90] =	vst v40;
	v40 =	vadd.f32 v33, v31;
	v21 =	vld [tilespmem:s1+$0x0];
	v34 =	vsub.f32 v23, v43  }
0x139: {  	s16 =	smul.f32 s16, s8;
	v3 =	vmul.f32 v24, v24;
	v30 =	vsub.f32 v25, v43;
	v33 =	vsub.f32 v28, v43;
	v28 =	vld [tilespmem:s1+$0x20]  }
0x13a: {  	s20 =	smul.f32 $1.562500000e-02, s6;
	v31 =	vsub.f32 v37, v43;
	v37 =	vld [tilespmem:s1+$0x30];
	v4 =	vadd.f32 v32, v24;
	v19 =	vmul.f32 v32, v32  }
0x13b: {  	s3 =	smul.f32 s15, s14;
	v43 =	vld [tilespmem:s2+$0x30];
	s18 =	sadd.f32 $9.999999740e-06, s18;
	v22 =	vmul.f32 v36, v36;
	v23 =	vadd.f32 v40, v36;
	v25 =	vmul.f32 v40, v40  }
0x13c: {  	s8 =	smul.f32 s16, s17;
	s20 =	ssub.f32 s20, s21;
	v3 =	vadd.f32 v19, v3;
	v19 =	vadd.f32 v6, v5;
	v5 =	vld [tilespmem:s1+$0x10]  }
0x13d: {  	v1 =	vmul.f32 s19, v18;
	s13 =	sshra.s32 s18, $0x1;
	s18 =	smul.f32 $5.000000000e-01, s18;
	v6 =	vld [tilespmem:s2+$0x10];
	v4 =	vadd.f32 v23, v4;
	v25 =	vadd.f32 v25, v22  }
0x13e: {  	v0 =	vmul.f32 s19, v16;
	v2 =	vmul.f32 s19, v17;
	s8 =	smul.f32 s8, s16;
	s19 =	ssub.s32 $0x5F3759DF, s13;
	s20 =	sadd.f32 $9.999999740e-06, s20;
	v23 =	vld [tilespmem:s2+$0x20];
	v20 =	vadd.f32 v7, v20  }
0x13f: {  	v62 =	vmov v62;
	s21 =	smul.f32 s19, s18;
	v3 =	vadd.f32 v25, v3;
	v9, _, _ =	vpop (xrf2);
	(xrf2) =	vadd.scan.msk.f32 $0xffff, v4;
	v4 =	vld [tilespmem:$0x1FE40]  }
0x140: {  	v7 =	vmul.f32 v19, v19;
	s13 =	sshra.s32 s20, $0x1;
	s6 =	smul.f32 $5.000000000e-01, s20;
	[tilespmem:$0x1FE40] =	vst v62;
	v62 =	vld [tilespmem:$0x1FE30];
	(v2sf) =	vpush v9, $0xF;
	v9 =	vmul.f32 v20, v20  }
0x141: {  	s8 =	ssub.f32 $1.500000000e+00, s8;
	v21 =	vadd.f32 v8, v21;
	s4 =	smul.f32 s19, s21;
	s13 =	ssub.s32 $0x5F3759DF, s13;
	(xrf2) =	vadd.scan.msk.f32 $0xffff, v3;
	v3 =	vld [tilespmem:$0x1FE50]  }
0x142: {  	s20 =	smul.f32 s13, s6;
	v22 =	vadd.f32 v6, v5;
	v5 =	vadd.f32 v9, v7;
	v7 =	vld [tilespmem:s1+$0x40]  }
0x143: {  	v49 =	vadd.f32 v49, v14;
	s8 =	smul.f32 s8, s16;
	s4 =	ssub.f32 $1.500000000e+00, s4;
	v9 =	vld [tilespmem:s2+$0x40]  }
0x144: {  	v8 =	vadd.f32 v20, v19;
	s20 =	smul.f32 s13, s20;
	v25 =	vadd.f32 v22, v21  }
0x145: {  	v10 =	vmovc v59;
	v6 =	vmul.f32 v21, v21;
	v23 =	vadd.f32 v23, v28;
	s4 =	smul.f32 s19, s4;
	v4 =	vsub.f32 v4, v60  }
0x146: {  	[tilespmem:$0x1FE30] =	vst v10;
	v10 =	vld [tilespmem:s2+$0x50];
	s21 =	smul.f32 s3, s15;
	v59 =	vmul.f32 v22, v22;
	s17 =	ssub.f32 $1.500000000e+00, s20;
	v3 =	vsub.f32 v3, v60;
	v8 =	vadd.f32 v25, v8  }
0x147: {  	v28 =	vmovc v58;
	v25 =	vadd.f32 v43, v37;
	s18 =	smul.f32 s4, s18;
	v1 =	vmul.f32 v1, v4;
	v4 =	vsub.f32 v62, v60;
	v62 =	vld [tilespmem:s1+$0x50]  }
0x148: {  	[tilespmem:$0x1FE50] =	vst v28;
	v43 =	vmul.f32 v23, v23;
	v6 =	vadd.f32 v59, v6;
	v60 =	vld [tilespmem:s1+$0xFFFFFF60];
	s17 =	smul.f32 s13, s17;
	v28 =	vadd.f32 v9, v7  }
0x149: {  	s19 =	ssub.f32 $1.500000000e+00, s21;
	v59 =	vmul.f32 v25, v25;
	s3 =	smul.f32 s18, s4;
	v2 =	vmul.f32 v2, v4;
	v4 =	vadd.f32 v55, v11  }
0x14a: {  	[tilespmem:s22+$0x0] =	vst v49;
	v5 =	vadd.f32 v6, v5;
	v55 =	vmul.f32 v0, v3;
	v0 =	vadd.f32 v54, v13;
	s14 =	smul.f32 s17, s6  }
0x14b: {  	s19 =	smul.f32 s19, s15;
	s21 =	spop (v2sf);
	v3 =	vadd.f32 v25, v23;
	v1 =	vadd.f32 v1, v11;
	[tilespmem:s22+$0xFFFFFFA0] =	vst v4  }
0x14c: {  	v49 =	vmul.f32 s8, v16;
	s13 =	ssub.f32 $1.500000000e+00, s3;
	[tilespmem:s22+$0xFFFFFFB0] =	vst v0;
	v0 =	vadd.f32 v53, v14;
	v4 =	vadd.f32 v59, v43;
	s6 =	smul.f32 s14, s17  }
0x14d: {  	(xrf2) =	vadd.scan.msk.f32 $0xffff, v8;
	v6 =	vmul.f32 v28, v28;
	s14 =	smul.f32 $1.562500000e-02, s21;
	v37 =	vadd.f32 v10, v62;
	v43 =	vadd.f32 v56, v60;
	v62, _, _ =	vpop (xrf2)  }
0x14e: {  	v53 =	vmul.f32 s19, v16;
	s4 =	smul.f32 s13, s4;
	[tilespmem:s22+$0xFFFFFFC0] =	vst v0;
	v0 =	vadd.f32 v52, v12;
	(v2sf) =	vpush v62, $0xF;
	s18 =	ssub.f32 $1.500000000e+00, s6  }
0x14f: {  	(xrf2) =	vadd.scan.msk.f32 $0xffff, v5;
	s6 =	smul.f32 s14, s14;
	v52 =	vmul.f32 s19, v17;
	v56 =	vadd.f32 v37, v28;
	v58 =	vmul.f32 v37, v37;
	s3 =	spop (v2sf)  }
0x150: {  	v59 =	vadd.f32 v38, v43;
	v9 =	vmul.f32 v43, v43;
	[tilespmem:s22+$0xFFFFFFD0] =	vst v0;
	v0 =	vadd.f32 v51, v11;
	s20 =	smul.f32 $1.562500000e-02, s3  }
0x151: {  	v10 =	vmovc v38;
	v54 =	vmul.f32 s4, v17;
	v3 =	vadd.f32 v56, v3;
	v60 =	vadd.f32 v58, v6  }
0x152: {  	v8, _, _ =	vpop (xrf2);
	v51 =	vmul.f32 s19, v15;
	v38 =	vadd.f32 v61, v59;
	v62 =	vadd.f32 v57, v9;
	s20 =	ssub.f32 s20, s6  }
0x153: {  	s17 =	smul.f32 s18, s17;
	(v2sf) =	vpush v8, $0xF;
	v8 =	vadd.f32 v50, v12;
	v59 =	vmul.f32 s4, v18  }
0x154: {  	v56 =	vmul.f32 s4, v16;
	v58 =	vmul.f32 s19, v18;
	v57 =	vadd.f32 v46, v13;
	s13 =	sadd.f32 $9.999999740e-06, s20  }
0x155: {  	s23 =	sadd.s32 $0x5, s23;
	v61 =	vadd.f32 v44, v12;
	[tilespmem:s22+$0xFFFFFFE0] =	vst v0;
	v0 =	vadd.f32 v48, v13;
	v46 =	vmul.f32 s17, v18  }
0x156: {  	p2 =	slt.u32 s23, $0x5F;
	v44 =	vmul.f32 s17, v15;
	v4 =	vadd.f32 v60, v4;
	v63 =	vadd.f32 v63, v62;
	(xrf2) =	vadd.scan.msk.f32 $0xffff, v38;
	s15 =	smul.f32 $5.000000000e-01, s13  }
.Ltmp0:
0x157: {  	v62 =	vadd.f32 v45, v14;
	v45 =	vmul.f32 s17, v17;
	[tilespmem:s22+$0x30] =	vst v57;
	v57 =	vmul.f32 s17, v16;
	s21 =	sshra.s32 s13, $0x1;
	(pc) =	sbr.rel @p2 .LBB2_3-.Ltmp0, $4  }
0x158: {  	v12 =	vld [tilespmem:$0x1FDE0];
	v48, _, _ =	vpop (xrf2);
	[tilespmem:s22+$0xFFFFFFF0] =	vst v0;
	(xrf2) =	vadd.scan.msk.f32 $0xffff, v3;
	v0 =	vmul.f32 s4, v15;
	v3 =	vadd.f32 v47, v11;
	s4 =	ssub.s32 $0x5F3759DF, s21  }
0x159: {  	[tilespmem:s22+$0x10] =	vst v8;
	v16 =	vld [tilespmem:$0x1FE00];
	v60 =	vadd.f32 v2, v13;
	(v2sf) =	vpush v48, $0xF;
	v48 =	vmul.f32 s8, v17;
	v50, _, _ =	vpop (xrf2);
	s13 =	smul.f32 s4, s15  }
0x15a: {  	v47 =	vmul.f32 s8, v15;
	v17 =	vld [tilespmem:$0x1FDF0];
	[tilespmem:s22+$0x20] =	vst v3;
	(xrf2) =	vadd.scan.msk.f32 $0xffff, v63;
	(v2sf) =	vpush v50, $0xF  }
0x15b: {  	s1 =	sadd.s32 $0x140, s1;
	v15 =	vld [tilespmem:$0x1FE10];
	v50 =	vmul.f32 s8, v18;
	v18 =	vmovc v41;
	v41 =	vmov v39;
	(xrf2) =	vadd.scan.msk.f32 $0xffff, v4;
	v39 =	vmov v42;
	s16 =	smul.f32 s4, s13  }
0x15c: {  	_ =	sdelay $0x4  }
0x15d: {  	v2, _, _ =	vpop (xrf2)  }
0x15e: {  	s1 =	spop (v2sf);
	s2 =	ssub.f32 $1.500000000e+00, s16;
	(v2sf) =	vpush v2, $0xF  }
0x15f: {  	s8 =	smul.f32 $1.562500000e-02, s1;
	v2, _, _ =	vpop (xrf2)  }
0x160: {  	s2 =	smul.f32 s4, s2;
	(v2sf) =	vpush v2, $0xF;
	v2, _, _ =	vpop (xrf2)  }
0x161: {  	s1 =	smul.f32 s8, s8;
	s20 =	spop (v2sf);
	(v2sf) =	vpush v2, $0xF  }
0x162: {  	s4 =	smul.f32 $1.562500000e-02, s20  }
0x163: {  	s13 =	smul.f32 s2, s15  }
0x164: {  	s4 =	ssub.f32 s4, s1  }
0x165: {  	v63 =	vld [tilespmem:$0x1FEC0];
	s13 =	smul.f32 s13, s2  }
0x166: {  	s4 =	sadd.f32 $9.999999740e-06, s4;
	s21 =	spop (v2sf)  }
0x167: {  	v38 =	vld [tilespmem:$0x1FF10];
	v2, _, _ =	vpop (xrf2);
	s1 =	smul.f32 $1.562500000e-02, s21  }
0x168: {  	[tilespmem:s22+$0x40] =	vst v62;
	(v2sf) =	vpush v2, $0xF;
	v2 =	vmul.f32 v59, v15;
	s23 =	spop (v2sf);
	s16 =	smul.f32 $5.000000000e-01, s4  }
0x169: {  	[tilespmem:s22+$0x50] =	vst v61;
	s4 =	sshra.s32 s4, $0x1;
	s3 =	smul.f32 $1.562500000e-02, s23  }
0x16a: {  	v61 =	vld [tilespmem:$0x1FFF0];
	[tilespmem:s10+$0x60] =	vst v1;
	s13 =	ssub.f32 $1.500000000e+00, s13;
	s18 =	ssub.s32 $0x5F3759DF, s4;
	v7 =	vadd.f32 v2, v63;
	s15 =	smul.f32 s1, s1  }
0x16b: {  	v1 =	vld [tilespmem:$0x1FE20];
	[tilespmem:s10+$0x70] =	vst v60;
	s21 =	smul.f32 s18, s16  }
0x16c: {  	v4 =	vadd.f32 v55, v38;
	s2 =	smul.f32 s13, s2;
	[tilespmem:s10+$0xFFFFFF60] =	vst v7;
	s13 =	ssub.f32 s3, s15  }
0x16d: {  	v12 =	vmul.f32 v53, v12;
	s21 =	smul.f32 s18, s21;
	v53 =	vld [tilespmem:$0x1FEE0];
	s17 =	spop (v2sf)  }
0x16e: {  	[tilespmem:s10+$0x80] =	vst v4;
	s19 =	smul.f32 $1.562500000e-02, s17  }
0x16f: {  	v5 =	vmul.f32 v56, v41;
	v13 =	vmov v10;
	v10 =	vmov s14;
	v56 =	vld [tilespmem:$0x1FFB0];
	s13 =	sadd.f32 $9.999999740e-06, s13;
	s17 =	spop (v2sf)  }
0x170: {  	v3 =	vmul.f32 v54, v39;
	v14 =	vsub.f32 v18, v10;
	s6 =	smul.f32 s19, s19;
	s23 =	spop (v2sf)  }
0x171: {  	v9 =	vmul.f32 v52, v17;
	v5 =	vadd.f32 v5, v38;
	v17 =	vmul.f32 s2, v61;
	s20 =	smul.f32 $1.562500000e-02, s23  }
0x172: {  	v6 =	vmul.f32 v0, v35;
	s15 =	smul.f32 $5.000000000e-01, s13;
	v3 =	vadd.f32 v3, v53;
	s23 =	sshra.s32 s13, $0x1  }
0x173: {  	v8 =	vmul.f32 v58, v16;
	v0 =	vmov s8;
	v14 =	vmul.f32 v17, v14;
	[tilespmem:s10+$0xFFFFFF80] =	vst v5;
	s17 =	smul.f32 $1.562500000e-02, s17;
	s4 =	ssub.s32 $0x5F3759DF, s23;
	s3 =	ssub.f32 s20, s6  }
0x174: {  	v18 =	vsub.f32 v24, v0;
	v55 =	vadd.f32 v6, v56;
	[tilespmem:s10+$0xFFFFFF70] =	vst v3;
	s6 =	smul.f32 s4, s15  }
0x175: {  	v50 =	vmul.f32 v50, v26;
	v8 =	vadd.f32 v8, v63;
	v58 =	vadd.f32 v14, v56;
	v5 =	vld [tilespmem:$0x1FF80];
	s23 =	smul.f32 s17, s17;
	s13 =	sadd.f32 $9.999999740e-06, s3  }
0x176: {  	v16 =	vmul.f32 v51, v1;
	v1 =	vsub.f32 v36, v0;
	v24 =	vmov s1;
	s1 =	sadd.s32 $0x140, s10;
	v60 =	vld [tilespmem:$0x1FF90];
	[tilespmem:s10+$0xFFFFFF90] =	vst v55;
	s20 =	smul.f32 s4, s6  }
0x177: {  	v62 =	vmul.f32 v49, v27;
	v2 =	vsub.f32 v32, v0;
	v9 =	vadd.f32 v9, v53;
	v35 =	vld [tilespmem:$0x1FE60];
	[tilespmem:s1+$0x90] =	vst v58;
	s3 =	spop (v2sf);
	s14 =	sshra.s32 s13, $0x1;
	s13 =	smul.f32 $5.000000000e-01, s13  }
0x178: {  	v0 =	vsub.f32 v40, v0;
	v7 =	vadd.f32 v50, v63;
	[tilespmem:s10+$0xFFFFFFA0] =	vst v8;
	s6 =	smul.f32 $1.562500000e-02, s3;
	s20 =	ssub.f32 $1.500000000e+00, s20;
	s8 =	ssub.s32 $0x5F3759DF, s14  }
0x179: {  	v40 =	vadd.f32 v62, v38;
	v17 =	vmul.f32 v48, v29;
	[tilespmem:s10+$0xFFFFFFB0] =	vst v9;
	v9 =	vadd.f32 v16, v56;
	s14 =	ssub.f32 $1.500000000e+00, s21;
	s22 =	smul.f32 s8, s13  }
0x17a: {  	v32 =	vsub.f32 v19, v24;
	v59 =	vmov s19;
	v8 =	vadd.f32 v12, v38;
	[tilespmem:s10+$0xFFFFFFE0] =	vst v7;
	s19 =	ssub.f32 s6, s23;
	s4 =	smul.f32 s4, s20  }
0x17b: {  	v36 =	vsub.f32 v20, v24;
	v19 =	vmul.f32 v46, v34;
	[tilespmem:s10+$0xFFFFFFD0] =	vst v9;
	v9 =	vadd.f32 v17, v53;
	s14 =	smul.f32 s18, s14  }
0x17c: {  	v20 =	vsub.f32 v21, v24;
	v21 =	vsub.f32 v22, v24;
	[tilespmem:s10+$0xFFFFFFC0] =	vst v8;
	s18 =	sadd.f32 $9.999999740e-06, s19;
	s21 =	smul.f32 s8, s22  }
0x17d: {  	v19 =	vadd.f32 v19, v63;
	v3 =	vsub.f32 v43, v59;
	v39 =	vmov s17;
	v62 =	vld [tilespmem:$0x1FFC0];
	[tilespmem:s10+$0xFFFFFFF0] =	vst v9;
	s15 =	smul.f32 s4, s15  }
0x17e: {  	v11 =	vsub.f32 v13, v59;
	v22 =	vsub.f32 v23, v39;
	v15 =	vmul.f32 v47, v35;
	v12 =	vld [tilespmem:$0x1FFD0];
	s20 =	sshra.s32 s18, $0x1;
	s18 =	smul.f32 $5.000000000e-01, s18  }
0x17f: {  	v23 =	vsub.f32 v25, v39;
	v5 =	vsub.f32 v5, v59;
	v25 =	vld [tilespmem:$0x1FE40];
	[tilespmem:s10+$0x0] =	vst v40;
	s16 =	smul.f32 s14, s16;
	s21 =	ssub.f32 $1.500000000e+00, s21  }
0x180: {  	v13 =	vsub.f32 v60, v59;
	v59 =	vld [tilespmem:$0x1FFE0];
	v15 =	vadd.f32 v15, v56;
	s15 =	smul.f32 s15, s4  }
0x181: {  	v26 =	vld [tilespmem:$0x1FE30];
	[tilespmem:s10+$0x20] =	vst v19;
	s8 =	smul.f32 s8, s21  }
0x182: {  	[tilespmem:s10+$0x10] =	vst v15;
	s22 =	smul.f32 s16, s14  }
0x183: {  	v19 =	vld [tilespmem:$0x1FE50];
	s17 =	ssub.s32 $0x5F3759DF, s20;
	s13 =	smul.f32 s8, s13  }
0x184: {  	s21 =	smul.f32 s17, s18  }
0x185: {  	v16 =	vmul.f32 v45, v30;
	v41 =	vmul.f32 s2, v62;
	s6 =	ssub.f32 $1.500000000e+00, s15;
	s13 =	smul.f32 s13, s8  }
0x186: {  	v24 =	vsub.f32 v28, v39;
	v9 =	vmul.f32 s2, v12;
	v42 =	vmul.f32 s2, v59;
	s2 =	ssub.f32 $1.500000000e+00, s22;
	s19 =	smul.f32 s17, s21  }
0x187: {  	v8 =	vmul.f32 v57, v33;
	v25 =	vsub.f32 v25, v10;
	v26 =	vsub.f32 v26, v10;
	s4 =	smul.f32 s6, s4;
	s13 =	ssub.f32 $1.500000000e+00, s13  }
0x188: {  	v17 =	vmul.f32 v44, v31;
	v16 =	vadd.f32 v16, v53;
	v10 =	vsub.f32 v19, v10;
	s2 =	smul.f32 s2, s14  }
0x189: {  	v8 =	vadd.f32 v8, v38;
	v14 =	vmul.f32 v41, v25;
	v9 =	vmul.f32 v9, v26;
	s8 =	smul.f32 s13, s8  }
0x18a: {  	v17 =	vadd.f32 v17, v56;
	[tilespmem:s10+$0x30] =	vst v16;
	s23 =	ssub.f32 $1.500000000e+00, s19;
	v7 =	vmul.f32 v42, v10;
	v48 =	vmul.f32 s4, v61  }
0x18b: {  	[tilespmem:s10+$0x40] =	vst v8;
	v14 =	vadd.f32 v14, v63;
	v45 =	vmul.f32 s2, v61;
	v43 =	vmul.f32 s8, v62  }
0x18c: {  	[tilespmem:s10+$0x50] =	vst v17;
	v9 =	vadd.f32 v9, v53;
	v4 =	vmul.f32 v48, v21;
	s13 =	smul.f32 s17, s23;
	v16 =	vmul.f32 s8, v12  }
0x18d: {  	[tilespmem:s1+$0x60] =	vst v14;
	v7 =	vadd.f32 v7, v38;
	v8 =	vmul.f32 s8, v59;
	v3 =	vmul.f32 v43, v3  }
0x18e: {  	[tilespmem:s1+$0x70] =	vst v9;
	v0 =	vmul.f32 v45, v0;
	v4 =	vadd.f32 v4, v56;
	s3 =	smul.f32 s13, s18;
	v10 =	vmul.f32 s8, v61  }
0x18f: {  	[tilespmem:s1+$0x80] =	vst v7;
	v11 =	vmul.f32 v16, v11;
	v5 =	vmul.f32 v8, v5;
	v3 =	vadd.f32 v3, v63  }
0x190: {  	v0 =	vadd.f32 v0, v56;
	[tilespmem:s1+$0x10] =	vst v4;
	s10 =	smul.f32 s3, s13;
	v8 =	vmul.f32 s2, v12;
	v9 =	vmul.f32 v10, v13  }
0x191: {  	v10 =	vmul.f32 s2, v59;
	v5 =	vadd.f32 v5, v38;
	[tilespmem:s1+$0xFFFFFF60] =	vst v3;
	v3 =	vadd.f32 v11, v53  }
0x192: {  	[tilespmem:s1+$0xFFFFFFD0] =	vst v0;
	v2 =	vmul.f32 v8, v2;
	v8 =	vadd.f32 v9, v56;
	s8 =	ssub.f32 $1.500000000e+00, s10;
	v9 =	vmul.f32 s4, v12  }
0x193: {  	v27 =	vsub.f32 v37, v39;
	v1 =	vmul.f32 v10, v1;
	[tilespmem:s1+$0xFFFFFF70] =	vst v3;
	v3 =	vmul.f32 s4, v62  }
0x194: {  	v44 =	vmul.f32 s2, v62;
	[tilespmem:s1+$0xFFFFFF80] =	vst v5;
	v2 =	vadd.f32 v2, v53;
	s2 =	smul.f32 s8, s13;
	v49 =	vmul.f32 v9, v36  }
0x195: {  	v47 =	vmul.f32 s4, v59;
	[tilespmem:s1+$0xFFFFFF90] =	vst v8;
	v1 =	vadd.f32 v1, v38;
	v3 =	vmul.f32 v3, v32  }
0x196: {  	v11 =	vmul.f32 v44, v18;
	[tilespmem:s1+$0xFFFFFFB0] =	vst v2;
	v2 =	vmul.f32 s2, v62;
	v0 =	vadd.f32 v49, v53  }
0x197: {  	v50 =	vmul.f32 v47, v20;
	[tilespmem:s1+$0xFFFFFFC0] =	vst v1;
	v51 =	vmul.f32 s2, v59;
	v1 =	vadd.f32 v3, v63  }
0x198: {  	v46 =	vadd.f32 v11, v63;
	v2 =	vmul.f32 v2, v22;
	[tilespmem:s1+$0xFFFFFFF0] =	vst v0;
	v3 =	vmul.f32 s2, v12  }
0x199: {  	v52 =	vmul.f32 s2, v61;
	v0 =	vmul.f32 v51, v24;
	[tilespmem:s1+$0xFFFFFFE0] =	vst v1;
	v1 =	vadd.f32 v50, v38  }
0x19a: {  	[tilespmem:s1+$0xFFFFFFA0] =	vst v46;
	v2 =	vadd.f32 v2, v63;
	v3 =	vmul.f32 v3, v23  }
0x19b: {  	v0 =	vadd.f32 v0, v38;
	[tilespmem:s1+$0x0] =	vst v1;
	v1 =	vmul.f32 v52, v27  }
0x19c: {  	[tilespmem:s1+$0x20] =	vst v2;
	v3 =	vadd.f32 v3, v53  }
0x19d: {  	[tilespmem:s1+$0x40] =	vst v0;
	v1 =	vadd.f32 v1, v56  }
0x19e: {  	[tilespmem:s1+$0x30] =	vst v3  }
0x19f: {  	s10 =	simm.s32 $0x3;
	[tilespmem:s1+$0x50] =	vst v1  }
0x1a0: {  	_ =	swait.ge [sflag:s10], $0x1900  }
0x1a1: {  	[sflag:s10] =	ssyncset.done $0x0  }
0x1a2: {  	s13 =	simm.s32 $0x4CB0;
	[sflag:s10] =	ssyncadd.s32 $0xFFFFE700  }
0x1a3: {  	s14 =	simm.s32 $0x1A30;
	v0 =	vld [tilespmem:s13+$0xFFFFFFD0]  }
0x1a4: {  	v1 =	vld [tilespmem:s14+$0xFFFFFFD0]  }
0x1a5: {  	v2 =	vld [tilespmem:s13+$0xFFFFFFE0]  }
0x1a6: {  	v3 =	vld [tilespmem:s14+$0xFFFFFFE0]  }
0x1a7: {  	v54 =	vld [tilespmem:s13+$0xFFFFFFF0]  }
0x1a8: {  	v55 =	vld [tilespmem:s14+$0xFFFFFFF0]  }
0x1a9: {  	v57 =	vld [tilespmem:s13+$0x0]  }
0x1aa: {  	v58 =	vld [tilespmem:s14+$0x0]  }
0x1ab: {  	v60 =	vld [tilespmem:s14+$0xFFFFFED0]  }
0x1ac: {  	v37 =	vld [tilespmem:s13+$0xFFFFFEE0]  }
0x1ad: {  	v38 =	vld [tilespmem:s14+$0xFFFFFEE0]  }
0x1ae: {  	v39 =	vld [tilespmem:s14+$0xFFFFFF10]  }
0x1af: {  	v40 =	vld [tilespmem:s13+$0xFFFFFF20]  }
0x1b0: {  	v17 =	vld [tilespmem:s14+$0xFFFFFF20];
	v9 =	vadd.f32 v1, v0;
	v10 =	vadd.f32 v3, v2  }
0x1b1: {  	v42 =	vld [tilespmem:s13+$0xFFFFFF30];
	v8 =	vadd.f32 v55, v54;
	v16 =	vadd.f32 v58, v57  }
0x1b2: {  	v44 =	vld [tilespmem:s14+$0xFFFFFF40];
	v2 =	vmul.f32 v9, v9;
	v3 =	vmul.f32 v10, v10  }
0x1b3: {  	v20 =	vld [tilespmem:s13+$0xFFFFFF60];
	v5 =	vmul.f32 v8, v8;
	v6 =	vmul.f32 v16, v16  }
0x1b4: {  	v23 =	vld [tilespmem:s14+$0xFFFFFF60];
	v11 =	vadd.f32 v10, v9;
	v41 =	vadd.f32 v16, v8  }
0x1b5: {  	v24 =	vld [tilespmem:s13+$0xFFFFFF70];
	v2 =	vadd.f32 v3, v2;
	v3 =	vadd.f32 v6, v5  }
0x1b6: {  	v25 =	vld [tilespmem:s14+$0xFFFFFF70];
	v43 =	vadd.f32 v41, v11  }
0x1b7: {  	v46 =	vld [tilespmem:s14+$0xFFFFFEF0];
	v2 =	vadd.f32 v3, v2  }
0x1b8: {  	v1 =	vld [tilespmem:s13+$0xFFFFFF10];
	(xrf2) =	vadd.scan.msk.f32 $0xffff, v43  }
0x1b9: {  	v11 =	vld [tilespmem:s14+$0xFFFFFF30];
	(xrf2) =	vadd.scan.msk.f32 $0xffff, v2  }
0x1ba: {  	v3 =	vld [tilespmem:s13+$0xFFFFFF40]  }
0x1bb: {  	v0 =	vld [tilespmem:s13+$0xFFFFFEF0]  }
0x1bc: {  	v45 =	vld [tilespmem:s14+$0xFFFFFF50]  }
0x1bd: {  	v19 =	vadd.f32 v17, v40;
	v2 =	vld [tilespmem:s13+$0xFFFFFF50]  }
0x1be: {  	v49 =	vld [tilespmem:s13+$0xFFFFFF00];
	v17 =	vadd.f32 v23, v20;
	v21 =	vadd.f32 v39, v1  }
0x1bf: {  	v1 =	vld [tilespmem:s13+$0xFFFFFF80];
	v22 =	vadd.f32 v11, v42;
	v29 =	vadd.f32 v44, v3  }
0x1c0: {  	v20 =	vadd.f32 v25, v24;
	v34 =	vadd.f32 v46, v0;
	v3 =	vld [tilespmem:s14+$0xFFFFFF80]  }
0x1c1: {  	v28 =	vld [tilespmem:s13+$0xFFFFFF90];
	v26 =	vmul.f32 v19, v19;
	v48 =	vadd.f32 v19, v21;
	v27 =	vadd.f32 v29, v22  }
0x1c2: {  	v57 =	vld [tilespmem:s13+$0xFFFFFED0];
	v50 =	vmul.f32 v22, v22;
	v18 =	vadd.f32 v45, v2;
	v23 =	vmul.f32 v29, v29;
	v11, _, _ =	vpop (xrf2)  }
0x1c3: {  	v58 =	vld [tilespmem:s14+$0xFFFFFFB0];
	v47 =	vmul.f32 v21, v21;
	v6 =	vadd.f32 v27, v48;
	(v2sf) =	vpush v11, $0xF;
	v11, _, _ =	vpop (xrf2)  }
0x1c4: {  	v0 =	vld [tilespmem:s14+$0xFFFFFFC0];
	v51 =	vadd.f32 v23, v50;
	(v2sf) =	vpush v11, $0xF  }
0x1c5: {  	v2 =	vld [tilespmem:s14+$0xFFFFFF00];
	(xrf2) =	vadd.scan.msk.f32 $0xffff, v6;
	v11 =	vadd.f32 v3, v1;
	v1 =	vadd.f32 v26, v47  }
0x1c6: {  	v27 =	vld [tilespmem:s14+$0xFFFFFF90]  }
0x1c7: {  	v25 =	vmul.f32 v17, v17;
	v55 =	vmul.f32 v20, v20;
	v23 =	vld [tilespmem:s14+$0xFFFFFFA0];
	v1 =	vadd.f32 v51, v1  }
0x1c8: {  	v35 =	vadd.f32 v38, v37;
	v24 =	vmul.f32 v18, v18;
	v3 =	vld [tilespmem:s13+$0xFFFFFFA0];
	v30 =	vmul.f32 v11, v11  }
0x1c9: {  	v52 =	vadd.f32 v17, v18;
	v26 =	vld [tilespmem:s13+$0xFFFFFFB0];
	v54 =	vadd.f32 v11, v20;
	(xrf2) =	vadd.scan.msk.f32 $0xffff, v1  }
0x1ca: {  	v1 =	vadd.f32 v25, v24;
	v24 =	vld [tilespmem:s13+$0xFFFFFFC0];
	v5 =	vadd.f32 v30, v55  }
0x1cb: {  	v31 =	vadd.f32 v2, v49;
	v6 =	vadd.f32 v54, v52  }
0x1cc: {  	v36 =	vadd.f32 v60, v57;
	v1 =	vadd.f32 v5, v1  }
0x1cd: {  	v2 =	vadd.f32 v31, v34;
	v15 =	vadd.f32 v27, v28;
	(xrf2) =	vadd.scan.msk.f32 $0xffff, v6  }
0x1ce: {  	v14 =	vadd.f32 v23, v3;
	(xrf2) =	vadd.scan.msk.f32 $0xffff, v1;
	v1 =	vadd.f32 v35, v36  }
0x1cf: {  	v13 =	vadd.f32 v58, v26;
	v55 =	vadd.f32 v0, v24;
	v0, _, _ =	vpop (xrf2)  }
0x1d0: {  	v60 =	vmul.f32 v31, v31;
	(v2sf) =	vpush v0, $0xF;
	v0 =	vadd.f32 v2, v1  }
0x1d1: {  	s2 =	simm.s32 $0x1B70;
	v3 =	vmul.f32 v34, v34;
	v1 =	vadd.f32 v14, v15;
	v2 =	vadd.f32 v55, v13  }
0x1d2: {  	v32 =	vmul.f32 v35, v35;
	v57 =	vld [tilespmem:s2+$0xFFFFFF20];
	v33 =	vmul.f32 v36, v36  }
0x1d3: {  	s10 =	simm.s32 $0x4DF0;
	v43 =	vld [tilespmem:s2+$0xFFFFFFF0];
	v3 =	vadd.f32 v60, v3;
	(xrf2) =	vadd.scan.msk.f32 $0xffff, v0;
	v0 =	vadd.f32 v2, v1;
	v37, _, _ =	vpop (xrf2)  }
0x1d4: {  	v48 =	vld [tilespmem:s10+$0x0];
	v2 =	vadd.f32 v32, v33;
	(v2sf) =	vpush v37, $0xF  }
0x1d5: {  	v49 =	vld [tilespmem:s2+$0x0]  }
0x1d6: {  	v27 =	vld [tilespmem:s10+$0xFFFFFEF0];
	(xrf2) =	vadd.scan.msk.f32 $0xffff, v0;
	v2 =	vadd.f32 v3, v2  }
0x1d7: {  	v28 =	vld [tilespmem:s2+$0xFFFFFEF0]  }
0x1d8: {  	v23 =	vld [tilespmem:s2+$0xFFFFFFE0];
	s15 =	spop (v2sf);
	v1, _, _ =	vpop (xrf2);
	(xrf2) =	vadd.scan.msk.f32 $0xffff, v2  }
0x1d9: {  	v38 =	vmul.f32 v15, v15;
	v39 =	vmul.f32 v14, v14;
	s1 =	smul.f32 $1.562500000e-02, s15;
	s16 =	spop (v2sf);
	v3 =	vld [tilespmem:s10+$0xFFFFFFE0]  }
0x1da: {  	v40 =	vmul.f32 v13, v13;
	v41 =	vmul.f32 v55, v55;
	s17 =	smul.f32 $1.562500000e-02, s16;
	v2 =	vld [tilespmem:s10+$0xFFFFFFF0]  }
0x1db: {  	v4 =	vadd.f32 v39, v38;
	v0 =	vld [tilespmem:s2+$0xFFFFFFD0];
	s18 =	smul.f32 s1, s1  }
0x1dc: {  	v6 =	vadd.f32 v41, v40;
	(v2sf) =	vpush v1, $0xF;
	v1 =	vld [tilespmem:s10+$0xFFFFFFD0]  }
0x1dd: {  	v51 =	vld [tilespmem:s2+$0xFFFFFEE0];
	s4 =	ssub.f32 s17, s18;
	v42, _, _ =	vpop (xrf2)  }
0x1de: {  	v54 =	vld [tilespmem:s10+$0xFFFFFF20];
	v4 =	vadd.f32 v6, v4;
	(v2sf) =	vpush v42, $0xF  }
0x1df: {  	v26 =	vld [tilespmem:s10+$0xFFFFFEE0];
	s4 =	sadd.f32 $9.999999740e-06, s4;
	v47 =	vadd.f32 v23, v3;
	v50, _, _ =	vpop (xrf2);
	v30 =	vadd.f32 v43, v2  }
0x1e0: {  	v5 =	vld [tilespmem:s2+$0xFFFFFF10];
	v43 =	vadd.f32 v49, v48;
	(v2sf) =	vpush v50, $0xF;
	v24, _, _ =	vpop (xrf2)  }
0x1e1: {  	v60 =	vld [tilespmem:s10+$0xFFFFFF30];
	s19 =	sshra.s32 s4, $0x1;
	s4 =	smul.f32 $5.000000000e-01, s4;
	s21 =	spop (v2sf);
	(v2sf) =	vpush v24, $0xF;
	v24 =	vadd.f32 v0, v1  }
0x1e2: {  	v32 =	vld [tilespmem:s10+$0xFFFFFF00];
	(xrf2) =	vadd.scan.msk.f32 $0xffff, v4;
	v3 =	vmul.f32 v47, v47;
	s8 =	ssub.s32 $0x5F3759DF, s19;
	v52 =	vmul.f32 v30, v30;
	v1, _, _ =	vpop (xrf2)  }
0x1e3: {  	v42 =	vld [tilespmem:s2+$0xFFFFFF50];
	s20 =	smul.f32 s8, s4;
	v7 =	vmul.f32 v43, v43;
	s19 =	spop (v2sf);
	(v2sf) =	vpush v1, $0xF;
	v1 =	vmul.f32 v24, v24  }
0x1e4: {  	v2 =	vld [tilespmem:s10+$0xFFFFFF10];
	v25 =	vadd.f32 v43, v30;
	s22 =	smul.f32 $1.562500000e-02, s21;
	v23 =	vadd.f32 v47, v24  }
0x1e5: {  	v48 =	vld [tilespmem:s2+$0xFFFFFF30];
	v1 =	vadd.f32 v3, v1;
	v3 =	vadd.f32 v7, v52  }
0x1e6: {  	v49 =	vld [tilespmem:s2+$0xFFFFFF40];
	s13 =	smul.f32 s8, s20;
	v44 =	vmov s22;
	v46 =	vadd.f32 v25, v23  }
0x1e7: {  	v0 =	vld [tilespmem:s2+$0xFFFFFF00];
	v19 =	vsub.f32 v19, v44;
	v1 =	vadd.f32 v3, v1  }
0x1e8: {  	s13 =	ssub.f32 $1.500000000e+00, s13;
	(xrf2) =	vadd.scan.msk.f32 $0xffff, v46;
	v3 =	vld [tilespmem:s10+$0xFFFFFF40]  }
0x1e9: {  	s18 =	smul.f32 s22, s22;
	(xrf2) =	vadd.scan.msk.f32 $0xffff, v1;
	v1 =	vld [tilespmem:s10+$0xFFFFFF50];
	[tilespmem:$0x1FD10] =	vst v19;
	v19 =	vsub.f32 v22, v44  }
0x1ea: {  	s16 =	smul.f32 s8, s13  }
0x1eb: {  	s13 =	smul.f32 $1.562500000e-02, s19;
	s20 =	spop (v2sf);
	[tilespmem:$0x1FD30] =	vst v19  }
0x1ec: {  	v39 =	vadd.f32 v57, v54;
	v38 =	vadd.f32 v5, v2;
	v58, _, _ =	vpop (xrf2);
	s14 =	smul.f32 $1.562500000e-02, s20;
	v50 =	vld [tilespmem:s10+$0xFFFFFF60]  }
0x1ed: {  	v23 =	vadd.f32 v51, v26;
	s8 =	ssub.f32 s13, s18;
	s23 =	spop (v2sf);
	(v2sf) =	vpush v58, $0xF;
	v51 =	vld [tilespmem:s2+$0xFFFFFF60]  }
0x1ee: {  	v40 =	vadd.f32 v48, v60;
	s21 =	smul.f32 s14, s14;
	v2 =	vld [tilespmem:s10+$0xFFFFFF70]  }
0x1ef: {  	v54 =	vadd.f32 v39, v38;
	s8 =	sadd.f32 $9.999999740e-06, s8;
	s3 =	smul.f32 $1.562500000e-02, s23;
	v41 =	vadd.f32 v49, v3;
	v3 =	vld [tilespmem:s2+$0xFFFFFF70]  }
0x1f0: {  	v29 =	vsub.f32 v29, v44;
	v25 =	vsub.f32 v21, v44;
	s4 =	smul.f32 s16, s4;
	v6 =	vld [tilespmem:s10+$0xFFFFFF80]  }
0x1f1: {  	v26 =	vadd.f32 v0, v32;
	v0 =	vmul.f32 v38, v38;
	v52 =	vmul.f32 v39, v39;
	s6 =	sshra.s32 s8, $0x1;
	s17 =	smul.f32 $5.000000000e-01, s8;
	s18 =	ssub.f32 s3, s21;
	v57 =	vld [tilespmem:s2+$0xFFFFFF80]  }
0x1f2: {  	s4 =	smul.f32 s4, s16;
	v22 =	vadd.f32 v28, v27;
	s22 =	ssub.s32 $0x5F3759DF, s6;
	s19 =	spop (v2sf);
	v5 =	vld [tilespmem:s2+$0xFFFFFED0];
	v28 =	vadd.f32 v41, v40  }
0x1f3: {  	v60 =	vmul.f32 v40, v40;
	v0 =	vadd.f32 v52, v0;
	s13 =	smul.f32 s22, s17;
	s8 =	sadd.f32 $9.999999740e-06, s18;
	v19 =	vadd.f32 v42, v1;
	v42 =	vld [tilespmem:s10+$0xFFFFFED0]  }
0x1f4: {  	v37 =	vadd.f32 v26, v22;
	s18 =	smul.f32 $1.562500000e-02, s19;
	v52 =	vmul.f32 v41, v41;
	v58, _, _ =	vpop (xrf2);
	v1 =	vadd.f32 v28, v54  }
0x1f5: {  	s23 =	smul.f32 $5.000000000e-01, s8;
	(v2sf) =	vpush v58, $0xF;
	v28 =	vadd.f32 v51, v50  }
0x1f6: {  	s20 =	smul.f32 s18, s18;
	v32 =	vadd.f32 v57, v6;
	v57 =	vadd.f32 v52, v60;
	(xrf2) =	vadd.scan.msk.f32 $0xffff, v1;
	v33, _, _ =	vpop (xrf2)  }
0x1f7: {  	v48 =	vld [tilespmem:s10+$0xFFFFFF90];
	s8 =	sshra.s32 s8, $0x1;
	s3 =	spop (v2sf);
	s13 =	smul.f32 s22, s13;
	(v2sf) =	vpush v33, $0xF;
	v33 =	vadd.f32 v3, v2  }
0x1f8: {  	v4 =	vld [tilespmem:s10+$0xFFFFFFA0];
	s8 =	ssub.s32 $0x5F3759DF, s8;
	s15 =	smul.f32 $1.562500000e-02, s3;
	v54 =	vmul.f32 v19, v19;
	v60 =	vmul.f32 v32, v32;
	v42 =	vadd.f32 v5, v42  }
0x1f9: {  	s4 =	ssub.f32 $1.500000000e+00, s4;
	s6 =	smul.f32 s8, s23;
	v1 =	vld [tilespmem:s2+$0xFFFFFF90];
	v0 =	vadd.f32 v57, v0;
	v2 =	vmul.f32 v28, v28;
	v58 =	vmul.f32 v33, v33  }
0x1fa: {  	v7 =	vld [tilespmem:s2+$0xFFFFFFA0];
	s21 =	smul.f32 s15, s15;
	s3 =	spop (v2sf);
	v3 =	vadd.f32 v28, v19;
	v52 =	vadd.f32 v32, v33  }
0x1fb: {  	v49 =	vld [tilespmem:s10+$0xFFFFFFB0];
	s13 =	ssub.f32 $1.500000000e+00, s13;
	s3 =	smul.f32 $1.562500000e-02, s3;
	v2 =	vadd.f32 v2, v54;
	v54 =	vadd.f32 v60, v58  }
0x1fc: {  	v44 =	vmov s1;
	s19 =	smul.f32 s8, s6;
	v5 =	vld [tilespmem:s2+$0xFFFFFFB0];
	v57 =	vadd.f32 v23, v42;
	s6 =	spop (v2sf);
	v3 =	vadd.f32 v52, v3  }
0x1fd: {  	v10 =	vsub.f32 v10, v44;
	v45 =	vld [tilespmem:s10+$0xFFFFFFC0];
	s3 =	ssub.f32 s3, s20;
	(xrf2) =	vadd.scan.msk.f32 $0xffff, v0;
	s20 =	smul.f32 $1.562500000e-02, s6;
	v0 =	vadd.f32 v54, v2  }
0x1fe: {  	s6 =	ssub.f32 $1.500000000e+00, s19;
	v58 =	vld [tilespmem:s2+$0xFFFFFFC0];
	v60 =	vmov s18;
	v52 =	vadd.f32 v1, v48;
	(xrf2) =	vadd.scan.msk.f32 $0xffff, v3;
	v3 =	vadd.f32 v37, v57  }
0x1ff: {  	s4 =	smul.f32 s4, s16;
	s20 =	ssub.f32 s20, s21;
	v36 =	vsub.f32 v36, v60;
	v34 =	vsub.f32 v34, v60;
	(xrf2) =	vadd.scan.msk.f32 $0xffff, v0  }
0x200: {  	s22 =	smul.f32 s22, s13;
	s3 =	sadd.f32 $9.999999740e-06, s3;
	v48 =	vmul.f32 v42, v42;
	v2 =	vsub.f32 v16, v44;
	v54 =	vadd.f32 v7, v4;
	v1, _, _ =	vpop (xrf2);
	(xrf2) =	vadd.scan.msk.f32 $0xffff, v3  }
0x201: {  	s16 =	smul.f32 s8, s6;
	v37 =	vsub.f32 v35, v60;
	v35 =	vadd.f32 v5, v49;
	s6 =	sadd.f32 $9.999999740e-06, s20;
	v0 =	vmul.f32 v22, v22  }
0x202: {  	s21 =	sshra.s32 s3, $0x1;
	s3 =	smul.f32 $5.000000000e-01, s3;
	v4 =	vsub.f32 v31, v60;
	v16 =	vmul.f32 v54, v54;
	v3 =	vmul.f32 v26, v26  }
0x203: {  	s19 =	ssub.s32 $0x5F3759DF, s21;
	s13 =	sshra.s32 s6, $0x1;
	s18 =	smul.f32 $5.000000000e-01, s6;
	(v2sf) =	vpush v1, $0xF;
	v50 =	vadd.f32 v58, v45;
	v1 =	vmov s14  }
0x204: {  	s10 =	smul.f32 s19, s3;
	v51 =	vadd.f32 v54, v52;
	v45 =	vmul.f32 v52, v52;
	s2 =	ssub.s32 $0x5F3759DF, s13;
	v58 =	vsub.f32 v18, v1  }
0x205: {  	s8 =	smul.f32 s2, s18;
	v0 =	vadd.f32 v3, v0;
	v3 =	vmul.f32 s4, v61;
	v60 =	vadd.f32 v50, v35  }
0x206: {  	s1 =	smul.f32 s19, s10;
	v18 =	vmul.f32 v23, v23;
	v57 =	vsub.f32 v17, v1;
	v17 =	vmul.f32 v35, v35  }
0x207: {  	v46 =	vadd.f32 v16, v45;
	s20 =	spop (v2sf);
	v16, _, _ =	vpop (xrf2);
	s8 =	smul.f32 s2, s8;
	v5 =	vadd.f32 v60, v51;
	v2 =	vmul.f32 v3, v2  }
0x208: {  	s1 =	ssub.f32 $1.500000000e+00, s1;
	v51 =	vsub.f32 v20, v1;
	v20 =	vmul.f32 v50, v50;
	s21 =	spop (v2sf);
	(v2sf) =	vpush v16, $0xF;
	v16, _, _ =	vpop (xrf2)  }
0x209: {  	s13 =	smul.f32 s22, s17;
	s14 =	ssub.f32 $1.500000000e+00, s8;
	[tilespmem:$0x1FD40] =	vst v2;
	v2 =	vadd.f32 v18, v48;
	(v2sf) =	vpush v16, $0xF;
	v3, _, _ =	vpop (xrf2)  }
0x20a: {  	s17 =	smul.f32 s19, s1;
	s1 =	simm.s32 $0x4F30;
	v60 =	vadd.f32 v20, v17;
	v17 =	vmul.f32 s4, v12;
	(v2sf) =	vpush v3, $0xF;
	v16, _, _ =	vpop (xrf2)  }
0x20b: {  	v8 =	vsub.f32 v8, v44;
	(xrf2) =	vadd.scan.msk.f32 $0xffff, v5;
	v20 =	vld [tilespmem:s1+$0xFFFFFFE0];
	s14 =	smul.f32 s2, s14;
	s2 =	simm.s32 $0x1CB0;
	(v2sf) =	vpush v16, $0xF;
	v16 =	vmul.f32 s4, v59  }
0x20c: {  	v21 =	vmovc v59;
	s10 =	smul.f32 $1.562500000e-02, s20;
	v0 =	vadd.f32 v0, v2;
	v2 =	vld [tilespmem:s2+$0xFFFFFFD0];
	v59 =	vsub.f32 v11, v1;
	v1 =	vmul.f32 v17, v10  }
0x20d: {  	s13 =	smul.f32 s13, s22;
	v18 =	vmov s15;
	v3 =	vld [tilespmem:s1+$0xFFFFFFD0];
	v45 =	vmul.f32 v16, v8  }
0x20e: {  	s19 =	smul.f32 s16, s23;
	v6 =	vadd.f32 v60, v46;
	v46 =	vsub.f32 v14, v18;
	(xrf2) =	vadd.scan.msk.f32 $0xffff, v0;
	v0 =	vld [tilespmem:s2+$0xFFFFFFE0];
	[tilespmem:$0x1FD60] =	vst v1  }
0x20f: {  	s6 =	smul.f32 s10, s10;
	v8 =	vsub.f32 v13, v18;
	v1 =	vld [tilespmem:s1+$0xFFFFFFF0];
	[tilespmem:$0x1FD70] =	vst v45  }
0x210: {  	s13 =	ssub.f32 $1.500000000e+00, s13;
	s3 =	smul.f32 s17, s3;
	(xrf2) =	vadd.scan.msk.f32 $0xffff, v6;
	v6 =	vld [tilespmem:s2+$0xFFFFFFF0];
	[tilespmem:$0x1FD50] =	vst v46  }
0x211: {  	s23 =	smul.f32 $1.562500000e-02, s21;
	v11 =	vld [tilespmem:s1+$0x0];
	[tilespmem:$0x1FD80] =	vst v8;
	v8 =	vsub.f32 v55, v18  }
0x212: {  	s13 =	smul.f32 s13, s22;
	s22 =	spop (v2sf)  }
0x213: {  	s8 =	ssub.f32 s23, s6;
	s6 =	smul.f32 $1.562500000e-02, s22  }
0x214: {  	s3 =	smul.f32 s3, s17  }
0x215: {  	v9 =	vsub.f32 v9, v44;
	v17 =	vld [tilespmem:s2+$0x0];
	v10 =	vmov s6;
	[tilespmem:$0x1FDB0] =	vst v8;
	v8, _, _ =	vpop (xrf2)  }
0x216: {  	v49 =	vmul.f32 s4, v62;
	s3 =	ssub.f32 $1.500000000e+00, s3;
	(v2sf) =	vpush v8, $0xF;
	v8 =	vsub.f32 v38, v10  }
0x217: {  	s19 =	smul.f32 s19, s16;
	v45 =	vld [tilespmem:s1+$0xFFFFFEE0]  }
0x218: {  	v49 =	vmul.f32 v49, v9;
	s3 =	smul.f32 s3, s17;
	v46 =	vld [tilespmem:s2+$0xFFFFFEE0];
	[tilespmem:$0x1FC90] =	vst v8;
	v8 =	vsub.f32 v39, v10  }
0x219: {  	v60 =	vsub.f32 v15, v18;
	v15 =	vmul.f32 s13, v62;
	s4 =	ssub.f32 $1.500000000e+00, s19;
	v40 =	vsub.f32 v40, v10  }
0x21a: {  	v44 =	vmul.f32 s13, v21;
	v5 =	vmul.f32 s3, v62;
	v41 =	vsub.f32 v41, v10;
	[tilespmem:$0x1FCA0] =	vst v8  }
0x21b: {  	v48 =	vmul.f32 s3, v12;
	v9 =	vmul.f32 s3, v21;
	s22 =	smul.f32 s4, s16;
	v38 =	vld [tilespmem:s1+$0xFFFFFEF0];
	[tilespmem:$0x1FCB0] =	vst v40  }
0x21c: {  	v13 =	vmul.f32 s3, v61;
	v18 =	vmov v21;
	v21 =	vmul.f32 s13, v61;
	[tilespmem:$0x1FCC0] =	vst v41  }
0x21d: {  	s8 =	sadd.f32 $9.999999740e-06, s8;
	v16 =	vmov v62;
	v55 =	vmul.f32 s22, v62;
	v62 =	vmul.f32 v5, v36;
	v5 =	vld [tilespmem:s2+$0xFFFFFEF0]  }
0x21e: {  	v14 =	vmovc v61;
	s21 =	smul.f32 s14, s18;
	v61 =	vmul.f32 v48, v37;
	v48 =	vadd.f32 v2, v3;
	v10 =	vadd.f32 v0, v20;
	v0 =	vld [tilespmem:s1+$0xFFFFFF00]  }
0x21f: {  	s17 =	smul.f32 $5.000000000e-01, s8;
	s23 =	sshra.s32 s8, $0x1;
	s20 =	spop (v2sf);
	v2, _, _ =	vpop (xrf2);
	v17 =	vadd.f32 v17, v11;
	v8 =	vmul.f32 v9, v34;
	v9 =	vadd.f32 v6, v1;
	v1 =	vld [tilespmem:s2+$0xFFFFFF00]  }
0x220: {  	s19 =	smul.f32 s21, s14;
	s3 =	ssub.s32 $0x5F3759DF, s23;
	v37 =	vmul.f32 v13, v4;
	(v2sf) =	vpush v2, $0xF;
	s21 =	spop (v2sf);
	v2 =	vadd.f32 v10, v48;
	v4 =	vld [tilespmem:s1+$0xFFFFFF10];
	[tilespmem:$0x1FCD0] =	vst v48  }
0x221: {  	s18 =	smul.f32 s3, s17;
	s23 =	spop (v2sf);
	v11 =	vmul.f32 v10, v10;
	v40 =	vmul.f32 v48, v48;
	v41 =	vadd.f32 v17, v9;
	[tilespmem:$0x1FCE0] =	vst v10  }
0x222: {  	v31 =	vmul.f32 s13, v12;
	s8 =	smul.f32 s6, s6;
	s6 =	spop (v2sf);
	v13 =	vmul.f32 v9, v9;
	v20 =	vld [tilespmem:s2+$0xFFFFFF10];
	[tilespmem:$0x1FCF0] =	vst v9  }
0x223: {  	s15 =	smul.f32 $1.562500000e-02, s6;
	v48 =	vmul.f32 v17, v17;
	[tilespmem:$0x1FD00] =	vst v17;
	v6 =	vadd.f32 v11, v40;
	v9 =	vld [tilespmem:$0x1FD10];
	v2 =	vadd.f32 v41, v2  }
0x224: {  	s13 =	ssub.f32 $1.500000000e+00, s19;
	v36 =	vld [tilespmem:s1+$0xFFFFFF20];
	v41 =	vmul.f32 v15, v25;
	v15 =	vadd.f32 v5, v38;
	v17 =	vadd.f32 v1, v0  }
0x225: {  	s4 =	smul.f32 s3, s18;
	v11 =	vadd.f32 v46, v45;
	v40 =	vld [tilespmem:s2+$0xFFFFFF20];
	v25 =	vadd.f32 v48, v13;
	v0 =	vmov s15  }
0x226: {  	s14 =	smul.f32 s13, s14;
	v3, _, _ =	vpop (xrf2);
	v34 =	vld [tilespmem:s1+$0xFFFFFF30];
	v39 =	vsub.f32 v23, v0;
	v46 =	vmul.f32 v15, v15;
	v23 =	vmul.f32 v17, v17  }
0x227: {  	(v2sf) =	vpush v3, $0xF;
	s13 =	smul.f32 $1.562500000e-02, s21;
	v3 =	vld [tilespmem:s1+$0xFFFFFF40];
	(xrf2) =	vadd.scan.msk.f32 $0xffff, v2;
	v2 =	vadd.f32 v25, v6  }
0x228: {  	s4 =	ssub.f32 $1.500000000e+00, s4;
	v13 =	vld [tilespmem:s2+$0xFFFFFF40];
	v6 =	vadd.f32 v23, v46  }
0x229: {  	v1 =	vld [tilespmem:s2+$0xFFFFFF30];
	v38 =	vsub.f32 v42, v0;
	(xrf2) =	vadd.scan.msk.f32 $0xffff, v2;
	v42 =	vsub.f32 v22, v0;
	v2 =	vmov s13  }
0x22a: {  	s4 =	smul.f32 s3, s4;
	v48 =	vmul.f32 v31, v9;
	v27 =	vsub.f32 v26, v0;
	v0 =	vld [tilespmem:s1+$0xFFFFFF50];
	v9 =	vsub.f32 v28, v2;
	[tilespmem:$0x1FDC0] =	vst v6  }
0x22b: {  	s16 =	smul.f32 $1.562500000e-02, s20;
	v6 =	vld [tilespmem:s2+$0xFFFFFF50]  }
0x22c: {  	s17 =	smul.f32 s4, s17;
	v25 =	vadd.f32 v20, v4;
	v31 =	vadd.f32 v40, v36;
	[tilespmem:$0x1FD20] =	vst v9;
	v9 =	vld [tilespmem:$0x1FD30]  }
0x22d: {  	s18 =	smul.f32 s13, s13;
	v26 =	vsub.f32 v19, v2;
	v28 =	vsub.f32 v33, v2;
	s20 =	spop (v2sf)  }
0x22e: {  	v20 =	vmul.f32 v25, v25;
	s13 =	smul.f32 $1.562500000e-02, s20;
	v36 =	vadd.f32 v1, v34;
	v1 =	vmul.f32 v31, v31;
	v22 =	vld [tilespmem:s1+$0xFFFFFF60]  }
0x22f: {  	v7 =	vmul.f32 s22, v12;
	s8 =	ssub.f32 s16, s8;
	v40 =	vadd.f32 v13, v3;
	v13 =	vadd.f32 v31, v25;
	v5 =	vld [tilespmem:s2+$0xFFFFFF60]  }
0x230: {  	s17 =	smul.f32 s17, s4;
	v34 =	vsub.f32 v32, v2;
	v3 =	vmov s13;
	v1 =	vadd.f32 v1, v20;
	v2 =	vld [tilespmem:s1+$0xFFFFFF70]  }
0x231: {  	s3 =	smul.f32 $1.562500000e-02, s23;
	s8 =	sadd.f32 $9.999999740e-06, s8;
	v23 =	vld [tilespmem:s2+$0xFFFFFF70];
	v33 =	vsub.f32 v52, v3;
	v35 =	vsub.f32 v35, v3;
	v46 =	vmul.f32 v44, v9  }
0x232: {  	s19 =	ssub.f32 $1.500000000e+00, s17;
	v52 =	vld [tilespmem:s1+$0xFFFFFF80];
	v44 =	vmul.f32 v21, v29;
	v19 =	vadd.f32 v6, v0;
	v0 =	vmul.f32 v7, v57  }
0x233: {  	s3 =	ssub.f32 s3, s18;
	v29 =	vsub.f32 v54, v3;
	v54 =	vmul.f32 v55, v58;
	v21 =	vadd.f32 v40, v36;
	v55 =	vld [tilespmem:s2+$0xFFFFFF80]  }
0x234: {  	s21 =	sshra.s32 s8, $0x1;
	s17 =	smul.f32 $5.000000000e-01, s8;
	v6 =	vmul.f32 v40, v40;
	v20 =	vadd.f32 v5, v22;
	v22 =	vmul.f32 v36, v36;
	[tilespmem:$0x1FDD0] =	vst v0  }
0x235: {  	s23 =	smul.f32 s19, s4;
	s8 =	ssub.s32 $0x5F3759DF, s21;
	v45 =	vmul.f32 s22, v18;
	s3 =	sadd.f32 $9.999999740e-06, s3;
	v32 =	vsub.f32 v50, v3;
	v4 =	vadd.f32 v21, v13;
	v3 =	vld [tilespmem:s1+$0xFFFFFF90]  }
0x236: {  	s16 =	smul.f32 s8, s17;
	v21 =	vadd.f32 v23, v2;
	v7 =	vld [tilespmem:s2+$0xFFFFFF90];
	v2 =	vadd.f32 v6, v22  }
0x237: {  	v45 =	vmul.f32 v45, v51;
	s4 =	smul.f32 $5.000000000e-01, s3  }
0x238: {  	s16 =	smul.f32 s8, s16;
	v22 =	vadd.f32 v55, v52;
	v52 =	vadd.f32 v2, v1;
	v1 =	vmul.f32 s14, v16  }
0x239: {  	s15 =	smul.f32 s15, s15;
	s21 =	spop (v2sf);
	v57 =	vmul.f32 v19, v19;
	v13 =	vmul.f32 v20, v20;
	v51 =	vld [tilespmem:s1+$0xFFFFFFA0];
	v0, _, _ =	vpop (xrf2)  }
0x23a: {  	s6 =	sshra.s32 s3, $0x1;
	s19 =	smul.f32 $1.562500000e-02, s21;
	v5 =	vmul.f32 s22, v14;
	(v2sf) =	vpush v0, $0xF;
	v6 =	vmul.f32 v1, v60;
	v1 =	vld [tilespmem:$0x1FD40]  }
0x23b: {  	s18 =	ssub.s32 $0x5F3759DF, s6;
	s6 =	ssub.f32 $1.500000000e+00, s16;
	v0, _, _ =	vpop (xrf2);
	v50 =	vadd.f32 v13, v57;
	v13 =	vmov s10;
	v23 =	vadd.f32 v7, v3;
	v3 =	vld [tilespmem:s2+$0xFFFFFFA0]  }
0x23c: {  	s20 =	smul.f32 s18, s4;
	s3 =	ssub.f32 s19, s15;
	(v2sf) =	vpush v0, $0xF;
	v57 =	vsub.f32 v24, v13  }
0x23d: {  	s16 =	spop (v2sf);
	s13 =	smul.f32 s13, s13;
	v0 =	vmul.f32 v5, v59;
	v59 =	vadd.f32 v20, v19;
	v24 =	vadd.f32 v22, v21  }
0x23e: {  	s3 =	sadd.f32 $9.999999740e-06, s3;
	s22 =	smul.f32 s18, s20  }
0x23f: {  	s20 =	smul.f32 $1.562500000e-02, s16;
	(xrf2) =	vadd.scan.msk.f32 $0xffff, v4;
	v4 =	vadd.f32 v24, v59  }
0x240: {  	s15 =	smul.f32 s8, s6;
	s21 =	ssub.f32 $1.500000000e+00, s22;
	s22 =	sshra.s32 s3, $0x1;
	v24 =	vadd.f32 v3, v51;
	v3 =	vadd.f32 v1, v56  }
0x241: {  	s6 =	ssub.f32 s20, s13;
	s13 =	ssub.s32 $0x5F3759DF, s22;
	s22 =	sadd.s32 $0xB3F0, s9  }
0x242: {  	[tilespmem:s22+$0x0] =	vst v3  }
0x243: {  	v1 =	vld [tilespmem:$0x1FD50];
	_ =	sdelay $0x2  }
0x244: {  	v60 =	vmul.f32 s14, v12;
	_ =	sdelay $0x1  }
0x245: {  	v3 =	vmul.f32 v60, v1;
	v1 =	vld [tilespmem:$0x1FD60];
	_ =	sdelay $0x1  }
0x246: {  	v47 =	vsub.f32 v47, v13;
	v55 =	vsub.f32 v30, v13  }
0x247: {  	s10 =	smul.f32 $5.000000000e-01, s3;
	v30 =	vld [tilespmem:s2+$0xFFFFFFB0];
	v5 =	vmul.f32 v21, v21;
	v7 =	vsub.f32 v43, v13;
	v13 =	vmul.f32 v22, v22  }
0x248: {  	s16 =	smul.f32 s18, s21;
	s3 =	sadd.f32 $9.999999740e-06, s6;
	v2 =	vld [tilespmem:$0x1FD70]  }
0x249: {  	s18 =	smul.f32 s13, s10;
	v5 =	vadd.f32 v13, v5;
	v13 =	vadd.f32 v1, v53;
	v1 =	vld [tilespmem:$0x1FF10]  }
0x24a: {  	s19 =	sshra.s32 s3, $0x1;
	s3 =	smul.f32 $5.000000000e-01, s3;
	v43 =	vld [tilespmem:s1+$0xFFFFFFB0]  }
0x24b: {  	v49 =	vadd.f32 v49, v63;
	s8 =	smul.f32 s13, s18;
	s18 =	ssub.s32 $0x5F3759DF, s19  }
0x24c: {  	s20 =	smul.f32 s18, s3  }
0x24d: {  	s17 =	smul.f32 s15, s17;
	s21 =	ssub.f32 $1.500000000e+00, s8;
	[tilespmem:s22+$0xFFFFFFD0] =	vst v49;
	v49 =	vadd.f32 v62, v63  }
0x24e: {  	v10 =	vmov v53;
	v59 =	vld [tilespmem:s1+$0xFFFFFFC0];
	s6 =	smul.f32 s18, s20;
	[tilespmem:s22+$0xFFFFFFE0] =	vst v13;
	v53 =	vadd.f32 v2, v1  }
0x24f: {  	v58 =	vmul.f32 s23, v14;
	v30 =	vadd.f32 v30, v43;
	v43 =	vld [tilespmem:s2+$0xFFFFFED0];
	s13 =	smul.f32 s13, s21;
	[tilespmem:s22+$0xFFFFFED0] =	vst v49  }
0x250: {  	v9 =	vmov v63;
	s17 =	smul.f32 s17, s15;
	v51 =	vmul.f32 s14, v18;
	v60 =	vld [tilespmem:s2+$0xFFFFFFC0];
	v63 =	vmul.f32 s14, v14;
	s14 =	ssub.f32 $1.500000000e+00, s6;
	[tilespmem:s22+$0xFFFFFFF0] =	vst v53  }
0x251: {  	v7 =	vmul.f32 v58, v7;
	v58 =	vadd.f32 v61, v10;
	s19 =	smul.f32 s13, s10;
	v62 =	vld [tilespmem:s1+$0xFFFFFED0];
	[tilespmem:$0x1FD90] =	vst v15  }
0x252: {  	s1 =	smul.f32 s18, s14;
	v61 =	vadd.f32 v8, v1;
	v8 =	vmov v1;
	v1 =	vld [tilespmem:$0x1FD80];
	[tilespmem:$0x1FDA0] =	vst v17  }
0x253: {  	(xrf2) =	vadd.scan.msk.f32 $0xffff, v52;
	v52 =	vadd.f32 v37, v56;
	s8 =	smul.f32 s19, s13;
	v2 =	vld [tilespmem:$0x1FDB0];
	[tilespmem:s22+$0xFFFFFEE0] =	vst v58  }
0x254: {  	v7 =	vadd.f32 v7, v56;
	v5 =	vadd.f32 v5, v50;
	v50 =	vmul.f32 v24, v24;
	s3 =	smul.f32 s1, s3;
	[tilespmem:s22+$0xFFFFFEF0] =	vst v61  }
0x255: {  	s10 =	sadd.s32 $0x140, s22;
	s8 =	ssub.f32 $1.500000000e+00, s8;
	v37 =	vadd.f32 v60, v59;
	v59 =	vadd.f32 v41, v9;
	v49 =	vmul.f32 v23, v23;
	[tilespmem:s22+$0xFFFFFF00] =	vst v52  }
0x256: {  	v44 =	vadd.f32 v44, v56;
	s17 =	ssub.f32 $1.500000000e+00, s17;
	(xrf2) =	vadd.scan.msk.f32 $0xffff, v4;
	v46 =	vadd.f32 v46, v8;
	s3 =	smul.f32 s3, s1;
	[tilespmem:s10+$0x0] =	vst v7  }
0x257: {  	v4 =	vadd.f32 v24, v23;
	s8 =	smul.f32 s8, s13;
	v49 =	vadd.f32 v50, v49;
	v50 =	vmul.f32 s23, v16;
	[tilespmem:s22+$0xFFFFFF10] =	vst v59  }
0x258: {  	s17 =	smul.f32 s17, s15;
	v43 =	vadd.f32 v43, v62;
	v62 =	vmul.f32 v30, v30;
	s3 =	ssub.f32 $1.500000000e+00, s3;
	v61 =	vadd.f32 v48, v10;
	[tilespmem:s22+$0xFFFFFF30] =	vst v46  }
0x259: {  	s4 =	smul.f32 s16, s4;
	v57 =	vmul.f32 v50, v57;
	v53 =	vadd.f32 v54, v9;
	v54 =	vmul.f32 s8, v12;
	[tilespmem:s22+$0xFFFFFF40] =	vst v44  }
0x25a: {  	v45 =	vadd.f32 v45, v8;
	v58 =	vmul.f32 v11, v11;
	s3 =	smul.f32 s3, s1;
	[tilespmem:s22+$0xFFFFFF20] =	vst v61;
	v1 =	vmul.f32 v51, v1  }
0x25b: {  	v59 =	vld [tilespmem:$0x1FDD0];
	v51 =	vadd.f32 v17, v15;
	v60 =	vmul.f32 v63, v2;
	v63, _, _ =	vpop (xrf2);
	v15 =	vadd.f32 v37, v30  }
0x25c: {  	s4 =	smul.f32 s4, s16;
	s20 =	spop (v2sf);
	v52 =	vmul.f32 s17, v12;
	v46 =	vmul.f32 s3, v16;
	(v2sf) =	vpush v63, $0xF  }
0x25d: {  	s21 =	spop (v2sf);
	s14 =	smul.f32 $1.562500000e-02, s20;
	v63 =	vmul.f32 v37, v37;
	v41, _, _ =	vpop (xrf2);
	v4 =	vadd.f32 v15, v4;
	v15 =	vadd.f32 v11, v43  }
0x25e: {  	s18 =	smul.f32 $1.562500000e-02, s21;
	v44 =	vmul.f32 s3, v14;
	(xrf2) =	vadd.scan.msk.f32 $0xffff, v5;
	(v2sf) =	vpush v41, $0xF;
	v41 =	vadd.f32 v6, v9  }
0x25f: {  	s4 =	ssub.f32 $1.500000000e+00, s4;
	s6 =	smul.f32 s14, s14;
	v50 =	vadd.f32 v63, v62;
	v62 =	vmul.f32 v43, v43;
	v63 =	vmul.f32 s23, v12  }
0x260: {  	v5 =	vadd.f32 v51, v15;
	v15 =	vmul.f32 s23, v18;
	v61 =	vadd.f32 v59, v10  }
0x261: {  	s19 =	smul.f32 s4, s16;
	s18 =	ssub.f32 s18, s6;
	v59 =	vmul.f32 s8, v16;
	v51 =	vmul.f32 s8, v14;
	v48 =	vadd.f32 v58, v62;
	v58 =	vld [tilespmem:$0x1FDC0];
	[tilespmem:s22+$0xFFFFFF50] =	vst v53  }
0x262: {  	v3 =	vadd.f32 v3, v10;
	v63 =	vmul.f32 v63, v47;
	[tilespmem:s22+$0xFFFFFF70] =	vst v45;
	v53 =	vmul.f32 s17, v18  }
0x263: {  	s13 =	sadd.f32 $9.999999740e-06, s18;
	v2 =	vadd.f32 v50, v49;
	v50 =	vmul.f32 s19, v16;
	v49 =	vmul.f32 s19, v18;
	[tilespmem:s22+$0xFFFFFF90] =	vst v41  }
0x264: {  	v13 =	vmov v56;
	v47 =	vmul.f32 s19, v14;
	v45 =	vmul.f32 s3, v12;
	[tilespmem:s22+$0xFFFFFFA0] =	vst v3  }
0x265: {  	s20 =	sshra.s32 s13, $0x1;
	s15 =	smul.f32 $5.000000000e-01, s13;
	v55 =	vmul.f32 v15, v55;
	v15 =	vadd.f32 v0, v56;
	[tilespmem:s22+$0xFFFFFF60] =	vst v61;
	v61 =	vadd.f32 v60, v13  }
0x266: {  	s4 =	ssub.s32 $0x5F3759DF, s20;
	(xrf2) =	vadd.scan.msk.f32 $0xffff, v5;
	v56 =	vmul.f32 s8, v18;
	v62, _, _ =	vpop (xrf2);
	v60 =	vadd.f32 v63, v10;
	v7 =	vadd.f32 v58, v48  }
0x267: {  	s21 =	smul.f32 s4, s15;
	(xrf2) =	vadd.scan.msk.f32 $0xffff, v4;
	(v2sf) =	vpush v62, $0xF;
	[tilespmem:s22+$0xFFFFFF80] =	vst v15;
	v62 =	vadd.f32 v1, v8  }
0x268: {  	v1 =	vadd.f32 v57, v9;
	v57 =	vmul.f32 s3, v18;
	v0, _, _ =	vpop (xrf2);
	v58 =	vmul.f32 s17, v16;
	(xrf2) =	vadd.scan.msk.f32 $0xffff, v7  }
0x269: {  	s1 =	simm.s32 $0x5070;
	s16 =	smul.f32 s4, s21;
	s23 =	simm.s32 $0xA;
	v10 =	vmovc v11;
	v48 =	vmul.f32 s19, v12;
	(v2sf) =	vpush v0, $0xF;
	v0 =	vmul.f32 s17, v14;
	(xrf2) =	vadd.scan.msk.f32 $0xffff, v2  }
.LBB2_5:
0x26a: {  	v12 =	vld [tilespmem:$0x1FF10]  }
0x26b: {  	v8 =	vld [tilespmem:$0x1FC90];
	_ =	sdelay $0x4  }
0x26c: {  	v6 =	vadd.f32 v55, v12;
	v55 =	vmul.f32 v58, v8;
	v8 =	vld [tilespmem:$0x1FCA0]  }
0x26d: {  	v2 =	vld [tilespmem:s1+$0xFFFFFFD0]  }
0x26e: {  	v5 =	vmul.f32 v54, v39;
	v39 =	vld [tilespmem:s1+$0xFFFFFFE0]  }
0x26f: {  	v15 =	vld [tilespmem:$0x1FEC0]  }
0x270: {  	v14 =	vld [tilespmem:$0x1FEE0]  }
0x271: {  	v54 =	vmul.f32 v52, v8;
	v8 =	vld [tilespmem:$0x1FCB0]  }
0x272: {  	v11 =	vld [tilespmem:$0x1FFB0]  }
0x273: {  	v13 =	vld [tilespmem:$0x1FFF0]  }
0x274: {  	v17 =	vld [tilespmem:$0x1FFC0]  }
0x275: {  	v16 =	vld [tilespmem:$0x1FFE0]  }
0x276: {  	s2 =	sadd.s32 $0x140, s2;
	v53 =	vmul.f32 v53, v8;
	v8 =	vld [tilespmem:$0x1FCC0]  }
0x277: {  	v4 =	vmul.f32 v59, v38;
	v63 =	vmul.f32 v51, v27;
	v7 =	vld [tilespmem:s2+$0xFFFFFFD0];
	s3 =	spop (v2sf)  }
0x278: {  	[tilespmem:s22+$0xFFFFFFC0] =	vst v61;
	v51 =	vmul.f32 v50, v26;
	v50 =	vmul.f32 v47, v34;
	v61 =	vld [tilespmem:$0x1FD00];
	s3 =	smul.f32 $1.562500000e-02, s3  }
0x279: {  	s8 =	ssub.f32 $1.500000000e+00, s16;
	v47 =	vmul.f32 v46, v33;
	v46 =	vmul.f32 v45, v29;
	v33 =	vld [tilespmem:s2+$0xFFFFFF20]  }
0x27a: {  	[tilespmem:s10+$0xFFFFFFD0] =	vst v1;
	v45 =	vmul.f32 v57, v35;
	v35 =	vld [tilespmem:s2+$0xFFFFFF30];
	v4 =	vadd.f32 v4, v15;
	v41 =	vmov s3  }
0x27b: {  	v1 =	vld [tilespmem:s2+$0xFFFFFFE0];
	[tilespmem:s10+$0xFFFFFFE0] =	vst v60;
	s4 =	smul.f32 s4, s8;
	v52 =	vmul.f32 v0, v8;
	v8 =	vsub.f32 v25, v41  }
0x27c: {  	v3, _, _ =	vpop (xrf2);
	[tilespmem:s10+$0xFFFFFED0] =	vst v4;
	v4 =	vld [tilespmem:s2+$0xFFFFFFF0]  }
0x27d: {  	s13 =	smul.f32 s4, s15;
	v29 =	vld [tilespmem:s2+$0xFFFFFEE0];
	(v2sf) =	vpush v3, $0xF;
	[tilespmem:$0x1FC90] =	vst v8;
	v8 =	vsub.f32 v31, v41  }
0x27e: {  	v0 =	vld [tilespmem:s1+$0xFFFFFFF0];
	[tilespmem:s10+$0xFFFFFFF0] =	vst v6  }
0x27f: {  	v18, _, _ =	vpop (xrf2);
	s13 =	smul.f32 s13, s4;
	v3 =	vmul.f32 v56, v42;
	v56 =	vld [tilespmem:s2+$0xFFFFFED0];
	[tilespmem:$0x1FCA0] =	vst v8;
	v8 =	vsub.f32 v36, v41  }
0x280: {  	s6 =	spop (v2sf);
	(v2sf) =	vpush v18, $0xF;
	v6 =	vld [tilespmem:s1+$0x0]  }
0x281: {  	v5 =	vadd.f32 v5, v14;
	s13 =	ssub.f32 $1.500000000e+00, s13;
	s8 =	smul.f32 $1.562500000e-02, s6;
	[tilespmem:$0x1FCB0] =	vst v8;
	v8 =	vld [tilespmem:$0x1FD20]  }
0x282: {  	[tilespmem:s22+$0xFFFFFFB0] =	vst v62;
	s16 =	spop (v2sf);
	v3 =	vadd.f32 v3, v12;
	s3 =	smul.f32 s3, s3;
	v25, _, _ =	vpop (xrf2);
	v26 =	vld [tilespmem:s2+$0x0]  }
0x283: {  	v49 =	vmul.f32 v49, v28;
	v28 =	vadd.f32 v63, v11;
	s17 =	smul.f32 $1.562500000e-02, s16;
	(v2sf) =	vpush v25, $0xF;
	v25 =	vld [tilespmem:s1+$0xFFFFFEE0];
	[tilespmem:s10+$0xFFFFFEE0] =	vst v5  }
0x284: {  	v62 =	vadd.f32 v7, v2;
	s13 =	smul.f32 s13, s4;
	s18 =	spop (v2sf);
	v2 =	vld [tilespmem:s1+$0xFFFFFEF0];
	[tilespmem:s10+$0xFFFFFEF0] =	vst v3  }
0x285: {  	v60 =	vmov s14;
	v59 =	vadd.f32 v1, v39;
	s3 =	ssub.f32 s8, s3;
	s15 =	smul.f32 s17, s17;
	v27, _, _ =	vpop (xrf2);
	v58 =	vadd.f32 v4, v0;
	v0 =	vld [tilespmem:s2+$0xFFFFFEF0];
	[tilespmem:s10+$0xFFFFFF00] =	vst v28  }
0x286: {  	s8 =	smul.f32 $1.562500000e-02, s18;
	(v2sf) =	vpush v27, $0xF;
	v42 =	vld [tilespmem:s1+$0xFFFFFF00];
	v48 =	vmul.f32 v48, v8;
	v8 =	vsub.f32 v40, v41  }
0x287: {  	s3 =	sadd.f32 $9.999999740e-06, s3;
	v1 =	vadd.f32 v26, v6;
	v6 =	vsub.f32 v61, v60;
	v26 =	vmul.f32 s13, v13;
	v27 =	vld [tilespmem:s2+$0xFFFFFF00]  }
0x288: {  	s20 =	ssub.f32 s8, s15;
	v25 =	vadd.f32 v29, v25;
	v29 =	vld [tilespmem:s1+$0xFFFFFF10]  }
0x289: {  	s19 =	sshra.s32 s3, $0x1;
	s14 =	smul.f32 $5.000000000e-01, s3;
	v3 =	vadd.f32 v59, v62;
	v28 =	vadd.f32 v1, v58;
	v6 =	vmul.f32 v26, v6;
	v26 =	vld [tilespmem:s2+$0xFFFFFF10]  }
0x28a: {  	v57 =	vmul.f32 v62, v62;
	v18 =	vld [tilespmem:$0x1FFD0];
	v7 =	vmov s17;
	s3 =	sadd.f32 $9.999999740e-06, s20;
	s4 =	ssub.s32 $0x5F3759DF, s19;
	v31 =	vmul.f32 v59, v59;
	[tilespmem:$0x1FCC0] =	vst v8;
	v8 =	vmovc v1  }
0x28b: {  	v34 =	vsub.f32 v22, v7;
	s15 =	smul.f32 s4, s14;
	v3 =	vadd.f32 v28, v3;
	[tilespmem:$0x1FD00] =	vst v8;
	v36 =	vmul.f32 v1, v8;
	v8 =	vld [tilespmem:$0x1FD90]  }
0x28c: {  	s6 =	sshra.s32 s3, $0x1;
	s17 =	smul.f32 $5.000000000e-01, s3;
	v5 =	vadd.f32 v31, v57;
	v4 =	vld [tilespmem:s1+$0xFFFFFF30];
	s21 =	spop (v2sf);
	v63 =	vmul.f32 v58, v58;
	v6 =	vadd.f32 v6, v11  }
0x28d: {  	v44 =	vmul.f32 v44, v32;
	s16 =	ssub.s32 $0x5F3759DF, s6;
	s8 =	smul.f32 $1.562500000e-02, s21;
	v28 =	vld [tilespmem:s1+$0xFFFFFF20];
	v32 =	vadd.f32 v0, v2;
	(xrf2) =	vadd.scan.msk.f32 $0xffff, v3;
	v3 =	vadd.f32 v27, v42  }
0x28e: {  	s22 =	smov.u32 s10;
	s20 =	smul.f32 s16, s17;
	s10 =	sadd.s32 $0x140, s10;
	v57 =	vmul.f32 v25, v25;
	v38 =	vmovc v25;
	v25 =	vadd.f32 v26, v29;
	v29 =	vld [tilespmem:s1+$0xFFFFFF40];
	v31 =	vadd.f32 v36, v63  }
0x28f: {  	s19 =	spop (v2sf);
	s18 =	smul.f32 s8, s8;
	v27 =	vmov s8;
	[tilespmem:s10+$0x0] =	vst v6;
	v6 =	vmul.f32 v32, v32;
	v9 =	vmovc v32;
	v61 =	vadd.f32 v3, v32;
	v32 =	vld [tilespmem:s2+$0xFFFFFF50]  }
0x290: {  	s8 =	smul.f32 $1.562500000e-02, s19;
	v5 =	vadd.f32 v31, v5;
	v42 =	vsub.f32 v8, v27;
	v8 =	vld [tilespmem:$0x1FDA0]  }
0x291: {  	s6 =	smul.f32 s16, s20;
	v41 =	vsub.f32 v43, v27;
	v39 =	vsub.f32 v10, v27;
	[tilespmem:$0x1FD90] =	vst v9;
	v9 =	vld [tilespmem:s2+$0xFFFFFF80]  }
0x292: {  	v26 =	vsub.f32 v19, v7;
	s19 =	smul.f32 s8, s8;
	v43 =	vmov s8;
	s21 =	spop (v2sf);
	v31 =	vmul.f32 v3, v3;
	(xrf2) =	vadd.scan.msk.f32 $0xffff, v5;
	v5 =	vld [tilespmem:s2+$0xFFFFFF40]  }
0x293: {  	s8 =	smul.f32 $1.562500000e-02, s21;
	v36 =	vadd.f32 v35, v4;
	v35 =	vsub.f32 v30, v43;
	v30 =	vld [tilespmem:s1+$0xFFFFFF90]  }
0x294: {  	s15 =	smul.f32 s4, s15;
	s6 =	ssub.f32 $1.500000000e+00, s6;
	v63 =	vadd.f32 v31, v6;
	v31 =	vadd.f32 v33, v28;
	v6 =	vld [tilespmem:s1+$0xFFFFFF50]  }
0x295: {  	v2 =	vmul.f32 s13, v18;
	s21 =	spop (v2sf);
	s3 =	ssub.f32 s8, s18;
	v28 =	vsub.f32 v21, v7;
	v21 =	vld [tilespmem:s2+$0xFFFFFF70];
	v27 =	vsub.f32 v8, v27;
	v8 =	vmovc v3  }
0x296: {  	s20 =	smul.f32 $1.562500000e-02, s21;
	s18 =	ssub.f32 $1.500000000e+00, s15;
	v19 =	vmul.f32 v31, v31;
	v3 =	vmul.f32 v25, v25;
	[tilespmem:$0x1FDA0] =	vst v8;
	v8 =	vsub.f32 v20, v7;
	v20 =	vld [tilespmem:s1+$0xFFFFFF60]  }
0x297: {  	v0 =	vmul.f32 s13, v16;
	s16 =	smul.f32 s16, s6;
	s3 =	sadd.f32 $9.999999740e-06, s3;
	v33 =	vsub.f32 v23, v43;
	v40 =	vadd.f32 v5, v29;
	v7 =	vld [tilespmem:s1+$0xFFFFFF70]  }
0x298: {  	v1 =	vmul.f32 s13, v17;
	s20 =	ssub.f32 s20, s19;
	s15 =	smul.f32 s4, s18;
	v4 =	vadd.f32 v31, v25;
	v3 =	vadd.f32 v19, v3;
	[tilespmem:$0x1FD20] =	vst v8;
	v8 =	vld [tilespmem:s2+$0xFFFFFF60]  }
0x299: {  	s13 =	sshra.s32 s3, $0x1;
	s18 =	smul.f32 $5.000000000e-01, s3;
	v5 =	vmul.f32 v36, v36;
	v19 =	vadd.f32 v32, v6;
	v6 =	vld [tilespmem:s1+$0xFFFFFF80];
	v23 =	vadd.f32 v40, v36  }
0x29a: {  	v22, _, _ =	vpop (xrf2);
	s3 =	sadd.f32 $9.999999740e-06, s20;
	s8 =	ssub.s32 $0x5F3759DF, s13;
	s13 =	smul.f32 s15, s14;
	v29 =	vsub.f32 v24, v43;
	v32 =	vsub.f32 v37, v43;
	v43 =	vld [tilespmem:s1+$0xFFFFFFA0];
	v24 =	vmul.f32 v40, v40  }
0x29b: {  	(v2sf) =	vpush v22, $0xF;
	s21 =	smul.f32 s8, s18;
	v4 =	vadd.f32 v23, v4;
	v23 =	vld [tilespmem:s2+$0xFFFFFF90]  }
0x29c: {  	s6 =	sshra.s32 s3, $0x1;
	s14 =	smul.f32 $5.000000000e-01, s3;
	v5 =	vadd.f32 v24, v5;
	v24 =	vld [tilespmem:s2+$0xFFFFFFA0];
	v22, _, _ =	vpop (xrf2)  }
0x29d: {  	s19 =	ssub.s32 $0x5F3759DF, s6;
	s20 =	smul.f32 s8, s21;
	(v2sf) =	vpush v22, $0xF;
	(xrf2) =	vadd.scan.msk.f32 $0xffff, v4;
	v4 =	vld [tilespmem:$0x1FCD0];
	v20 =	vadd.f32 v8, v20  }
0x29e: {  	s21 =	smul.f32 s19, s14;
	v22 =	vadd.f32 v9, v6;
	v9 =	vld [tilespmem:s1+$0xFFFFFFB0];
	v3 =	vadd.f32 v5, v3  }
0x29f: {  	s13 =	smul.f32 s13, s15;
	s3 =	ssub.f32 $1.500000000e+00, s20;
	v5 =	vld [tilespmem:s2+$0xFFFFFFB0];
	v8 =	vmul.f32 v19, v19;
	v37 =	vmul.f32 v20, v20  }
0x2a0: {  	s6 =	smul.f32 s19, s21;
	(xrf2) =	vadd.scan.msk.f32 $0xffff, v3;
	v3 =	vld [tilespmem:$0x1FCF0]  }
0x2a1: {  	v62 =	vmov v62;
	s4 =	smul.f32 s8, s3;
	v21 =	vadd.f32 v21, v7;
	v6 =	vadd.f32 v37, v8;
	v37 =	vld [tilespmem:$0x1FCE0]  }
0x2a2: {  	v10 =	vmov v59;
	s20 =	smul.f32 s16, s17;
	s21 =	ssub.f32 $1.500000000e+00, s6;
	[tilespmem:$0x1FCD0] =	vst v62;
	v59 =	vmul.f32 v22, v22;
	v7 =	vadd.f32 v20, v19  }
0x2a3: {  	s6 =	smul.f32 s4, s18;
	v23 =	vadd.f32 v23, v30;
	v30 =	vmovc v58;
	v4 =	vsub.f32 v4, v60;
	v8 =	vmul.f32 v21, v21  }
0x2a4: {  	v62 =	vld [tilespmem:s1+$0xFFFFFFC0];
	s17 =	smul.f32 s19, s21;
	v24 =	vadd.f32 v24, v43;
	[tilespmem:$0x1FCF0] =	vst v30;
	v30 =	vadd.f32 v5, v9  }
0x2a5: {  	s19 =	smul.f32 s20, s16;
	[tilespmem:$0x1FCE0] =	vst v10;
	v10 =	vld [tilespmem:s2+$0xFFFFFFC0];
	v1 =	vmul.f32 v1, v4;
	v3 =	vsub.f32 v3, v60;
	v8 =	vadd.f32 v59, v8  }
0x2a6: {  	s3 =	ssub.f32 $1.500000000e+00, s13;
	s13 =	smul.f32 s6, s4;
	v43 =	vmul.f32 v23, v23;
	v4 =	vsub.f32 v37, v60;
	v37 =	vadd.f32 v22, v21  }
0x2a7: {  	s18 =	smul.f32 s17, s14;
	v58 =	vmul.f32 v24, v24;
	v59 =	vadd.f32 v8, v6;
	v1 =	vadd.f32 v1, v15;
	v60 =	vld [tilespmem:s1+$0xFFFFFED0]  }
0x2a8: {  	s3 =	smul.f32 s3, s15;
	s19 =	ssub.f32 $1.500000000e+00, s19;
	v2 =	vmul.f32 v2, v4;
	v4 =	vadd.f32 v55, v15;
	v7 =	vadd.f32 v37, v7  }
0x2a9: {  	s8 =	ssub.f32 $1.500000000e+00, s13;
	s13 =	smul.f32 s18, s17;
	v55 =	vmul.f32 v0, v3;
	v0 =	vadd.f32 v54, v14;
	v3 =	vadd.f32 v24, v23  }
0x2aa: {  	s16 =	smul.f32 s19, s16;
	s20 =	spop (v2sf);
	v37 =	vadd.f32 v10, v62;
	v10 =	vmovc v38;
	v38 =	vmov v41;
	v41 =	vadd.f32 v49, v12;
	[tilespmem:s22+$0xFFFFFF10] =	vst v4  }
0x2ab: {  	s14 =	smul.f32 $1.562500000e-02, s20;
	v62 =	vmul.f32 v30, v30;
	[tilespmem:s22+$0xFFFFFF20] =	vst v0;
	v0 =	vadd.f32 v53, v12;
	v4 =	vadd.f32 v58, v43  }
0x2ac: {  	s4 =	smul.f32 s8, s4;
	v49 =	vmul.f32 s16, v16;
	(xrf2) =	vadd.scan.msk.f32 $0xffff, v7;
	v53, _, _ =	vpop (xrf2);
	v54 =	vadd.f32 v37, v30;
	v43 =	vadd.f32 v56, v60  }
0x2ad: {  	s6 =	smul.f32 s14, s14;
	v56 =	vmul.f32 v37, v37;
	(v2sf) =	vpush v53, $0xF;
	s21 =	spop (v2sf);
	v8, _, _ =	vpop (xrf2);
	[tilespmem:s22+$0xFFFFFF30] =	vst v0;
	v0 =	vadd.f32 v52, v11  }
0x2ae: {  	(xrf2) =	vadd.scan.msk.f32 $0xffff, v59;
	v53 =	vmul.f32 s3, v16;
	v3 =	vadd.f32 v54, v3;
	s18 =	smul.f32 $1.562500000e-02, s21;
	(v2sf) =	vpush v8, $0xF  }
0x2af: {  	s13 =	ssub.f32 $1.500000000e+00, s13;
	v8 =	vadd.f32 v50, v11;
	v54 =	vmul.f32 s4, v18;
	v52 =	vmul.f32 s3, v18  }
0x2b0: {  	v50 =	vmul.f32 s16, v17;
	v58 =	vadd.f32 v10, v43;
	v9 =	vmul.f32 v43, v43;
	s18 =	ssub.f32 s18, s6  }
0x2b1: {  	v59 =	vadd.f32 v56, v62;
	v56 =	vmul.f32 s4, v16;
	[tilespmem:s22+$0xFFFFFF40] =	vst v0;
	v0 =	vadd.f32 v51, v15  }
0x2b2: {  	s13 =	smul.f32 s13, s17;
	[tilespmem:s22+$0xFFFFFF70] =	vst v41;
	v51 =	vmul.f32 s4, v13;
	v60 =	vadd.f32 v61, v58;
	v61 =	vadd.f32 v57, v9;
	s8 =	sadd.f32 $9.999999740e-06, s18  }
0x2b3: {  	s23 =	sadd.s32 $0x5, s23;
	[tilespmem:s22+$0xFFFFFF80] =	vst v8;
	v4 =	vadd.f32 v59, v4;
	v59 =	vmul.f32 s4, v17;
	v58 =	vmul.f32 s3, v17  }
0x2b4: {  	p2 =	slt.u32 s23, $0x5F;
	v57 =	vadd.f32 v46, v14;
	v46 =	vmul.f32 s13, v17;
	[tilespmem:s22+$0xFFFFFF50] =	vst v0;
	v0 =	vadd.f32 v48, v14;
	s15 =	smul.f32 $5.000000000e-01, s8  }
.Ltmp1:
0x2b5: {  	v48 =	vmul.f32 s16, v18;
	v62 =	vadd.f32 v63, v61;
	(xrf2) =	vadd.scan.msk.f32 $0xffff, v60;
	v61 =	vadd.f32 v44, v11;
	s20 =	sshra.s32 s8, $0x1;
	(pc) =	sbr.rel @p2 .LBB2_5-.Ltmp1, $4  }
0x2b6: {  	[tilespmem:s22+$0xFFFFFFA0] =	vst v57;
	v57 =	vmul.f32 s13, v16;
	v44 =	vmul.f32 s13, v13;
	v60 =	vadd.f32 v2, v14;
	s4 =	ssub.s32 $0x5F3759DF, s20  }
0x2b7: {  	[tilespmem:s22+$0xFFFFFF60] =	vst v0;
	v63, _, _ =	vpop (xrf2);
	(xrf2) =	vadd.scan.msk.f32 $0xffff, v3;
	v3 =	vadd.f32 v47, v15;
	s21 =	smul.f32 s4, s15;
	v47 =	vmul.f32 s16, v13  }
0x2b8: {  	(v2sf) =	vpush v63, $0xF;
	v0, _, _ =	vpop (xrf2);
	(xrf2) =	vadd.scan.msk.f32 $0xffff, v62;
	v62 =	vadd.f32 v45, v12;
	v45 =	vmul.f32 s13, v18  }
0x2b9: {  	s1 =	sadd.s32 $0x140, s1;
	(v2sf) =	vpush v0, $0xF;
	v0 =	vmul.f32 s3, v13;
	[tilespmem:s22+$0xFFFFFF90] =	vst v3;
	s16 =	smul.f32 s4, s21;
	(xrf2) =	vadd.scan.msk.f32 $0xffff, v4  }
0x2ba: {  	_ =	sdelay $0x8  }
0x2bb: {  	v2, _, _ =	vpop (xrf2)  }
0x2bc: {  	v63 =	vld [tilespmem:$0x1FEC0];
	(v2sf) =	vpush v2, $0xF;
	v2, _, _ =	vpop (xrf2)  }
0x2bd: {  	s1 =	spop (v2sf);
	(v2sf) =	vpush v2, $0xF;
	v2, _, _ =	vpop (xrf2)  }
0x2be: {  	s19 =	spop (v2sf);
	(v2sf) =	vpush v2, $0xF;
	v2, _, _ =	vpop (xrf2)  }
0x2bf: {  	s2 =	ssub.f32 $1.500000000e+00, s16;
	s13 =	spop (v2sf);
	(v2sf) =	vpush v2, $0xF;
	v2 =	vmul.f32 v59, v38  }
0x2c0: {  	s3 =	smul.f32 $1.562500000e-02, s1  }
0x2c1: {  	s2 =	smul.f32 s4, s2;
	v7 =	vadd.f32 v2, v63;
	v2 =	vld [tilespmem:$0x1FC90]  }
0x2c2: {  	s4 =	smul.f32 $1.562500000e-02, s19  }
0x2c3: {  	s8 =	smul.f32 s2, s15  }
0x2c4: {  	s1 =	smul.f32 s3, s3  }
0x2c5: {  	s8 =	smul.f32 s8, s2;
	v38 =	vld [tilespmem:$0x1FF10];
	[tilespmem:s22+$0xFFFFFFB0] =	vst v62  }
0x2c6: {  	s4 =	ssub.f32 s4, s1;
	v8 =	vmul.f32 v58, v2;
	v2 =	vld [tilespmem:$0x1FCA0]  }
0x2c7: {  	s8 =	ssub.f32 $1.500000000e+00, s8  }
0x2c8: {  	s4 =	sadd.f32 $9.999999740e-06, s4  }
0x2c9: {  	s2 =	smul.f32 s8, s2  }
0x2ca: {  	s16 =	smul.f32 $5.000000000e-01, s4;
	[tilespmem:s22+$0xFFFFFFC0] =	vst v61  }
0x2cb: {  	s1 =	smul.f32 $1.562500000e-02, s13;
	s20 =	spop (v2sf);
	v9 =	vmul.f32 v52, v2;
	v2 =	vld [tilespmem:$0x1FCB0]  }
0x2cc: {  	s21 =	smul.f32 $1.562500000e-02, s20  }
0x2cd: {  	s13 =	smul.f32 s1, s1;
	s23 =	spop (v2sf)  }
0x2ce: {  	s19 =	smul.f32 $1.562500000e-02, s23  }
0x2cf: {  	s8 =	ssub.f32 s21, s13;
	v61 =	vld [tilespmem:$0x1FFF0];
	s13 =	spop (v2sf)  }
0x2d0: {  	s4 =	sshra.s32 s4, $0x1;
	s6 =	smul.f32 s19, s19;
	s21 =	spop (v2sf);
	v12 =	vmul.f32 v53, v2;
	v2 =	vld [tilespmem:$0x1FD00];
	[tilespmem:s10+$0xFFFFFFD0] =	vst v1  }
0x2d1: {  	s18 =	ssub.s32 $0x5F3759DF, s4;
	s17 =	smul.f32 $1.562500000e-02, s21;
	v1 =	vld [tilespmem:$0x1FCC0];
	[tilespmem:s10+$0xFFFFFFE0] =	vst v60  }
0x2d2: {  	s20 =	smul.f32 s18, s16;
	v4 =	vadd.f32 v55, v38;
	s8 =	sadd.f32 $9.999999740e-06, s8;
	[tilespmem:s10+$0xFFFFFED0] =	vst v7  }
0x2d3: {  	s23 =	ssub.f32 s17, s6;
	v53 =	vld [tilespmem:$0x1FEE0]  }
0x2d4: {  	s20 =	smul.f32 s18, s20;
	[tilespmem:s10+$0xFFFFFFF0] =	vst v4  }
0x2d5: {  	v5 =	vmul.f32 v56, v42;
	s15 =	smul.f32 $5.000000000e-01, s8;
	s21 =	sshra.s32 s8, $0x1;
	s8 =	sadd.f32 $9.999999740e-06, s23;
	v56 =	vld [tilespmem:$0x1FFB0]  }
0x2d6: {  	v3 =	vmul.f32 v54, v39;
	s17 =	smul.f32 $1.562500000e-02, s13  }
0x2d7: {  	v13 =	vmovc v10;
	v16 =	vmov s14;
	v10 =	vmov s3;
	v5 =	vadd.f32 v5, v38;
	s4 =	ssub.s32 $0x5F3759DF, s21;
	s14 =	sshra.s32 s8, $0x1;
	s8 =	smul.f32 $5.000000000e-01, s8;
	v11 =	vld [tilespmem:$0x1FD20]  }
0x2d8: {  	v6 =	vmul.f32 v51, v27;
	v25 =	vsub.f32 v25, v10;
	s6 =	smul.f32 s4, s15;
	s3 =	ssub.s32 $0x5F3759DF, s14;
	v3 =	vadd.f32 v3, v53  }
0x2d9: {  	v50 =	vmul.f32 v50, v26;
	v8 =	vadd.f32 v8, v63;
	s22 =	smul.f32 s3, s8;
	[tilespmem:s10+$0xFFFFFEF0] =	vst v5;
	v17 =	vsub.f32 v2, v16  }
0x2da: {  	v18 =	vmul.f32 s2, v61;
	s21 =	smul.f32 s17, s17;
	v2 =	vsub.f32 v31, v10;
	v52 =	vadd.f32 v6, v56;
	[tilespmem:s10+$0xFFFFFEE0] =	vst v3  }
0x2db: {  	s14 =	ssub.f32 $1.500000000e+00, s20;
	s20 =	smul.f32 s3, s22;
	v14 =	vmul.f32 v0, v1;
	v1 =	vsub.f32 v36, v10;
	v0 =	vsub.f32 v40, v10;
	v5 =	vld [tilespmem:$0x1FD90]  }
0x2dc: {  	s13 =	smul.f32 s4, s6;
	v10 =	vmul.f32 v18, v17;
	v9 =	vadd.f32 v9, v53;
	v17 =	vmul.f32 v48, v11;
	v11 =	vld [tilespmem:$0x1FDA0];
	[tilespmem:s10+$0xFFFFFF00] =	vst v52  }
0x2dd: {  	s23 =	spop (v2sf);
	v7 =	vadd.f32 v50, v63;
	s20 =	ssub.f32 $1.500000000e+00, s20;
	[tilespmem:s10+$0xFFFFFF10] =	vst v8  }
0x2de: {  	s6 =	smul.f32 $1.562500000e-02, s23;
	s13 =	ssub.f32 $1.500000000e+00, s13;
	v54 =	vadd.f32 v10, v56;
	v10 =	vmov s19;
	[tilespmem:s10+$0xFFFFFF20] =	vst v9;
	v9 =	vadd.f32 v14, v56  }
0x2df: {  	s3 =	smul.f32 s3, s20;
	v3 =	vsub.f32 v43, v10;
	v15 =	vsub.f32 v13, v10;
	[tilespmem:s10+$0xFFFFFF50] =	vst v7  }
0x2e0: {  	s4 =	smul.f32 s4, s13;
	v18 =	vmov s1;
	s1 =	sadd.s32 $0x140, s10;
	v8 =	vadd.f32 v12, v38;
	[tilespmem:s10+$0xFFFFFF40] =	vst v9;
	v9 =	vadd.f32 v17, v53  }
0x2e1: {  	[tilespmem:s1+$0x0] =	vst v54;
	s8 =	smul.f32 s3, s8;
	v5 =	vsub.f32 v5, v10;
	v10 =	vsub.f32 v11, v10;
	v11 =	vmul.f32 v49, v28  }
0x2e2: {  	v59 =	vmul.f32 v47, v34;
	s21 =	ssub.f32 s6, s21;
	s14 =	smul.f32 s18, s14;
	v55 =	vsub.f32 v19, v18;
	[tilespmem:s10+$0xFFFFFF30] =	vst v8  }
0x2e3: {  	v36 =	vmov s17;
	v34 =	vsub.f32 v20, v18;
	s8 =	smul.f32 s8, s3;
	v62 =	vld [tilespmem:$0x1FFC0];
	[tilespmem:s10+$0xFFFFFF60] =	vst v9;
	v40 =	vadd.f32 v11, v38  }
0x2e4: {  	s22 =	sadd.f32 $9.999999740e-06, s21;
	s15 =	smul.f32 s4, s15;
	v19 =	vmul.f32 v46, v33;
	v20 =	vsub.f32 v21, v18;
	v18 =	vsub.f32 v22, v18;
	v12 =	vld [tilespmem:$0x1FFD0]  }
0x2e5: {  	s16 =	smul.f32 s14, s16;
	v22 =	vsub.f32 v24, v36;
	v13 =	vadd.f32 v59, v56;
	s8 =	ssub.f32 $1.500000000e+00, s8;
	v24 =	vld [tilespmem:$0x1FCD0];
	[tilespmem:s10+$0xFFFFFF70] =	vst v40  }
0x2e6: {  	v39 =	vmul.f32 v45, v29;
	s23 =	sshra.s32 s22, $0x1;
	s13 =	smul.f32 $5.000000000e-01, s22;
	v19 =	vadd.f32 v19, v63;
	v59 =	vld [tilespmem:$0x1FFE0]  }
0x2e7: {  	v27 =	vsub.f32 v37, v36;
	s17 =	ssub.s32 $0x5F3759DF, s23;
	v8 =	vmul.f32 v57, v35;
	s3 =	smul.f32 s8, s3;
	v26 =	vld [tilespmem:$0x1FCE0];
	[tilespmem:s10+$0xFFFFFF80] =	vst v13  }
0x2e8: {  	v21 =	vsub.f32 v23, v36;
	s6 =	smul.f32 s17, s13;
	v14 =	vadd.f32 v39, v53;
	v17 =	vmul.f32 v44, v32;
	[tilespmem:s10+$0xFFFFFF90] =	vst v19  }
0x2e9: {  	s15 =	smul.f32 s15, s4;
	v8 =	vadd.f32 v8, v38;
	v11 =	vmul.f32 s2, v62;
	v42 =	vmul.f32 s3, v62;
	v19 =	vld [tilespmem:$0x1FCF0]  }
0x2ea: {  	s18 =	smul.f32 s17, s6;
	v44 =	vmul.f32 s3, v61;
	v24 =	vsub.f32 v24, v16;
	v43 =	vmul.f32 s3, v12  }
0x2eb: {  	s19 =	smul.f32 s16, s14;
	s22 =	ssub.f32 $1.500000000e+00, s15;
	v17 =	vadd.f32 v17, v56;
	v9 =	vmul.f32 s2, v12;
	v3 =	vmul.f32 v42, v3  }
0x2ec: {  	s20 =	ssub.f32 $1.500000000e+00, s18;
	[tilespmem:s10+$0xFFFFFFA0] =	vst v14;
	v11 =	vmul.f32 v11, v24;
	v14 =	vmul.f32 v43, v15;
	v26 =	vsub.f32 v26, v16  }
0x2ed: {  	[tilespmem:s10+$0xFFFFFFB0] =	vst v8;
	v3 =	vadd.f32 v3, v63;
	v41 =	vmul.f32 s2, v59;
	s2 =	ssub.f32 $1.500000000e+00, s19;
	v8 =	vmul.f32 s3, v59;
	s3 =	smul.f32 s22, s4  }
0x2ee: {  	s8 =	smul.f32 s17, s20;
	[tilespmem:s10+$0xFFFFFFC0] =	vst v17;
	v11 =	vadd.f32 v11, v63;
	v16 =	vsub.f32 v19, v16;
	v9 =	vmul.f32 v9, v26  }
0x2ef: {  	[tilespmem:s1+$0xFFFFFED0] =	vst v3;
	v3 =	vadd.f32 v14, v53;
	s2 =	smul.f32 s2, s14;
	v5 =	vmul.f32 v8, v5;
	v48 =	vmul.f32 s3, v61  }
0x2f0: {  	v23 =	vsub.f32 v30, v36;
	s21 =	smul.f32 s8, s13;
	[tilespmem:s1+$0xFFFFFFD0] =	vst v11;
	v7 =	vmul.f32 v41, v16;
	v9 =	vadd.f32 v9, v53  }
0x2f1: {  	[tilespmem:s1+$0xFFFFFEE0] =	vst v3;
	v11 =	vmul.f32 s2, v62;
	v5 =	vadd.f32 v5, v38;
	v4 =	vmul.f32 v48, v18  }
0x2f2: {  	s10 =	smul.f32 s21, s8;
	v8 =	vmul.f32 s2, v12;
	v7 =	vadd.f32 v7, v38;
	[tilespmem:s1+$0xFFFFFFE0] =	vst v9;
	v9 =	vmul.f32 v44, v10  }
0x2f3: {  	v10 =	vmul.f32 s2, v59;
	v11 =	vmul.f32 v11, v25;
	[tilespmem:s1+$0xFFFFFEF0] =	vst v5;
	v4 =	vadd.f32 v4, v56  }
0x2f4: {  	s23 =	ssub.f32 $1.500000000e+00, s10;
	v45 =	vmul.f32 s2, v61;
	v2 =	vmul.f32 v8, v2;
	[tilespmem:s1+$0xFFFFFFF0] =	vst v7;
	v8 =	vadd.f32 v9, v56  }
0x2f5: {  	v3 =	vmul.f32 s3, v62;
	v1 =	vmul.f32 v10, v1;
	v46 =	vadd.f32 v11, v63;
	[tilespmem:s1+$0xFFFFFF80] =	vst v4  }
0x2f6: {  	v0 =	vmul.f32 v45, v0;
	s2 =	smul.f32 s23, s8;
	v9 =	vmul.f32 s3, v12;
	v2 =	vadd.f32 v2, v53;
	[tilespmem:s1+$0xFFFFFF00] =	vst v8  }
0x2f7: {  	v47 =	vmul.f32 s3, v59;
	v3 =	vmul.f32 v3, v55;
	[tilespmem:s1+$0xFFFFFF10] =	vst v46;
	v1 =	vadd.f32 v1, v38  }
0x2f8: {  	v0 =	vadd.f32 v0, v56;
	v49 =	vmul.f32 v9, v34;
	[tilespmem:s1+$0xFFFFFF20] =	vst v2;
	v2 =	vmul.f32 s2, v62  }
0x2f9: {  	v50 =	vmul.f32 v47, v20;
	[tilespmem:s1+$0xFFFFFF30] =	vst v1;
	v1 =	vadd.f32 v3, v63;
	v3 =	vmul.f32 s2, v12  }
0x2fa: {  	v51 =	vmul.f32 s2, v59;
	[tilespmem:s1+$0xFFFFFF40] =	vst v0;
	v0 =	vadd.f32 v49, v53;
	v2 =	vmul.f32 v2, v21  }
0x2fb: {  	v52 =	vmul.f32 s2, v61;
	[tilespmem:s1+$0xFFFFFF50] =	vst v1;
	v1 =	vadd.f32 v50, v38;
	v3 =	vmul.f32 v3, v22  }
0x2fc: {  	[tilespmem:s1+$0xFFFFFF60] =	vst v0;
	v0 =	vmul.f32 v51, v23;
	v2 =	vadd.f32 v2, v63  }
0x2fd: {  	[tilespmem:s1+$0xFFFFFF70] =	vst v1;
	v1 =	vmul.f32 v52, v27;
	v3 =	vadd.f32 v3, v53  }
0x2fe: {  	v0 =	vadd.f32 v0, v38;
	[tilespmem:s1+$0xFFFFFF90] =	vst v2  }
0x2ff: {  	v1 =	vadd.f32 v1, v56;
	[tilespmem:s1+$0xFFFFFFA0] =	vst v3  }
0x300: {  	[tilespmem:s1+$0xFFFFFFB0] =	vst v0  }
0x301: {  	s3 =	simm.s32 $0x4;
	[tilespmem:s1+$0xFFFFFFC0] =	vst v1  }
0x302: {  	_ =	swait.ge [sflag:s3], $0x1900  }
0x303: {  	[sflag:s3] =	ssyncset.done $0x0  }
0x304: {  	s4 =	simm.s32 $0x65B0;
	[sflag:s3] =	ssyncadd.s32 $0xFFFFE700  }
0x305: {  	s6 =	simm.s32 $0xA0;
	v0 =	vld [tilespmem:s4+$0xFFFFFFD0]  }
0x306: {  	v1 =	vld [tilespmem:s6+$0x60]  }
0x307: {  	v2 =	vld [tilespmem:s4+$0xFFFFFFE0]  }
0x308: {  	v3 =	vld [tilespmem:s6+$0x70]  }
0x309: {  	v54 =	vld [tilespmem:s4+$0xFFFFFFF0]  }
0x30a: {  	v55 =	vld [tilespmem:s6+$0x80]  }
0x30b: {  	v57 =	vld [tilespmem:s4+$0x0]  }
0x30c: {  	v58 =	vld [tilespmem:s6+$0x90]  }
0x30d: {  	v60 =	vld [tilespmem:s6+$0xFFFFFF60]  }
0x30e: {  	v37 =	vld [tilespmem:s4+$0xFFFFFEE0]  }
0x30f: {  	v38 =	vld [tilespmem:s6+$0xFFFFFF70]  }
0x310: {  	v39 =	vld [tilespmem:s6+$0xFFFFFFA0]  }
0x311: {  	v40 =	vld [tilespmem:s4+$0xFFFFFF20]  }
0x312: {  	v17 =	vld [tilespmem:s6+$0xFFFFFFB0];
	v9 =	vadd.f32 v1, v0;
	v10 =	vadd.f32 v3, v2  }
0x313: {  	v42 =	vld [tilespmem:s4+$0xFFFFFF30];
	v8 =	vadd.f32 v55, v54;
	v16 =	vadd.f32 v58, v57  }
0x314: {  	v44 =	vld [tilespmem:s6+$0xFFFFFFD0];
	v2 =	vmul.f32 v9, v9;
	v3 =	vmul.f32 v10, v10  }
0x315: {  	v20 =	vld [tilespmem:s4+$0xFFFFFF60];
	v5 =	vmul.f32 v8, v8;
	v6 =	vmul.f32 v16, v16  }
0x316: {  	v23 =	vld [tilespmem:s6+$0xFFFFFFF0];
	v11 =	vadd.f32 v10, v9;
	v41 =	vadd.f32 v16, v8  }
0x317: {  	v24 =	vld [tilespmem:s4+$0xFFFFFF70];
	v2 =	vadd.f32 v3, v2;
	v3 =	vadd.f32 v6, v5  }
0x318: {  	v25 =	vld [tilespmem:s6+$0x0];
	v43 =	vadd.f32 v41, v11  }
0x319: {  	v46 =	vld [tilespmem:s6+$0xFFFFFF80];
	v2 =	vadd.f32 v3, v2  }
0x31a: {  	v1 =	vld [tilespmem:s4+$0xFFFFFF10];
	(xrf2) =	vadd.scan.msk.f32 $0xffff, v43  }
0x31b: {  	v11 =	vld [tilespmem:s6+$0xFFFFFFC0];
	(xrf2) =	vadd.scan.msk.f32 $0xffff, v2  }
0x31c: {  	v3 =	vld [tilespmem:s4+$0xFFFFFF40]  }
0x31d: {  	v0 =	vld [tilespmem:s4+$0xFFFFFEF0]  }
0x31e: {  	v45 =	vld [tilespmem:s6+$0xFFFFFFE0]  }
0x31f: {  	v19 =	vadd.f32 v17, v40;
	v2 =	vld [tilespmem:s4+$0xFFFFFF50]  }
0x320: {  	v49 =	vld [tilespmem:s4+$0xFFFFFF00];
	v17 =	vadd.f32 v23, v20;
	v21 =	vadd.f32 v39, v1  }
0x321: {  	v1 =	vld [tilespmem:s4+$0xFFFFFF80];
	v22 =	vadd.f32 v11, v42;
	v29 =	vadd.f32 v44, v3  }
0x322: {  	v20 =	vadd.f32 v25, v24;
	v34 =	vadd.f32 v46, v0;
	v3 =	vld [tilespmem:s6+$0x10]  }
0x323: {  	v28 =	vld [tilespmem:s4+$0xFFFFFF90];
	v26 =	vmul.f32 v19, v19;
	v48 =	vadd.f32 v19, v21;
	v27 =	vadd.f32 v29, v22  }
0x324: {  	v57 =	vld [tilespmem:s4+$0xFFFFFED0];
	v50 =	vmul.f32 v22, v22;
	v18 =	vadd.f32 v45, v2;
	v23 =	vmul.f32 v29, v29;
	v11, _, _ =	vpop (xrf2)  }
0x325: {  	v58 =	vld [tilespmem:s6+$0x40];
	v47 =	vmul.f32 v21, v21;
	v6 =	vadd.f32 v27, v48;
	(v2sf) =	vpush v11, $0xF;
	v11, _, _ =	vpop (xrf2)  }
0x326: {  	v0 =	vld [tilespmem:s6+$0x50];
	v51 =	vadd.f32 v23, v50;
	(v2sf) =	vpush v11, $0xF  }
0x327: {  	v2 =	vld [tilespmem:s6+$0xFFFFFF90];
	(xrf2) =	vadd.scan.msk.f32 $0xffff, v6;
	v11 =	vadd.f32 v3, v1;
	v1 =	vadd.f32 v26, v47  }
0x328: {  	v27 =	vld [tilespmem:s6+$0x20]  }
0x329: {  	v25 =	vmul.f32 v17, v17;
	v55 =	vmul.f32 v20, v20;
	v23 =	vld [tilespmem:s6+$0x30];
	v1 =	vadd.f32 v51, v1  }
0x32a: {  	v35 =	vadd.f32 v38, v37;
	v24 =	vmul.f32 v18, v18;
	v3 =	vld [tilespmem:s4+$0xFFFFFFA0];
	v30 =	vmul.f32 v11, v11  }
0x32b: {  	v52 =	vadd.f32 v17, v18;
	v26 =	vld [tilespmem:s4+$0xFFFFFFB0];
	v54 =	vadd.f32 v11, v20;
	(xrf2) =	vadd.scan.msk.f32 $0xffff, v1  }
0x32c: {  	v1 =	vadd.f32 v25, v24;
	v24 =	vld [tilespmem:s4+$0xFFFFFFC0];
	v5 =	vadd.f32 v30, v55  }
0x32d: {  	v31 =	vadd.f32 v2, v49;
	v6 =	vadd.f32 v54, v52  }
0x32e: {  	v36 =	vadd.f32 v60, v57;
	v1 =	vadd.f32 v5, v1  }
0x32f: {  	v2 =	vadd.f32 v31, v34;
	v15 =	vadd.f32 v27, v28;
	(xrf2) =	vadd.scan.msk.f32 $0xffff, v6  }
0x330: {  	v14 =	vadd.f32 v23, v3;
	(xrf2) =	vadd.scan.msk.f32 $0xffff, v1;
	v1 =	vadd.f32 v35, v36  }
0x331: {  	v13 =	vadd.f32 v58, v26;
	v55 =	vadd.f32 v0, v24;
	v0, _, _ =	vpop (xrf2)  }
0x332: {  	v60 =	vmul.f32 v31, v31;
	(v2sf) =	vpush v0, $0xF;
	v0 =	vadd.f32 v2, v1  }
0x333: {  	s2 =	simm.s32 $0x1E0;
	v3 =	vmul.f32 v34, v34;
	v1 =	vadd.f32 v14, v15;
	v2 =	vadd.f32 v55, v13  }
0x334: {  	v32 =	vmul.f32 v35, v35;
	v43 =	vld [tilespmem:s2+$0x80];
	v33 =	vmul.f32 v36, v36  }
0x335: {  	v49 =	vld [tilespmem:s2+$0x90];
	v3 =	vadd.f32 v60, v3;
	(xrf2) =	vadd.scan.msk.f32 $0xffff, v0;
	v0 =	vadd.f32 v2, v1;
	v37, _, _ =	vpop (xrf2)  }
0x336: {  	v28 =	vld [tilespmem:s2+$0xFFFFFF80];
	v2 =	vadd.f32 v32, v33;
	(v2sf) =	vpush v37, $0xF  }
0x337: {  	v52 =	vld [tilespmem:s2+$0xFFFFFFB0]  }
0x338: {  	v23 =	vld [tilespmem:s2+$0x70];
	s8 =	spop (v2sf);
	(xrf2) =	vadd.scan.msk.f32 $0xffff, v0;
	v2 =	vadd.f32 v3, v2  }
0x339: {  	v5 =	vld [tilespmem:s2+$0xFFFFFFA0];
	s10 =	spop (v2sf)  }
0x33a: {  	v0 =	vld [tilespmem:s2+$0x60];
	s13 =	smul.f32 $1.562500000e-02, s10;
	v1, _, _ =	vpop (xrf2);
	s10 =	simm.s32 $0x66F0;
	(xrf2) =	vadd.scan.msk.f32 $0xffff, v2  }
0x33b: {  	v38 =	vmul.f32 v15, v15;
	v39 =	vmul.f32 v14, v14;
	s1 =	smul.f32 $1.562500000e-02, s8;
	v3 =	vld [tilespmem:s10+$0xFFFFFFE0]  }
0x33c: {  	v40 =	vmul.f32 v13, v13;
	v41 =	vmul.f32 v55, v55;
	v2 =	vld [tilespmem:s10+$0xFFFFFFF0]  }
0x33d: {  	v4 =	vadd.f32 v39, v38;
	s14 =	smul.f32 s1, s1;
	v48 =	vld [tilespmem:s10+$0x0]  }
0x33e: {  	v6 =	vadd.f32 v41, v40;
	(v2sf) =	vpush v1, $0xF;
	v1 =	vld [tilespmem:s10+$0xFFFFFFD0]  }
0x33f: {  	v60 =	vld [tilespmem:s2+$0xFFFFFFC0];
	s3 =	ssub.f32 s13, s14;
	v42, _, _ =	vpop (xrf2)  }
0x340: {  	v4 =	vadd.f32 v6, v4;
	v26 =	vld [tilespmem:s10+$0xFFFFFEE0];
	(v2sf) =	vpush v42, $0xF  }
0x341: {  	v27 =	vld [tilespmem:s10+$0xFFFFFEF0];
	s3 =	sadd.f32 $9.999999740e-06, s3;
	v50, _, _ =	vpop (xrf2);
	v47 =	vadd.f32 v23, v3;
	v30 =	vadd.f32 v43, v2  }
0x342: {  	v32 =	vld [tilespmem:s10+$0xFFFFFF00];
	v43 =	vadd.f32 v49, v48;
	(v2sf) =	vpush v50, $0xF;
	v24, _, _ =	vpop (xrf2)  }
0x343: {  	v33 =	vld [tilespmem:s10+$0xFFFFFF20];
	s15 =	sshra.s32 s3, $0x1;
	s3 =	smul.f32 $5.000000000e-01, s3;
	s17 =	spop (v2sf);
	(v2sf) =	vpush v24, $0xF;
	v24 =	vadd.f32 v0, v1  }
0x344: {  	v57 =	vld [tilespmem:s10+$0xFFFFFF30];
	(xrf2) =	vadd.scan.msk.f32 $0xffff, v4;
	s4 =	ssub.s32 $0x5F3759DF, s15;
	v3 =	vmul.f32 v47, v47;
	v51 =	vmul.f32 v30, v30;
	v1, _, _ =	vpop (xrf2)  }
0x345: {  	v4 =	vld [tilespmem:s2+$0xFFFFFF70];
	s16 =	smul.f32 s4, s3;
	v7 =	vmul.f32 v43, v43;
	s19 =	spop (v2sf);
	(v2sf) =	vpush v1, $0xF;
	v1 =	vmul.f32 v24, v24  }
0x346: {  	v2 =	vld [tilespmem:s10+$0xFFFFFF10];
	v25 =	vadd.f32 v43, v30;
	s13 =	smul.f32 $1.562500000e-02, s17;
	v23 =	vadd.f32 v47, v24  }
0x347: {  	v48 =	vld [tilespmem:s2+$0xFFFFFFD0];
	v1 =	vadd.f32 v3, v1;
	v3 =	vadd.f32 v7, v51  }
0x348: {  	v49 =	vld [tilespmem:s2+$0xFFFFFFE0];
	s8 =	smul.f32 s4, s16;
	v44 =	vmov s13;
	v58 =	vadd.f32 v25, v23  }
0x349: {  	v0 =	vld [tilespmem:s2+$0xFFFFFF90];
	v19 =	vsub.f32 v19, v44;
	v1 =	vadd.f32 v3, v1  }
0x34a: {  	s8 =	ssub.f32 $1.500000000e+00, s8;
	(xrf2) =	vadd.scan.msk.f32 $0xffff, v58;
	v3 =	vld [tilespmem:s10+$0xFFFFFF40]  }
0x34b: {  	s18 =	smul.f32 s13, s13;
	(xrf2) =	vadd.scan.msk.f32 $0xffff, v1;
	v1 =	vld [tilespmem:s10+$0xFFFFFF50];
	[tilespmem:$0x1FBC0] =	vst v19;
	v19 =	vsub.f32 v22, v44  }
0x34c: {  	s16 =	smul.f32 s4, s8  }
0x34d: {  	s8 =	smul.f32 $1.562500000e-02, s19;
	s20 =	spop (v2sf);
	[tilespmem:$0x1FBE0] =	vst v19  }
0x34e: {  	v54, _, _ =	vpop (xrf2);
	s14 =	smul.f32 $1.562500000e-02, s20;
	v50 =	vld [tilespmem:s10+$0xFFFFFF60]  }
0x34f: {  	v39 =	vadd.f32 v52, v33;
	s4 =	ssub.f32 s8, s18;
	s23 =	spop (v2sf);
	(v2sf) =	vpush v54, $0xF;
	v51 =	vld [tilespmem:s2+$0xFFFFFFF0]  }
0x350: {  	v40 =	vadd.f32 v60, v57;
	v38 =	vadd.f32 v5, v2;
	s21 =	smul.f32 s14, s14;
	v2 =	vld [tilespmem:s10+$0xFFFFFF70]  }
0x351: {  	v29 =	vsub.f32 v29, v44;
	s4 =	sadd.f32 $9.999999740e-06, s4;
	s15 =	smul.f32 $1.562500000e-02, s23;
	v41 =	vadd.f32 v48, v3;
	v3 =	vld [tilespmem:s2+$0x0]  }
0x352: {  	v52 =	vmul.f32 v39, v39;
	v25 =	vsub.f32 v21, v44;
	v23 =	vadd.f32 v4, v26;
	s3 =	smul.f32 s16, s3;
	v6 =	vld [tilespmem:s10+$0xFFFFFF80]  }
0x353: {  	v26 =	vadd.f32 v0, v32;
	v0 =	vmul.f32 v38, v38;
	v22 =	vadd.f32 v28, v27;
	s6 =	sshra.s32 s4, $0x1;
	s17 =	smul.f32 $5.000000000e-01, s4;
	s19 =	ssub.f32 s15, s21;
	v57 =	vld [tilespmem:s2+$0x10]  }
0x354: {  	s3 =	smul.f32 s3, s16;
	v54 =	vadd.f32 v39, v38;
	s22 =	ssub.s32 $0x5F3759DF, s6;
	s20 =	spop (v2sf);
	v5 =	vld [tilespmem:s2+$0xFFFFFF60];
	v28 =	vadd.f32 v41, v40  }
0x355: {  	v60 =	vmul.f32 v40, v40;
	v0 =	vadd.f32 v52, v0;
	v37 =	vadd.f32 v26, v22;
	s8 =	smul.f32 s22, s17;
	s4 =	sadd.f32 $9.999999740e-06, s19;
	v42 =	vld [tilespmem:s10+$0xFFFFFED0]  }
0x356: {  	s18 =	smul.f32 $1.562500000e-02, s20;
	v19 =	vadd.f32 v49, v1;
	v52 =	vmul.f32 v41, v41;
	v58, _, _ =	vpop (xrf2);
	v1 =	vadd.f32 v28, v54  }
0x357: {  	s23 =	smul.f32 $5.000000000e-01, s4;
	(v2sf) =	vpush v58, $0xF;
	v28 =	vadd.f32 v51, v50  }
0x358: {  	s13 =	smul.f32 s18, s18;
	v32 =	vadd.f32 v57, v6;
	v57 =	vadd.f32 v52, v60;
	(xrf2) =	vadd.scan.msk.f32 $0xffff, v1;
	v33, _, _ =	vpop (xrf2)  }
0x359: {  	v48 =	vld [tilespmem:s10+$0xFFFFFF90];
	s21 =	spop (v2sf);
	s8 =	smul.f32 s22, s8;
	(v2sf) =	vpush v33, $0xF;
	v33 =	vadd.f32 v3, v2  }
0x35a: {  	v4 =	vld [tilespmem:s10+$0xFFFFFFA0];
	s4 =	sshra.s32 s4, $0x1;
	s15 =	smul.f32 $1.562500000e-02, s21;
	v54 =	vmul.f32 v19, v19;
	v42 =	vadd.f32 v5, v42;
	s6 =	spop (v2sf);
	v60 =	vmul.f32 v32, v32  }
0x35b: {  	s3 =	ssub.f32 $1.500000000e+00, s3;
	s19 =	ssub.s32 $0x5F3759DF, s4;
	v1 =	vld [tilespmem:s2+$0x20];
	s21 =	smul.f32 $1.562500000e-02, s6;
	v0 =	vadd.f32 v57, v0;
	v2 =	vmul.f32 v28, v28;
	v58 =	vmul.f32 v33, v33  }
0x35c: {  	v7 =	vld [tilespmem:s2+$0x30];
	s4 =	smul.f32 s19, s23;
	s8 =	ssub.f32 $1.500000000e+00, s8;
	v3 =	vadd.f32 v28, v19;
	v52 =	vadd.f32 v32, v33  }
0x35d: {  	v49 =	vld [tilespmem:s10+$0xFFFFFFB0];
	s20 =	smul.f32 s15, s15;
	s13 =	ssub.f32 s21, s13;
	v2 =	vadd.f32 v2, v54;
	v54 =	vadd.f32 v60, v58  }
0x35e: {  	v44 =	vmov s1;
	v5 =	vld [tilespmem:s2+$0x40];
	v57 =	vadd.f32 v23, v42;
	s21 =	smul.f32 s19, s4;
	s6 =	spop (v2sf);
	v3 =	vadd.f32 v52, v3  }
0x35f: {  	v10 =	vsub.f32 v10, v44;
	v45 =	vld [tilespmem:s10+$0xFFFFFFC0];
	(xrf2) =	vadd.scan.msk.f32 $0xffff, v0;
	s13 =	sadd.f32 $9.999999740e-06, s13;
	s6 =	smul.f32 $1.562500000e-02, s6;
	v0 =	vadd.f32 v54, v2  }
0x360: {  	s22 =	smul.f32 s22, s8;
	s21 =	ssub.f32 $1.500000000e+00, s21;
	v58 =	vld [tilespmem:s2+$0x50];
	v60 =	vmov s18;
	v52 =	vadd.f32 v1, v48;
	(xrf2) =	vadd.scan.msk.f32 $0xffff, v3;
	v3 =	vadd.f32 v37, v57  }
0x361: {  	s4 =	smul.f32 s3, s16;
	s6 =	ssub.f32 s6, s20;
	v36 =	vsub.f32 v36, v60;
	v34 =	vsub.f32 v34, v60;
	(xrf2) =	vadd.scan.msk.f32 $0xffff, v0  }
0x362: {  	v48 =	vmul.f32 v42, v42;
	s16 =	sshra.s32 s13, $0x1;
	s13 =	smul.f32 $5.000000000e-01, s13;
	v2 =	vsub.f32 v16, v44;
	v54 =	vadd.f32 v7, v4;
	v1, _, _ =	vpop (xrf2);
	(xrf2) =	vadd.scan.msk.f32 $0xffff, v3  }
0x363: {  	s8 =	ssub.s32 $0x5F3759DF, s16;
	s16 =	smul.f32 s19, s21;
	v37 =	vsub.f32 v35, v60;
	v35 =	vadd.f32 v5, v49;
	s20 =	sadd.f32 $9.999999740e-06, s6;
	v0 =	vmul.f32 v22, v22  }
0x364: {  	v4 =	vsub.f32 v31, v60;
	s21 =	smul.f32 s8, s13;
	v16 =	vmul.f32 v54, v54;
	v3 =	vmul.f32 v26, v26  }
0x365: {  	s6 =	sshra.s32 s20, $0x1;
	s18 =	smul.f32 $5.000000000e-01, s20;
	(v2sf) =	vpush v1, $0xF;
	v50 =	vadd.f32 v58, v45;
	v1 =	vmov s14  }
0x366: {  	v51 =	vadd.f32 v54, v52;
	s1 =	smul.f32 s8, s21;
	v45 =	vmul.f32 v52, v52;
	s2 =	ssub.s32 $0x5F3759DF, s6;
	v58 =	vsub.f32 v18, v1  }
0x367: {  	s3 =	smul.f32 s2, s18;
	v0 =	vadd.f32 v3, v0;
	v3 =	vmul.f32 s4, v61;
	v60 =	vadd.f32 v50, v35  }
0x368: {  	s6 =	smul.f32 s22, s17;
	v18 =	vmul.f32 v23, v23;
	v57 =	vsub.f32 v17, v1;
	v17 =	vmul.f32 v35, v35  }
0x369: {  	v46 =	vadd.f32 v16, v45;
	s19 =	spop (v2sf);
	v16, _, _ =	vpop (xrf2);
	s3 =	smul.f32 s2, s3;
	v5 =	vadd.f32 v60, v51;
	v2 =	vmul.f32 v3, v2  }
0x36a: {  	s1 =	ssub.f32 $1.500000000e+00, s1;
	v51 =	vsub.f32 v20, v1;
	v20 =	vmul.f32 v50, v50;
	s20 =	spop (v2sf);
	(v2sf) =	vpush v16, $0xF;
	v16, _, _ =	vpop (xrf2)  }
0x36b: {  	s17 =	smul.f32 s16, s23;
	s10 =	ssub.f32 $1.500000000e+00, s3;
	[tilespmem:$0x1FBF0] =	vst v2;
	v2 =	vadd.f32 v18, v48;
	(v2sf) =	vpush v16, $0xF;
	v3, _, _ =	vpop (xrf2)  }
0x36c: {  	s8 =	smul.f32 s8, s1;
	s1 =	simm.s32 $0x6830;
	v60 =	vadd.f32 v20, v17;
	v17 =	vmul.f32 s4, v12;
	(v2sf) =	vpush v3, $0xF;
	v16, _, _ =	vpop (xrf2)  }
0x36d: {  	v8 =	vsub.f32 v8, v44;
	(xrf2) =	vadd.scan.msk.f32 $0xffff, v5;
	v20 =	vld [tilespmem:s1+$0xFFFFFFE0];
	s14 =	smul.f32 s2, s10;
	s2 =	simm.s32 $0x320;
	(v2sf) =	vpush v16, $0xF;
	v16 =	vmul.f32 s4, v59  }
0x36e: {  	v21 =	vmovc v59;
	s6 =	smul.f32 s6, s22;
	v0 =	vadd.f32 v0, v2;
	v2 =	vld [tilespmem:s2+$0x60];
	v59 =	vsub.f32 v11, v1;
	v1 =	vmul.f32 v17, v10  }
0x36f: {  	s13 =	smul.f32 s8, s13;
	v18 =	vmov s15;
	v3 =	vld [tilespmem:s1+$0xFFFFFFD0];
	v45 =	vmul.f32 v16, v8  }
0x370: {  	s10 =	smul.f32 $1.562500000e-02, s19;
	v6 =	vadd.f32 v60, v46;
	v46 =	vsub.f32 v14, v18;
	(xrf2) =	vadd.scan.msk.f32 $0xffff, v0;
	v0 =	vld [tilespmem:s2+$0x70];
	[tilespmem:$0x1FC10] =	vst v1  }
0x371: {  	s21 =	smul.f32 $1.562500000e-02, s20;
	v8 =	vsub.f32 v13, v18;
	v1 =	vld [tilespmem:s1+$0xFFFFFFF0];
	[tilespmem:$0x1FC20] =	vst v45  }
0x372: {  	s23 =	smul.f32 s10, s10;
	(xrf2) =	vadd.scan.msk.f32 $0xffff, v6;
	v6 =	vld [tilespmem:s2+$0x80];
	[tilespmem:$0x1FC00] =	vst v46  }
0x373: {  	s3 =	smul.f32 s13, s8;
	v11 =	vld [tilespmem:s1+$0x0];
	[tilespmem:$0x1FC30] =	vst v8;
	v8 =	vsub.f32 v55, v18  }
0x374: {  	s13 =	ssub.f32 s21, s23;
	s23 =	spop (v2sf)  }
0x375: {  	s15 =	smul.f32 $1.562500000e-02, s23;
	_ =	sdelay $0x1  }
0x376: {  	v9 =	vsub.f32 v9, v44;
	s6 =	ssub.f32 $1.500000000e+00, s6;
	v17 =	vld [tilespmem:s2+$0x90];
	v10 =	vmov s15;
	[tilespmem:$0x1FC60] =	vst v8;
	v8, _, _ =	vpop (xrf2)  }
0x377: {  	v49 =	vmul.f32 s4, v62;
	s20 =	smul.f32 s17, s16;
	s3 =	ssub.f32 $1.500000000e+00, s3;
	(v2sf) =	vpush v8, $0xF;
	v8 =	vsub.f32 v38, v10  }
0x378: {  	s6 =	smul.f32 s6, s22;
	v45 =	vld [tilespmem:s1+$0xFFFFFEE0]  }
0x379: {  	v49 =	vmul.f32 v49, v9;
	s3 =	smul.f32 s3, s8;
	v46 =	vld [tilespmem:s2+$0xFFFFFF70];
	[tilespmem:$0x1FB40] =	vst v8;
	v8 =	vsub.f32 v39, v10  }
0x37a: {  	v60 =	vsub.f32 v15, v18;
	v15 =	vmul.f32 s6, v62;
	s4 =	ssub.f32 $1.500000000e+00, s20;
	v40 =	vsub.f32 v40, v10  }
0x37b: {  	v44 =	vmul.f32 s6, v21;
	v5 =	vmul.f32 s3, v62;
	v41 =	vsub.f32 v41, v10;
	[tilespmem:$0x1FB50] =	vst v8  }
0x37c: {  	v48 =	vmul.f32 s3, v12;
	v9 =	vmul.f32 s3, v21;
	s23 =	smul.f32 s4, s16;
	v38 =	vld [tilespmem:s1+$0xFFFFFEF0];
	[tilespmem:$0x1FB60] =	vst v40  }
0x37d: {  	v13 =	vmul.f32 s3, v61;
	v18 =	vmov v21;
	v21 =	vmul.f32 s6, v61;
	[tilespmem:$0x1FB70] =	vst v41  }
0x37e: {  	v16 =	vmov v62;
	v55 =	vmul.f32 s23, v62;
	v62 =	vmul.f32 v5, v36;
	v5 =	vld [tilespmem:s2+$0xFFFFFF80]  }
0x37f: {  	v14 =	vmovc v61;
	s21 =	smul.f32 s14, s18;
	v61 =	vmul.f32 v48, v37;
	v48 =	vadd.f32 v2, v3;
	v10 =	vadd.f32 v0, v20;
	v0 =	vld [tilespmem:s1+$0xFFFFFF00]  }
0x380: {  	s13 =	sadd.f32 $9.999999740e-06, s13;
	s20 =	spop (v2sf);
	v2, _, _ =	vpop (xrf2);
	v17 =	vadd.f32 v17, v11;
	v8 =	vmul.f32 v9, v34;
	v9 =	vadd.f32 v6, v1;
	v1 =	vld [tilespmem:s2+$0xFFFFFF90]  }
0x381: {  	s19 =	smul.f32 s21, s14;
	v37 =	vmul.f32 v13, v4;
	(v2sf) =	vpush v2, $0xF;
	s21 =	spop (v2sf);
	v2 =	vadd.f32 v10, v48;
	v4 =	vld [tilespmem:s1+$0xFFFFFF10];
	[tilespmem:$0x1FB80] =	vst v48  }
0x382: {  	s17 =	smul.f32 $5.000000000e-01, s13;
	s13 =	sshra.s32 s13, $0x1;
	s22 =	spop (v2sf);
	v11 =	vmul.f32 v10, v10;
	v40 =	vmul.f32 v48, v48;
	v41 =	vadd.f32 v17, v9;
	[tilespmem:$0x1FB90] =	vst v10  }
0x383: {  	v31 =	vmul.f32 s6, v12;
	s3 =	ssub.s32 $0x5F3759DF, s13;
	s13 =	smul.f32 s15, s15;
	s16 =	spop (v2sf);
	v13 =	vmul.f32 v9, v9;
	v20 =	vld [tilespmem:s2+$0xFFFFFFA0];
	[tilespmem:$0x1FBA0] =	vst v9  }
0x384: {  	s15 =	smul.f32 $1.562500000e-02, s16;
	v48 =	vmul.f32 v17, v17;
	[tilespmem:$0x1FBB0] =	vst v17;
	v6 =	vadd.f32 v11, v40;
	v9 =	vld [tilespmem:$0x1FBC0];
	v2 =	vadd.f32 v41, v2  }
0x385: {  	s6 =	ssub.f32 $1.500000000e+00, s19;
	v36 =	vld [tilespmem:s1+$0xFFFFFF20];
	v41 =	vmul.f32 v15, v25;
	v15 =	vadd.f32 v5, v38;
	v17 =	vadd.f32 v1, v0  }
0x386: {  	v11 =	vadd.f32 v46, v45;
	v40 =	vld [tilespmem:s2+$0xFFFFFFB0];
	v25 =	vadd.f32 v48, v13;
	v0 =	vmov s15  }
0x387: {  	s14 =	smul.f32 s6, s14;
	v3, _, _ =	vpop (xrf2);
	v34 =	vld [tilespmem:s1+$0xFFFFFF30];
	v39 =	vsub.f32 v23, v0;
	v46 =	vmul.f32 v15, v15;
	v23 =	vmul.f32 v17, v17  }
0x388: {  	(v2sf) =	vpush v3, $0xF;
	s6 =	smul.f32 $1.562500000e-02, s21;
	v3 =	vld [tilespmem:s1+$0xFFFFFF40];
	(xrf2) =	vadd.scan.msk.f32 $0xffff, v2;
	v2 =	vadd.f32 v25, v6  }
0x389: {  	v13 =	vld [tilespmem:s2+$0xFFFFFFD0];
	v6 =	vadd.f32 v23, v46  }
0x38a: {  	v1 =	vld [tilespmem:s2+$0xFFFFFFC0];
	v38 =	vsub.f32 v42, v0;
	(xrf2) =	vadd.scan.msk.f32 $0xffff, v2;
	v42 =	vsub.f32 v22, v0;
	v2 =	vmov s6  }
0x38b: {  	s8 =	smul.f32 $1.562500000e-02, s20;
	v48 =	vmul.f32 v31, v9;
	v27 =	vsub.f32 v26, v0;
	v0 =	vld [tilespmem:s1+$0xFFFFFF50];
	v9 =	vsub.f32 v28, v2;
	[tilespmem:$0x1FC70] =	vst v6  }
0x38c: {  	v6 =	vld [tilespmem:s2+$0xFFFFFFE0]  }
0x38d: {  	s8 =	ssub.f32 s8, s13;
	v25 =	vadd.f32 v20, v4;
	v31 =	vadd.f32 v40, v36;
	[tilespmem:$0x1FBD0] =	vst v9;
	v9 =	vld [tilespmem:$0x1FBE0]  }
0x38e: {  	v26 =	vsub.f32 v19, v2;
	v28 =	vsub.f32 v33, v2;
	s20 =	spop (v2sf)  }
0x38f: {  	s19 =	sadd.f32 $9.999999740e-06, s8;
	v20 =	vmul.f32 v25, v25;
	s8 =	smul.f32 $1.562500000e-02, s20;
	v36 =	vadd.f32 v1, v34;
	v1 =	vmul.f32 v31, v31;
	v22 =	vld [tilespmem:s1+$0xFFFFFF60]  }
0x390: {  	v7 =	vmul.f32 s23, v12;
	v40 =	vadd.f32 v13, v3;
	v13 =	vadd.f32 v31, v25;
	v5 =	vld [tilespmem:s2+$0xFFFFFFF0]  }
0x391: {  	v34 =	vsub.f32 v32, v2;
	v3 =	vmov s8;
	v1 =	vadd.f32 v1, v20;
	v2 =	vld [tilespmem:s1+$0xFFFFFF70]  }
0x392: {  	s18 =	smul.f32 s3, s17;
	v23 =	vld [tilespmem:s2+$0x0];
	v33 =	vsub.f32 v52, v3;
	v35 =	vsub.f32 v35, v3;
	v46 =	vmul.f32 v44, v9  }
0x393: {  	v52 =	vld [tilespmem:s1+$0xFFFFFF80];
	v44 =	vmul.f32 v21, v29;
	v19 =	vadd.f32 v6, v0;
	v0 =	vmul.f32 v7, v57  }
0x394: {  	s4 =	smul.f32 s3, s18;
	v29 =	vsub.f32 v54, v3;
	v54 =	vmul.f32 v55, v58;
	v21 =	vadd.f32 v40, v36;
	v55 =	vld [tilespmem:s2+$0x10]  }
0x395: {  	v6 =	vmul.f32 v40, v40;
	v20 =	vadd.f32 v5, v22;
	v22 =	vmul.f32 v36, v36;
	[tilespmem:$0x1FC80] =	vst v0  }
0x396: {  	s4 =	ssub.f32 $1.500000000e+00, s4;
	v45 =	vmul.f32 s23, v18;
	v32 =	vsub.f32 v50, v3;
	v4 =	vadd.f32 v21, v13;
	v3 =	vld [tilespmem:s1+$0xFFFFFF90]  }
0x397: {  	v21 =	vadd.f32 v23, v2;
	v7 =	vld [tilespmem:s2+$0x20];
	v2 =	vadd.f32 v6, v22  }
0x398: {  	s4 =	smul.f32 s3, s4;
	v45 =	vmul.f32 v45, v51  }
0x399: {  	v22 =	vadd.f32 v55, v52;
	v52 =	vadd.f32 v2, v1;
	v1 =	vmul.f32 s14, v16  }
0x39a: {  	s17 =	smul.f32 s4, s17;
	v57 =	vmul.f32 v19, v19;
	v13 =	vmul.f32 v20, v20;
	v51 =	vld [tilespmem:s1+$0xFFFFFFA0];
	v0, _, _ =	vpop (xrf2)  }
0x39b: {  	s18 =	smul.f32 s6, s6;
	v5 =	vmul.f32 s23, v14;
	(v2sf) =	vpush v0, $0xF;
	v6 =	vmul.f32 v1, v60;
	v1 =	vld [tilespmem:$0x1FBF0]  }
0x39c: {  	s3 =	smul.f32 $1.562500000e-02, s22;
	v0, _, _ =	vpop (xrf2);
	v50 =	vadd.f32 v13, v57;
	v13 =	vmov s10;
	v23 =	vadd.f32 v7, v3;
	v3 =	vld [tilespmem:s2+$0x30]  }
0x39d: {  	s16 =	smul.f32 s17, s4;
	(v2sf) =	vpush v0, $0xF;
	v57 =	vsub.f32 v24, v13  }
0x39e: {  	s3 =	ssub.f32 s3, s18;
	v0 =	vmul.f32 v5, v59;
	v59 =	vadd.f32 v20, v19;
	v24 =	vadd.f32 v22, v21  }
0x39f: {  	s17 =	smul.f32 $5.000000000e-01, s19;
	s16 =	ssub.f32 $1.500000000e+00, s16  }
0x3a0: {  	s21 =	sshra.s32 s19, $0x1;
	s19 =	smul.f32 s15, s15;
	(xrf2) =	vadd.scan.msk.f32 $0xffff, v4;
	v4 =	vadd.f32 v24, v59  }
0x3a1: {  	s3 =	sadd.f32 $9.999999740e-06, s3;
	s22 =	smul.f32 s16, s4;
	s6 =	ssub.s32 $0x5F3759DF, s21;
	v24 =	vadd.f32 v3, v51;
	v3 =	vadd.f32 v1, v56  }
0x3a2: {  	s13 =	smul.f32 s6, s17;
	s10 =	sadd.s32 $0xCCF0, s9  }
0x3a3: {  	s4 =	smul.f32 $5.000000000e-01, s3;
	[tilespmem:s10+$0x0] =	vst v3  }
0x3a4: {  	s18 =	sshra.s32 s3, $0x1;
	s13 =	smul.f32 s6, s13;
	s21 =	spop (v2sf);
	v1 =	vld [tilespmem:$0x1FC00]  }
0x3a5: {  	s16 =	ssub.s32 $0x5F3759DF, s18;
	s18 =	smul.f32 $1.562500000e-02, s21  }
0x3a6: {  	s20 =	smul.f32 s16, s4;
	s15 =	ssub.f32 $1.500000000e+00, s13  }
0x3a7: {  	s8 =	smul.f32 s8, s8;
	s3 =	ssub.f32 s18, s19;
	v60 =	vmul.f32 s14, v12  }
0x3a8: {  	s19 =	spop (v2sf);
	s23 =	smul.f32 s16, s20  }
0x3a9: {  	s13 =	smul.f32 $1.562500000e-02, s19;
	s3 =	sadd.f32 $9.999999740e-06, s3;
	v3 =	vmul.f32 v60, v1;
	v1 =	vld [tilespmem:$0x1FC10]  }
0x3aa: {  	s20 =	ssub.f32 $1.500000000e+00, s23  }
0x3ab: {  	s21 =	sshra.s32 s3, $0x1;
	s18 =	smul.f32 $5.000000000e-01, s3;
	s23 =	ssub.f32 s13, s8;
	v47 =	vsub.f32 v47, v13;
	v55 =	vsub.f32 v30, v13  }
0x3ac: {  	s15 =	smul.f32 s6, s15;
	s8 =	ssub.s32 $0x5F3759DF, s21;
	v30 =	vld [tilespmem:s2+$0x40];
	v5 =	vmul.f32 v21, v21;
	v7 =	vsub.f32 v43, v13;
	v13 =	vmul.f32 v22, v22  }
0x3ad: {  	s13 =	smul.f32 s8, s18;
	s3 =	sadd.f32 $9.999999740e-06, s23;
	v2 =	vld [tilespmem:$0x1FC20]  }
0x3ae: {  	s16 =	smul.f32 s16, s20;
	v5 =	vadd.f32 v13, v5;
	v13 =	vadd.f32 v1, v53;
	v1 =	vld [tilespmem:$0x1FF10]  }
0x3af: {  	s19 =	sshra.s32 s3, $0x1;
	s3 =	smul.f32 $5.000000000e-01, s3;
	v43 =	vld [tilespmem:s1+$0xFFFFFFB0]  }
0x3b0: {  	v49 =	vadd.f32 v49, v63;
	s6 =	smul.f32 s8, s13;
	s13 =	ssub.s32 $0x5F3759DF, s19  }
0x3b1: {  	s20 =	smul.f32 s13, s3  }
0x3b2: {  	s9 =	smul.f32 s15, s17;
	s21 =	ssub.f32 $1.500000000e+00, s6;
	[tilespmem:s10+$0xFFFFFFD0] =	vst v49;
	v49 =	vadd.f32 v62, v63  }
0x3b3: {  	v10 =	vmov v53;
	v59 =	vld [tilespmem:s1+$0xFFFFFFC0];
	s23 =	smul.f32 s13, s20;
	[tilespmem:s10+$0xFFFFFFE0] =	vst v13;
	v53 =	vadd.f32 v2, v1  }
0x3b4: {  	v58 =	vmul.f32 s22, v14;
	s8 =	smul.f32 s8, s21;
	v30 =	vadd.f32 v30, v43;
	v43 =	vld [tilespmem:s2+$0xFFFFFF60];
	[tilespmem:s10+$0xFFFFFED0] =	vst v49  }
0x3b5: {  	v9 =	vmov v63;
	s17 =	smul.f32 s9, s15;
	v51 =	vmul.f32 s14, v18;
	v60 =	vld [tilespmem:s2+$0x50];
	v63 =	vmul.f32 s14, v14;
	s14 =	ssub.f32 $1.500000000e+00, s23;
	[tilespmem:s10+$0xFFFFFFF0] =	vst v53  }
0x3b6: {  	v7 =	vmul.f32 v58, v7;
	v58 =	vadd.f32 v61, v10;
	s19 =	smul.f32 s8, s18;
	v62 =	vld [tilespmem:s1+$0xFFFFFED0];
	[tilespmem:$0x1FC40] =	vst v15  }
0x3b7: {  	s1 =	smul.f32 s13, s14;
	v61 =	vadd.f32 v8, v1;
	v8 =	vmov v1;
	v1 =	vld [tilespmem:$0x1FC30];
	[tilespmem:$0x1FC50] =	vst v17  }
0x3b8: {  	(xrf2) =	vadd.scan.msk.f32 $0xffff, v52;
	v52 =	vadd.f32 v37, v56;
	s6 =	smul.f32 s19, s8;
	v2 =	vld [tilespmem:$0x1FC60];
	[tilespmem:s10+$0xFFFFFEE0] =	vst v58  }
0x3b9: {  	v7 =	vadd.f32 v7, v56;
	v5 =	vadd.f32 v5, v50;
	v50 =	vmul.f32 v24, v24;
	s3 =	smul.f32 s1, s3;
	[tilespmem:s10+$0xFFFFFEF0] =	vst v61  }
0x3ba: {  	s9 =	sadd.s32 $0x140, s10;
	s6 =	ssub.f32 $1.500000000e+00, s6;
	v37 =	vadd.f32 v60, v59;
	v59 =	vadd.f32 v41, v9;
	v49 =	vmul.f32 v23, v23;
	[tilespmem:s10+$0xFFFFFF00] =	vst v52  }
0x3bb: {  	v44 =	vadd.f32 v44, v56;
	s17 =	ssub.f32 $1.500000000e+00, s17;
	(xrf2) =	vadd.scan.msk.f32 $0xffff, v4;
	v46 =	vadd.f32 v46, v8;
	s3 =	smul.f32 s3, s1;
	[tilespmem:s9+$0x0] =	vst v7  }
0x3bc: {  	v4 =	vadd.f32 v24, v23;
	s6 =	smul.f32 s6, s8;
	s20 =	spop (v2sf);
	v49 =	vadd.f32 v50, v49;
	v50 =	vmul.f32 s22, v16;
	[tilespmem:s10+$0xFFFFFF10] =	vst v59  }
0x3bd: {  	s14 =	smul.f32 $1.562500000e-02, s20;
	v43 =	vadd.f32 v43, v62;
	v62 =	vmul.f32 v30, v30;
	s3 =	ssub.f32 $1.500000000e+00, s3;
	v61 =	vadd.f32 v48, v10;
	[tilespmem:s10+$0xFFFFFF30] =	vst v46  }
0x3be: {  	s20 =	smul.f32 s17, s15;
	v57 =	vmul.f32 v50, v57;
	v53 =	vadd.f32 v54, v9;
	v54 =	vmul.f32 s6, v12;
	[tilespmem:s10+$0xFFFFFF40] =	vst v44  }
0x3bf: {  	v45 =	vadd.f32 v45, v8;
	v58 =	vmul.f32 v11, v11;
	s3 =	smul.f32 s3, s1;
	[tilespmem:s10+$0xFFFFFF20] =	vst v61;
	v1 =	vmul.f32 v51, v1  }
0x3c0: {  	s4 =	smul.f32 s16, s4;
	v59 =	vld [tilespmem:$0x1FC80];
	v51 =	vadd.f32 v17, v15;
	v60 =	vmul.f32 v63, v2;
	v63, _, _ =	vpop (xrf2);
	v15 =	vadd.f32 v37, v30  }
0x3c1: {  	v52 =	vmul.f32 s20, v12;
	v46 =	vmul.f32 s3, v16;
	(v2sf) =	vpush v63, $0xF  }
0x3c2: {  	s4 =	smul.f32 s4, s16;
	s21 =	spop (v2sf);
	v63 =	vmul.f32 v37, v37;
	v41, _, _ =	vpop (xrf2);
	v4 =	vadd.f32 v15, v4;
	v15 =	vadd.f32 v11, v43  }
0x3c3: {  	s13 =	smul.f32 $1.562500000e-02, s21;
	v44 =	vmul.f32 s3, v14;
	(xrf2) =	vadd.scan.msk.f32 $0xffff, v5;
	(v2sf) =	vpush v41, $0xF;
	v41 =	vadd.f32 v6, v9  }
0x3c4: {  	s4 =	ssub.f32 $1.500000000e+00, s4;
	s23 =	smul.f32 s14, s14;
	v50 =	vadd.f32 v63, v62;
	v62 =	vmul.f32 v43, v43;
	v63 =	vmul.f32 s22, v12  }
0x3c5: {  	v5 =	vadd.f32 v51, v15;
	v15 =	vmul.f32 s22, v18;
	v61 =	vadd.f32 v59, v10  }
0x3c6: {  	s21 =	smul.f32 s4, s16;
	s19 =	ssub.f32 s13, s23;
	v59 =	vmul.f32 s6, v16;
	v51 =	vmul.f32 s6, v14;
	v48 =	vadd.f32 v58, v62;
	v58 =	vld [tilespmem:$0x1FC70];
	[tilespmem:s10+$0xFFFFFF50] =	vst v53  }
0x3c7: {  	v3 =	vadd.f32 v3, v10;
	v63 =	vmul.f32 v63, v47;
	[tilespmem:s10+$0xFFFFFF70] =	vst v45;
	v53 =	vmul.f32 s20, v18  }
0x3c8: {  	s8 =	sadd.f32 $9.999999740e-06, s19;
	v2 =	vadd.f32 v50, v49;
	v50 =	vmul.f32 s21, v16;
	v49 =	vmul.f32 s21, v18;
	[tilespmem:s10+$0xFFFFFF90] =	vst v41  }
0x3c9: {  	v13 =	vmov v56;
	v47 =	vmul.f32 s21, v14;
	v45 =	vmul.f32 s3, v12;
	[tilespmem:s10+$0xFFFFFFA0] =	vst v3  }
0x3ca: {  	s15 =	smul.f32 $5.000000000e-01, s8;
	s22 =	sshra.s32 s8, $0x1;
	v55 =	vmul.f32 v15, v55;
	v15 =	vadd.f32 v0, v56;
	[tilespmem:s10+$0xFFFFFF60] =	vst v61;
	v61 =	vadd.f32 v60, v13  }
0x3cb: {  	s4 =	ssub.s32 $0x5F3759DF, s22;
	(xrf2) =	vadd.scan.msk.f32 $0xffff, v5;
	v56 =	vmul.f32 s6, v18;
	v62, _, _ =	vpop (xrf2);
	v60 =	vadd.f32 v63, v10;
	v7 =	vadd.f32 v58, v48  }
0x3cc: {  	s23 =	smul.f32 s4, s15;
	(xrf2) =	vadd.scan.msk.f32 $0xffff, v4;
	(v2sf) =	vpush v62, $0xF;
	[tilespmem:s10+$0xFFFFFF80] =	vst v15;
	v62 =	vadd.f32 v1, v8  }
0x3cd: {  	v1 =	vadd.f32 v57, v9;
	v57 =	vmul.f32 s3, v18;
	v0, _, _ =	vpop (xrf2);
	v58 =	vmul.f32 s20, v16;
	(xrf2) =	vadd.scan.msk.f32 $0xffff, v7  }
0x3ce: {  	s1 =	simm.s32 $0x6970;
	s22 =	simm.s32 $0xA;
	v10 =	vmovc v11;
	s16 =	smul.f32 s4, s23;
	v48 =	vmul.f32 s21, v12;
	(v2sf) =	vpush v0, $0xF;
	v0 =	vmul.f32 s20, v14;
	(xrf2) =	vadd.scan.msk.f32 $0xffff, v2  }
.LBB2_7:
0x3cf: {  	v12 =	vld [tilespmem:$0x1FF10]  }
0x3d0: {  	v8 =	vld [tilespmem:$0x1FB40];
	_ =	sdelay $0x4  }
0x3d1: {  	v6 =	vadd.f32 v55, v12;
	v55 =	vmul.f32 v58, v8;
	v8 =	vld [tilespmem:$0x1FB50]  }
0x3d2: {  	v2 =	vld [tilespmem:s1+$0xFFFFFFD0]  }
0x3d3: {  	v5 =	vmul.f32 v54, v39;
	v39 =	vld [tilespmem:s1+$0xFFFFFFE0]  }
0x3d4: {  	v15 =	vld [tilespmem:$0x1FEC0]  }
0x3d5: {  	v14 =	vld [tilespmem:$0x1FEE0]  }
0x3d6: {  	v54 =	vmul.f32 v52, v8;
	v8 =	vld [tilespmem:$0x1FB60]  }
0x3d7: {  	v11 =	vld [tilespmem:$0x1FFB0]  }
0x3d8: {  	v13 =	vld [tilespmem:$0x1FFF0]  }
0x3d9: {  	v17 =	vld [tilespmem:$0x1FFC0]  }
0x3da: {  	v16 =	vld [tilespmem:$0x1FFE0]  }
0x3db: {  	s2 =	sadd.s32 $0x140, s2;
	v53 =	vmul.f32 v53, v8;
	v8 =	vld [tilespmem:$0x1FB70]  }
0x3dc: {  	v4 =	vmul.f32 v59, v38;
	v63 =	vmul.f32 v51, v27;
	v7 =	vld [tilespmem:s2+$0x60];
	s3 =	spop (v2sf)  }
0x3dd: {  	s6 =	ssub.f32 $1.500000000e+00, s16;
	[tilespmem:s10+$0xFFFFFFC0] =	vst v61;
	v51 =	vmul.f32 v50, v26;
	v50 =	vmul.f32 v47, v34;
	v61 =	vld [tilespmem:$0x1FBB0];
	s3 =	smul.f32 $1.562500000e-02, s3  }
0x3de: {  	v47 =	vmul.f32 v46, v33;
	v46 =	vmul.f32 v45, v29;
	v33 =	vld [tilespmem:s2+$0xFFFFFFB0]  }
0x3df: {  	[tilespmem:s9+$0xFFFFFFD0] =	vst v1;
	v45 =	vmul.f32 v57, v35;
	v35 =	vld [tilespmem:s2+$0xFFFFFFC0];
	s4 =	smul.f32 s4, s6;
	v4 =	vadd.f32 v4, v15;
	v41 =	vmov s3  }
0x3e0: {  	v1 =	vld [tilespmem:s2+$0x70];
	[tilespmem:s9+$0xFFFFFFE0] =	vst v60;
	v52 =	vmul.f32 v0, v8;
	v8 =	vsub.f32 v25, v41  }
0x3e1: {  	s8 =	smul.f32 s4, s15;
	v3, _, _ =	vpop (xrf2);
	[tilespmem:s9+$0xFFFFFED0] =	vst v4;
	v4 =	vld [tilespmem:s2+$0x80]  }
0x3e2: {  	v29 =	vld [tilespmem:s2+$0xFFFFFF70];
	(v2sf) =	vpush v3, $0xF;
	[tilespmem:$0x1FB40] =	vst v8;
	v8 =	vsub.f32 v31, v41  }
0x3e3: {  	s8 =	smul.f32 s8, s4;
	s17 =	spop (v2sf);
	v0 =	vld [tilespmem:s1+$0xFFFFFFF0];
	[tilespmem:s9+$0xFFFFFFF0] =	vst v6  }
0x3e4: {  	v18, _, _ =	vpop (xrf2);
	v3 =	vmul.f32 v56, v42;
	v56 =	vld [tilespmem:s2+$0xFFFFFF60];
	s6 =	smul.f32 $1.562500000e-02, s17;
	[tilespmem:$0x1FB50] =	vst v8;
	v8 =	vsub.f32 v36, v41  }
0x3e5: {  	(v2sf) =	vpush v18, $0xF;
	s13 =	spop (v2sf);
	s3 =	smul.f32 s3, s3;
	v6 =	vld [tilespmem:s1+$0x0]  }
0x3e6: {  	v5 =	vadd.f32 v5, v14;
	s18 =	smul.f32 $1.562500000e-02, s13;
	[tilespmem:$0x1FB60] =	vst v8;
	v8 =	vld [tilespmem:$0x1FBD0]  }
0x3e7: {  	[tilespmem:s10+$0xFFFFFFB0] =	vst v62;
	s8 =	ssub.f32 $1.500000000e+00, s8;
	v3 =	vadd.f32 v3, v12;
	s19 =	spop (v2sf);
	v25, _, _ =	vpop (xrf2);
	v26 =	vld [tilespmem:s2+$0x90]  }
0x3e8: {  	v49 =	vmul.f32 v49, v28;
	v28 =	vadd.f32 v63, v11;
	s3 =	ssub.f32 s6, s3;
	s13 =	smul.f32 s18, s18;
	(v2sf) =	vpush v25, $0xF;
	v25 =	vld [tilespmem:s1+$0xFFFFFEE0];
	[tilespmem:s9+$0xFFFFFEE0] =	vst v5  }
0x3e9: {  	v62 =	vadd.f32 v7, v2;
	s6 =	smul.f32 $1.562500000e-02, s19;
	v2 =	vld [tilespmem:s1+$0xFFFFFEF0];
	[tilespmem:s9+$0xFFFFFEF0] =	vst v3  }
0x3ea: {  	v60 =	vmov s14;
	v59 =	vadd.f32 v1, v39;
	s8 =	smul.f32 s8, s4;
	s3 =	sadd.f32 $9.999999740e-06, s3;
	v27, _, _ =	vpop (xrf2);
	v58 =	vadd.f32 v4, v0;
	v0 =	vld [tilespmem:s2+$0xFFFFFF80];
	[tilespmem:s9+$0xFFFFFF00] =	vst v28  }
0x3eb: {  	s21 =	ssub.f32 s6, s13;
	(v2sf) =	vpush v27, $0xF;
	v42 =	vld [tilespmem:s1+$0xFFFFFF00];
	v48 =	vmul.f32 v48, v8;
	v8 =	vsub.f32 v40, v41  }
0x3ec: {  	v1 =	vadd.f32 v26, v6;
	v6 =	vsub.f32 v61, v60;
	v26 =	vmul.f32 s8, v13;
	v27 =	vld [tilespmem:s2+$0xFFFFFF90]  }
0x3ed: {  	s20 =	sshra.s32 s3, $0x1;
	s14 =	smul.f32 $5.000000000e-01, s3;
	s3 =	sadd.f32 $9.999999740e-06, s21;
	v25 =	vadd.f32 v29, v25;
	v29 =	vld [tilespmem:s1+$0xFFFFFF10]  }
0x3ee: {  	v3 =	vadd.f32 v59, v62;
	v28 =	vadd.f32 v1, v58;
	v6 =	vmul.f32 v26, v6;
	v26 =	vld [tilespmem:s2+$0xFFFFFFA0]  }
0x3ef: {  	v57 =	vmul.f32 v62, v62;
	v18 =	vld [tilespmem:$0x1FFD0];
	v7 =	vmov s18;
	s4 =	ssub.s32 $0x5F3759DF, s20;
	v31 =	vmul.f32 v59, v59;
	s16 =	sshra.s32 s3, $0x1;
	s17 =	smul.f32 $5.000000000e-01, s3;
	[tilespmem:$0x1FB70] =	vst v8;
	v8 =	vmovc v1  }
0x3f0: {  	v34 =	vsub.f32 v22, v7;
	s23 =	smul.f32 s4, s14;
	s16 =	ssub.s32 $0x5F3759DF, s16;
	v3 =	vadd.f32 v28, v3;
	[tilespmem:$0x1FBB0] =	vst v8;
	v36 =	vmul.f32 v1, v8;
	v8 =	vld [tilespmem:$0x1FC40]  }
0x3f1: {  	v5 =	vadd.f32 v31, v57;
	s20 =	smul.f32 s16, s17;
	v4 =	vld [tilespmem:s1+$0xFFFFFF30];
	s13 =	spop (v2sf);
	v63 =	vmul.f32 v58, v58;
	v6 =	vadd.f32 v6, v11  }
0x3f2: {  	v44 =	vmul.f32 v44, v32;
	s6 =	smul.f32 $1.562500000e-02, s13;
	v28 =	vld [tilespmem:s1+$0xFFFFFF20];
	v32 =	vadd.f32 v0, v2;
	(xrf2) =	vadd.scan.msk.f32 $0xffff, v3;
	v3 =	vadd.f32 v27, v42  }
0x3f3: {  	s10 =	smov.u32 s9;
	s15 =	smul.f32 s4, s23;
	s9 =	sadd.s32 $0x140, s9;
	v57 =	vmul.f32 v25, v25;
	v38 =	vmovc v25;
	v25 =	vadd.f32 v26, v29;
	v29 =	vld [tilespmem:s1+$0xFFFFFF40];
	v31 =	vadd.f32 v36, v63  }
0x3f4: {  	s19 =	spop (v2sf);
	s18 =	smul.f32 s6, s6;
	v27 =	vmov s6;
	[tilespmem:s9+$0x0] =	vst v6;
	v6 =	vmul.f32 v32, v32;
	v9 =	vmovc v32;
	v61 =	vadd.f32 v3, v32;
	v32 =	vld [tilespmem:s2+$0xFFFFFFE0]  }
0x3f5: {  	s6 =	smul.f32 $1.562500000e-02, s19;
	v5 =	vadd.f32 v31, v5;
	v42 =	vsub.f32 v8, v27;
	v8 =	vld [tilespmem:$0x1FC50]  }
0x3f6: {  	s23 =	smul.f32 s16, s20;
	v41 =	vsub.f32 v43, v27;
	v39 =	vsub.f32 v10, v27;
	[tilespmem:$0x1FC40] =	vst v9;
	v9 =	vld [tilespmem:s2+$0x10]  }
0x3f7: {  	v26 =	vsub.f32 v19, v7;
	s13 =	smul.f32 s6, s6;
	v43 =	vmov s6;
	s21 =	spop (v2sf);
	v31 =	vmul.f32 v3, v3;
	(xrf2) =	vadd.scan.msk.f32 $0xffff, v5;
	v5 =	vld [tilespmem:s2+$0xFFFFFFD0]  }
0x3f8: {  	s6 =	smul.f32 $1.562500000e-02, s21;
	v36 =	vadd.f32 v35, v4;
	v35 =	vsub.f32 v30, v43;
	v30 =	vld [tilespmem:s1+$0xFFFFFF90]  }
0x3f9: {  	s21 =	ssub.f32 $1.500000000e+00, s23;
	v63 =	vadd.f32 v31, v6;
	v31 =	vadd.f32 v33, v28;
	v6 =	vld [tilespmem:s1+$0xFFFFFF50]  }
0x3fa: {  	v2 =	vmul.f32 s8, v18;
	s20 =	spop (v2sf);
	s3 =	ssub.f32 s6, s18;
	v28 =	vsub.f32 v21, v7;
	v21 =	vld [tilespmem:s2+$0x0];
	v27 =	vsub.f32 v8, v27;
	v8 =	vmovc v3  }
0x3fb: {  	s19 =	smul.f32 $1.562500000e-02, s20;
	s18 =	ssub.f32 $1.500000000e+00, s15;
	v19 =	vmul.f32 v31, v31;
	v3 =	vmul.f32 v25, v25;
	[tilespmem:$0x1FC50] =	vst v8;
	v8 =	vsub.f32 v20, v7;
	v20 =	vld [tilespmem:s1+$0xFFFFFF60]  }
0x3fc: {  	v0 =	vmul.f32 s8, v16;
	s16 =	smul.f32 s16, s21;
	s3 =	sadd.f32 $9.999999740e-06, s3;
	v33 =	vsub.f32 v23, v43;
	v40 =	vadd.f32 v5, v29;
	v7 =	vld [tilespmem:s1+$0xFFFFFF70]  }
0x3fd: {  	v1 =	vmul.f32 s8, v17;
	s8 =	ssub.f32 s19, s13;
	s15 =	smul.f32 s4, s18;
	v4 =	vadd.f32 v31, v25;
	v3 =	vadd.f32 v19, v3;
	[tilespmem:$0x1FBD0] =	vst v8;
	v8 =	vld [tilespmem:s2+$0xFFFFFFF0]  }
0x3fe: {  	s23 =	sshra.s32 s3, $0x1;
	s18 =	smul.f32 $5.000000000e-01, s3;
	v5 =	vmul.f32 v36, v36;
	v19 =	vadd.f32 v32, v6;
	v6 =	vld [tilespmem:s1+$0xFFFFFF80];
	v23 =	vadd.f32 v40, v36  }
0x3ff: {  	v22, _, _ =	vpop (xrf2);
	s3 =	sadd.f32 $9.999999740e-06, s8;
	s8 =	smul.f32 s15, s14;
	s6 =	ssub.s32 $0x5F3759DF, s23;
	v29 =	vsub.f32 v24, v43;
	v32 =	vsub.f32 v37, v43;
	v43 =	vld [tilespmem:s1+$0xFFFFFFA0];
	v24 =	vmul.f32 v40, v40  }
0x400: {  	(v2sf) =	vpush v22, $0xF;
	s13 =	smul.f32 s6, s18;
	v4 =	vadd.f32 v23, v4;
	v23 =	vld [tilespmem:s2+$0x20]  }
0x401: {  	s19 =	sshra.s32 s3, $0x1;
	s14 =	smul.f32 $5.000000000e-01, s3;
	v5 =	vadd.f32 v24, v5;
	v24 =	vld [tilespmem:s2+$0x30];
	v22, _, _ =	vpop (xrf2)  }
0x402: {  	s20 =	smul.f32 s6, s13;
	s13 =	ssub.s32 $0x5F3759DF, s19;
	(v2sf) =	vpush v22, $0xF;
	(xrf2) =	vadd.scan.msk.f32 $0xffff, v4;
	v4 =	vld [tilespmem:$0x1FB80];
	v20 =	vadd.f32 v8, v20  }
0x403: {  	s21 =	smul.f32 s13, s14;
	v22 =	vadd.f32 v9, v6;
	v9 =	vld [tilespmem:s1+$0xFFFFFFB0];
	v3 =	vadd.f32 v5, v3  }
0x404: {  	s19 =	smul.f32 s16, s17;
	s3 =	ssub.f32 $1.500000000e+00, s20;
	v5 =	vld [tilespmem:s2+$0x40];
	v8 =	vmul.f32 v19, v19;
	v37 =	vmul.f32 v20, v20  }
0x405: {  	s23 =	smul.f32 s13, s21;
	(xrf2) =	vadd.scan.msk.f32 $0xffff, v3;
	v3 =	vld [tilespmem:$0x1FBA0]  }
0x406: {  	v62 =	vmov v62;
	s4 =	smul.f32 s6, s3;
	v21 =	vadd.f32 v21, v7;
	v6 =	vadd.f32 v37, v8;
	v37 =	vld [tilespmem:$0x1FB90]  }
0x407: {  	v10 =	vmov v59;
	s20 =	smul.f32 s8, s15;
	s21 =	ssub.f32 $1.500000000e+00, s23;
	[tilespmem:$0x1FB80] =	vst v62;
	v59 =	vmul.f32 v22, v22;
	v7 =	vadd.f32 v20, v19  }
0x408: {  	s23 =	smul.f32 s4, s18;
	v23 =	vadd.f32 v23, v30;
	v30 =	vmovc v58;
	v4 =	vsub.f32 v4, v60;
	v8 =	vmul.f32 v21, v21  }
0x409: {  	v62 =	vld [tilespmem:s1+$0xFFFFFFC0];
	s17 =	smul.f32 s13, s21;
	v24 =	vadd.f32 v24, v43;
	[tilespmem:$0x1FBA0] =	vst v30;
	v30 =	vadd.f32 v5, v9  }
0x40a: {  	s13 =	smul.f32 s23, s4;
	[tilespmem:$0x1FB90] =	vst v10;
	v10 =	vld [tilespmem:s2+$0x50];
	v1 =	vmul.f32 v1, v4;
	v3 =	vsub.f32 v3, v60;
	v8 =	vadd.f32 v59, v8  }
0x40b: {  	s19 =	smul.f32 s19, s16;
	s3 =	ssub.f32 $1.500000000e+00, s20;
	v43 =	vmul.f32 v23, v23;
	v4 =	vsub.f32 v37, v60;
	v37 =	vadd.f32 v22, v21  }
0x40c: {  	s18 =	smul.f32 s17, s14;
	s6 =	ssub.f32 $1.500000000e+00, s13;
	v58 =	vmul.f32 v24, v24;
	v59 =	vadd.f32 v8, v6;
	v1 =	vadd.f32 v1, v15;
	v60 =	vld [tilespmem:s1+$0xFFFFFED0]  }
0x40d: {  	s3 =	smul.f32 s3, s15;
	s13 =	ssub.f32 $1.500000000e+00, s19;
	v2 =	vmul.f32 v2, v4;
	v4 =	vadd.f32 v55, v15;
	v7 =	vadd.f32 v37, v7  }
0x40e: {  	s8 =	smul.f32 s18, s17;
	v55 =	vmul.f32 v0, v3;
	v0 =	vadd.f32 v54, v14;
	v3 =	vadd.f32 v24, v23  }
0x40f: {  	s20 =	spop (v2sf);
	s13 =	smul.f32 s13, s16;
	v37 =	vadd.f32 v10, v62;
	v10 =	vmovc v38;
	v38 =	vmov v41;
	v41 =	vadd.f32 v49, v12;
	[tilespmem:s10+$0xFFFFFF10] =	vst v4  }
0x410: {  	s14 =	smul.f32 $1.562500000e-02, s20;
	v62 =	vmul.f32 v30, v30;
	[tilespmem:s10+$0xFFFFFF20] =	vst v0;
	v0 =	vadd.f32 v53, v12;
	v4 =	vadd.f32 v58, v43  }
0x411: {  	s4 =	smul.f32 s6, s4;
	v49 =	vmul.f32 s13, v16;
	(xrf2) =	vadd.scan.msk.f32 $0xffff, v7;
	v53, _, _ =	vpop (xrf2);
	v54 =	vadd.f32 v37, v30;
	v43 =	vadd.f32 v56, v60  }
0x412: {  	s23 =	smul.f32 s14, s14;
	v56 =	vmul.f32 v37, v37;
	(v2sf) =	vpush v53, $0xF;
	s21 =	spop (v2sf);
	v8, _, _ =	vpop (xrf2);
	[tilespmem:s10+$0xFFFFFF30] =	vst v0;
	v0 =	vadd.f32 v52, v11  }
0x413: {  	(xrf2) =	vadd.scan.msk.f32 $0xffff, v59;
	v53 =	vmul.f32 s3, v16;
	v3 =	vadd.f32 v54, v3;
	s18 =	smul.f32 $1.562500000e-02, s21;
	(v2sf) =	vpush v8, $0xF  }
0x414: {  	s8 =	ssub.f32 $1.500000000e+00, s8;
	v8 =	vadd.f32 v50, v11;
	v54 =	vmul.f32 s4, v18;
	v52 =	vmul.f32 s3, v18  }
0x415: {  	v50 =	vmul.f32 s13, v17;
	v58 =	vadd.f32 v10, v43;
	v9 =	vmul.f32 v43, v43;
	s20 =	ssub.f32 s18, s23  }
0x416: {  	v59 =	vadd.f32 v56, v62;
	v56 =	vmul.f32 s4, v16;
	[tilespmem:s10+$0xFFFFFF40] =	vst v0;
	v0 =	vadd.f32 v51, v15  }
0x417: {  	s8 =	smul.f32 s8, s17;
	[tilespmem:s10+$0xFFFFFF70] =	vst v41;
	v51 =	vmul.f32 s4, v13;
	v60 =	vadd.f32 v61, v58;
	v61 =	vadd.f32 v57, v9;
	s6 =	sadd.f32 $9.999999740e-06, s20  }
0x418: {  	s22 =	sadd.s32 $0x5, s22;
	[tilespmem:s10+$0xFFFFFF80] =	vst v8;
	v4 =	vadd.f32 v59, v4;
	v59 =	vmul.f32 s4, v17;
	v58 =	vmul.f32 s3, v17  }
0x419: {  	p2 =	slt.u32 s22, $0x5F;
	v57 =	vadd.f32 v46, v14;
	v46 =	vmul.f32 s8, v17;
	[tilespmem:s10+$0xFFFFFF50] =	vst v0;
	v0 =	vadd.f32 v48, v14;
	s15 =	smul.f32 $5.000000000e-01, s6  }
.Ltmp2:
0x41a: {  	v48 =	vmul.f32 s13, v18;
	v62 =	vadd.f32 v63, v61;
	(xrf2) =	vadd.scan.msk.f32 $0xffff, v60;
	v61 =	vadd.f32 v44, v11;
	s21 =	sshra.s32 s6, $0x1;
	(pc) =	sbr.rel @p2 .LBB2_7-.Ltmp2, $4  }
0x41b: {  	[tilespmem:s10+$0xFFFFFFA0] =	vst v57;
	v57 =	vmul.f32 s8, v16;
	v44 =	vmul.f32 s8, v13;
	v60 =	vadd.f32 v2, v14;
	s4 =	ssub.s32 $0x5F3759DF, s21  }
0x41c: {  	[tilespmem:s10+$0xFFFFFF60] =	vst v0;
	v63, _, _ =	vpop (xrf2);
	(xrf2) =	vadd.scan.msk.f32 $0xffff, v3;
	v3 =	vadd.f32 v47, v15;
	s23 =	smul.f32 s4, s15;
	v47 =	vmul.f32 s13, v13  }
0x41d: {  	(v2sf) =	vpush v63, $0xF;
	v0, _, _ =	vpop (xrf2);
	(xrf2) =	vadd.scan.msk.f32 $0xffff, v62;
	v62 =	vadd.f32 v45, v12;
	v45 =	vmul.f32 s8, v18  }
0x41e: {  	s1 =	sadd.s32 $0x140, s1;
	(v2sf) =	vpush v0, $0xF;
	v0 =	vmul.f32 s3, v13;
	[tilespmem:s10+$0xFFFFFF90] =	vst v3;
	s16 =	smul.f32 s4, s23;
	(xrf2) =	vadd.scan.msk.f32 $0xffff, v4  }
0x41f: {  	_ =	sdelay $0x9  }
0x420: {  	v2, _, _ =	vpop (xrf2)  }
0x421: {  	s1 =	spop (v2sf);
	(v2sf) =	vpush v2, $0xF;
	v2, _, _ =	vpop (xrf2)  }
0x422: {  	s20 =	spop (v2sf);
	(v2sf) =	vpush v2, $0xF;
	v2, _, _ =	vpop (xrf2)  }
0x423: {  	(v2sf) =	vpush v2, $0xF;
	v2, _, _ =	vpop (xrf2);
	s8 =	spop (v2sf)  }
0x424: {  	s13 =	spop (v2sf);
	(v2sf) =	vpush v2, $0xF;
	v2 =	vmul.f32 v59, v38;
	v59 =	vld [tilespmem:$0x1FEC0];
	_ =	sdelay $0x2  }
0x425: {  	s2 =	ssub.f32 $1.500000000e+00, s16;
	_ =	sdelay $0x1  }
0x426: {  	s2 =	smul.f32 s4, s2;
	v7 =	vadd.f32 v2, v59;
	v2 =	vld [tilespmem:$0x1FB40];
	_ =	sdelay $0x1  }
0x427: {  	s6 =	smul.f32 s2, s15;
	_ =	sdelay $0x1  }
0x428: {  	v63 =	vld [tilespmem:$0x1FF10];
	s6 =	smul.f32 s6, s2;
	[tilespmem:s10+$0xFFFFFFB0] =	vst v62  }
0x429: {  	s3 =	smul.f32 $1.562500000e-02, s1;
	v8 =	vmul.f32 v58, v2;
	v2 =	vld [tilespmem:$0x1FB50]  }
0x42a: {  	s4 =	smul.f32 $1.562500000e-02, s20;
	s6 =	ssub.f32 $1.500000000e+00, s6  }
0x42b: {  	s1 =	smul.f32 s3, s3  }
0x42c: {  	s2 =	smul.f32 s6, s2  }
0x42d: {  	s4 =	ssub.f32 s4, s1;
	s1 =	smul.f32 $1.562500000e-02, s8;
	[tilespmem:s10+$0xFFFFFFC0] =	vst v61  }
0x42e: {  	s21 =	smul.f32 $1.562500000e-02, s13;
	v9 =	vmul.f32 v52, v2;
	v2 =	vld [tilespmem:$0x1FB60]  }
0x42f: {  	s8 =	smul.f32 s1, s1;
	s22 =	spop (v2sf)  }
0x430: {  	s13 =	smul.f32 $1.562500000e-02, s22  }
0x431: {  	s6 =	ssub.f32 s21, s8;
	s8 =	spop (v2sf)  }
0x432: {  	v4 =	vadd.f32 v55, v63;
	s23 =	smul.f32 s13, s13;
	s21 =	spop (v2sf);
	v55 =	vld [tilespmem:$0x1FFF0]  }
0x433: {  	s4 =	sadd.f32 $9.999999740e-06, s4;
	s17 =	smul.f32 $1.562500000e-02, s21;
	v12 =	vmul.f32 v53, v2;
	v2 =	vld [tilespmem:$0x1FBB0];
	[tilespmem:s9+$0xFFFFFFD0] =	vst v1  }
0x434: {  	s6 =	sadd.f32 $9.999999740e-06, s6;
	v1 =	vld [tilespmem:$0x1FB70];
	[tilespmem:s9+$0xFFFFFFE0] =	vst v60  }
0x435: {  	s16 =	smul.f32 $5.000000000e-01, s4;
	s4 =	sshra.s32 s4, $0x1;
	s22 =	ssub.f32 s17, s23;
	[tilespmem:s9+$0xFFFFFED0] =	vst v7  }
0x436: {  	v3 =	vmul.f32 v54, v39;
	s18 =	ssub.s32 $0x5F3759DF, s4;
	v54 =	vld [tilespmem:$0x1FEE0]  }
0x437: {  	s20 =	sshra.s32 s6, $0x1;
	s15 =	smul.f32 $5.000000000e-01, s6;
	s6 =	sadd.f32 $9.999999740e-06, s22  }
0x438: {  	v5 =	vmul.f32 v56, v42;
	s19 =	smul.f32 s18, s16  }
0x439: {  	v16 =	vmov s14;
	s14 =	sshra.s32 s6, $0x1;
	s6 =	smul.f32 $5.000000000e-01, s6;
	[tilespmem:s9+$0xFFFFFFF0] =	vst v4  }
0x43a: {  	v13 =	vmovc v10;
	v10 =	vmov s3;
	v5 =	vadd.f32 v5, v63;
	s19 =	smul.f32 s18, s19;
	s3 =	ssub.s32 $0x5F3759DF, s14;
	v7 =	vmul.f32 v50, v26;
	v11 =	vld [tilespmem:$0x1FBD0]  }
0x43b: {  	s21 =	smul.f32 s3, s6;
	v14 =	vmul.f32 v0, v1;
	v1 =	vsub.f32 v36, v10;
	v36 =	vld [tilespmem:$0x1FFB0];
	v3 =	vadd.f32 v3, v54  }
0x43c: {  	v25 =	vsub.f32 v25, v10;
	v8 =	vadd.f32 v8, v59;
	s17 =	smul.f32 $1.562500000e-02, s8;
	[tilespmem:s9+$0xFFFFFEF0] =	vst v5  }
0x43d: {  	s4 =	ssub.s32 $0x5F3759DF, s20;
	v18 =	vmul.f32 s2, v55;
	s14 =	smul.f32 s3, s21;
	v7 =	vadd.f32 v7, v59;
	v17 =	vsub.f32 v2, v16;
	[tilespmem:s9+$0xFFFFFEE0] =	vst v3  }
0x43e: {  	v6 =	vmul.f32 v51, v27;
	s23 =	smul.f32 s4, s15;
	v2 =	vsub.f32 v31, v10;
	v9 =	vadd.f32 v9, v54;
	v5 =	vld [tilespmem:$0x1FC40]  }
0x43f: {  	s20 =	smul.f32 s17, s17;
	s14 =	ssub.f32 $1.500000000e+00, s14;
	v0 =	vsub.f32 v40, v10;
	v10 =	vmul.f32 v18, v17;
	v17 =	vmul.f32 v48, v11;
	v11 =	vld [tilespmem:$0x1FC50];
	[tilespmem:s9+$0xFFFFFF10] =	vst v8  }
0x440: {  	s8 =	smul.f32 s4, s23;
	v8 =	vadd.f32 v12, v63;
	[tilespmem:s9+$0xFFFFFF20] =	vst v9;
	v42 =	vadd.f32 v6, v36  }
0x441: {  	s22 =	spop (v2sf);
	s3 =	smul.f32 s3, s14;
	[tilespmem:s9+$0xFFFFFF50] =	vst v7;
	v6 =	vadd.f32 v10, v36;
	v10 =	vmov s13;
	v9 =	vadd.f32 v14, v36  }
0x442: {  	s10 =	ssub.f32 $1.500000000e+00, s19;
	s23 =	smul.f32 $1.562500000e-02, s22;
	v3 =	vsub.f32 v43, v10;
	[tilespmem:s9+$0xFFFFFF30] =	vst v8  }
0x443: {  	v18 =	vmov s1;
	s6 =	smul.f32 s3, s6;
	v15 =	vsub.f32 v13, v10;
	[tilespmem:s9+$0xFFFFFF40] =	vst v9;
	v9 =	vadd.f32 v17, v54  }
0x444: {  	s10 =	smul.f32 s18, s10;
	s1 =	sadd.s32 $0x140, s9;
	s13 =	ssub.f32 s23, s20;
	[tilespmem:s9+$0xFFFFFF00] =	vst v42;
	v5 =	vsub.f32 v5, v10;
	v10 =	vsub.f32 v11, v10;
	v11 =	vmul.f32 v49, v28  }
0x445: {  	s8 =	ssub.f32 $1.500000000e+00, s8;
	s6 =	smul.f32 s6, s3;
	v12 =	vmov s17;
	v43 =	vsub.f32 v19, v18;
	[tilespmem:s1+$0x0] =	vst v6  }
0x446: {  	s16 =	smul.f32 s10, s16;
	v13 =	vmul.f32 v47, v34;
	v6 =	vsub.f32 v20, v18;
	s18 =	sadd.f32 $9.999999740e-06, s13;
	v50 =	vld [tilespmem:$0x1FFC0];
	[tilespmem:s9+$0xFFFFFF60] =	vst v9;
	v7 =	vadd.f32 v11, v63  }
0x447: {  	s4 =	smul.f32 s4, s8;
	s6 =	ssub.f32 $1.500000000e+00, s6;
	v19 =	vmul.f32 v46, v33;
	v20 =	vsub.f32 v21, v18;
	v18 =	vsub.f32 v22, v18;
	v38 =	vld [tilespmem:$0x1FFD0]  }
0x448: {  	v22 =	vsub.f32 v24, v12;
	v13 =	vadd.f32 v13, v36;
	s13 =	sshra.s32 s18, $0x1;
	s8 =	smul.f32 $5.000000000e-01, s18;
	v24 =	vld [tilespmem:$0x1FB80];
	[tilespmem:s9+$0xFFFFFF70] =	vst v7  }
0x449: {  	v14 =	vmul.f32 v45, v29;
	v21 =	vsub.f32 v23, v12;
	s3 =	smul.f32 s6, s3;
	v19 =	vadd.f32 v19, v59;
	s13 =	ssub.s32 $0x5F3759DF, s13;
	v26 =	vld [tilespmem:$0x1FB90]  }
0x44a: {  	v8 =	vmul.f32 v57, v35;
	v23 =	vsub.f32 v30, v12;
	v12 =	vsub.f32 v37, v12;
	s19 =	smul.f32 s13, s8;
	v37 =	vld [tilespmem:$0x1FFE0];
	[tilespmem:s9+$0xFFFFFF80] =	vst v13  }
0x44b: {  	s22 =	smul.f32 s4, s15;
	v17 =	vmul.f32 v44, v32;
	[tilespmem:s9+$0xFFFFFF90] =	vst v19  }
0x44c: {  	v14 =	vadd.f32 v14, v54;
	v8 =	vadd.f32 v8, v63;
	s14 =	smul.f32 s13, s19;
	v13 =	vmul.f32 s3, v50;
	v19 =	vld [tilespmem:$0x1FBA0]  }
0x44d: {  	s20 =	smul.f32 s16, s10;
	v11 =	vmul.f32 s2, v50;
	v9 =	vmul.f32 s2, v38;
	v24 =	vsub.f32 v24, v16  }
0x44e: {  	s21 =	ssub.f32 $1.500000000e+00, s14;
	[tilespmem:s9+$0xFFFFFFA0] =	vst v14;
	v14 =	vmul.f32 s3, v38;
	v3 =	vmul.f32 v13, v3;
	v26 =	vsub.f32 v26, v16  }
0x44f: {  	s23 =	smul.f32 s22, s4;
	v17 =	vadd.f32 v17, v36;
	v11 =	vmul.f32 v11, v24;
	v7 =	vmul.f32 s2, v37;
	s2 =	ssub.f32 $1.500000000e+00, s20  }
0x450: {  	[tilespmem:s9+$0xFFFFFFB0] =	vst v8;
	s6 =	smul.f32 s13, s21;
	v3 =	vadd.f32 v3, v59;
	v8 =	vmul.f32 s3, v37;
	v9 =	vmul.f32 v9, v26  }
0x451: {  	[tilespmem:s9+$0xFFFFFFC0] =	vst v17;
	v14 =	vmul.f32 v14, v15;
	v11 =	vadd.f32 v11, v59;
	v16 =	vsub.f32 v19, v16;
	s2 =	smul.f32 s2, s10  }
0x452: {  	v13 =	vmul.f32 s3, v55;
	[tilespmem:s1+$0xFFFFFED0] =	vst v3;
	s10 =	ssub.f32 $1.500000000e+00, s23;
	v5 =	vmul.f32 v8, v5;
	v9 =	vadd.f32 v9, v54  }
0x453: {  	s8 =	smul.f32 s6, s8;
	v3 =	vadd.f32 v14, v54;
	[tilespmem:s1+$0xFFFFFFD0] =	vst v11;
	v7 =	vmul.f32 v7, v16;
	v11 =	vmul.f32 s2, v50  }
0x454: {  	v8 =	vmul.f32 s2, v38;
	s3 =	smul.f32 s10, s4;
	v5 =	vadd.f32 v5, v63;
	[tilespmem:s1+$0xFFFFFFE0] =	vst v9;
	v9 =	vmul.f32 v13, v10  }
0x455: {  	s8 =	smul.f32 s8, s6;
	[tilespmem:s1+$0xFFFFFEE0] =	vst v3;
	v7 =	vadd.f32 v7, v63;
	v10 =	vmul.f32 s2, v37;
	v11 =	vmul.f32 v11, v25  }
0x456: {  	v2 =	vmul.f32 v8, v2;
	[tilespmem:s1+$0xFFFFFEF0] =	vst v5;
	v52 =	vmul.f32 s3, v55;
	v8 =	vadd.f32 v9, v36  }
0x457: {  	s13 =	ssub.f32 $1.500000000e+00, s8;
	[tilespmem:s1+$0xFFFFFFF0] =	vst v7;
	v7 =	vmul.f32 s2, v55;
	v1 =	vmul.f32 v10, v1;
	v51 =	vadd.f32 v11, v59  }
0x458: {  	v3 =	vmul.f32 s3, v50;
	v2 =	vadd.f32 v2, v54;
	v4 =	vmul.f32 v52, v18;
	[tilespmem:s1+$0xFFFFFF00] =	vst v8  }
0x459: {  	s2 =	smul.f32 s13, s6;
	v9 =	vmul.f32 s3, v38;
	v0 =	vmul.f32 v7, v0;
	[tilespmem:s1+$0xFFFFFF10] =	vst v51;
	v1 =	vadd.f32 v1, v63  }
0x45a: {  	v3 =	vmul.f32 v3, v43;
	v7 =	vmul.f32 s3, v37;
	[tilespmem:s1+$0xFFFFFF20] =	vst v2;
	v4 =	vadd.f32 v4, v36  }
0x45b: {  	v53 =	vmul.f32 v9, v6;
	v2 =	vmul.f32 s2, v50;
	v0 =	vadd.f32 v0, v36;
	[tilespmem:s1+$0xFFFFFF30] =	vst v1  }
0x45c: {  	v6 =	vmul.f32 v7, v20;
	v1 =	vadd.f32 v3, v59;
	v3 =	vmul.f32 s2, v38;
	[tilespmem:s1+$0xFFFFFF80] =	vst v4  }
0x45d: {  	v56 =	vmul.f32 s2, v37;
	v2 =	vmul.f32 v2, v21;
	[tilespmem:s1+$0xFFFFFF40] =	vst v0;
	v0 =	vadd.f32 v53, v54  }
0x45e: {  	[tilespmem:s1+$0xFFFFFF50] =	vst v1;
	v1 =	vadd.f32 v6, v63;
	v6 =	vmul.f32 s2, v55;
	v3 =	vmul.f32 v3, v22  }
0x45f: {  	v2 =	vadd.f32 v2, v59;
	[tilespmem:s1+$0xFFFFFF60] =	vst v0;
	v0 =	vmul.f32 v56, v23  }
0x460: {  	[tilespmem:s1+$0xFFFFFF70] =	vst v1;
	v1 =	vmul.f32 v6, v12;
	v3 =	vadd.f32 v3, v54  }
0x461: {  	[tilespmem:s1+$0xFFFFFF90] =	vst v2;
	v0 =	vadd.f32 v0, v63  }
0x462: {  	v1 =	vadd.f32 v1, v36;
	[tilespmem:s1+$0xFFFFFFA0] =	vst v3  }
0x463: {  	[tilespmem:s1+$0xFFFFFFB0] =	vst v0  }
0x464: {  	s14 =	simm.s32 $0x5;
	[tilespmem:s1+$0xFFFFFFC0] =	vst v1  }
0x465: {  	_ =	swait.ge [sflag:s14], $0x1900  }
0x466: {  	[sflag:s14] =	ssyncset.done $0x0  }
0x467: {  	s10 =	simm.s32 $0x0;
	[sflag:s14] =	ssyncadd.s32 $0xFFFFE700  }
0x468: {  	v0 =	vld [tilespmem:s10+$0x7E80]  }
0x469: {  	v1 =	vld [tilespmem:s10+$0x1A00]  }
0x46a: {  	v2 =	vld [tilespmem:s10+$0x7E90]  }
0x46b: {  	v3 =	vld [tilespmem:s10+$0x1A10]  }
0x46c: {  	v57 =	vld [tilespmem:s10+$0x7EA0]  }
0x46d: {  	v58 =	vld [tilespmem:s10+$0x1A20]  }
0x46e: {  	v6 =	vld [tilespmem:s10+$0x7EB0]  }
0x46f: {  	v7 =	vld [tilespmem:s10+$0x1A30]  }
0x470: {  	v8 =	vld [tilespmem:s10+$0x7D80]  }
0x471: {  	v9 =	vld [tilespmem:s10+$0x1900]  }
0x472: {  	v10 =	vld [tilespmem:s10+$0x7D90]  }
0x473: {  	v11 =	vld [tilespmem:s10+$0x1910]  }
0x474: {  	v12 =	vld [tilespmem:s10+$0x7DA0]  }
0x475: {  	v15 =	vld [tilespmem:s10+$0x1920]  }
0x476: {  	v16 =	vld [tilespmem:s10+$0x7DB0]  }
0x477: {  	v61 =	vmov v59;
	v59 =	vld [tilespmem:s10+$0x1940]  }
0x478: {  	v19 =	vld [tilespmem:s10+$0x1950];
	v28 =	vadd.f32 v1, v0;
	v22 =	vadd.f32 v3, v2  }
0x479: {  	v20 =	vld [tilespmem:s10+$0x7DE0];
	v14 =	vadd.f32 v58, v57;
	v13 =	vadd.f32 v7, v6  }
0x47a: {  	v23 =	vld [tilespmem:s10+$0x7DF0];
	v2 =	vmul.f32 v28, v28;
	v3 =	vmul.f32 v22, v22  }
0x47b: {  	v62 =	vld [tilespmem:s10+$0x7E00];
	v5 =	vmul.f32 v14, v14;
	v6 =	vmul.f32 v13, v13  }
0x47c: {  	v0 =	vld [tilespmem:s10+$0x1930];
	v17 =	vadd.f32 v22, v28;
	v18 =	vadd.f32 v13, v14  }
0x47d: {  	v1 =	vld [tilespmem:s10+$0x7DC0];
	v2 =	vadd.f32 v3, v2;
	v3 =	vadd.f32 v6, v5  }
0x47e: {  	v7 =	vld [tilespmem:s10+$0x7DD0];
	v60 =	vadd.f32 v18, v17  }
0x47f: {  	v24 =	vadd.f32 v9, v8;
	v8 =	vld [tilespmem:s10+$0x1980];
	v2 =	vadd.f32 v3, v2  }
0x480: {  	v21 =	vadd.f32 v11, v10;
	v6 =	vld [tilespmem:s10+$0x1960];
	(xrf2) =	vadd.scan.msk.f32 $0xffff, v60  }
0x481: {  	v3 =	vld [tilespmem:s10+$0x1970];
	(xrf2) =	vadd.scan.msk.f32 $0xffff, v2  }
0x482: {  	v32 =	vld [tilespmem:s10+$0x1990];
	v10 =	vadd.f32 v21, v24  }
0x483: {  	v27 =	vld [tilespmem:s10+$0x19B0];
	v18 =	vadd.f32 v15, v12;
	v17 =	vadd.f32 v0, v16  }
0x484: {  	v9 =	vld [tilespmem:s10+$0x7E10];
	v16 =	vadd.f32 v59, v1;
	v0 =	vadd.f32 v8, v62  }
0x485: {  	v12 =	vmul.f32 v21, v21;
	v11 =	vadd.f32 v17, v18;
	v1 =	vadd.f32 v6, v20;
	v6 =	vld [tilespmem:s10+$0x7E20]  }
0x486: {  	v2 =	vadd.f32 v19, v7;
	v7 =	vmul.f32 v24, v24;
	v15 =	vadd.f32 v3, v23;
	v3 =	vld [tilespmem:s10+$0x19A0]  }
0x487: {  	v19 =	vmul.f32 v18, v18;
	v20 =	vmul.f32 v17, v17;
	v33 =	vadd.f32 v11, v10;
	v23 =	vld [tilespmem:s10+$0x7E30]  }
0x488: {  	v25 =	vadd.f32 v2, v16;
	v26 =	vadd.f32 v15, v1  }
0x489: {  	v7 =	vadd.f32 v12, v7;
	v10 =	vadd.f32 v20, v19  }
0x48a: {  	v20 =	vadd.f32 v32, v9;
	v9 =	vadd.f32 v26, v25;
	v8, _, _ =	vpop (xrf2)  }
0x48b: {  	v34 =	vld [tilespmem:s10+$0x7E40];
	v19 =	vadd.f32 v3, v6;
	(v2sf) =	vpush v8, $0xF;
	v8, _, _ =	vpop (xrf2)  }
0x48c: {  	v29 =	vld [tilespmem:s10+$0x7E70];
	(v2sf) =	vpush v8, $0xF;
	v8 =	vadd.f32 v27, v23  }
0x48d: {  	v11 =	vld [tilespmem:s10+$0x19C0];
	(xrf2) =	vadd.scan.msk.f32 $0xffff, v33;
	v7 =	vadd.f32 v10, v7  }
0x48e: {  	v35 =	vadd.f32 v20, v0;
	v25 =	vld [tilespmem:s10+$0x19E0];
	(xrf2) =	vadd.scan.msk.f32 $0xffff, v9;
	v9 =	vadd.f32 v8, v19  }
0x48f: {  	v12 =	vmul.f32 v2, v2;
	v10 =	vmul.f32 v16, v16;
	(xrf2) =	vadd.scan.msk.f32 $0xffff, v7;
	v7 =	vld [tilespmem:s10+$0x19F0]  }
0x490: {  	v26 =	vmul.f32 v1, v1;
	v23 =	vld [tilespmem:s10+$0x7E60];
	v27 =	vmul.f32 v15, v15;
	v5 =	vadd.f32 v9, v35  }
0x491: {  	v3 =	vld [tilespmem:s10+$0x7E50]  }
0x492: {  	v6 =	vld [tilespmem:s10+$0x19D0];
	v9 =	vadd.f32 v12, v10;
	v10 =	vadd.f32 v27, v26;
	(xrf2) =	vadd.scan.msk.f32 $0xffff, v5;
	_ =	sdelay $0x1  }
0x493: {  	v39 =	vadd.f32 v10, v9  }
0x494: {  	v10 =	vadd.f32 v25, v23;
	v9 =	vadd.f32 v7, v29  }
0x495: {  	v12 =	vadd.f32 v11, v34  }
0x496: {  	v11 =	vadd.f32 v6, v3;
	v3, _, _ =	vpop (xrf2);
	v6 =	vadd.f32 v9, v10  }
0x497: {  	(v2sf) =	vpush v3, $0xF  }
0x498: {  	v41 =	vadd.f32 v11, v12;
	v7, _, _ =	vpop (xrf2)  }
0x499: {  	(v2sf) =	vpush v7, $0xF  }
0x49a: {  	v40 =	vmul.f32 v0, v0;
	v3 =	vmul.f32 v20, v20;
	(xrf2) =	vadd.scan.msk.f32 $0xffff, v39;
	v5 =	vadd.f32 v6, v41;
	v6, _, _ =	vpop (xrf2)  }
0x49b: {  	v23 =	vmul.f32 v19, v19;
	v25 =	vmul.f32 v8, v8;
	(v2sf) =	vpush v6, $0xF;
	v43, _, _ =	vpop (xrf2)  }
0x49c: {  	s15 =	spop (v2sf);
	(v2sf) =	vpush v43, $0xF  }
0x49d: {  	v3 =	vadd.f32 v3, v40;
	v7 =	vadd.f32 v25, v23  }
0x49e: {  	v42 =	vmul.f32 v12, v12;
	v23 =	vmul.f32 v11, v11;
	(xrf2) =	vadd.scan.msk.f32 $0xffff, v5;
	s1 =	smul.f32 $1.562500000e-02, s15;
	s16 =	spop (v2sf)  }
0x49f: {  	s9 =	simm.s32 $0x140;
	v25 =	vmul.f32 v9, v9;
	v3 =	vadd.f32 v7, v3;
	v6 =	vmul.f32 v10, v10;
	s2 =	smul.f32 $1.562500000e-02, s16  }
0x4a0: {  	v46 =	vld [tilespmem:s9+$0x7E90];
	s17 =	smul.f32 s1, s1  }
0x4a1: {  	v47 =	vld [tilespmem:s9+$0x1A10];
	v4 =	vadd.f32 v23, v42;
	v44 =	vadd.f32 v25, v6;
	(xrf2) =	vadd.scan.msk.f32 $0xffff, v3  }
0x4a2: {  	v30 =	vld [tilespmem:s9+$0x7EB0];
	s2 =	ssub.f32 s2, s17  }
0x4a3: {  	v31 =	vld [tilespmem:s9+$0x1A30];
	v4 =	vadd.f32 v44, v4  }
0x4a4: {  	v29 =	vld [tilespmem:s9+$0x1A20];
	v45, _, _ =	vpop (xrf2);
	s2 =	sadd.f32 $9.999999740e-06, s2  }
0x4a5: {  	v7 =	vld [tilespmem:s9+$0x7EA0];
	(v2sf) =	vpush v45, $0xF;
	(xrf2) =	vadd.scan.msk.f32 $0xffff, v4  }
0x4a6: {  	v48 =	vld [tilespmem:s9+$0x7D80];
	s20 =	spop (v2sf);
	s18 =	sshra.s32 s2, $0x1;
	s2 =	smul.f32 $5.000000000e-01, s2  }
0x4a7: {  	v49 =	vld [tilespmem:s9+$0x1900];
	s6 =	smul.f32 $1.562500000e-02, s20;
	s3 =	ssub.s32 $0x5F3759DF, s18  }
0x4a8: {  	v51 =	vld [tilespmem:s9+$0x7D90];
	v23, _, _ =	vpop (xrf2);
	s19 =	smul.f32 s3, s2;
	s21 =	spop (v2sf)  }
0x4a9: {  	v52 =	vld [tilespmem:s9+$0x1910];
	(v2sf) =	vpush v23, $0xF;
	s8 =	smul.f32 $1.562500000e-02, s21  }
0x4aa: {  	v6 =	vld [tilespmem:s9+$0x1A00];
	v56 =	vadd.f32 v29, v7;
	v27 =	vmov s6;
	s4 =	smul.f32 s3, s19;
	s22 =	spop (v2sf)  }
0x4ab: {  	v3 =	vld [tilespmem:s9+$0x7E80];
	v58 =	vsub.f32 v24, v27;
	v25 =	vsub.f32 v21, v27;
	v23, _, _ =	vpop (xrf2);
	s14 =	spop (v2sf)  }
0x4ac: {  	v39 =	vld [tilespmem:s9+$0x7DA0];
	v26 =	vsub.f32 v18, v27;
	(v2sf) =	vpush v23, $0xF;
	v18 =	vmov s8;
	s4 =	ssub.f32 $1.500000000e+00, s4;
	s13 =	smul.f32 $1.562500000e-02, s14  }
0x4ad: {  	v41 =	vld [tilespmem:s9+$0x1920];
	v27 =	vsub.f32 v17, v27;
	v24 =	vsub.f32 v16, v18  }
0x4ae: {  	v4 =	vld [tilespmem:s9+$0x1940];
	v21 =	vsub.f32 v2, v18;
	v62 =	vsub.f32 v1, v18;
	s3 =	smul.f32 s3, s4;
	v45 =	vmov s13  }
0x4af: {  	s6 =	smul.f32 s6, s6;
	v2 =	vld [tilespmem:s9+$0x7DB0];
	v23 =	vsub.f32 v15, v18;
	v17, _, _ =	vpop (xrf2);
	v0 =	vsub.f32 v0, v45  }
0x4b0: {  	v1 =	vld [tilespmem:s9+$0x1930];
	v18 =	vadd.f32 v6, v3;
	s2 =	smul.f32 s3, s2;
	(v2sf) =	vpush v17, $0xF  }
0x4b1: {  	v3 =	vld [tilespmem:s9+$0x7DC0];
	v16 =	vadd.f32 v31, v30;
	s23 =	smul.f32 $1.562500000e-02, s22;
	v17 =	vadd.f32 v47, v46;
	[tilespmem:$0x1FA50] =	vst v0  }
0x4b2: {  	v30 =	vmul.f32 v56, v56;
	v6 =	vmul.f32 v18, v18;
	s2 =	smul.f32 s2, s3;
	v0 =	vld [tilespmem:s9+$0x7DD0]  }
0x4b3: {  	v51 =	vadd.f32 v52, v51;
	s17 =	smul.f32 s8, s8;
	v53 =	vmul.f32 v16, v16;
	s4 =	ssub.f32 s23, s6;
	v7 =	vmul.f32 v17, v17;
	v29 =	vld [tilespmem:s9+$0x1950]  }
0x4b4: {  	v57 =	vadd.f32 v16, v56;
	s15 =	spop (v2sf);
	v5 =	vadd.f32 v17, v18;
	s2 =	ssub.f32 $1.500000000e+00, s2;
	v42 =	vld [tilespmem:s9+$0x7DE0]  }
0x4b5: {  	s16 =	smul.f32 $1.562500000e-02, s15;
	v6 =	vadd.f32 v7, v6;
	v7 =	vadd.f32 v53, v30;
	v60 =	vld [tilespmem:s9+$0x1960]  }
0x4b6: {  	v40 =	vadd.f32 v49, v48;
	v31 =	vmov s1;
	s18 =	sadd.f32 $9.999999740e-06, s4;
	v5 =	vadd.f32 v57, v5;
	s14 =	smul.f32 s2, s3;
	v30 =	vld [tilespmem:s9+$0x7DF0]  }
0x4b7: {  	v28 =	vsub.f32 v28, v31;
	s19 =	smul.f32 s13, s13;
	s20 =	ssub.f32 s16, s17;
	v6 =	vadd.f32 v7, v6;
	v7 =	vld [tilespmem:s9+$0x7E00]  }
0x4b8: {  	v14 =	vsub.f32 v14, v31;
	v47 =	vsub.f32 v22, v31;
	s4 =	sshra.s32 s18, $0x1;
	s2 =	smul.f32 $5.000000000e-01, s18;
	s21 =	spop (v2sf);
	(xrf2) =	vadd.scan.msk.f32 $0xffff, v5;
	v5 =	vld [tilespmem:s9+$0x1980];
	v59 =	vmul.f32 s14, v50  }
0x4b9: {  	v31 =	vsub.f32 v13, v31;
	s4 =	ssub.s32 $0x5F3759DF, s4;
	v53 =	vadd.f32 v1, v2;
	s1 =	smul.f32 $1.562500000e-02, s21;
	v1 =	vld [tilespmem:s9+$0x1990];
	v13 =	vmul.f32 s14, v38  }
0x4ba: {  	v52 =	vadd.f32 v41, v39;
	s6 =	sadd.f32 $9.999999740e-06, s20;
	s22 =	smul.f32 s4, s2;
	(xrf2) =	vadd.scan.msk.f32 $0xffff, v6;
	v2 =	vmul.f32 s14, v37;
	v22 =	vmul.f32 v59, v28;
	v28 =	vld [tilespmem:s9+$0x1970]  }
0x4bb: {  	v33 =	vmul.f32 v51, v51;
	v49 =	vadd.f32 v51, v40;
	v41 =	vadd.f32 v4, v3;
	v32 =	vld [tilespmem:s9+$0x19B0];
	s23 =	smul.f32 s1, s1;
	s17 =	spop (v2sf)  }
0x4bc: {  	v6 =	vld [tilespmem:s9+$0x7E10];
	v3 =	vmul.f32 v13, v47;
	v2 =	vmul.f32 v2, v14;
	v13 =	vadd.f32 v53, v52;
	s15 =	smul.f32 $1.562500000e-02, s17  }
0x4bd: {  	s16 =	smul.f32 $5.000000000e-01, s6;
	s6 =	sshra.s32 s6, $0x1;
	v59 =	vmul.f32 v53, v53;
	v15 =	vadd.f32 v29, v0;
	v0 =	vld [tilespmem:s9+$0x7E20];
	v44 =	vadd.f32 v60, v42  }
0x4be: {  	s8 =	smul.f32 s4, s22;
	s17 =	ssub.s32 $0x5F3759DF, s6;
	v29 =	vld [tilespmem:s9+$0x19A0];
	v4 =	vadd.f32 v13, v49;
	v42 =	vadd.f32 v2, v63;
	v2 =	vmul.f32 v52, v52;
	s3 =	ssub.f32 s15, s19  }
0x4bf: {  	v46 =	vld [tilespmem:s9+$0x7E40];
	s20 =	smul.f32 s17, s16;
	v60 =	vmul.f32 s14, v55;
	v13 =	vadd.f32 v5, v7;
	s18 =	spop (v2sf);
	v43 =	vadd.f32 v28, v30  }
0x4c0: {  	v47 =	vld [tilespmem:s9+$0x19C0];
	v14 =	vadd.f32 v15, v41;
	(xrf2) =	vadd.scan.msk.f32 $0xffff, v4;
	v28 =	vadd.f32 v3, v54;
	s3 =	sadd.f32 $9.999999740e-06, s3;
	v3 =	vmul.f32 v40, v40;
	s19 =	smul.f32 $1.562500000e-02, s18  }
0x4c1: {  	v49 =	vld [tilespmem:s9+$0x19D0];
	v2 =	vadd.f32 v59, v2;
	s18 =	smul.f32 s17, s20;
	s20 =	ssub.f32 $1.500000000e+00, s8;
	v57 =	vadd.f32 v43, v44  }
0x4c2: {  	v31 =	vmul.f32 v60, v31;
	v30 =	vld [tilespmem:s9+$0x7E30];
	v7, _, _ =	vpop (xrf2);
	s21 =	sshra.s32 s3, $0x1;
	s3 =	smul.f32 $5.000000000e-01, s3;
	v3 =	vadd.f32 v33, v3;
	v33 =	vadd.f32 v1, v6  }
0x4c3: {  	v4 =	vld [tilespmem:s9+$0x7E50];
	(v2sf) =	vpush v7, $0xF;
	v34 =	vadd.f32 v29, v0;
	s6 =	ssub.f32 s19, s23;
	s13 =	ssub.s32 $0x5F3759DF, s21;
	s4 =	smul.f32 s4, s20  }
0x4c4: {  	v6 =	vld [tilespmem:s9+$0x7E60];
	v7 =	vadd.f32 v31, v36;
	v1, _, _ =	vpop (xrf2);
	v39 =	vadd.f32 v57, v14;
	s22 =	smul.f32 s13, s3  }
0x4c5: {  	v0 =	vld [tilespmem:s9+$0x19E0];
	v57 =	vmul.f32 v41, v41;
	(v2sf) =	vpush v1, $0xF;
	v1 =	vmul.f32 v15, v15;
	s6 =	sadd.f32 $9.999999740e-06, s6;
	s2 =	smul.f32 s4, s2  }
0x4c6: {  	v2 =	vadd.f32 v2, v3;
	v3 =	vld [tilespmem:s9+$0x7E70];
	[tilespmem:$0x1FA80] =	vst v7;
	v7 =	vmul.f32 v44, v44;
	(xrf2) =	vadd.scan.msk.f32 $0xffff, v39;
	s21 =	smul.f32 s13, s22  }
0x4c7: {  	s18 =	ssub.f32 $1.500000000e+00, s18;
	v31 =	vadd.f32 v33, v13;
	v35 =	vadd.f32 v32, v30;
	v30 =	vmul.f32 v43, v43;
	v59 =	vld [tilespmem:s9+$0x19F0];
	s14 =	smul.f32 $5.000000000e-01, s6  }
0x4c8: {  	v14 =	vadd.f32 v47, v46;
	v1 =	vadd.f32 v1, v57;
	s23 =	sshra.s32 s6, $0x1;
	s2 =	smul.f32 s2, s4  }
0x4c9: {  	v32 =	vadd.f32 v35, v34;
	(xrf2) =	vadd.scan.msk.f32 $0xffff, v2;
	v2 =	vadd.f32 v30, v7;
	s15 =	ssub.s32 $0x5F3759DF, s23;
	s22 =	ssub.f32 $1.500000000e+00, s21;
	s23 =	smul.f32 s17, s18  }
0x4ca: {  	v30 =	vadd.f32 v49, v4;
	v29 =	vadd.f32 v0, v6;
	s19 =	smul.f32 s15, s14;
	v0, _, _ =	vpop (xrf2)  }
0x4cb: {  	v7 =	vadd.f32 v32, v31;
	s6 =	smul.f32 s13, s22;
	(v2sf) =	vpush v0, $0xF  }
0x4cc: {  	v1 =	vadd.f32 v2, v1;
	s2 =	ssub.f32 $1.500000000e+00, s2;
	s17 =	smul.f32 s23, s16;
	v6 =	vadd.f32 v59, v3  }
0x4cd: {  	v20 =	vsub.f32 v20, v45;
	v60 =	vmul.f32 v13, v13;
	v2 =	vmul.f32 v34, v34;
	(xrf2) =	vadd.scan.msk.f32 $0xffff, v7;
	s18 =	smul.f32 s15, s19  }
0x4ce: {  	v4 =	vadd.f32 v30, v14;
	v0 =	vmul.f32 v35, v35;
	s19 =	smul.f32 s2, s4;
	(xrf2) =	vadd.scan.msk.f32 $0xffff, v1;
	v1 =	vadd.f32 v6, v29  }
0x4cf: {  	[tilespmem:$0x1FA90] =	vst v13;
	v13 =	vsub.f32 v19, v45;
	v39 =	vmul.f32 v33, v33;
	v59 =	vmul.f32 v29, v29;
	s3 =	smul.f32 s6, s3  }
0x4d0: {  	v7 =	vmul.f32 v14, v14;
	s13 =	smul.f32 s17, s23;
	v0 =	vadd.f32 v0, v2;
	v4 =	vadd.f32 v1, v4;
	v57, _, _ =	vpop (xrf2)  }
0x4d1: {  	[tilespmem:$0x1FAA0] =	vst v14;
	v2 =	vmul.f32 v30, v30;
	v19 =	vmul.f32 v6, v6;
	s3 =	smul.f32 s3, s6;
	(v2sf) =	vpush v57, $0xF  }
0x4d2: {  	[tilespmem:$0x1FAC0] =	vst v30;
	v3 =	vadd.f32 v39, v60;
	v14 =	vsub.f32 v8, v45;
	s13 =	ssub.f32 $1.500000000e+00, s13;
	(xrf2) =	vadd.scan.msk.f32 $0xffff, v4  }
0x4d3: {  	[tilespmem:$0x1FAE0] =	vst v29;
	v2 =	vadd.f32 v2, v7;
	v5 =	vadd.f32 v19, v59;
	v7 =	vmul.f32 s19, v50;
	s20 =	ssub.f32 $1.500000000e+00, s3  }
0x4d4: {  	s2 =	simm.s32 $0x280;
	[tilespmem:$0x1FB00] =	vst v6;
	v45 =	vmul.f32 s19, v37;
	v46 =	vmul.f32 s19, v55;
	v3 =	vadd.f32 v0, v3;
	s22 =	smul.f32 s13, s23;
	s13 =	ssub.f32 $1.500000000e+00, s18  }
0x4d5: {  	v59 =	vld [tilespmem:s2+$0x7E90];
	v4 =	vmov s1;
	v2 =	vadd.f32 v5, v2;
	v7 =	vmul.f32 v7, v58;
	s23 =	smul.f32 s20, s6;
	s6 =	spop (v2sf)  }
0x4d6: {  	v39 =	vmovc v55;
	v5 =	vld [tilespmem:s2+$0x1A00];
	v29 =	vsub.f32 v12, v4;
	v12 =	vmul.f32 s19, v38;
	v19 =	vsub.f32 v11, v4;
	s1 =	smul.f32 $1.562500000e-02, s6;
	s8 =	spop (v2sf)  }
0x4d7: {  	v6 =	vmovc v50;
	(xrf2) =	vadd.scan.msk.f32 $0xffff, v3;
	v3 =	vld [tilespmem:s2+$0x7E80];
	v57 =	vsub.f32 v10, v4;
	v11 =	vmul.f32 s22, v50;
	v50 =	vmul.f32 s22, v55;
	s6 =	smul.f32 $1.562500000e-02, s8  }
0x4d8: {  	v0, _, _ =	vpop (xrf2);
	v58 =	vsub.f32 v9, v4;
	v9 =	vld [tilespmem:s2+$0x1A20];
	v55 =	vmul.f32 v12, v25;
	v12 =	vmul.f32 v45, v26;
	s8 =	smul.f32 s15, s13  }
0x4d9: {  	v4 =	vld [tilespmem:s2+$0x7D90];
	(v2sf) =	vpush v0, $0xF;
	v47 =	vmul.f32 s22, v38;
	v49 =	vmul.f32 s22, v37  }
0x4da: {  	v45 =	vadd.f32 v7, v61;
	v7 =	vmul.f32 v46, v27;
	v25 =	vld [tilespmem:s2+$0x7EB0];
	v11 =	vmul.f32 v11, v24;
	v60, _, _ =	vpop (xrf2);
	s18 =	smul.f32 s8, s14;
	s20 =	spop (v2sf)  }
0x4db: {  	v27 =	vld [tilespmem:s2+$0x1900];
	v47 =	vmul.f32 v47, v21;
	v55 =	vadd.f32 v55, v54;
	(v2sf) =	vpush v60, $0xF;
	v32, _, _ =	vpop (xrf2);
	s14 =	smul.f32 $1.562500000e-02, s20  }
0x4dc: {  	v24 =	vld [tilespmem:s2+$0x1A30];
	(v2sf) =	vpush v32, $0xF;
	v32 =	vmov v54;
	v54 =	vadd.f32 v12, v63;
	v12, _, _ =	vpop (xrf2)  }
0x4dd: {  	v26 =	vmul.f32 v49, v62;
	(xrf2) =	vadd.scan.msk.f32 $0xffff, v2;
	v2 =	vld [tilespmem:s2+$0x1A10];
	(v2sf) =	vpush v12, $0xF;
	v12 =	vmov s14  }
0x4de: {  	v23 =	vmul.f32 v50, v23;
	v49 =	vadd.f32 v7, v36;
	v7 =	vld [tilespmem:s2+$0x7D80];
	v0 =	vsub.f32 v51, v12  }
0x4df: {  	s16 =	smul.f32 s1, s1;
	v60 =	vld [tilespmem:s2+$0x7EA0];
	v48 =	vadd.f32 v47, v32  }
0x4e0: {  	v47 =	vadd.f32 v23, v36;
	v23 =	vld [tilespmem:s2+$0x1910];
	[tilespmem:$0x1FAB0] =	vst v0;
	v0 =	vsub.f32 v52, v12;
	s22 =	spop (v2sf)  }
0x4e1: {  	s17 =	ssub.f32 s6, s16;
	s16 =	smul.f32 $1.562500000e-02, s22  }
0x4e2: {  	v51 =	vld [tilespmem:s2+$0x7DA0];
	[tilespmem:$0x1FAD0] =	vst v0;
	v0 =	vsub.f32 v53, v12  }
0x4e3: {  	v52 =	vmov s16  }
0x4e4: {  	[tilespmem:$0x1FAF0] =	vst v0;
	v0 =	vsub.f32 v41, v52  }
0x4e5: {  	v53 =	vld [tilespmem:s2+$0x1920]  }
0x4e6: {  	[tilespmem:$0x1FB10] =	vst v0;
	v0 =	vld [tilespmem:$0x1FA50];
	_ =	sdelay $0x2  }
0x4e7: {  	v10 =	vmul.f32 s23, v6;
	_ =	sdelay $0x1  }
0x4e8: {  	v30 =	vmovc v63;
	v46 =	vadd.f32 v26, v63;
	v63 =	vld [tilespmem:s2+$0x7DB0];
	v41 =	vmul.f32 v10, v0;
	v10 =	vsub.f32 v15, v52  }
0x4e9: {  	v40 =	vsub.f32 v40, v12;
	v12 =	vadd.f32 v5, v3;
	v3 =	vld [tilespmem:s2+$0x1930]  }
0x4ea: {  	v22 =	vadd.f32 v22, v61;
	v21 =	vld [tilespmem:s2+$0x7DC0];
	[tilespmem:$0x1FB20] =	vst v10;
	v10 =	vsub.f32 v44, v52  }
0x4eb: {  	v31 =	vmovc v61;
	v50 =	vadd.f32 v11, v61;
	v61 =	vmul.f32 s23, v38;
	v1 =	vadd.f32 v2, v59  }
0x4ec: {  	v26 =	vmul.f32 s23, v37;
	v2 =	vadd.f32 v24, v25;
	v0 =	vadd.f32 v9, v60;
	[tilespmem:$0x1FB30] =	vst v10  }
0x4ed: {  	v5 =	vmul.f32 v61, v20;
	v25 =	vld [tilespmem:s2+$0x1940]  }
0x4ee: {  	v20 =	vadd.f32 v1, v12;
	v9 =	vmul.f32 v26, v13;
	v24 =	vadd.f32 v2, v0;
	v61 =	vld [tilespmem:s2+$0x7DD0];
	[tilespmem:$0x1FA60] =	vst v1  }
0x4ef: {  	s3 =	sadd.f32 $9.999999740e-06, s17;
	v26 =	vmul.f32 v12, v12;
	v44 =	vsub.f32 v43, v52;
	v52 =	vmul.f32 v1, v1;
	v60 =	vld [tilespmem:s2+$0x1950];
	[tilespmem:$0x1FA70] =	vst v2  }
0x4f0: {  	s6 =	smul.f32 s18, s8;
	v1 =	vadd.f32 v24, v20;
	v20 =	vmul.f32 v2, v2;
	v2 =	vld [tilespmem:s2+$0x7DE0]  }
0x4f1: {  	s21 =	rddreg [dreg:$0xb];
	s19 =	sshra.s32 s3, $0x1;
	s3 =	smul.f32 $5.000000000e-01, s3;
	v24 =	vadd.f32 v52, v26;
	v26 =	vld [tilespmem:s2+$0x1960]  }
0x4f2: {  	v8 =	vmov s21;
	s6 =	ssub.f32 $1.500000000e+00, s6;
	v11, _, _ =	vpop (xrf2);
	s13 =	ssub.s32 $0x5F3759DF, s19  }
0x4f3: {  	s21 =	smul.f32 s13, s3;
	(v2sf) =	vpush v11, $0xF;
	v11, _, _ =	vpop (xrf2);
	v59 =	vmul.f32 v0, v0  }
0x4f4: {  	s17 =	smul.f32 s6, s8;
	s8 =	spop (v2sf);
	(v2sf) =	vpush v11, $0xF;
	v11 =	vmov v0;
	v0 =	vmov s1  }
0x4f5: {  	s15 =	smul.f32 s13, s21;
	v13 =	vsub.f32 v17, v0;
	v17 =	vadd.f32 v20, v59;
	(xrf2) =	vadd.scan.msk.f32 $0xffff, v1;
	v1 =	vld [tilespmem:s2+$0x7E10]  }
0x4f6: {  	v20 =	vadd.f32 v27, v7;
	v26 =	vadd.f32 v26, v2;
	v2 =	vld [tilespmem:s2+$0x1990]  }
0x4f7: {  	v62 =	vmul.f32 s23, v39;
	s23 =	ssub.f32 $1.500000000e+00, s15;
	[tilespmem:v8+s10+$0x4C00 ss:$0x1] =	vst.idx.msk $0xffff, v22;
	v52 =	vld [tilespmem:s2+$0x7DF0];
	v7 =	vadd.f32 v17, v24;
	v24 =	vadd.f32 v23, v4  }
0x4f8: {  	s15 =	smul.f32 s14, s14;
	v5 =	vadd.f32 v5, v32;
	v15 =	vld [tilespmem:s2+$0x1970];
	v27 =	vadd.f32 v3, v63;
	[tilespmem:v8+s10+$0x4C10 ss:$0x1] =	vst.idx.msk $0xffff, v28  }
0x4f9: {  	s4 =	smul.f32 s13, s23;
	v17 =	vld [tilespmem:s2+$0x7E00];
	v3 =	vmul.f32 v20, v20;
	v23 =	vadd.f32 v25, v21;
	v21 =	vmul.f32 v24, v24  }
0x4fa: {  	s6 =	smul.f32 $1.562500000e-02, s8;
	v43 =	vmul.f32 v62, v14;
	v18 =	vsub.f32 v18, v0;
	[tilespmem:v8+s10+$0x4C20 ss:$0x1] =	vst.idx.msk $0xffff, v42;
	v4 =	vld [tilespmem:s2+$0x1980]  }
0x4fb: {  	s3 =	smul.f32 s4, s3;
	v22 =	vmul.f32 s17, v6;
	v3 =	vadd.f32 v21, v3;
	v21 =	vadd.f32 v2, v1;
	v2 =	vld [tilespmem:$0x1FA80]  }
0x4fc: {  	s22 =	smul.f32 s16, s16;
	s18 =	spop (v2sf);
	v62 =	vsub.f32 v56, v0;
	v59 =	vsub.f32 v16, v0;
	v28 =	vmul.f32 s17, v38;
	(xrf2) =	vadd.scan.msk.f32 $0xffff, v7  }
0x4fd: {  	s19 =	spop (v2sf);
	s3 =	smul.f32 s3, s4;
	v0 =	vmul.f32 v22, v29;
	v22 =	vadd.f32 v53, v51;
	v56 =	vmul.f32 v27, v27  }
0x4fe: {  	s20 =	ssub.f32 s6, s15;
	s21 =	smul.f32 $1.562500000e-02, s19;
	v51 =	vmul.f32 v28, v19;
	v25 =	vadd.f32 v60, v61;
	v7 =	vadd.f32 v24, v20;
	v60 =	vld [tilespmem:s2+$0x19A0]  }
0x4ff: {  	s14 =	smul.f32 $1.562500000e-02, s18;
	s3 =	ssub.f32 $1.500000000e+00, s3;
	v14 =	vadd.f32 v27, v22;
	v42 =	vmul.f32 v22, v22;
	v28 =	vadd.f32 v15, v52;
	v15 =	vld [tilespmem:s2+$0x7E20]  }
0x500: {  	s6 =	ssub.f32 s21, s22;
	v52 =	vadd.f32 v25, v23;
	v19 =	vadd.f32 v4, v17;
	v17 =	vld [tilespmem:s2+$0x7E30];
	[tilespmem:v8+s10+$0x4C30 ss:$0x1] =	vst.idx.msk $0xffff, v2;
	v2 =	vmul.f32 s17, v39  }
0x501: {  	s23 =	smul.f32 s14, s14;
	s1 =	sadd.f32 $9.999999740e-06, s20;
	v4 =	vadd.f32 v14, v7;
	v14 =	vadd.f32 v28, v26;
	v1 =	vld [tilespmem:s2+$0x19B0]  }
0x502: {  	s8 =	spop (v2sf);
	s15 =	smul.f32 s3, s4;
	v41 =	vadd.f32 v41, v31;
	v42 =	vadd.f32 v56, v42;
	v29 =	vmul.f32 v26, v26  }
0x503: {  	s16 =	smul.f32 $5.000000000e-01, s1;
	s19 =	spop (v2sf);
	v16 =	vmul.f32 s17, v37;
	v61 =	vmul.f32 v28, v28;
	v14 =	vadd.f32 v14, v52;
	[tilespmem:v8+s10+$0x4B00 ss:$0x1] =	vst.idx.msk $0xffff, v45  }
0x504: {  	s18 =	sadd.f32 $9.999999740e-06, s6;
	s20 =	smul.f32 $1.562500000e-02, s19;
	v3 =	vadd.f32 v42, v3;
	[tilespmem:v8+s10+$0x4B10 ss:$0x1] =	vst.idx.msk $0xffff, v55;
	v53 =	vmul.f32 v2, v58;
	v2, _, _ =	vpop (xrf2);
	(xrf2) =	vadd.scan.msk.f32 $0xffff, v4  }
0x505: {  	s4 =	sshra.s32 s1, $0x1;
	s1 =	smul.f32 $1.562500000e-02, s8;
	v52 =	vmul.f32 v16, v57;
	v15 =	vadd.f32 v60, v15;
	[tilespmem:v8+s10+$0x4B20 ss:$0x1] =	vst.idx.msk $0xffff, v54;
	v58 =	vld [tilespmem:s2+$0x7E50];
	(xrf2) =	vadd.scan.msk.f32 $0xffff, v14  }
0x506: {  	s22 =	ssub.s32 $0x5F3759DF, s4;
	s4 =	smul.f32 $5.000000000e-01, s18;
	s13 =	ssub.f32 s20, s23;
	v60 =	vmul.f32 s15, v6;
	v16 =	vadd.f32 v1, v17;
	v1, _, _ =	vpop (xrf2);
	(xrf2) =	vadd.scan.msk.f32 $0xffff, v3;
	v3 =	vld [tilespmem:$0x1FA90];
	[tilespmem:v8+s10+$0x4B30 ss:$0x1] =	vst.idx.msk $0xffff, v49  }
0x507: {  	s21 =	spop (v2sf);
	s8 =	smul.f32 s1, s1;
	v56 =	vmul.f32 v25, v25;
	v7 =	vmul.f32 v23, v23;
	(v2sf) =	vpush v2, $0xF;
	v2 =	vld [tilespmem:s2+$0x19D0];
	[tilespmem:v8+s10+$0x4B40 ss:$0x1] =	vst.idx.msk $0xffff, v50  }
0x508: {  	s3 =	sshra.s32 s18, $0x1;
	s18 =	smul.f32 $1.562500000e-02, s21;
	s13 =	sadd.f32 $9.999999740e-06, s13;
	v29 =	vadd.f32 v61, v29;
	v55 =	vmul.f32 v60, v18;
	[tilespmem:v8+s10+$0x4B80 ss:$0x1] =	vst.idx.msk $0xffff, v41  }
0x509: {  	s6 =	smul.f32 s22, s16;
	s23 =	ssub.s32 $0x5F3759DF, s3;
	v18 =	vadd.f32 v21, v19;
	v61 =	vadd.f32 v16, v15;
	[tilespmem:v8+s10+$0x4B50 ss:$0x1] =	vst.idx.msk $0xffff, v48  }
0x50a: {  	v10 =	vmov v30;
	v30 =	vadd.f32 v9, v30;
	s3 =	ssub.f32 s18, s8;
	s20 =	sshra.s32 s13, $0x1;
	s18 =	smul.f32 $5.000000000e-01, s13;
	[tilespmem:v8+s10+$0x4B90 ss:$0x1] =	vst.idx.msk $0xffff, v5  }
0x50b: {  	s6 =	smul.f32 s22, s6;
	s8 =	ssub.s32 $0x5F3759DF, s20;
	v7 =	vadd.f32 v56, v7;
	v60 =	vadd.f32 v61, v18;
	[tilespmem:v8+s10+$0x4B60 ss:$0x1] =	vst.idx.msk $0xffff, v46  }
0x50c: {  	v63 =	vld [tilespmem:s2+$0x7E40];
	s21 =	smul.f32 s8, s18;
	[tilespmem:v8+s10+$0x4BA0 ss:$0x1] =	vst.idx.msk $0xffff, v30;
	v18 =	vadd.f32 v2, v58;
	v58 =	vadd.f32 v43, v36  }
0x50d: {  	s3 =	sadd.f32 $9.999999740e-06, s3;
	v57 =	vld [tilespmem:s2+$0x19C0];
	v17 =	vmul.f32 v19, v19;
	(v2sf) =	vpush v1, $0xF;
	v1 =	vmul.f32 v21, v21;
	[tilespmem:v8+s10+$0x4B70 ss:$0x1] =	vst.idx.msk $0xffff, v47  }
0x50e: {  	s6 =	ssub.f32 $1.500000000e+00, s6;
	s21 =	smul.f32 s8, s21;
	v7 =	vadd.f32 v29, v7;
	[tilespmem:v8+s10+$0x4BB0 ss:$0x1] =	vst.idx.msk $0xffff, v58  }
0x50f: {  	s17 =	smul.f32 $5.000000000e-01, s3;
	v29 =	vmul.f32 v16, v16;
	v4 =	vmul.f32 v15, v15;
	v1 =	vadd.f32 v1, v17;
	v30 =	vld [tilespmem:$0x1FAA0]  }
0x510: {  	s20 =	sshra.s32 s3, $0x1;
	v56 =	vld [tilespmem:s2+$0x7E60];
	s3 =	smul.f32 s22, s6  }
0x511: {  	s19 =	smul.f32 s23, s4;
	s6 =	ssub.f32 $1.500000000e+00, s21;
	v61 =	vld [tilespmem:s2+$0x19F0];
	v4 =	vadd.f32 v29, v4  }
0x512: {  	v0 =	vadd.f32 v0, v31;
	s16 =	smul.f32 s3, s16;
	(xrf2) =	vadd.scan.msk.f32 $0xffff, v60;
	v17 =	vadd.f32 v57, v63;
	v57 =	vld [tilespmem:s2+$0x19E0]  }
0x513: {  	v54 =	vmov s14;
	s14 =	smul.f32 s8, s6;
	v2 =	vld [tilespmem:s2+$0x7E70];
	v4 =	vadd.f32 v4, v1;
	v1, _, _ =	vpop (xrf2);
	(xrf2) =	vadd.scan.msk.f32 $0xffff, v7;
	v7 =	vmov s1  }
0x514: {  	s6 =	smul.f32 s16, s3;
	v14 =	vmul.f32 s15, v38;
	v46 =	vsub.f32 v30, v7;
	v30 =	vld [tilespmem:$0x1FAB0];
	[tilespmem:v8+s10+$0x4BC0 ss:$0x1] =	vst.idx.msk $0xffff, v0  }
0x515: {  	v0 =	vld [tilespmem:$0x1FAC0]  }
0x516: {  	s13 =	smul.f32 s23, s19;
	s6 =	ssub.f32 $1.500000000e+00, s6;
	v13 =	vmul.f32 v14, v13  }
0x517: {  	v29 =	vsub.f32 v33, v54;
	v14 =	vmul.f32 s15, v37  }
0x518: {  	s13 =	ssub.f32 $1.500000000e+00, s13;
	s3 =	smul.f32 s6, s3;
	v43 =	vsub.f32 v35, v54;
	v35 =	vadd.f32 v13, v32  }
0x519: {  	v63 =	vmul.f32 v14, v62;
	v14 =	vadd.f32 v57, v56;
	v13 =	vadd.f32 v61, v2  }
0x51a: {  	s13 =	smul.f32 s23, s13;
	v33 =	vadd.f32 v55, v31;
	v55 =	vmul.f32 s3, v6;
	v47 =	vsub.f32 v0, v7;
	v0 =	vld [tilespmem:$0x1FAD0]  }
0x51b: {  	v60 =	vmul.f32 v14, v14;
	v62 =	vmul.f32 v13, v13  }
0x51c: {  	s21 =	smul.f32 s13, s4;
	v56 =	vmul.f32 v17, v17;
	v2 =	vmul.f32 v18, v18  }
0x51d: {  	v45 =	vmovc v36;
	v36 =	vadd.f32 v62, v60;
	v60 =	vmul.f32 s3, v38;
	v62 =	vmul.f32 s3, v37  }
0x51e: {  	s22 =	smul.f32 s21, s13;
	v2 =	vadd.f32 v2, v56;
	v56 =	vmul.f32 v55, v40;
	[tilespmem:v8+s9+$0x4C00 ss:$0x1] =	vst.idx.msk $0xffff, v33  }
0x51f: {  	v40 =	vmul.f32 v60, v30;
	v60 =	vmul.f32 v62, v0;
	v0 =	vld [tilespmem:$0x1FAE0]  }
0x520: {  	s19 =	ssub.s32 $0x5F3759DF, s20;
	v42 =	vsub.f32 v34, v54;
	s8 =	ssub.f32 $1.500000000e+00, s22;
	v57 =	vmul.f32 s15, v39  }
0x521: {  	s20 =	smul.f32 s19, s17;
	v3 =	vsub.f32 v3, v54;
	v54 =	vmov v32;
	(v2sf) =	vpush v1, $0xF;
	v32, _, _ =	vpop (xrf2)  }
0x522: {  	s15 =	smul.f32 s8, s13;
	v48 =	vmul.f32 v57, v59;
	(v2sf) =	vpush v32, $0xF;
	v36 =	vadd.f32 v36, v2;
	v2, _, _ =	vpop (xrf2)  }
0x523: {  	s20 =	smul.f32 s19, s20;
	v34 =	vadd.f32 v63, v10;
	(v2sf) =	vpush v2, $0xF  }
0x524: {  	v61 =	vmovc v10;
	v10 =	vmovc v6;
	v2 =	vmul.f32 s15, v6;
	v6 =	vadd.f32 v48, v45;
	v48 =	vsub.f32 v0, v7;
	v0 =	vld [tilespmem:$0x1FAF0]  }
0x525: {  	s20 =	ssub.f32 $1.500000000e+00, s20;
	v1 =	vadd.f32 v18, v17;
	v63 =	vadd.f32 v13, v14;
	_ =	sdelay $0x1  }
0x526: {  	s4 =	smul.f32 s19, s20;
	v1 =	vadd.f32 v63, v1;
	v63 =	vmul.f32 s3, v39  }
0x527: {  	s23 =	smul.f32 s14, s18;
	[tilespmem:v8+s9+$0x4C10 ss:$0x1] =	vst.idx.msk $0xffff, v35  }
0x528: {  	s16 =	smul.f32 s4, s17;
	v55 =	vmul.f32 v63, v0;
	v0 =	vld [tilespmem:$0x1FB00]  }
0x529: {  	s6 =	smul.f32 s23, s14  }
0x52a: {  	s17 =	smul.f32 s16, s4  }
0x52b: {  	s1 =	ssub.f32 $1.500000000e+00, s6  }
0x52c: {  	s3 =	ssub.f32 $1.500000000e+00, s17  }
0x52d: {  	s18 =	smul.f32 s1, s14;
	s19 =	spop (v2sf);
	v49 =	vsub.f32 v0, v7;
	v7, _, _ =	vpop (xrf2);
	v0 =	vld [tilespmem:$0x1FB10];
	[tilespmem:v8+s9+$0x4C20 ss:$0x1] =	vst.idx.msk $0xffff, v34  }
0x52e: {  	v50 =	vmul.f32 s15, v37;
	s20 =	spop (v2sf);
	s3 =	smul.f32 s3, s4;
	(v2sf) =	vpush v7, $0xF;
	v7 =	vld [tilespmem:$0x1FB20]  }
0x52f: {  	v59 =	vmov v45;
	s1 =	smul.f32 $1.562500000e-02, s19;
	v45 =	vmul.f32 s15, v38;
	v63 =	vmul.f32 s18, v10;
	[tilespmem:v8+s9+$0x4C30 ss:$0x1] =	vst.idx.msk $0xffff, v6  }
0x530: {  	s21 =	smul.f32 $1.562500000e-02, s20;
	v33 =	vmul.f32 s3, v38;
	v62 =	vmul.f32 s15, v39;
	v6 =	vld [tilespmem:$0x1FB30]  }
0x531: {  	s22 =	smul.f32 s1, s1;
	v35 =	vmul.f32 s3, v39;
	v41 =	vmul.f32 v63, v3  }
0x532: {  	v30 =	vmul.f32 v2, v0;
	v0 =	vmul.f32 s18, v38  }
0x533: {  	v9 =	vmovc v31;
	s23 =	ssub.f32 s21, s22;
	v34 =	vadd.f32 v60, v61;
	v2 =	vmul.f32 s18, v37;
	v32 =	vmul.f32 v45, v7  }
0x534: {  	v7, _, _ =	vpop (xrf2);
	(xrf2) =	vadd.scan.msk.f32 $0xffff, v1;
	v1 =	vmul.f32 v62, v44;
	v45 =	vadd.f32 v52, v61;
	v44 =	vadd.f32 v53, v59  }
0x535: {  	s4 =	sadd.f32 $9.999999740e-06, s23;
	v52 =	vadd.f32 v56, v9;
	v31 =	vmul.f32 v50, v6;
	v6 =	vadd.f32 v51, v54  }
0x536: {  	s22 =	simm.s32 $0xA;
	(v2sf) =	vpush v7, $0xF;
	v50 =	vmul.f32 s18, v39;
	v7 =	vmovc v54;
	v54 =	vmul.f32 s3, v10;
	(xrf2) =	vadd.scan.msk.f32 $0xffff, v4  }
0x537: {  	s23 =	simm.s32 $0xF00;
	s15 =	sshra.s32 s4, $0x1;
	s4 =	smul.f32 $5.000000000e-01, s4;
	v51 =	vmul.f32 s3, v37;
	(xrf2) =	vadd.scan.msk.f32 $0xffff, v36;
	v36 =	vadd.f32 v40, v7;
	[tilespmem:v8+s10+$0x4BD0 ss:$0x1] =	vst.idx.msk $0xffff, v6  }
.LBB2_9:
0x538: {  	v60 =	vld [tilespmem:$0x1FFB0]  }
0x539: {  	v9 =	vld [tilespmem:$0x1FEC0]  }
0x53a: {  	s3 =	ssub.s32 $0x5F3759DF, s15;
	v62 =	vld [tilespmem:$0x1FEE0]  }
0x53b: {  	v61 =	vld [tilespmem:$0x1FF10];
	s8 =	smul.f32 s3, s4  }
0x53c: {  	s14 =	sshra.s32 s23, $0x2;
	v10 =	vld [tilespmem:$0x1FA60]  }
0x53d: {  	v5 =	vld [tilespmem:s14+$0x7E80];
	s8 =	smul.f32 s3, s8  }
0x53e: {  	v0 =	vmul.f32 v0, v29;
	v2 =	vmul.f32 v2, v42;
	v42 =	vmov s1;
	[tilespmem:v8+s9+$0x4B00 ss:$0x1] =	vst.idx.msk $0xffff, v52;
	v7 =	vld [tilespmem:s14+$0x1A00]  }
0x53f: {  	v6 =	vmul.f32 v54, v46;
	v33 =	vmul.f32 v33, v47;
	v57 =	vld [tilespmem:s14+$0x1A10];
	v63 =	vsub.f32 v12, v42;
	s8 =	ssub.f32 $1.500000000e+00, s8;
	s6 =	spop (v2sf)  }
0x540: {  	v58 =	vld [tilespmem:s14+$0x7EA0];
	v47 =	vsub.f32 v11, v42;
	[tilespmem:v8+s9+$0x4B10 ss:$0x1] =	vst.idx.msk $0xffff, v36;
	v4 =	vadd.f32 v55, v60;
	s6 =	smul.f32 $1.562500000e-02, s6  }
0x541: {  	v59 =	vld [tilespmem:s14+$0x7EB0];
	[tilespmem:v8+s9+$0x4B20 ss:$0x1] =	vst.idx.msk $0xffff, v34;
	v29 =	vadd.f32 v30, v9;
	v38 =	vadd.f32 v32, v62;
	s3 =	smul.f32 s3, s8  }
0x542: {  	v54 =	vld [tilespmem:$0x1FFC0];
	v56 =	vadd.f32 v31, v61;
	v1 =	vadd.f32 v1, v60;
	[tilespmem:v8+s9+$0x4B30 ss:$0x1] =	vst.idx.msk $0xffff, v4;
	v39 =	vmov s6;
	s6 =	smul.f32 s6, s6  }
0x543: {  	v11 =	vld [tilespmem:$0x1FA70];
	v3, _, _ =	vpop (xrf2);
	v0 =	vadd.f32 v0, v62;
	v6 =	vadd.f32 v6, v9;
	[tilespmem:v8+s9+$0x4B40 ss:$0x1] =	vst.idx.msk $0xffff, v29;
	s13 =	spop (v2sf);
	s16 =	smul.f32 s3, s4  }
0x544: {  	v55 =	vld [tilespmem:s14+$0x7E90];
	(v2sf) =	vpush v3, $0xF;
	v37, _, _ =	vpop (xrf2);
	v5 =	vadd.f32 v7, v5;
	[tilespmem:v8+s9+$0x4B50 ss:$0x1] =	vst.idx.msk $0xffff, v38;
	s19 =	smul.f32 $1.562500000e-02, s13;
	s20 =	spop (v2sf)  }
0x545: {  	v31 =	vmul.f32 v35, v49;
	(v2sf) =	vpush v37, $0xF;
	[tilespmem:v8+s9+$0x4B60 ss:$0x1] =	vst.idx.msk $0xffff, v56;
	v35 =	vsub.f32 v20, v39;
	v20 =	vld [tilespmem:s14+$0x1A20];
	s13 =	smul.f32 $1.562500000e-02, s20  }
0x546: {  	v32 =	vsub.f32 v24, v39;
	v24, _, _ =	vpop (xrf2);
	[tilespmem:v8+s9+$0x4B70 ss:$0x1] =	vst.idx.msk $0xffff, v1;
	v1 =	vadd.f32 v2, v61;
	v2 =	vld [tilespmem:s14+$0x7D90];
	s21 =	spop (v2sf);
	s4 =	smul.f32 s16, s3  }
0x547: {  	v36 =	vsub.f32 v22, v39;
	(v2sf) =	vpush v24, $0xF;
	v24 =	vld [tilespmem:s14+$0x7D80];
	v22 =	vmov s19;
	s17 =	spop (v2sf);
	s6 =	ssub.f32 s13, s6  }
0x548: {  	v3 =	vmul.f32 v50, v43;
	v34 =	vsub.f32 v27, v39;
	v37 =	vsub.f32 v23, v22;
	v23 =	vld [tilespmem:s14+$0x1A30];
	s13 =	smul.f32 $1.562500000e-02, s17;
	s17 =	ssub.f32 $1.500000000e+00, s4  }
0x549: {  	[tilespmem:v8+s9+$0x4BC0 ss:$0x1] =	vst.idx.msk $0xffff, v6;
	v6 =	vld [tilespmem:s14+$0x7DC0];
	s8 =	smul.f32 $1.562500000e-02, s21;
	v39 =	vsub.f32 v25, v22;
	v40 =	vsub.f32 v26, v22  }
0x54a: {  	[tilespmem:v8+s10+$0x4BE0 ss:$0x1] =	vst.idx.msk $0xffff, v45;
	v45 =	vld [tilespmem:s14+$0x1940];
	v38 =	vsub.f32 v28, v22;
	v22 =	vadd.f32 v41, v9;
	s3 =	smul.f32 s17, s3  }
0x54b: {  	v3 =	vadd.f32 v3, v60;
	[tilespmem:v8+s10+$0x4BF0 ss:$0x1] =	vst.idx.msk $0xffff, v44;
	v7 =	vadd.f32 v57, v55;
	v25 =	vld [tilespmem:s14+$0x1900]  }
0x54c: {  	v26 =	vld [tilespmem:s14+$0x1930];
	v43 =	vmov s8;
	[tilespmem:v8+s9+$0x4B80 ss:$0x1] =	vst.idx.msk $0xffff, v22;
	v20 =	vadd.f32 v20, v58;
	v55 =	vmul.f32 s3, v54  }
0x54d: {  	s15 =	smul.f32 s19, s19;
	v22 =	vld [tilespmem:s14+$0x1910];
	v41 =	vsub.f32 v19, v43;
	[tilespmem:v8+s9+$0x4B90 ss:$0x1] =	vst.idx.msk $0xffff, v0;
	v4 =	vadd.f32 v23, v59  }
0x54e: {  	s10 =	smov.u32 s9;
	s6 =	sadd.f32 $9.999999740e-06, s6;
	v29 =	vsub.f32 v21, v43;
	[tilespmem:v8+s9+$0x4BA0 ss:$0x1] =	vst.idx.msk $0xffff, v1;
	v44 =	vmul.f32 v55, v63;
	v63 =	vld [tilespmem:$0x1FFE0]  }
0x54f: {  	v19 =	vadd.f32 v7, v5;
	s18 =	ssub.f32 s13, s15;
	[tilespmem:v8+s9+$0x4BB0 ss:$0x1] =	vst.idx.msk $0xffff, v3;
	v3 =	vld [tilespmem:s14+$0x7DB0];
	s9 =	smov.u32 s2;
	s2 =	smov.u32 s14;
	v21 =	vadd.f32 v4, v20  }
0x550: {  	v30 =	vmul.f32 v51, v48;
	v51 =	vld [tilespmem:s2+$0x7DE0]  }
0x551: {  	s16 =	sshra.s32 s6, $0x1;
	s15 =	smul.f32 $5.000000000e-01, s6;
	s6 =	sadd.f32 $9.999999740e-06, s18;
	v19 =	vadd.f32 v21, v19;
	v21 =	vsub.f32 v10, v42;
	v10 =	vld [tilespmem:$0x1FFD0]  }
0x552: {  	v27 =	vmul.f32 v7, v7;
	s4 =	smul.f32 s8, s8;
	v23 =	vmul.f32 v5, v5;
	v53 =	vld [tilespmem:s2+$0x1960]  }
0x553: {  	v0 =	vld [tilespmem:s14+$0x7DA0];
	v28 =	vmul.f32 v20, v20;
	s1 =	smul.f32 $5.000000000e-01, s6;
	s19 =	spop (v2sf);
	v57 =	vmul.f32 s3, v63  }
0x554: {  	v55 =	vld [tilespmem:$0x1FFF0];
	v46 =	vmul.f32 v4, v4;
	v23 =	vadd.f32 v27, v23;
	v27 =	vadd.f32 v44, v9;
	s8 =	smul.f32 $1.562500000e-02, s19;
	s21 =	spop (v2sf)  }
0x555: {  	v1 =	vld [tilespmem:s14+$0x1920];
	s16 =	ssub.s32 $0x5F3759DF, s16;
	s20 =	sshra.s32 s6, $0x1;
	s19 =	smul.f32 $1.562500000e-02, s21;
	v52 =	vmul.f32 v57, v47  }
0x556: {  	v49 =	vld [tilespmem:s14+$0x7DD0];
	s13 =	smul.f32 s16, s15;
	s17 =	ssub.s32 $0x5F3759DF, s20;
	v28 =	vadd.f32 v46, v28;
	[tilespmem:v8+s9+$0x4C00 ss:$0x1] =	vst.idx.msk $0xffff, v27;
	v27 =	vadd.f32 v26, v3;
	v56 =	vmul.f32 s3, v10  }
0x557: {  	v59 =	vld [tilespmem:s14+$0x1950];
	s6 =	smul.f32 s17, s1;
	(xrf2) =	vadd.scan.msk.f32 $0xffff, v19;
	v26 =	vadd.f32 v53, v51;
	s14 =	ssub.f32 s19, s4;
	v19 =	vadd.f32 v52, v61  }
0x558: {  	v58 =	vmovc v7;
	s18 =	smul.f32 s8, s8;
	s19 =	spop (v2sf);
	v7 =	vmul.f32 v56, v21;
	v21 =	vsub.f32 v11, v42;
	v11 =	vmovc v20;
	v20 =	vmov v4  }
0x559: {  	v48 =	vmul.f32 s3, v55;
	v57 =	vld [tilespmem:s2+$0x1970];
	s4 =	smul.f32 $1.562500000e-02, s19;
	s3 =	sadd.f32 $9.999999740e-06, s14;
	[tilespmem:$0x1FA70] =	vst v20;
	v20 =	vadd.f32 v25, v24;
	v25 =	vadd.f32 v28, v23  }
0x55a: {  	s19 =	smul.f32 s17, s6;
	v56 =	vld [tilespmem:s2+$0x7DF0];
	v24 =	vadd.f32 v22, v2;
	v22 =	vadd.f32 v1, v0  }
0x55b: {  	v44 =	vmov s8;
	v0 =	vld [tilespmem:s2+$0x7E00];
	s21 =	ssub.f32 s4, s18;
	v23 =	vadd.f32 v45, v6;
	v7 =	vadd.f32 v7, v62;
	s18 =	sshra.s32 s3, $0x1;
	s4 =	smul.f32 $5.000000000e-01, s3  }
0x55c: {  	v12 =	vmovc v5;
	s20 =	smul.f32 s16, s13;
	v1 =	vld [tilespmem:s2+$0x1980];
	v21 =	vmul.f32 v48, v21;
	s3 =	ssub.f32 $1.500000000e+00, s19;
	v48 =	vsub.f32 v14, v44;
	v2 =	vmul.f32 v20, v20;
	s6 =	ssub.s32 $0x5F3759DF, s18  }
0x55d: {  	v5 =	vld [tilespmem:s2+$0x19B0];
	(xrf2) =	vadd.scan.msk.f32 $0xffff, v25;
	v25 =	vadd.f32 v59, v49;
	s13 =	sadd.f32 $9.999999740e-06, s21;
	v4 =	vadd.f32 v24, v20;
	v6 =	vmul.f32 v24, v24;
	s14 =	smul.f32 s6, s4  }
0x55e: {  	[tilespmem:$0x1FA60] =	vst v58;
	v42 =	vld [tilespmem:s2+$0x7E20];
	v58 =	vadd.f32 v27, v22;
	v59 =	vmul.f32 v27, v27;
	v47 =	vmul.f32 v23, v23;
	s17 =	smul.f32 s17, s3  }
0x55f: {  	s8 =	ssub.f32 $1.500000000e+00, s20;
	v49 =	vld [tilespmem:s2+$0x19A0];
	[tilespmem:v8+s9+$0x4C10 ss:$0x1] =	vst.idx.msk $0xffff, v7;
	v7 =	vadd.f32 v21, v60;
	v21 =	vmul.f32 v22, v22;
	s18 =	smul.f32 $5.000000000e-01, s13  }
0x560: {  	v50 =	vld [tilespmem:s2+$0x7E50];
	[tilespmem:v8+s9+$0x4C20 ss:$0x1] =	vst.idx.msk $0xffff, v19;
	v28 =	vadd.f32 v57, v56;
	v46 =	vadd.f32 v25, v23;
	s21 =	smul.f32 s6, s14  }
0x561: {  	v3 =	vld [tilespmem:s2+$0x7E10];
	s20 =	sshra.s32 s13, $0x1;
	v56 =	vmul.f32 v25, v25;
	v2 =	vadd.f32 v6, v2;
	v19 =	vadd.f32 v1, v0;
	s14 =	smul.f32 s16, s8  }
0x562: {  	[tilespmem:v8+s9+$0x4C30 ss:$0x1] =	vst.idx.msk $0xffff, v7;
	v7 =	vld [tilespmem:s2+$0x1990];
	s19 =	ssub.s32 $0x5F3759DF, s20;
	v1 =	vadd.f32 v58, v4;
	v6 =	vadd.f32 v59, v21;
	s1 =	smul.f32 s17, s1  }
0x563: {  	v51 =	vmul.f32 v26, v26;
	v0 =	vld [tilespmem:s2+$0x7E30];
	v57 =	vadd.f32 v28, v26;
	s20 =	smul.f32 s19, s18;
	v59, _, _ =	vpop (xrf2);
	v47 =	vadd.f32 v56, v47  }
0x564: {  	v52 =	vld [tilespmem:s2+$0x7E60];
	v58 =	vmul.f32 v28, v28;
	(xrf2) =	vadd.scan.msk.f32 $0xffff, v1;
	v1 =	vadd.f32 v49, v42;
	(v2sf) =	vpush v59, $0xF;
	s1 =	smul.f32 s1, s17  }
0x565: {  	s16 =	ssub.f32 $1.500000000e+00, s21;
	v2 =	vadd.f32 v6, v2;
	v6 =	vld [tilespmem:s2+$0x19E0];
	v42 =	vsub.f32 v15, v43;
	s21 =	smul.f32 s19, s20  }
0x566: {  	v43 =	vsub.f32 v16, v43;
	v4 =	vadd.f32 v58, v51;
	v51 =	vld [tilespmem:s2+$0x19D0];
	s20 =	smul.f32 s14, s15  }
0x567: {  	v56 =	vld [tilespmem:s2+$0x19C0];
	v46 =	vadd.f32 v57, v46;
	s16 =	smul.f32 s6, s16;
	v21 =	vadd.f32 v7, v3  }
0x568: {  	v3 =	vmul.f32 v19, v19;
	v7 =	vld [tilespmem:s2+$0x7E40];
	s13 =	ssub.f32 $1.500000000e+00, s21;
	v0 =	vadd.f32 v5, v0;
	v4 =	vadd.f32 v4, v47;
	s6 =	smul.f32 s20, s14;
	v58, _, _ =	vpop (xrf2)  }
0x569: {  	v5 =	vmul.f32 v1, v1;
	s8 =	smul.f32 s16, s4;
	v49 =	vadd.f32 v21, v19;
	(v2sf) =	vpush v58, $0xF  }
0x56a: {  	v57 =	vmul.f32 v21, v21;
	(xrf2) =	vadd.scan.msk.f32 $0xffff, v46;
	s21 =	smul.f32 s19, s13;
	v59 =	vadd.f32 v0, v1;
	v53 =	vmul.f32 v0, v0  }
0x56b: {  	v16 =	vmovc v0;
	v0 =	vadd.f32 v6, v52;
	s6 =	ssub.f32 $1.500000000e+00, s6;
	(xrf2) =	vadd.scan.msk.f32 $0xffff, v2;
	v2 =	vadd.f32 v51, v50;
	s3 =	smul.f32 s8, s16  }
0x56c: {  	v15 =	vmov v1;
	s1 =	ssub.f32 $1.500000000e+00, s1;
	v3 =	vadd.f32 v57, v3;
	v57 =	vld [tilespmem:s2+$0x19F0];
	s13 =	smul.f32 s21, s18;
	v1 =	vadd.f32 v59, v49  }
0x56d: {  	v5 =	vadd.f32 v53, v5;
	s6 =	smul.f32 s6, s14;
	v7 =	vadd.f32 v56, v7;
	v56 =	vld [tilespmem:s2+$0x7E70]  }
0x56e: {  	v47 =	vsub.f32 v18, v44;
	v46 =	vsub.f32 v17, v44;
	v49 =	vmul.f32 v0, v0;
	s14 =	smul.f32 s1, s17;
	s3 =	ssub.f32 $1.500000000e+00, s3  }
0x56f: {  	v59 =	vmul.f32 v2, v2;
	(xrf2) =	vadd.scan.msk.f32 $0xffff, v1;
	v1 =	vadd.f32 v5, v3;
	s4 =	smul.f32 s13, s21;
	v58 =	vmul.f32 v7, v7  }
0x570: {  	v52 =	vmul.f32 s6, v54;
	v53 =	vmul.f32 s6, v63;
	v6 =	vadd.f32 v2, v7;
	s3 =	smul.f32 s3, s16  }
0x571: {  	v17 =	vmov v7;
	v3, _, _ =	vpop (xrf2);
	(xrf2) =	vadd.scan.msk.f32 $0xffff, v4;
	s17 =	ssub.f32 $1.500000000e+00, s4;
	v4 =	vmul.f32 s6, v10;
	v7 =	vadd.f32 v59, v58  }
0x572: {  	v58 =	vmul.f32 s14, v55;
	v59 =	vmul.f32 s3, v54;
	v5 =	vadd.f32 v57, v56  }
0x573: {  	(v2sf) =	vpush v3, $0xF;
	s4 =	smul.f32 s17, s21;
	v56 =	vmul.f32 s14, v54;
	v57 =	vmul.f32 s14, v10  }
0x574: {  	v18 =	vmovc v2;
	v41 =	vmul.f32 v59, v41;
	v2 =	vadd.f32 v5, v0;
	v3 =	vmul.f32 v5, v5  }
0x575: {  	v14 =	vmov v0;
	v50, _, _ =	vpop (xrf2);
	s18 =	spop (v2sf);
	v0 =	vmul.f32 s3, v10;
	v54 =	vmul.f32 s4, v54  }
0x576: {  	(v2sf) =	vpush v50, $0xF;
	v45, _, _ =	vpop (xrf2);
	s1 =	smul.f32 $1.562500000e-02, s18;
	v50 =	vmul.f32 s3, v55;
	v2 =	vadd.f32 v2, v6  }
0x577: {  	v3 =	vadd.f32 v3, v49;
	v6 =	vmul.f32 s6, v55;
	(v2sf) =	vpush v45, $0xF  }
0x578: {  	v49 =	vsub.f32 v13, v44;
	v44 =	vadd.f32 v33, v62;
	v33 =	vmul.f32 s4, v10;
	s20 =	smul.f32 s1, s1;
	s19 =	spop (v2sf)  }
0x579: {  	s22 =	sadd.s32 $0x5, s22;
	v45 =	vadd.f32 v30, v61;
	v30 =	vmul.f32 v56, v37;
	v3 =	vadd.f32 v3, v7;
	s6 =	smul.f32 $1.562500000e-02, s19  }
0x57a: {  	p2 =	slt.u32 s22, $0x5F;
	(xrf2) =	vadd.scan.msk.f32 $0xffff, v2;
	v7 =	vmul.f32 s14, v63;
	v51, _, _ =	vpop (xrf2);
	v2 =	vmul.f32 s3, v63;
	[tilespmem:v8+s10+$0x4BD0 ss:$0x1] =	vst.idx.msk $0xffff, v44  }
.Ltmp3:
0x57b: {  	(xrf2) =	vadd.scan.msk.f32 $0xffff, v1;
	(v2sf) =	vpush v51, $0xF;
	v51 =	vmul.f32 s4, v63;
	v63 =	vmul.f32 v52, v35;
	s21 =	ssub.f32 s6, s20;
	(pc) =	sbr.rel @p2 .LBB2_9-.Ltmp3, $4  }
0x57c: {  	v44 =	vadd.f32 v31, v60;
	v1, _, _ =	vpop (xrf2);
	v35 =	vmul.f32 s4, v55;
	(xrf2) =	vadd.scan.msk.f32 $0xffff, v3;
	v3 =	vmul.f32 v53, v36  }
0x57d: {  	v55 =	vmul.f32 v6, v34;
	(v2sf) =	vpush v1, $0xF;
	v1 =	vmul.f32 v4, v32;
	s3 =	sadd.f32 $9.999999740e-06, s21  }
0x57e: {  	v31 =	vmul.f32 v7, v40;
	v32 =	vmul.f32 v57, v39;
	v52 =	vadd.f32 v63, v9  }
0x57f: {  	s23 =	sadd.s32 $0x500, s23;
	v13 =	vmovc v5;
	v34 =	vadd.f32 v3, v61;
	v36 =	vadd.f32 v1, v62;
	v1 =	vmul.f32 v58, v38;
	s15 =	sshra.s32 s3, $0x1;
	s4 =	smul.f32 $5.000000000e-01, s3  }
0x580: {  	_ =	sdelay $0x1  }
0x581: {  	s3 =	ssub.s32 $0x5F3759DF, s15  }
0x582: {  	s8 =	smul.f32 s3, s4;
	s6 =	spop (v2sf)  }
0x583: {  	s19 =	smul.f32 $1.562500000e-02, s6;
	v3, _, _ =	vpop (xrf2)  }
0x584: {  	s8 =	smul.f32 s3, s8;
	(v2sf) =	vpush v3, $0xF;
	v57, _, _ =	vpop (xrf2)  }
0x585: {  	s15 =	spop (v2sf);
	(v2sf) =	vpush v57, $0xF  }
0x586: {  	s16 =	ssub.f32 $1.500000000e+00, s8;
	s18 =	smul.f32 s19, s19  }
0x587: {  	s22 =	smul.f32 $1.562500000e-02, s15;
	v58, _, _ =	vpop (xrf2)  }
0x588: {  	s17 =	spop (v2sf);
	s3 =	smul.f32 s3, s16;
	(v2sf) =	vpush v58, $0xF  }
0x589: {  	s8 =	smul.f32 $1.562500000e-02, s17  }
0x58a: {  	s20 =	smul.f32 s3, s4  }
0x58b: {  	s23 =	smul.f32 s22, s22;
	s13 =	spop (v2sf)  }
0x58c: {  	s4 =	smul.f32 s20, s3;
	s21 =	spop (v2sf)  }
0x58d: {  	s6 =	ssub.f32 s8, s18;
	s8 =	smul.f32 $1.562500000e-02, s21  }
0x58e: {  	s17 =	smul.f32 $1.562500000e-02, s13;
	s4 =	ssub.f32 $1.500000000e+00, s4  }
0x58f: {  	v37 =	vld [tilespmem:$0x1FFB0];
	[tilespmem:v8+s9+$0x4B00 ss:$0x1] =	vst.idx.msk $0xffff, v52;
	s8 =	ssub.f32 s8, s23  }
0x590: {  	v39 =	vld [tilespmem:$0x1FEC0];
	s6 =	sadd.f32 $9.999999740e-06, s6;
	s16 =	smul.f32 s17, s17  }
0x591: {  	s14 =	smul.f32 s4, s3;
	s8 =	sadd.f32 $9.999999740e-06, s8  }
0x592: {  	v38 =	vld [tilespmem:$0x1FEE0];
	[tilespmem:v8+s9+$0x4B10 ss:$0x1] =	vst.idx.msk $0xffff, v36;
	s23 =	smul.f32 $5.000000000e-01, s6  }
0x593: {  	v36 =	vld [tilespmem:$0x1FF10];
	[tilespmem:v8+s9+$0x4B20 ss:$0x1] =	vst.idx.msk $0xffff, v34;
	s15 =	smul.f32 $5.000000000e-01, s8;
	s4 =	spop (v2sf)  }
0x594: {  	[tilespmem:v8+s10+$0x4BE0 ss:$0x1] =	vst.idx.msk $0xffff, v45;
	v59 =	vadd.f32 v55, v37;
	s6 =	sshra.s32 s6, $0x1;
	s4 =	smul.f32 $1.562500000e-02, s4;
	s18 =	spop (v2sf)  }
0x595: {  	[tilespmem:v8+s10+$0x4BF0 ss:$0x1] =	vst.idx.msk $0xffff, v44;
	v6 =	vadd.f32 v30, v39;
	s6 =	ssub.s32 $0x5F3759DF, s6;
	s13 =	smul.f32 $1.562500000e-02, s18  }
0x596: {  	v62 =	vadd.f32 v41, v39;
	[tilespmem:v8+s9+$0x4B30 ss:$0x1] =	vst.idx.msk $0xffff, v59;
	s18 =	smul.f32 s6, s23  }
0x597: {  	v32 =	vadd.f32 v32, v38;
	[tilespmem:v8+s9+$0x4B40 ss:$0x1] =	vst.idx.msk $0xffff, v6;
	s3 =	sshra.s32 s8, $0x1;
	s20 =	spop (v2sf);
	s21 =	smul.f32 s4, s4  }
0x598: {  	v31 =	vadd.f32 v31, v36;
	[tilespmem:v8+s9+$0x4B80 ss:$0x1] =	vst.idx.msk $0xffff, v62;
	s3 =	ssub.s32 $0x5F3759DF, s3;
	s13 =	ssub.f32 s13, s16;
	s16 =	smul.f32 $1.562500000e-02, s20  }
0x599: {  	v0 =	vmul.f32 v0, v29;
	v1 =	vadd.f32 v1, v37;
	[tilespmem:v8+s9+$0x4B50 ss:$0x1] =	vst.idx.msk $0xffff, v32;
	s20 =	smul.f32 s3, s15  }
0x59a: {  	[tilespmem:v8+s9+$0x4B60 ss:$0x1] =	vst.idx.msk $0xffff, v31;
	s18 =	smul.f32 s6, s18;
	s13 =	sadd.f32 $9.999999740e-06, s13  }
0x59b: {  	v0 =	vadd.f32 v0, v38;
	[tilespmem:v8+s9+$0x4B70 ss:$0x1] =	vst.idx.msk $0xffff, v1;
	s8 =	ssub.f32 s16, s21  }
0x59c: {  	v40 =	vld [tilespmem:$0x1FFC0];
	s20 =	smul.f32 s3, s20;
	s21 =	ssub.f32 $1.500000000e+00, s18  }
0x59d: {  	v2 =	vmul.f32 v2, v42;
	v9 =	vld [tilespmem:$0x1FA60];
	[tilespmem:v8+s9+$0x4B90 ss:$0x1] =	vst.idx.msk $0xffff, v0;
	s16 =	smul.f32 $5.000000000e-01, s13;
	s8 =	sadd.f32 $9.999999740e-06, s8  }
0x59e: {  	v4 =	vmul.f32 v50, v43;
	v44 =	vmov s1;
	v30 =	vmul.f32 v35, v49;
	v35 =	vld [tilespmem:$0x1FFD0];
	s13 =	sshra.s32 s13, $0x1;
	s6 =	smul.f32 s6, s21  }
0x59f: {  	v5 =	vmul.f32 v54, v46;
	v7 =	vmul.f32 v33, v47;
	v47 =	vsub.f32 v12, v44;
	v34 =	vld [tilespmem:$0x1FFE0];
	s20 =	ssub.f32 $1.500000000e+00, s20;
	s13 =	ssub.s32 $0x5F3759DF, s13;
	s18 =	smul.f32 $5.000000000e-01, s8  }
0x5a0: {  	v10 =	vsub.f32 v11, v44;
	v60 =	vmov s19;
	v45 =	vadd.f32 v4, v37;
	v33 =	vld [tilespmem:$0x1FFF0];
	s8 =	sshra.s32 s8, $0x1;
	s21 =	smul.f32 s13, s16  }
0x5a1: {  	v29 =	vmul.f32 v51, v48;
	v20 =	vsub.f32 v20, v60;
	v2 =	vadd.f32 v2, v36;
	s3 =	smul.f32 s3, s20;
	s8 =	ssub.s32 $0x5F3759DF, s8  }
0x5a2: {  	v24 =	vsub.f32 v24, v60;
	v22 =	vsub.f32 v22, v60;
	v61 =	vmov s22;
	s22 =	smul.f32 s8, s18  }
0x5a3: {  	v27 =	vsub.f32 v27, v60;
	v46 =	vadd.f32 v5, v39;
	[tilespmem:v8+s9+$0x4BA0 ss:$0x1] =	vst.idx.msk $0xffff, v2;
	s19 =	smul.f32 s13, s21  }
0x5a4: {  	v7 =	vadd.f32 v7, v38;
	v54 =	vld [tilespmem:$0x1FA70];
	v48 =	vmul.f32 s14, v40;
	v50 =	vmul.f32 s14, v35;
	s21 =	smul.f32 s6, s23  }
0x5a5: {  	v3 =	vsub.f32 v23, v61;
	v51 =	vmul.f32 s14, v34;
	v52 =	vmul.f32 s14, v33;
	s14 =	smul.f32 s3, s15  }
0x5a6: {  	v6 =	vsub.f32 v25, v61;
	v23 =	vsub.f32 v26, v61;
	s10 =	smul.f32 s8, s22  }
0x5a7: {  	v25 =	vsub.f32 v28, v61;
	v63 =	vmov s17;
	v49 =	vsub.f32 v9, v44;
	s20 =	ssub.f32 $1.500000000e+00, s19;
	s23 =	smul.f32 s21, s6  }
0x5a8: {  	v55 =	vsub.f32 v19, v63;
	v56 =	vsub.f32 v21, v63;
	v53 =	vmul.f32 v48, v47;
	s22 =	ssub.f32 $1.500000000e+00, s10  }
0x5a9: {  	[tilespmem:v8+s9+$0x4BB0 ss:$0x1] =	vst.idx.msk $0xffff, v45;
	v5 =	vsub.f32 v54, v44;
	v0 =	vmul.f32 v50, v49;
	s15 =	smul.f32 s14, s3;
	s10 =	ssub.f32 $1.500000000e+00, s23  }
0x5aa: {  	[tilespmem:v8+s9+$0x4BC0 ss:$0x1] =	vst.idx.msk $0xffff, v46;
	v10 =	vmul.f32 v51, v10;
	v2 =	vadd.f32 v53, v39;
	s13 =	smul.f32 s13, s20  }
0x5ab: {  	v60 =	vsub.f32 v15, v63;
	v5 =	vmul.f32 v52, v5;
	v0 =	vadd.f32 v0, v38;
	s6 =	smul.f32 s10, s6  }
0x5ac: {  	v62 =	vsub.f32 v16, v63;
	v58 =	vadd.f32 v10, v36;
	[tilespmem:v8+s2+$0x4C00 ss:$0x1] =	vst.idx.msk $0xffff, v2;
	s1 =	smul.f32 s8, s22;
	s8 =	ssub.f32 $1.500000000e+00, s15  }
0x5ad: {  	v57 =	vmov s4;
	v59 =	vadd.f32 v5, v37;
	[tilespmem:v8+s2+$0x4C10 ss:$0x1] =	vst.idx.msk $0xffff, v0;
	s16 =	smul.f32 s13, s16;
	v61 =	vmul.f32 s6, v40  }
0x5ae: {  	v63 =	vsub.f32 v17, v57;
	[tilespmem:v8+s2+$0x4C20 ss:$0x1] =	vst.idx.msk $0xffff, v58;
	v21 =	vmul.f32 s6, v35;
	s3 =	smul.f32 s8, s3;
	v28 =	vmul.f32 s6, v34  }
0x5af: {  	[tilespmem:v8+s2+$0x4C30 ss:$0x1] =	vst.idx.msk $0xffff, v59;
	v59 =	vadd.f32 v29, v36;
	s4 =	smul.f32 s16, s13;
	v31 =	vmul.f32 s6, v33;
	v10 =	vmul.f32 v61, v20  }
0x5b0: {  	[tilespmem:v8+s9+$0x4BD0 ss:$0x1] =	vst.idx.msk $0xffff, v7;
	v26 =	vsub.f32 v18, v57;
	s17 =	smul.f32 s1, s18;
	v16 =	vmul.f32 v21, v24;
	v32 =	vmul.f32 s3, v40  }
0x5b1: {  	p3 =	slt.s32 s7, $0x1;
	[tilespmem:v8+s9+$0x4BE0 ss:$0x1] =	vst.idx.msk $0xffff, v59;
	s18 =	sshra.s32 s7, $0x1F;
	s4 =	ssub.f32 $1.500000000e+00, s4;
	v17 =	vmul.f32 v28, v22;
	v41 =	vmul.f32 s3, v35;
	v61 =	vadd.f32 v30, v37  }
0x5b2: {  	s21 =	sshra.s32 s0, $0x1F;
	s19 =	sshrl.u32 s18, $0x1C;
	s20 =	smul.f32 s17, s1;
	v1 =	vmul.f32 v31, v27;
	v10 =	vadd.f32 v10, v39;
	v42 =	vadd.f32 v16, v38  }
0x5b3: {  	s10 =	sshrl.u32 s21, $0x1C;
	s6 =	sadd.s32 s19, s7;
	v43 =	vmul.f32 s3, v34;
	s4 =	smul.f32 s4, s13;
	v3 =	vmul.f32 v32, v3;
	v44 =	vadd.f32 v17, v36;
	[tilespmem:v8+s9+$0x4BF0 ss:$0x1] =	vst.idx.msk $0xffff, v61  }
0x5b4: {  	p4 =	slt.s32 s0, $0x1;
	s10 =	sadd.s32 s10, s0;
	v45 =	vmul.f32 s3, v33;
	s22 =	sand.u32 $0xFFFFFFF0, s6;
	v6 =	vmul.f32 v41, v6;
	v1 =	vadd.f32 v1, v37;
	[tilespmem:v8+s2+$0x4B00 ss:$0x1] =	vst.idx.msk $0xffff, v10  }
0x5b5: {  	s23 =	sand.u32 $0xFFFFFFF0, s10;
	p2 =	sne.s32 s7, s22;
	s8 =	ssub.f32 $1.500000000e+00, s20;
	v16 =	vmul.f32 v43, v23;
	v46 =	vmul.f32 s4, v40;
	v3 =	vadd.f32 v3, v39;
	[tilespmem:v8+s2+$0x4B10 ss:$0x1] =	vst.idx.msk $0xffff, v42  }
0x5b6: {  	s14 =	sand.u32 $0x7, s31;
	p6 =	sne.s32 s0, s23;
	p2 =	por !p3, !p2;
	v47 =	vmul.f32 s4, v35;
	v10 =	vmul.f32 v45, v25;
	v6 =	vadd.f32 v6, v38;
	[tilespmem:v8+s2+$0x4B20 ss:$0x1] =	vst.idx.msk $0xffff, v44  }
0x5b7: {  	s3 =	simm.s32 $0x1;
	p3 =	por !p2, !p2;
	s8 =	smul.f32 s8, s1;
	v49 =	vadd.f32 v16, v36;
	v50 =	vmul.f32 s4, v33;
	v7 =	vmul.f32 v46, v55;
	[tilespmem:v8+s2+$0x4B40 ss:$0x1] =	vst.idx.msk $0xffff, v3  }
0x5b8: {  	s6 =	sshra.s32 s6, $0x4;
	v48 =	vmul.f32 s4, v34;
	p2 =	por !p4, !p6;
	s3 =	simm.s32 @!p3 $0x0;
	v4 =	vmul.f32 v47, v56;
	v10 =	vadd.f32 v10, v37;
	[tilespmem:v8+s2+$0x4B30 ss:$0x1] =	vst.idx.msk $0xffff, v1  }
0x5b9: {  	p2 =	por !p2, !p2;
	s13 =	ssub.s32 s6, s3;
	s3 =	simm.s32 $0x1;
	v51 =	vmul.f32 s8, v40;
	v2 =	vmul.f32 v50, v62;
	v55 =	vsub.f32 v14, v57;
	[tilespmem:v8+s2+$0x4B50 ss:$0x1] =	vst.idx.msk $0xffff, v6  }
0x5ba: {  	s15 =	sshra.s32 s10, $0x4;
	s16 =	sshrl.u32 s7, $0x3;
	v1 =	vmul.f32 v48, v60;
	s3 =	simm.s32 @!p2 $0x0;
	[tilespmem:v8+s2+$0x4B60 ss:$0x1] =	vst.idx.msk $0xffff, v49;
	v52 =	vadd.f32 v7, v39  }
0x5bb: {  	s18 =	sshrl.u32 s0, $0x3;
	s17 =	sand.u32 $0x7, s30;
	v56 =	vmul.f32 s8, v35;
	v53 =	vadd.f32 v4, v38;
	s3 =	ssub.s32 s15, s3;
	v54 =	vmul.f32 v51, v63;
	[tilespmem:v8+s2+$0x4B70 ss:$0x1] =	vst.idx.msk $0xffff, v10  }
0x5bc: {  	s0 =	sand.u32 $0x1, s18;
	v57 =	vsub.f32 v13, v57;
	v58 =	vmul.f32 s8, v34;
	s1 =	sshll.u32 s13, $0x3;
	v1 =	vadd.f32 v1, v36;
	s3 =	sshll.u32 s3, $0x3;
	[tilespmem:v8+s2+$0x4B80 ss:$0x1] =	vst.idx.msk $0xffff, v52  }
0x5bd: {  	s4 =	sand.u32 $0x1, s16;
	s1 =	sor.u32 s14, s1;
	v0 =	vmul.f32 v56, v26;
	s3 =	sor.u32 s17, s3;
	v4 =	vadd.f32 v54, v39;
	[tilespmem:v8+s2+$0x4B90 ss:$0x1] =	vst.idx.msk $0xffff, v53  }
0x5be: {  	p4 =	sne.s32 s4, s0;
	v60 =	vmul.f32 s8, v33;
	v2 =	vadd.f32 v2, v37;
	v5 =	vmul.f32 v58, v55;
	p5 =	sne.s32 s1, s3;
	[tilespmem:v8+s2+$0x4BA0 ss:$0x1] =	vst.idx.msk $0xffff, v1  }
0x5bf: {  	p2 =	seq.s32 s29, $0x3F;
	v0 =	vadd.f32 v0, v38;
	p3 =	por p4, p5;
	[tilespmem:v8+s2+$0x4BC0 ss:$0x1] =	vst.idx.msk $0xffff, v4  }
0x5c0: {  	v3 =	vmul.f32 v60, v57;
	v62 =	vadd.f32 v5, v36;
	[tilespmem:v8+s2+$0x4BB0 ss:$0x1] =	vst.idx.msk $0xffff, v2;
	p3 =	por p2, p3  }
0x5c1: {  	[tilespmem:v8+s2+$0x4BD0 ss:$0x1] =	vst.idx.msk $0xffff, v0;
	s0 =	smul.u32 @p3 $0xC800, s1  }
0x5c2: {  	s19 =	sshra.s32 s12, $0x1F;
	v63 =	vadd.f32 v3, v37;
	s3 =	sshll.u32 @p3 s4, $0x6;
	[tilespmem:v8+s2+$0x4BE0 ss:$0x1] =	vst.idx.msk $0xffff, v62  }
0x5c3: {  	s6 =	simm.s32 @p3 $0x80;
	s0 =	sor.u32 @p3 s3, s0;
	s3 =	rddreg [dreg:$0xa]  }
0x5c4: {  	[tilespmem:v8+s2+$0x4BF0 ss:$0x1] =	vst.idx.msk $0xffff, v63;
	s2 =	rddreg [dreg:$0x1];
	s3 =	sor.u32 @p3 $0x8, s3;
	s0 =	sshrl.u32 @p3 s0, $0x3  }
0x5c5: {  	s7 =	rddreg [dreg:$0xb];
	s0 =	sadd.s32 @p3 s2, s0;
	s2 =	simm.s32 @p3 $0x40  }
0x5c6: {  	[hbm4b:s0+s2] =	stream.strided.scatter @p3 [tilespmem:s7], [sflag:s3], $0x6400, s6, s2, $0x38;
	[tilespmem:$0x161C0] =	vst v63  }
0x5c7: {  	s0 =	sshrl.u32 s19, $0x1C  }
0x5c8: {  	s0 =	sadd.s32 s0, s12  }
0x5c9: {  	s20 =	sand.u32 $0xFFFFFFF0, s0  }
0x5ca: {  	p6 =	slt.s32 s12, $0x1;
	p5 =	sne.s32 s12, s20  }
0x5cb: {  	p4 =	por !p6, !p5  }
0x5cc: {  	s2 =	simm.s32 $0x1;
	p4 =	por !p4, !p4  }
0x5cd: {  	s0 =	sshra.s32 s0, $0x4;
	s2 =	simm.s32 @!p4 $0x0  }
0x5ce: {  	s22 =	sshrl.u32 s12, $0x3;
	s0 =	ssub.s32 s0, s2  }
0x5cf: {  	s21 =	sand.u32 $0x7, s11;
	s23 =	sand.u32 $0x1, s22;
	s0 =	sshll.u32 s0, $0x3  }
0x5d0: {  	p0 =	por p2, p0;
	s2 =	simm.s32 $0x1;
	s0 =	sor.u32 s21, s0  }
0x5d1: {  	p6 =	sne.s32 s4, s23;
	s2 =	simm.s32 @!p3 $0x0;
	p5 =	sne.s32 s1, s0  }
0x5d2: {  	s25 =	sadd.s32 s2, s25;
	p4 =	por p6, p5;
	p6 =	sne.s32 s29, $0x0  }
0x5d3: {  	s2 =	simm.s32 $0x1;
	s29 =	sadd.s32 $0x1, s29;
	p4 =	por !p6, !p4  }
0x5d4: {  	s2 =	simm.s32 @!p0 $0x0;
	p0 =	sne.s32 s29, $0x40;
	p4 =	por !p4, !p4  }
.Ltmp4:
0x5d5: {  	s0 =	simm.s32 $0x1;
	s1 =	sand.u32 @p4 $0x1, s24;
	(pc) =	sbr.rel @p0 .LBB2_2-.Ltmp4, $4  }
0x5d6: {  	s0 =	simm.s32 @!p1 $0x0;
	s1 =	sor.u32 @p4 $0x8, s1  }
0x5d7: {  	s28 =	sadd.s32 s0, s28;
	s0 =	simm.s32 $0x1;
	_ =	swait.ge @p4 [sflag:s1], $0x6400  }
0x5d8: {  	s31 =	smov.u32 s30;
	s0 =	simm.s32 @!p4 $0x0;
	[sflag:s1] =	ssyncset.done @p4 $0x0  }
0x5d9: {  	s26 =	sadd.s32 s2, s26;
	s24 =	sadd.s32 s0, s24;
	[sflag:s1] =	ssyncadd.s32 @p4 $0xFFFF9C00  }
0x5da: {  	s0 =	sand.u32 $0x1, s24  }
0x5db: {  	s0 =	sor.u32 $0x8, s0  }
0x5dc: {  	_ =	swait.ge [sflag:s0], $0x6400  }
0x5dd: {  	s2 =	rddreg [dreg:$0x9]  }
0x5de: {  	s1 =	rddreg [dreg:$0x8];
	s2 =	sadd.s32 $0x1, s2  }
0x5df: {  	p0 =	sne.s32 s2, s1  }
.Ltmp5:
0x5e0: {  	_ = 	snop;
	(pc) =	sbr.rel @p0 .LBB2_1-.Ltmp5, $3  }
0x5e1: {  	_ =	sdelay $0x1  }
0x5e2: {  	[sflag:s0] =	ssyncset.done $0x0  }
0x5e3: {  	[sflag:s0] =	ssyncadd.s32 $0xFFFF9C00  }
0x5e4: {  	_ =	sfence.sel $0x180000  }
0x5e5: {  	[bflag:$0x0] =	sbarrier.arrive $0xFFFF  }
0x5e6: {  	_ =	strace $0x90000047  }
0x5e7: {  	s0 =	stileid.u32;
	[bflag:$0x2] =	sbarrier.arrive $0xFFFF  }
0x5e8: {  	p0 =	sne.s32 s0, $0x0;
	s0 =	rddreg [dreg:$0x2]  }
0x5e9: {  	s0 =	sadd.s32 @!p0 $0x100000, s0  }
0x5ea: {  	[sflag:s0] =	ssyncadd.tile.s32 @!p0 $0x1;
	_ =	shalt  }
.Lfunc_end2:
_tile_overlayer_lowered:
.L_overlay_start_2:
0x5eb: {  	(tag) =	ssettag $0x2  }
0x5ec: {  	s0 =	rddreg [dreg:$0x0];
	s2 =	stileid.u32  }
0x5ed: {  	s1 =	rddreg [dreg:$0x1];
	p0 =	sne.s32 s2, $0x0  }
0x5ee: {  	s3 =	rddreg [dreg:$0x2];
	[bflag:$0x3] =	sbarrier.arrive $0xFFFF;
	s2 =	simm.s32 @!p0 $0x1C06  }
0x5ef: {  	[timem:s3], [sflag:s2] =	dma.local @!p0 [hbm:s0], s1  }
0x5f0: {  	s0 =	simm.s32 @!p0 $0x6  }
0x5f1: {  	_ =	swait.ge @!p0 [sflag:s0], s1  }
0x5f2: {  	s1 =	ssub.s32 @!p0 $0x0, s1;
	[sflag:s0] =	ssyncset.done @!p0 $0x0  }
0x5f3: {  	[sflag:s0] =	ssyncadd.s32 @!p0 s1  }
0x5f4: {  	[bflag:$0x3] =	sbarrier.arrive $0xFFFF  }
0x5f5: {  	_ =	shalt  }

</sc_bundles>
